<compile_context>
chip_gen: v7x
topology: tpu7x:2x2x1
jax: 0.10.2.dev20260603
libtpu: 0.0.44.dev20260713+nightly
codegen_flags: <defaults>
</compile_context>

<pallas_src>
import jax
import jax.numpy as jnp
from jax import lax
from jax.experimental import pallas as pl
from jax.experimental.pallas import tpu as pltpu
from jax.experimental.pallas import tpu_sc as plsc

B = 16384
D = 32
NC = 2
NS = 16
L = 16
NW = NC * NS
BPW = B // NW
RING = 8
BLK = 128


def _sc_body(uid_hbm, iid_hbm, ut_hbm, it_hbm, out_hbm,
             uidx_v, iidx_v, ub, ib, out_v, sems_u, sems_i):
    wid = lax.axis_index("s") * NC + lax.axis_index("c")
    base = wid * BPW
    pltpu.sync_copy(uid_hbm.at[pl.ds(base, BPW)], uidx_v)
    pltpu.sync_copy(iid_hbm.at[pl.ds(base, BPW)], iidx_v)

    lanes = lax.iota(jnp.int32, L)
    NG = BPW // L

    def issue(uid, iid, slot):
        ublk = pl.multiple_of(uid & ~(BLK - 1), BLK)
        iblk = pl.multiple_of(iid & ~(BLK - 1), BLK)
        pltpu.make_async_copy(
            ut_hbm.at[:, pl.ds(ublk, BLK)], ub.at[slot], sems_u.at[slot]
        ).start()
        pltpu.make_async_copy(
            it_hbm.at[:, pl.ds(iblk, BLK)], ib.at[slot], sems_i.at[slot]
        ).start()

    def wait(slot):
        pltpu.make_async_copy(
            ut_hbm.at[:, pl.ds(0, BLK)], ub.at[slot], sems_u.at[slot]
        ).wait()
        pltpu.make_async_copy(
            it_hbm.at[:, pl.ds(0, BLK)], ib.at[slot], sems_i.at[slot]
        ).wait()

    def extract_dot(uid, iid, slot):
        ucols = jnp.zeros((L,), jnp.int32) + (uid & (BLK - 1))
        icols = jnp.zeros((L,), jnp.int32) + (iid & (BLK - 1))
        u0 = plsc.load_gather(ub.at[slot], [lanes, ucols])
        u1 = plsc.load_gather(ub.at[slot], [lanes + L, ucols])
        i0 = plsc.load_gather(ib.at[slot], [lanes, icols])
        i1 = plsc.load_gather(ib.at[slot], [lanes + L, icols])
        return jnp.sum(u0 * i0 + u1 * i1)

    vu0 = uidx_v[pl.ds(0, L)]
    vi0 = iidx_v[pl.ds(0, L)]
    for s in range(RING):
        issue(vu0[s], vi0[s], s)

    def step(g, carry):
        vu = uidx_v[pl.ds(g * L, L)]
        vi = iidx_v[pl.ds(g * L, L)]
        nxt = jnp.minimum(g + 1, NG - 1) * L
        vun = uidx_v[pl.ds(nxt, L)]
        vin = iidx_v[pl.ds(nxt, L)]
        acc = jnp.zeros((L,), jnp.float32)
        for j in range(L):
            slot = j % RING
            wait(slot)
            dot = extract_dot(vu[j], vi[j], slot)
            if j < L - RING:
                issue(vu[j + RING], vi[j + RING], slot)
            else:

                @pl.when(g + 1 < NG)
                def _(_j=j):
                    issue(vun[_j + RING - L], vin[_j + RING - L], slot)

            acc = jnp.where(lanes == j, dot, acc)
        out_v[pl.ds(g * L, L)] = acc
        return carry

    lax.fori_loop(0, NG, step, 0)
    pltpu.sync_copy(out_v, out_hbm.at[pl.ds(base, BPW)])


@jax.jit
def kernel(user_ids, item_ids, user_table, item_table):
    mesh = plsc.VectorSubcoreMesh(core_axis_name="c", subcore_axis_name="s")
    f = pl.kernel(
        _sc_body,
        out_type=jax.ShapeDtypeStruct((B,), jnp.float32),
        mesh=mesh,
        compiler_params=pltpu.CompilerParams(needs_layout_passes=False),
        scratch_types=[
            pltpu.VMEM((BPW,), jnp.int32),
            pltpu.VMEM((BPW,), jnp.int32),
            pltpu.VMEM((RING, D, BLK), jnp.float32),
            pltpu.VMEM((RING, D, BLK), jnp.float32),
            pltpu.VMEM((BPW,), jnp.float32),
            pltpu.SemaphoreType.DMA((RING,)),
            pltpu.SemaphoreType.DMA((RING,)),
        ],
    )
    return f(user_ids, item_ids, user_table.T, item_table.T)

# --- scband reference (transcript-rebuilt; emitter-appended) ---
"""Pipeline reference for scband-matrix-factorization-80229989089592 (READ-ONLY COPY).

The authoritative reference and input builder live on the scoring server;
editing this copy changes nothing except your own understanding.
"""

import jax, jax.numpy as jnp
import numpy as np

N_USERS = 1000000
N_ITEMS = 1000000
EMBED_DIM = 32
BATCH = 16384


def setup_inputs(seed: int = 0) -> dict:
    key = jax.random.key(seed)
    k1, k2, k3, k4 = jax.random.split(key, 4)
    user_ids = jax.random.randint(k1, (BATCH,), 0, N_USERS, dtype=jnp.int64 if jax.config.jax_enable_x64 else jnp.int32).astype(jnp.int32)
    item_ids = jax.random.randint(k2, (BATCH,), 0, N_ITEMS, dtype=jnp.int64 if jax.config.jax_enable_x64 else jnp.int32).astype(jnp.int32)
    user_table = jax.random.normal(k3, (N_USERS, EMBED_DIM), dtype=jnp.float32) * 0.01
    item_table = jax.random.normal(k4, (N_ITEMS, EMBED_DIM), dtype=jnp.float32) * 0.01
    return {"user_ids": user_ids, "item_ids": item_ids, "user_table": user_table, "item_table": item_table}


def reference(user_ids, item_ids, user_table, item_table):
    # Embedding gathers (SparseCore-mappable)
    u = jnp.take(user_table, user_ids, axis=0)
    i = jnp.take(item_table, item_ids, axis=0)
    # Bilinear score: elementwise product + reduction over embedding dim
    return (u * i).sum(axis=-1)

if __name__ == "__main__":
    import jax
    _d = setup_inputs()
    print(jax.jit(kernel)(*tuple(_d.values())))

</pallas_src>

<mosaic_0001>
#map = affine_map<(d0, d1) -> (0)>
#map1 = affine_map<(d0, d1) -> (0, 0)>
module attributes {stable_mosaic.version = 14 : i64} {
  func.func @_sc_body(%arg0: i32, %arg1: i32, %arg2: memref<16384xi32, #tpu.memory_space<hbm>>, %arg3: memref<16384xi32, #tpu.memory_space<hbm>>, %arg4: memref<32x1000000xf32, #tpu.memory_space<hbm>>, %arg5: memref<32x1000000xf32, #tpu.memory_space<hbm>>, %arg6: memref<16384xf32, #tpu.memory_space<hbm>>, %arg7: memref<512xi32, #tpu.memory_space<vmem>>, %arg8: memref<512xi32, #tpu.memory_space<vmem>>, %arg9: memref<8x32x128xf32, #tpu.memory_space<vmem>>, %arg10: memref<8x32x128xf32, #tpu.memory_space<vmem>>, %arg11: memref<512xf32, #tpu.memory_space<vmem>>, %arg12: memref<8x!tpu.dma_semaphore, #tpu.memory_space<semaphore_mem>>, %arg13: memref<8x!tpu.dma_semaphore, #tpu.memory_space<semaphore_mem>>) attributes {dimension_semantics = [#tpu.dimension_semantics<core_parallel>, #tpu.dimension_semantics<subcore_parallel>], iteration_bounds = array<i64: 2, 16>, scalar_prefetch = 0 : i64, scratch_operands = 7 : i64, tpu.core_type = #tpu.core_type<sc_vector_subcore>, window_params = [{transform_indices = #map}, {transform_indices = #map}, {transform_indices = #map1}, {transform_indices = #map1}, {transform_indices = #map}]} {
    %mul3A = arith.constant 2 : i32
    %mul3A_0 = arith.muli %arg1, %mul3A : i32
    %add3A = arith.addi %mul3A_0, %arg0 : i32
    %mul3A_1 = arith.constant 512 : i32
    %mul3A_2 = arith.muli %add3A, %mul3A_1 : i32
    "tpu.region"() ({
      %run_scoped3A = tpu.sem_alloc : memref<!tpu.dma_semaphore, #tpu.memory_space<semaphore_mem>>
      %dma_start3A_342 = tpu.memref_slice %arg2[%mul3A_2] : memref<16384xi32, #tpu.memory_space<hbm>> -> memref<512xi32, #tpu.memory_space<hbm>>
      %dma_start3A_343 = tpu.memref_slice %arg2[%mul3A_2] : memref<16384xi32, #tpu.memory_space<hbm>> -> memref<512xi32, #tpu.memory_space<hbm>>
      tpu.enqueue_dma source(%dma_start3A_343 : memref<512xi32, #tpu.memory_space<hbm>>) target(%arg7 : memref<512xi32, #tpu.memory_space<vmem>>) target_semaphore(%run_scoped3A : memref<!tpu.dma_semaphore, #tpu.memory_space<semaphore_mem>>)
      %dma_wait3A = tpu.memref_slice %arg2[%mul3A_2] : memref<16384xi32, #tpu.memory_space<hbm>> -> memref<512xi32, #tpu.memory_space<hbm>>
      %dma_wait3A_344 = tpu.memref_slice %arg2[%mul3A_2] : memref<16384xi32, #tpu.memory_space<hbm>> -> memref<512xi32, #tpu.memory_space<hbm>>
      tpu.wait_dma2 semaphore(%run_scoped3A : memref<!tpu.dma_semaphore, #tpu.memory_space<semaphore_mem>>) src(%dma_wait3A_344 : memref<512xi32, #tpu.memory_space<hbm>>) dst(%arg7 : memref<512xi32, #tpu.memory_space<vmem>>)
      tpu.yield
    }) : () -> ()
    "tpu.region"() ({
      %run_scoped3A = tpu.sem_alloc : memref<!tpu.dma_semaphore, #tpu.memory_space<semaphore_mem>>
      %dma_start3A_342 = tpu.memref_slice %arg3[%mul3A_2] : memref<16384xi32, #tpu.memory_space<hbm>> -> memref<512xi32, #tpu.memory_space<hbm>>
      %dma_start3A_343 = tpu.memref_slice %arg3[%mul3A_2] : memref<16384xi32, #tpu.memory_space<hbm>> -> memref<512xi32, #tpu.memory_space<hbm>>
      tpu.enqueue_dma source(%dma_start3A_343 : memref<512xi32, #tpu.memory_space<hbm>>) target(%arg8 : memref<512xi32, #tpu.memory_space<vmem>>) target_semaphore(%run_scoped3A : memref<!tpu.dma_semaphore, #tpu.memory_space<semaphore_mem>>)
      %dma_wait3A = tpu.memref_slice %arg3[%mul3A_2] : memref<16384xi32, #tpu.memory_space<hbm>> -> memref<512xi32, #tpu.memory_space<hbm>>
      %dma_wait3A_344 = tpu.memref_slice %arg3[%mul3A_2] : memref<16384xi32, #tpu.memory_space<hbm>> -> memref<512xi32, #tpu.memory_space<hbm>>
      tpu.wait_dma2 semaphore(%run_scoped3A : memref<!tpu.dma_semaphore, #tpu.memory_space<semaphore_mem>>) src(%dma_wait3A_344 : memref<512xi32, #tpu.memory_space<hbm>>) dst(%arg8 : memref<512xi32, #tpu.memory_space<vmem>>)
      tpu.yield
    }) : () -> ()
    %iota3A = tpu.iota {dimensions = array<i32: 0>} : vector<16xi32>
    %get3A = arith.constant 0 : index
    %get3A_3 = tpu.vector_load %arg7[%get3A] {strides = array<i32>} : memref<512xi32, #tpu.memory_space<vmem>>, vector<16xi32>,
    %get3A_4 = arith.constant 0 : index
    %get3A_5 = tpu.vector_load %arg8[%get3A_4] {strides = array<i32>} : memref<512xi32, #tpu.memory_space<vmem>>, vector<16xi32>,
    %slice3A = vector.extract_strided_slice %get3A_3 {offsets = [0], sizes = [1], strides = [1]} : vector<16xi32> to vector<1xi32>
    %squeeze3A = vector.extract %slice3A[0] : i32 from vector<1xi32>
    %slice3A_6 = vector.extract_strided_slice %get3A_5 {offsets = [0], sizes = [1], strides = [1]} : vector<16xi32> to vector<1xi32>
    %squeeze3A_7 = vector.extract %slice3A_6[0] : i32 from vector<1xi32>
    %and3A = arith.constant -128 : i32
    %and3A_8 = arith.andi %squeeze3A, %and3A : i32
    %multiple_of3A = tpu.assume_multiple %and3A_8, 128 : i32
    %and3A_9 = arith.constant -128 : i32
    %and3A_10 = arith.andi %squeeze3A_7, %and3A_9 : i32
    %multiple_of3A_11 = tpu.assume_multiple %and3A_10, 128 : i32
    %dma_start3A = arith.constant 0 : i32
    %dma_start3A_12 = arith.constant 0 : i32
    %dma_start3A_13 = arith.constant 0 : i32
    %dma_start3A_14 = arith.constant 0 : i32
    %dma_start3A_15 = tpu.memref_slice %arg9[%dma_start3A, %dma_start3A_13, %dma_start3A_14] : memref<8x32x128xf32, #tpu.memory_space<vmem>> -> memref<1x32x128xf32, #tpu.memory_space<vmem>>
    %dma_start3A_16 = tpu.memref_squeeze %dma_start3A_15 : memref<1x32x128xf32, #tpu.memory_space<vmem>> -> memref<32x128xf32, #tpu.memory_space<vmem>>
    %dma_start3A_17 = arith.constant 0 : i32
    %dma_start3A_18 = tpu.memref_slice %arg4[%dma_start3A_17, %multiple_of3A] : memref<32x1000000xf32, #tpu.memory_space<hbm>> -> memref<32x128xf32, #tpu.memory_space<hbm>>
    %dma_start3A_19 = tpu.memref_slice %arg12[%dma_start3A_12] : memref<8x!tpu.dma_semaphore, #tpu.memory_space<semaphore_mem>> -> memref<1x!tpu.dma_semaphore, #tpu.memory_space<semaphore_mem>>
    %dma_start3A_20 = tpu.memref_squeeze %dma_start3A_19 : memref<1x!tpu.dma_semaphore, #tpu.memory_space<semaphore_mem>> -> memref<!tpu.dma_semaphore, #tpu.memory_space<semaphore_mem>>
    %dma_start3A_21 = arith.constant 0 : i32
    %dma_start3A_22 = arith.constant 0 : i32
    %dma_start3A_23 = tpu.memref_slice %arg9[%dma_start3A, %dma_start3A_21, %dma_start3A_22] : memref<8x32x128xf32, #tpu.memory_space<vmem>> -> memref<1x32x128xf32, #tpu.memory_space<vmem>>
    %dma_start3A_24 = tpu.memref_squeeze %dma_start3A_23 : memref<1x32x128xf32, #tpu.memory_space<vmem>> -> memref<32x128xf32, #tpu.memory_space<vmem>>
    %dma_start3A_25 = arith.constant 0 : i32
    %dma_start3A_26 = tpu.memref_slice %arg4[%dma_start3A_25, %multiple_of3A] : memref<32x1000000xf32, #tpu.memory_space<hbm>> -> memref<32x128xf32, #tpu.memory_space<hbm>>
    tpu.enqueue_dma source(%dma_start3A_26 : memref<32x128xf32, #tpu.memory_space<hbm>>) target(%dma_start3A_24 : memref<32x128xf32, #tpu.memory_space<vmem>>) target_semaphore(%dma_start3A_20 : memref<!tpu.dma_semaphore, #tpu.memory_space<semaphore_mem>>)
    %dma_start3A_27 = arith.constant 0 : i32
    %dma_start3A_28 = arith.constant 0 : i32
    %dma_start3A_29 = arith.constant 0 : i32
    %dma_start3A_30 = arith.constant 0 : i32
    %dma_start3A_31 = tpu.memref_slice %arg10[%dma_start3A_27, %dma_start3A_29, %dma_start3A_30] : memref<8x32x128xf32, #tpu.memory_space<vmem>> -> memref<1x32x128xf32, #tpu.memory_space<vmem>>
    %dma_start3A_32 = tpu.memref_squeeze %dma_start3A_31 : memref<1x32x128xf32, #tpu.memory_space<vmem>> -> memref<32x128xf32, #tpu.memory_space<vmem>>
    %dma_start3A_33 = arith.constant 0 : i32
    %dma_start3A_34 = tpu.memref_slice %arg5[%dma_start3A_33, %multiple_of3A_11] : memref<32x1000000xf32, #tpu.memory_space<hbm>> -> memref<32x128xf32, #tpu.memory_space<hbm>>
    %dma_start3A_35 = tpu.memref_slice %arg13[%dma_start3A_28] : memref<8x!tpu.dma_semaphore, #tpu.memory_space<semaphore_mem>> -> memref<1x!tpu.dma_semaphore, #tpu.memory_space<semaphore_mem>>
    %dma_start3A_36 = tpu.memref_squeeze %dma_start3A_35 : memref<1x!tpu.dma_semaphore, #tpu.memory_space<semaphore_mem>> -> memref<!tpu.dma_semaphore, #tpu.memory_space<semaphore_mem>>
    %dma_start3A_37 = arith.constant 0 : i32
    %dma_start3A_38 = arith.constant 0 : i32
    %dma_start3A_39 = tpu.memref_slice %arg10[%dma_start3A_27, %dma_start3A_37, %dma_start3A_38] : memref<8x32x128xf32, #tpu.memory_space<vmem>> -> memref<1x32x128xf32, #tpu.memory_space<vmem>>
    %dma_start3A_40 = tpu.memref_squeeze %dma_start3A_39 : memref<1x32x128xf32, #tpu.memory_space<vmem>> -> memref<32x128xf32, #tpu.memory_space<vmem>>
    %dma_start3A_41 = arith.constant 0 : i32
    %dma_start3A_42 = tpu.memref_slice %arg5[%dma_start3A_41, %multiple_of3A_11] : memref<32x1000000xf32, #tpu.memory_space<hbm>> -> memref<32x128xf32, #tpu.memory_space<hbm>>
    tpu.enqueue_dma source(%dma_start3A_42 : memref<32x128xf32, #tpu.memory_space<hbm>>) target(%dma_start3A_40 : memref<32x128xf32, #tpu.memory_space<vmem>>) target_semaphore(%dma_start3A_36 : memref<!tpu.dma_semaphore, #tpu.memory_space<semaphore_mem>>)
    %slice3A_43 = vector.extract_strided_slice %get3A_3 {offsets = [1], sizes = [1], strides = [1]} : vector<16xi32> to vector<1xi32>
    %squeeze3A_44 = vector.extract %slice3A_43[0] : i32 from vector<1xi32>
    %slice3A_45 = vector.extract_strided_slice %get3A_5 {offsets = [1], sizes = [1], strides = [1]} : vector<16xi32> to vector<1xi32>
    %squeeze3A_46 = vector.extract %slice3A_45[0] : i32 from vector<1xi32>
    %and3A_47 = arith.constant -128 : i32
    %and3A_48 = arith.andi %squeeze3A_44, %and3A_47 : i32
    %multiple_of3A_49 = tpu.assume_multiple %and3A_48, 128 : i32
    %and3A_50 = arith.constant -128 : i32
    %and3A_51 = arith.andi %squeeze3A_46, %and3A_50 : i32
    %multiple_of3A_52 = tpu.assume_multiple %and3A_51, 128 : i32
    %dma_start3A_53 = arith.constant 1 : i32
    %dma_start3A_54 = arith.constant 1 : i32
    %dma_start3A_55 = arith.constant 0 : i32
    %dma_start3A_56 = arith.constant 0 : i32
    %dma_start3A_57 = tpu.memref_slice %arg9[%dma_start3A_53, %dma_start3A_55, %dma_start3A_56] : memref<8x32x128xf32, #tpu.memory_space<vmem>> -> memref<1x32x128xf32, #tpu.memory_space<vmem>>
    %dma_start3A_58 = tpu.memref_squeeze %dma_start3A_57 : memref<1x32x128xf32, #tpu.memory_space<vmem>> -> memref<32x128xf32, #tpu.memory_space<vmem>>
    %dma_start3A_59 = arith.constant 0 : i32
    %dma_start3A_60 = tpu.memref_slice %arg4[%dma_start3A_59, %multiple_of3A_49] : memref<32x1000000xf32, #tpu.memory_space<hbm>> -> memref<32x128xf32, #tpu.memory_space<hbm>>
    %dma_start3A_61 = tpu.memref_slice %arg12[%dma_start3A_54] : memref<8x!tpu.dma_semaphore, #tpu.memory_space<semaphore_mem>> -> memref<1x!tpu.dma_semaphore, #tpu.memory_space<semaphore_mem>>
    %dma_start3A_62 = tpu.memref_squeeze %dma_start3A_61 : memref<1x!tpu.dma_semaphore, #tpu.memory_space<semaphore_mem>> -> memref<!tpu.dma_semaphore, #tpu.memory_space<semaphore_mem>>
    %dma_start3A_63 = arith.constant 0 : i32
    %dma_start3A_64 = arith.constant 0 : i32
    %dma_start3A_65 = tpu.memref_slice %arg9[%dma_start3A_53, %dma_start3A_63, %dma_start3A_64] : memref<8x32x128xf32, #tpu.memory_space<vmem>> -> memref<1x32x128xf32, #tpu.memory_space<vmem>>
    %dma_start3A_66 = tpu.memref_squeeze %dma_start3A_65 : memref<1x32x128xf32, #tpu.memory_space<vmem>> -> memref<32x128xf32, #tpu.memory_space<vmem>>
    %dma_start3A_67 = arith.constant 0 : i32
    %dma_start3A_68 = tpu.memref_slice %arg4[%dma_start3A_67, %multiple_of3A_49] : memref<32x1000000xf32, #tpu.memory_space<hbm>> -> memref<32x128xf32, #tpu.memory_space<hbm>>
    tpu.enqueue_dma source(%dma_start3A_68 : memref<32x128xf32, #tpu.memory_space<hbm>>) target(%dma_start3A_66 : memref<32x128xf32, #tpu.memory_space<vmem>>) target_semaphore(%dma_start3A_62 : memref<!tpu.dma_semaphore, #tpu.memory_space<semaphore_mem>>)
    %dma_start3A_69 = arith.constant 1 : i32
    %dma_start3A_70 = arith.constant 1 : i32
    %dma_start3A_71 = arith.constant 0 : i32
    %dma_start3A_72 = arith.constant 0 : i32
    %dma_start3A_73 = tpu.memref_slice %arg10[%dma_start3A_69, %dma_start3A_71, %dma_start3A_72] : memref<8x32x128xf32, #tpu.memory_space<vmem>> -> memref<1x32x128xf32, #tpu.memory_space<vmem>>
    %dma_start3A_74 = tpu.memref_squeeze %dma_start3A_73 : memref<1x32x128xf32, #tpu.memory_space<vmem>> -> memref<32x128xf32, #tpu.memory_space<vmem>>
    %dma_start3A_75 = arith.constant 0 : i32
    %dma_start3A_76 = tpu.memref_slice %arg5[%dma_start3A_75, %multiple_of3A_52] : memref<32x1000000xf32, #tpu.memory_space<hbm>> -> memref<32x128xf32, #tpu.memory_space<hbm>>
    %dma_start3A_77 = tpu.memref_slice %arg13[%dma_start3A_70] : memref<8x!tpu.dma_semaphore, #tpu.memory_space<semaphore_mem>> -> memref<1x!tpu.dma_semaphore, #tpu.memory_space<semaphore_mem>>
    %dma_start3A_78 = tpu.memref_squeeze %dma_start3A_77 : memref<1x!tpu.dma_semaphore, #tpu.memory_space<semaphore_mem>> -> memref<!tpu.dma_semaphore, #tpu.memory_space<semaphore_mem>>
    %dma_start3A_79 = arith.constant 0 : i32
    %dma_start3A_80 = arith.constant 0 : i32
    %dma_start3A_81 = tpu.memref_slice %arg10[%dma_start3A_69, %dma_start3A_79, %dma_start3A_80] : memref<8x32x128xf32, #tpu.memory_space<vmem>> -> memref<1x32x128xf32, #tpu.memory_space<vmem>>
    %dma_start3A_82 = tpu.memref_squeeze %dma_start3A_81 : memref<1x32x128xf32, #tpu.memory_space<vmem>> -> memref<32x128xf32, #tpu.memory_space<vmem>>
    %dma_start3A_83 = arith.constant 0 : i32
    %dma_start3A_84 = tpu.memref_slice %arg5[%dma_start3A_83, %multiple_of3A_52] : memref<32x1000000xf32, #tpu.memory_space<hbm>> -> memref<32x128xf32, #tpu.memory_space<hbm>>
    tpu.enqueue_dma source(%dma_start3A_84 : memref<32x128xf32, #tpu.memory_space<hbm>>) target(%dma_start3A_82 : memref<32x128xf32, #tpu.memory_space<vmem>>) target_semaphore(%dma_start3A_78 : memref<!tpu.dma_semaphore, #tpu.memory_space<semaphore_mem>>)
    %slice3A_85 = vector.extract_strided_slice %get3A_3 {offsets = [2], sizes = [1], strides = [1]} : vector<16xi32> to vector<1xi32>
    %squeeze3A_86 = vector.extract %slice3A_85[0] : i32 from vector<1xi32>
    %slice3A_87 = vector.extract_strided_slice %get3A_5 {offsets = [2], sizes = [1], strides = [1]} : vector<16xi32> to vector<1xi32>
    %squeeze3A_88 = vector.extract %slice3A_87[0] : i32 from vector<1xi32>
    %and3A_89 = arith.constant -128 : i32
    %and3A_90 = arith.andi %squeeze3A_86, %and3A_89 : i32
    %multiple_of3A_91 = tpu.assume_multiple %and3A_90, 128 : i32
    %and3A_92 = arith.constant -128 : i32
    %and3A_93 = arith.andi %squeeze3A_88, %and3A_92 : i32
    %multiple_of3A_94 = tpu.assume_multiple %and3A_93, 128 : i32
    %dma_start3A_95 = arith.constant 2 : i32
    %dma_start3A_96 = arith.constant 2 : i32
    %dma_start3A_97 = arith.constant 0 : i32
    %dma_start3A_98 = arith.constant 0 : i32
    %dma_start3A_99 = tpu.memref_slice %arg9[%dma_start3A_95, %dma_start3A_97, %dma_start3A_98] : memref<8x32x128xf32, #tpu.memory_space<vmem>> -> memref<1x32x128xf32, #tpu.memory_space<vmem>>
    %dma_start3A_100 = tpu.memref_squeeze %dma_start3A_99 : memref<1x32x128xf32, #tpu.memory_space<vmem>> -> memref<32x128xf32, #tpu.memory_space<vmem>>
    %dma_start3A_101 = arith.constant 0 : i32
    %dma_start3A_102 = tpu.memref_slice %arg4[%dma_start3A_101, %multiple_of3A_91] : memref<32x1000000xf32, #tpu.memory_space<hbm>> -> memref<32x128xf32, #tpu.memory_space<hbm>>
    %dma_start3A_103 = tpu.memref_slice %arg12[%dma_start3A_96] : memref<8x!tpu.dma_semaphore, #tpu.memory_space<semaphore_mem>> -> memref<1x!tpu.dma_semaphore, #tpu.memory_space<semaphore_mem>>
    %dma_start3A_104 = tpu.memref_squeeze %dma_start3A_103 : memref<1x!tpu.dma_semaphore, #tpu.memory_space<semaphore_mem>> -> memref<!tpu.dma_semaphore, #tpu.memory_space<semaphore_mem>>
    %dma_start3A_105 = arith.constant 0 : i32
    %dma_start3A_106 = arith.constant 0 : i32
    %dma_start3A_107 = tpu.memref_slice %arg9[%dma_start3A_95, %dma_start3A_105, %dma_start3A_106] : memref<8x32x128xf32, #tpu.memory_space<vmem>> -> memref<1x32x128xf32, #tpu.memory_space<vmem>>
    %dma_start3A_108 = tpu.memref_squeeze %dma_start3A_107 : memref<1x32x128xf32, #tpu.memory_space<vmem>> -> memref<32x128xf32, #tpu.memory_space<vmem>>
    %dma_start3A_109 = arith.constant 0 : i32
    %dma_start3A_110 = tpu.memref_slice %arg4[%dma_start3A_109, %multiple_of3A_91] : memref<32x1000000xf32, #tpu.memory_space<hbm>> -> memref<32x128xf32, #tpu.memory_space<hbm>>
    tpu.enqueue_dma source(%dma_start3A_110 : memref<32x128xf32, #tpu.memory_space<hbm>>) target(%dma_start3A_108 : memref<32x128xf32, #tpu.memory_space<vmem>>) target_semaphore(%dma_start3A_104 : memref<!tpu.dma_semaphore, #tpu.memory_space<semaphore_mem>>)
    %dma_start3A_111 = arith.constant 2 : i32
    %dma_start3A_112 = arith.constant 2 : i32
    %dma_start3A_113 = arith.constant 0 : i32
    %dma_start3A_114 = arith.constant 0 : i32
    %dma_start3A_115 = tpu.memref_slice %arg10[%dma_start3A_111, %dma_start3A_113, %dma_start3A_114] : memref<8x32x128xf32, #tpu.memory_space<vmem>> -> memref<1x32x128xf32, #tpu.memory_space<vmem>>
    %dma_start3A_116 = tpu.memref_squeeze %dma_start3A_115 : memref<1x32x128xf32, #tpu.memory_space<vmem>> -> memref<32x128xf32, #tpu.memory_space<vmem>>
    %dma_start3A_117 = arith.constant 0 : i32
    %dma_start3A_118 = tpu.memref_slice %arg5[%dma_start3A_117, %multiple_of3A_94] : memref<32x1000000xf32, #tpu.memory_space<hbm>> -> memref<32x128xf32, #tpu.memory_space<hbm>>
    %dma_start3A_119 = tpu.memref_slice %arg13[%dma_start3A_112] : memref<8x!tpu.dma_semaphore, #tpu.memory_space<semaphore_mem>> -> memref<1x!tpu.dma_semaphore, #tpu.memory_space<semaphore_mem>>
    %dma_start3A_120 = tpu.memref_squeeze %dma_start3A_119 : memref<1x!tpu.dma_semaphore, #tpu.memory_space<semaphore_mem>> -> memref<!tpu.dma_semaphore, #tpu.memory_space<semaphore_mem>>
    %dma_start3A_121 = arith.constant 0 : i32
    %dma_start3A_122 = arith.constant 0 : i32
    %dma_start3A_123 = tpu.memref_slice %arg10[%dma_start3A_111, %dma_start3A_121, %dma_start3A_122] : memref<8x32x128xf32, #tpu.memory_space<vmem>> -> memref<1x32x128xf32, #tpu.memory_space<vmem>>
    %dma_start3A_124 = tpu.memref_squeeze %dma_start3A_123 : memref<1x32x128xf32, #tpu.memory_space<vmem>> -> memref<32x128xf32, #tpu.memory_space<vmem>>
    %dma_start3A_125 = arith.constant 0 : i32
    %dma_start3A_126 = tpu.memref_slice %arg5[%dma_start3A_125, %multiple_of3A_94] : memref<32x1000000xf32, #tpu.memory_space<hbm>> -> memref<32x128xf32, #tpu.memory_space<hbm>>
    tpu.enqueue_dma source(%dma_start3A_126 : memref<32x128xf32, #tpu.memory_space<hbm>>) target(%dma_start3A_124 : memref<32x128xf32, #tpu.memory_space<vmem>>) target_semaphore(%dma_start3A_120 : memref<!tpu.dma_semaphore, #tpu.memory_space<semaphore_mem>>)
    %slice3A_127 = vector.extract_strided_slice %get3A_3 {offsets = [3], sizes = [1], strides = [1]} : vector<16xi32> to vector<1xi32>
    %squeeze3A_128 = vector.extract %slice3A_127[0] : i32 from vector<1xi32>
    %slice3A_129 = vector.extract_strided_slice %get3A_5 {offsets = [3], sizes = [1], strides = [1]} : vector<16xi32> to vector<1xi32>
    %squeeze3A_130 = vector.extract %slice3A_129[0] : i32 from vector<1xi32>
    %and3A_131 = arith.constant -128 : i32
    %and3A_132 = arith.andi %squeeze3A_128, %and3A_131 : i32
    %multiple_of3A_133 = tpu.assume_multiple %and3A_132, 128 : i32
    %and3A_134 = arith.constant -128 : i32
    %and3A_135 = arith.andi %squeeze3A_130, %and3A_134 : i32
    %multiple_of3A_136 = tpu.assume_multiple %and3A_135, 128 : i32
    %dma_start3A_137 = arith.constant 3 : i32
    %dma_start3A_138 = arith.constant 3 : i32
    %dma_start3A_139 = arith.constant 0 : i32
    %dma_start3A_140 = arith.constant 0 : i32
    %dma_start3A_141 = tpu.memref_slice %arg9[%dma_start3A_137, %dma_start3A_139, %dma_start3A_140] : memref<8x32x128xf32, #tpu.memory_space<vmem>> -> memref<1x32x128xf32, #tpu.memory_space<vmem>>
    %dma_start3A_142 = tpu.memref_squeeze %dma_start3A_141 : memref<1x32x128xf32, #tpu.memory_space<vmem>> -> memref<32x128xf32, #tpu.memory_space<vmem>>
    %dma_start3A_143 = arith.constant 0 : i32
    %dma_start3A_144 = tpu.memref_slice %arg4[%dma_start3A_143, %multiple_of3A_133] : memref<32x1000000xf32, #tpu.memory_space<hbm>> -> memref<32x128xf32, #tpu.memory_space<hbm>>
    %dma_start3A_145 = tpu.memref_slice %arg12[%dma_start3A_138] : memref<8x!tpu.dma_semaphore, #tpu.memory_space<semaphore_mem>> -> memref<1x!tpu.dma_semaphore, #tpu.memory_space<semaphore_mem>>
    %dma_start3A_146 = tpu.memref_squeeze %dma_start3A_145 : memref<1x!tpu.dma_semaphore, #tpu.memory_space<semaphore_mem>> -> memref<!tpu.dma_semaphore, #tpu.memory_space<semaphore_mem>>
    %dma_start3A_147 = arith.constant 0 : i32
    %dma_start3A_148 = arith.constant 0 : i32
    %dma_start3A_149 = tpu.memref_slice %arg9[%dma_start3A_137, %dma_start3A_147, %dma_start3A_148] : memref<8x32x128xf32, #tpu.memory_space<vmem>> -> memref<1x32x128xf32, #tpu.memory_space<vmem>>
    %dma_start3A_150 = tpu.memref_squeeze %dma_start3A_149 : memref<1x32x128xf32, #tpu.memory_space<vmem>> -> memref<32x128xf32, #tpu.memory_space<vmem>>
    %dma_start3A_151 = arith.constant 0 : i32
    %dma_start3A_152 = tpu.memref_slice %arg4[%dma_start3A_151, %multiple_of3A_133] : memref<32x1000000xf32, #tpu.memory_space<hbm>> -> memref<32x128xf32, #tpu.memory_space<hbm>>
    tpu.enqueue_dma source(%dma_start3A_152 : memref<32x128xf32, #tpu.memory_space<hbm>>) target(%dma_start3A_150 : memref<32x128xf32, #tpu.memory_space<vmem>>) target_semaphore(%dma_start3A_146 : memref<!tpu.dma_semaphore, #tpu.memory_space<semaphore_mem>>)
    %dma_start3A_153 = arith.constant 3 : i32
    %dma_start3A_154 = arith.constant 3 : i32
    %dma_start3A_155 = arith.constant 0 : i32
    %dma_start3A_156 = arith.constant 0 : i32
    %dma_start3A_157 = tpu.memref_slice %arg10[%dma_start3A_153, %dma_start3A_155, %dma_start3A_156] : memref<8x32x128xf32, #tpu.memory_space<vmem>> -> memref<1x32x128xf32, #tpu.memory_space<vmem>>
    %dma_start3A_158 = tpu.memref_squeeze %dma_start3A_157 : memref<1x32x128xf32, #tpu.memory_space<vmem>> -> memref<32x128xf32, #tpu.memory_space<vmem>>
    %dma_start3A_159 = arith.constant 0 : i32
    %dma_start3A_160 = tpu.memref_slice %arg5[%dma_start3A_159, %multiple_of3A_136] : memref<32x1000000xf32, #tpu.memory_space<hbm>> -> memref<32x128xf32, #tpu.memory_space<hbm>>
    %dma_start3A_161 = tpu.memref_slice %arg13[%dma_start3A_154] : memref<8x!tpu.dma_semaphore, #tpu.memory_space<semaphore_mem>> -> memref<1x!tpu.dma_semaphore, #tpu.memory_space<semaphore_mem>>
    %dma_start3A_162 = tpu.memref_squeeze %dma_start3A_161 : memref<1x!tpu.dma_semaphore, #tpu.memory_space<semaphore_mem>> -> memref<!tpu.dma_semaphore, #tpu.memory_space<semaphore_mem>>
    %dma_start3A_163 = arith.constant 0 : i32
    %dma_start3A_164 = arith.constant 0 : i32
    %dma_start3A_165 = tpu.memref_slice %arg10[%dma_start3A_153, %dma_start3A_163, %dma_start3A_164] : memref<8x32x128xf32, #tpu.memory_space<vmem>> -> memref<1x32x128xf32, #tpu.memory_space<vmem>>
    %dma_start3A_166 = tpu.memref_squeeze %dma_start3A_165 : memref<1x32x128xf32, #tpu.memory_space<vmem>> -> memref<32x128xf32, #tpu.memory_space<vmem>>
    %dma_start3A_167 = arith.constant 0 : i32
    %dma_start3A_168 = tpu.memref_slice %arg5[%dma_start3A_167, %multiple_of3A_136] : memref<32x1000000xf32, #tpu.memory_space<hbm>> -> memref<32x128xf32, #tpu.memory_space<hbm>>
    tpu.enqueue_dma source(%dma_start3A_168 : memref<32x128xf32, #tpu.memory_space<hbm>>) target(%dma_start3A_166 : memref<32x128xf32, #tpu.memory_space<vmem>>) target_semaphore(%dma_start3A_162 : memref<!tpu.dma_semaphore, #tpu.memory_space<semaphore_mem>>)
    %slice3A_169 = vector.extract_strided_slice %get3A_3 {offsets = [4], sizes = [1], strides = [1]} : vector<16xi32> to vector<1xi32>
    %squeeze3A_170 = vector.extract %slice3A_169[0] : i32 from vector<1xi32>
    %slice3A_171 = vector.extract_strided_slice %get3A_5 {offsets = [4], sizes = [1], strides = [1]} : vector<16xi32> to vector<1xi32>
    %squeeze3A_172 = vector.extract %slice3A_171[0] : i32 from vector<1xi32>
    %and3A_173 = arith.constant -128 : i32
    %and3A_174 = arith.andi %squeeze3A_170, %and3A_173 : i32
    %multiple_of3A_175 = tpu.assume_multiple %and3A_174, 128 : i32
    %and3A_176 = arith.constant -128 : i32
    %and3A_177 = arith.andi %squeeze3A_172, %and3A_176 : i32
    %multiple_of3A_178 = tpu.assume_multiple %and3A_177, 128 : i32
    %dma_start3A_179 = arith.constant 4 : i32
    %dma_start3A_180 = arith.constant 4 : i32
    %dma_start3A_181 = arith.constant 0 : i32
    %dma_start3A_182 = arith.constant 0 : i32
    %dma_start3A_183 = tpu.memref_slice %arg9[%dma_start3A_179, %dma_start3A_181, %dma_start3A_182] : memref<8x32x128xf32, #tpu.memory_space<vmem>> -> memref<1x32x128xf32, #tpu.memory_space<vmem>>
    %dma_start3A_184 = tpu.memref_squeeze %dma_start3A_183 : memref<1x32x128xf32, #tpu.memory_space<vmem>> -> memref<32x128xf32, #tpu.memory_space<vmem>>
    %dma_start3A_185 = arith.constant 0 : i32
    %dma_start3A_186 = tpu.memref_slice %arg4[%dma_start3A_185, %multiple_of3A_175] : memref<32x1000000xf32, #tpu.memory_space<hbm>> -> memref<32x128xf32, #tpu.memory_space<hbm>>
    %dma_start3A_187 = tpu.memref_slice %arg12[%dma_start3A_180] : memref<8x!tpu.dma_semaphore, #tpu.memory_space<semaphore_mem>> -> memref<1x!tpu.dma_semaphore, #tpu.memory_space<semaphore_mem>>
    %dma_start3A_188 = tpu.memref_squeeze %dma_start3A_187 : memref<1x!tpu.dma_semaphore, #tpu.memory_space<semaphore_mem>> -> memref<!tpu.dma_semaphore, #tpu.memory_space<semaphore_mem>>
    %dma_start3A_189 = arith.constant 0 : i32
    %dma_start3A_190 = arith.constant 0 : i32
    %dma_start3A_191 = tpu.memref_slice %arg9[%dma_start3A_179, %dma_start3A_189, %dma_start3A_190] : memref<8x32x128xf32, #tpu.memory_space<vmem>> -> memref<1x32x128xf32, #tpu.memory_space<vmem>>
    %dma_start3A_192 = tpu.memref_squeeze %dma_start3A_191 : memref<1x32x128xf32, #tpu.memory_space<vmem>> -> memref<32x128xf32, #tpu.memory_space<vmem>>
    %dma_start3A_193 = arith.constant 0 : i32
    %dma_start3A_194 = tpu.memref_slice %arg4[%dma_start3A_193, %multiple_of3A_175] : memref<32x1000000xf32, #tpu.memory_space<hbm>> -> memref<32x128xf32, #tpu.memory_space<hbm>>
    tpu.enqueue_dma source(%dma_start3A_194 : memref<32x128xf32, #tpu.memory_space<hbm>>) target(%dma_start3A_192 : memref<32x128xf32, #tpu.memory_space<vmem>>) target_semaphore(%dma_start3A_188 : memref<!tpu.dma_semaphore, #tpu.memory_space<semaphore_mem>>)
    %dma_start3A_195 = arith.constant 4 : i32
    %dma_start3A_196 = arith.constant 4 : i32
    %dma_start3A_197 = arith.constant 0 : i32
    %dma_start3A_198 = arith.constant 0 : i32
    %dma_start3A_199 = tpu.memref_slice %arg10[%dma_start3A_195, %dma_start3A_197, %dma_start3A_198] : memref<8x32x128xf32, #tpu.memory_space<vmem>> -> memref<1x32x128xf32, #tpu.memory_space<vmem>>
    %dma_start3A_200 = tpu.memref_squeeze %dma_start3A_199 : memref<1x32x128xf32, #tpu.memory_space<vmem>> -> memref<32x128xf32, #tpu.memory_space<vmem>>
    %dma_start3A_201 = arith.constant 0 : i32
    %dma_start3A_202 = tpu.memref_slice %arg5[%dma_start3A_201, %multiple_of3A_178] : memref<32x1000000xf32, #tpu.memory_space<hbm>> -> memref<32x128xf32, #tpu.memory_space<hbm>>
    %dma_start3A_203 = tpu.memref_slice %arg13[%dma_start3A_196] : memref<8x!tpu.dma_semaphore, #tpu.memory_space<semaphore_mem>> -> memref<1x!tpu.dma_semaphore, #tpu.memory_space<semaphore_mem>>
    %dma_start3A_204 = tpu.memref_squeeze %dma_start3A_203 : memref<1x!tpu.dma_semaphore, #tpu.memory_space<semaphore_mem>> -> memref<!tpu.dma_semaphore, #tpu.memory_space<semaphore_mem>>
    %dma_start3A_205 = arith.constant 0 : i32
    %dma_start3A_206 = arith.constant 0 : i32
    %dma_start3A_207 = tpu.memref_slice %arg10[%dma_start3A_195, %dma_start3A_205, %dma_start3A_206] : memref<8x32x128xf32, #tpu.memory_space<vmem>> -> memref<1x32x128xf32, #tpu.memory_space<vmem>>
    %dma_start3A_208 = tpu.memref_squeeze %dma_start3A_207 : memref<1x32x128xf32, #tpu.memory_space<vmem>> -> memref<32x128xf32, #tpu.memory_space<vmem>>
    %dma_start3A_209 = arith.constant 0 : i32
    %dma_start3A_210 = tpu.memref_slice %arg5[%dma_start3A_209, %multiple_of3A_178] : memref<32x1000000xf32, #tpu.memory_space<hbm>> -> memref<32x128xf32, #tpu.memory_space<hbm>>
    tpu.enqueue_dma source(%dma_start3A_210 : memref<32x128xf32, #tpu.memory_space<hbm>>) target(%dma_start3A_208 : memref<32x128xf32, #tpu.memory_space<vmem>>) target_semaphore(%dma_start3A_204 : memref<!tpu.dma_semaphore, #tpu.memory_space<semaphore_mem>>)
    %slice3A_211 = vector.extract_strided_slice %get3A_3 {offsets = [5], sizes = [1], strides = [1]} : vector<16xi32> to vector<1xi32>
    %squeeze3A_212 = vector.extract %slice3A_211[0] : i32 from vector<1xi32>
    %slice3A_213 = vector.extract_strided_slice %get3A_5 {offsets = [5], sizes = [1], strides = [1]} : vector<16xi32> to vector<1xi32>
    %squeeze3A_214 = vector.extract %slice3A_213[0] : i32 from vector<1xi32>
    %and3A_215 = arith.constant -128 : i32
    %and3A_216 = arith.andi %squeeze3A_212, %and3A_215 : i32
    %multiple_of3A_217 = tpu.assume_multiple %and3A_216, 128 : i32
    %and3A_218 = arith.constant -128 : i32
    %and3A_219 = arith.andi %squeeze3A_214, %and3A_218 : i32
    %multiple_of3A_220 = tpu.assume_multiple %and3A_219, 128 : i32
    %dma_start3A_221 = arith.constant 5 : i32
    %dma_start3A_222 = arith.constant 5 : i32
    %dma_start3A_223 = arith.constant 0 : i32
    %dma_start3A_224 = arith.constant 0 : i32
    %dma_start3A_225 = tpu.memref_slice %arg9[%dma_start3A_221, %dma_start3A_223, %dma_start3A_224] : memref<8x32x128xf32, #tpu.memory_space<vmem>> -> memref<1x32x128xf32, #tpu.memory_space<vmem>>
    %dma_start3A_226 = tpu.memref_squeeze %dma_start3A_225 : memref<1x32x128xf32, #tpu.memory_space<vmem>> -> memref<32x128xf32, #tpu.memory_space<vmem>>
    %dma_start3A_227 = arith.constant 0 : i32
    %dma_start3A_228 = tpu.memref_slice %arg4[%dma_start3A_227, %multiple_of3A_217] : memref<32x1000000xf32, #tpu.memory_space<hbm>> -> memref<32x128xf32, #tpu.memory_space<hbm>>
    %dma_start3A_229 = tpu.memref_slice %arg12[%dma_start3A_222] : memref<8x!tpu.dma_semaphore, #tpu.memory_space<semaphore_mem>> -> memref<1x!tpu.dma_semaphore, #tpu.memory_space<semaphore_mem>>
    %dma_start3A_230 = tpu.memref_squeeze %dma_start3A_229 : memref<1x!tpu.dma_semaphore, #tpu.memory_space<semaphore_mem>> -> memref<!tpu.dma_semaphore, #tpu.memory_space<semaphore_mem>>
    %dma_start3A_231 = arith.constant 0 : i32
    %dma_start3A_232 = arith.constant 0 : i32
    %dma_start3A_233 = tpu.memref_slice %arg9[%dma_start3A_221, %dma_start3A_231, %dma_start3A_232] : memref<8x32x128xf32, #tpu.memory_space<vmem>> -> memref<1x32x128xf32, #tpu.memory_space<vmem>>
    %dma_start3A_234 = tpu.memref_squeeze %dma_start3A_233 : memref<1x32x128xf32, #tpu.memory_space<vmem>> -> memref<32x128xf32, #tpu.memory_space<vmem>>
    %dma_start3A_235 = arith.constant 0 : i32
    %dma_start3A_236 = tpu.memref_slice %arg4[%dma_start3A_235, %multiple_of3A_217] : memref<32x1000000xf32, #tpu.memory_space<hbm>> -> memref<32x128xf32, #tpu.memory_space<hbm>>
    tpu.enqueue_dma source(%dma_start3A_236 : memref<32x128xf32, #tpu.memory_space<hbm>>) target(%dma_start3A_234 : memref<32x128xf32, #tpu.memory_space<vmem>>) target_semaphore(%dma_start3A_230 : memref<!tpu.dma_semaphore, #tpu.memory_space<semaphore_mem>>)
    %dma_start3A_237 = arith.constant 5 : i32
    %dma_start3A_238 = arith.constant 5 : i32
    %dma_start3A_239 = arith.constant 0 : i32
    %dma_start3A_240 = arith.constant 0 : i32
    %dma_start3A_241 = tpu.memref_slice %arg10[%dma_start3A_237, %dma_start3A_239, %dma_start3A_240] : memref<8x32x128xf32, #tpu.memory_space<vmem>> -> memref<1x32x128xf32, #tpu.memory_space<vmem>>
    %dma_start3A_242 = tpu.memref_squeeze %dma_start3A_241 : memref<1x32x128xf32, #tpu.memory_space<vmem>> -> memref<32x128xf32, #tpu.memory_space<vmem>>
    %dma_start3A_243 = arith.constant 0 : i32
    %dma_start3A_244 = tpu.memref_slice %arg5[%dma_start3A_243, %multiple_of3A_220] : memref<32x1000000xf32, #tpu.memory_space<hbm>> -> memref<32x128xf32, #tpu.memory_space<hbm>>
    %dma_start3A_245 = tpu.memref_slice %arg13[%dma_start3A_238] : memref<8x!tpu.dma_semaphore, #tpu.memory_space<semaphore_mem>> -> memref<1x!tpu.dma_semaphore, #tpu.memory_space<semaphore_mem>>
    %dma_start3A_246 = tpu.memref_squeeze %dma_start3A_245 : memref<1x!tpu.dma_semaphore, #tpu.memory_space<semaphore_mem>> -> memref<!tpu.dma_semaphore, #tpu.memory_space<semaphore_mem>>
    %dma_start3A_247 = arith.constant 0 : i32
    %dma_start3A_248 = arith.constant 0 : i32
    %dma_start3A_249 = tpu.memref_slice %arg10[%dma_start3A_237, %dma_start3A_247, %dma_start3A_248] : memref<8x32x128xf32, #tpu.memory_space<vmem>> -> memref<1x32x128xf32, #tpu.memory_space<vmem>>
    %dma_start3A_250 = tpu.memref_squeeze %dma_start3A_249 : memref<1x32x128xf32, #tpu.memory_space<vmem>> -> memref<32x128xf32, #tpu.memory_space<vmem>>
    %dma_start3A_251 = arith.constant 0 : i32
    %dma_start3A_252 = tpu.memref_slice %arg5[%dma_start3A_251, %multiple_of3A_220] : memref<32x1000000xf32, #tpu.memory_space<hbm>> -> memref<32x128xf32, #tpu.memory_space<hbm>>
    tpu.enqueue_dma source(%dma_start3A_252 : memref<32x128xf32, #tpu.memory_space<hbm>>) target(%dma_start3A_250 : memref<32x128xf32, #tpu.memory_space<vmem>>) target_semaphore(%dma_start3A_246 : memref<!tpu.dma_semaphore, #tpu.memory_space<semaphore_mem>>)
    %slice3A_253 = vector.extract_strided_slice %get3A_3 {offsets = [6], sizes = [1], strides = [1]} : vector<16xi32> to vector<1xi32>
    %squeeze3A_254 = vector.extract %slice3A_253[0] : i32 from vector<1xi32>
    %slice3A_255 = vector.extract_strided_slice %get3A_5 {offsets = [6], sizes = [1], strides = [1]} : vector<16xi32> to vector<1xi32>
    %squeeze3A_256 = vector.extract %slice3A_255[0] : i32 from vector<1xi32>
    %and3A_257 = arith.constant -128 : i32
    %and3A_258 = arith.andi %squeeze3A_254, %and3A_257 : i32
    %multiple_of3A_259 = tpu.assume_multiple %and3A_258, 128 : i32
    %and3A_260 = arith.constant -128 : i32
    %and3A_261 = arith.andi %squeeze3A_256, %and3A_260 : i32
    %multiple_of3A_262 = tpu.assume_multiple %and3A_261, 128 : i32
    %dma_start3A_263 = arith.constant 6 : i32
    %dma_start3A_264 = arith.constant 6 : i32
    %dma_start3A_265 = arith.constant 0 : i32
    %dma_start3A_266 = arith.constant 0 : i32
    %dma_start3A_267 = tpu.memref_slice %arg9[%dma_start3A_263, %dma_start3A_265, %dma_start3A_266] : memref<8x32x128xf32, #tpu.memory_space<vmem>> -> memref<1x32x128xf32, #tpu.memory_space<vmem>>
    %dma_start3A_268 = tpu.memref_squeeze %dma_start3A_267 : memref<1x32x128xf32, #tpu.memory_space<vmem>> -> memref<32x128xf32, #tpu.memory_space<vmem>>
    %dma_start3A_269 = arith.constant 0 : i32
    %dma_start3A_270 = tpu.memref_slice %arg4[%dma_start3A_269, %multiple_of3A_259] : memref<32x1000000xf32, #tpu.memory_space<hbm>> -> memref<32x128xf32, #tpu.memory_space<hbm>>
    %dma_start3A_271 = tpu.memref_slice %arg12[%dma_start3A_264] : memref<8x!tpu.dma_semaphore, #tpu.memory_space<semaphore_mem>> -> memref<1x!tpu.dma_semaphore, #tpu.memory_space<semaphore_mem>>
    %dma_start3A_272 = tpu.memref_squeeze %dma_start3A_271 : memref<1x!tpu.dma_semaphore, #tpu.memory_space<semaphore_mem>> -> memref<!tpu.dma_semaphore, #tpu.memory_space<semaphore_mem>>
    %dma_start3A_273 = arith.constant 0 : i32
    %dma_start3A_274 = arith.constant 0 : i32
    %dma_start3A_275 = tpu.memref_slice %arg9[%dma_start3A_263, %dma_start3A_273, %dma_start3A_274] : memref<8x32x128xf32, #tpu.memory_space<vmem>> -> memref<1x32x128xf32, #tpu.memory_space<vmem>>
    %dma_start3A_276 = tpu.memref_squeeze %dma_start3A_275 : memref<1x32x128xf32, #tpu.memory_space<vmem>> -> memref<32x128xf32, #tpu.memory_space<vmem>>
    %dma_start3A_277 = arith.constant 0 : i32
    %dma_start3A_278 = tpu.memref_slice %arg4[%dma_start3A_277, %multiple_of3A_259] : memref<32x1000000xf32, #tpu.memory_space<hbm>> -> memref<32x128xf32, #tpu.memory_space<hbm>>
    tpu.enqueue_dma source(%dma_start3A_278 : memref<32x128xf32, #tpu.memory_space<hbm>>) target(%dma_start3A_276 : memref<32x128xf32, #tpu.memory_space<vmem>>) target_semaphore(%dma_start3A_272 : memref<!tpu.dma_semaphore, #tpu.memory_space<semaphore_mem>>)
    %dma_start3A_279 = arith.constant 6 : i32
    %dma_start3A_280 = arith.constant 6 : i32
    %dma_start3A_281 = arith.constant 0 : i32
    %dma_start3A_282 = arith.constant 0 : i32
    %dma_start3A_283 = tpu.memref_slice %arg10[%dma_start3A_279, %dma_start3A_281, %dma_start3A_282] : memref<8x32x128xf32, #tpu.memory_space<vmem>> -> memref<1x32x128xf32, #tpu.memory_space<vmem>>
    %dma_start3A_284 = tpu.memref_squeeze %dma_start3A_283 : memref<1x32x128xf32, #tpu.memory_space<vmem>> -> memref<32x128xf32, #tpu.memory_space<vmem>>
    %dma_start3A_285 = arith.constant 0 : i32
    %dma_start3A_286 = tpu.memref_slice %arg5[%dma_start3A_285, %multiple_of3A_262] : memref<32x1000000xf32, #tpu.memory_space<hbm>> -> memref<32x128xf32, #tpu.memory_space<hbm>>
    %dma_start3A_287 = tpu.memref_slice %arg13[%dma_start3A_280] : memref<8x!tpu.dma_semaphore, #tpu.memory_space<semaphore_mem>> -> memref<1x!tpu.dma_semaphore, #tpu.memory_space<semaphore_mem>>
    %dma_start3A_288 = tpu.memref_squeeze %dma_start3A_287 : memref<1x!tpu.dma_semaphore, #tpu.memory_space<semaphore_mem>> -> memref<!tpu.dma_semaphore, #tpu.memory_space<semaphore_mem>>
    %dma_start3A_289 = arith.constant 0 : i32
    %dma_start3A_290 = arith.constant 0 : i32
    %dma_start3A_291 = tpu.memref_slice %arg10[%dma_start3A_279, %dma_start3A_289, %dma_start3A_290] : memref<8x32x128xf32, #tpu.memory_space<vmem>> -> memref<1x32x128xf32, #tpu.memory_space<vmem>>
    %dma_start3A_292 = tpu.memref_squeeze %dma_start3A_291 : memref<1x32x128xf32, #tpu.memory_space<vmem>> -> memref<32x128xf32, #tpu.memory_space<vmem>>
    %dma_start3A_293 = arith.constant 0 : i32
    %dma_start3A_294 = tpu.memref_slice %arg5[%dma_start3A_293, %multiple_of3A_262] : memref<32x1000000xf32, #tpu.memory_space<hbm>> -> memref<32x128xf32, #tpu.memory_space<hbm>>
    tpu.enqueue_dma source(%dma_start3A_294 : memref<32x128xf32, #tpu.memory_space<hbm>>) target(%dma_start3A_292 : memref<32x128xf32, #tpu.memory_space<vmem>>) target_semaphore(%dma_start3A_288 : memref<!tpu.dma_semaphore, #tpu.memory_space<semaphore_mem>>)
    %slice3A_295 = vector.extract_strided_slice %get3A_3 {offsets = [7], sizes = [1], strides = [1]} : vector<16xi32> to vector<1xi32>
    %squeeze3A_296 = vector.extract %slice3A_295[0] : i32 from vector<1xi32>
    %slice3A_297 = vector.extract_strided_slice %get3A_5 {offsets = [7], sizes = [1], strides = [1]} : vector<16xi32> to vector<1xi32>
    %squeeze3A_298 = vector.extract %slice3A_297[0] : i32 from vector<1xi32>
    %and3A_299 = arith.constant -128 : i32
    %and3A_300 = arith.andi %squeeze3A_296, %and3A_299 : i32
    %multiple_of3A_301 = tpu.assume_multiple %and3A_300, 128 : i32
    %and3A_302 = arith.constant -128 : i32
    %and3A_303 = arith.andi %squeeze3A_298, %and3A_302 : i32
    %multiple_of3A_304 = tpu.assume_multiple %and3A_303, 128 : i32
    %dma_start3A_305 = arith.constant 7 : i32
    %dma_start3A_306 = arith.constant 7 : i32
    %dma_start3A_307 = arith.constant 0 : i32
    %dma_start3A_308 = arith.constant 0 : i32
    %dma_start3A_309 = tpu.memref_slice %arg9[%dma_start3A_305, %dma_start3A_307, %dma_start3A_308] : memref<8x32x128xf32, #tpu.memory_space<vmem>> -> memref<1x32x128xf32, #tpu.memory_space<vmem>>
    %dma_start3A_310 = tpu.memref_squeeze %dma_start3A_309 : memref<1x32x128xf32, #tpu.memory_space<vmem>> -> memref<32x128xf32, #tpu.memory_space<vmem>>
    %dma_start3A_311 = arith.constant 0 : i32
    %dma_start3A_312 = tpu.memref_slice %arg4[%dma_start3A_311, %multiple_of3A_301] : memref<32x1000000xf32, #tpu.memory_space<hbm>> -> memref<32x128xf32, #tpu.memory_space<hbm>>
    %dma_start3A_313 = tpu.memref_slice %arg12[%dma_start3A_306] : memref<8x!tpu.dma_semaphore, #tpu.memory_space<semaphore_mem>> -> memref<1x!tpu.dma_semaphore, #tpu.memory_space<semaphore_mem>>
    %dma_start3A_314 = tpu.memref_squeeze %dma_start3A_313 : memref<1x!tpu.dma_semaphore, #tpu.memory_space<semaphore_mem>> -> memref<!tpu.dma_semaphore, #tpu.memory_space<semaphore_mem>>
    %dma_start3A_315 = arith.constant 0 : i32
    %dma_start3A_316 = arith.constant 0 : i32
    %dma_start3A_317 = tpu.memref_slice %arg9[%dma_start3A_305, %dma_start3A_315, %dma_start3A_316] : memref<8x32x128xf32, #tpu.memory_space<vmem>> -> memref<1x32x128xf32, #tpu.memory_space<vmem>>
    %dma_start3A_318 = tpu.memref_squeeze %dma_start3A_317 : memref<1x32x128xf32, #tpu.memory_space<vmem>> -> memref<32x128xf32, #tpu.memory_space<vmem>>
    %dma_start3A_319 = arith.constant 0 : i32
    %dma_start3A_320 = tpu.memref_slice %arg4[%dma_start3A_319, %multiple_of3A_301] : memref<32x1000000xf32, #tpu.memory_space<hbm>> -> memref<32x128xf32, #tpu.memory_space<hbm>>
    tpu.enqueue_dma source(%dma_start3A_320 : memref<32x128xf32, #tpu.memory_space<hbm>>) target(%dma_start3A_318 : memref<32x128xf32, #tpu.memory_space<vmem>>) target_semaphore(%dma_start3A_314 : memref<!tpu.dma_semaphore, #tpu.memory_space<semaphore_mem>>)
    %dma_start3A_321 = arith.constant 7 : i32
    %dma_start3A_322 = arith.constant 7 : i32
    %dma_start3A_323 = arith.constant 0 : i32
    %dma_start3A_324 = arith.constant 0 : i32
    %dma_start3A_325 = tpu.memref_slice %arg10[%dma_start3A_321, %dma_start3A_323, %dma_start3A_324] : memref<8x32x128xf32, #tpu.memory_space<vmem>> -> memref<1x32x128xf32, #tpu.memory_space<vmem>>
    %dma_start3A_326 = tpu.memref_squeeze %dma_start3A_325 : memref<1x32x128xf32, #tpu.memory_space<vmem>> -> memref<32x128xf32, #tpu.memory_space<vmem>>
    %dma_start3A_327 = arith.constant 0 : i32
    %dma_start3A_328 = tpu.memref_slice %arg5[%dma_start3A_327, %multiple_of3A_304] : memref<32x1000000xf32, #tpu.memory_space<hbm>> -> memref<32x128xf32, #tpu.memory_space<hbm>>
    %dma_start3A_329 = tpu.memref_slice %arg13[%dma_start3A_322] : memref<8x!tpu.dma_semaphore, #tpu.memory_space<semaphore_mem>> -> memref<1x!tpu.dma_semaphore, #tpu.memory_space<semaphore_mem>>
    %dma_start3A_330 = tpu.memref_squeeze %dma_start3A_329 : memref<1x!tpu.dma_semaphore, #tpu.memory_space<semaphore_mem>> -> memref<!tpu.dma_semaphore, #tpu.memory_space<semaphore_mem>>
    %dma_start3A_331 = arith.constant 0 : i32
    %dma_start3A_332 = arith.constant 0 : i32
    %dma_start3A_333 = tpu.memref_slice %arg10[%dma_start3A_321, %dma_start3A_331, %dma_start3A_332] : memref<8x32x128xf32, #tpu.memory_space<vmem>> -> memref<1x32x128xf32, #tpu.memory_space<vmem>>
    %dma_start3A_334 = tpu.memref_squeeze %dma_start3A_333 : memref<1x32x128xf32, #tpu.memory_space<vmem>> -> memref<32x128xf32, #tpu.memory_space<vmem>>
    %dma_start3A_335 = arith.constant 0 : i32
    %dma_start3A_336 = tpu.memref_slice %arg5[%dma_start3A_335, %multiple_of3A_304] : memref<32x1000000xf32, #tpu.memory_space<hbm>> -> memref<32x128xf32, #tpu.memory_space<hbm>>
    tpu.enqueue_dma source(%dma_start3A_336 : memref<32x128xf32, #tpu.memory_space<hbm>>) target(%dma_start3A_334 : memref<32x128xf32, #tpu.memory_space<vmem>>) target_semaphore(%dma_start3A_330 : memref<!tpu.dma_semaphore, #tpu.memory_space<semaphore_mem>>)
    %scan3A = arith.constant 0 : i32
    %scan3A_337 = arith.constant 0 : i32
    %scan3A_338 = arith.constant 32 : i32
    %scan3A_339 = arith.addi %scan3A_337, %scan3A_338 : i32
    %scan3A_340 = arith.constant 1 : i32
    scf.for %scan3A_342 = %scan3A_337 to %scan3A_339 step %scan3A_340  : i32 {
      %mul3A_343 = arith.constant 16 : i32
      %mul3A_344 = arith.muli %scan3A_342, %mul3A_343 : i32
      %get3A_345 = arith.index_cast %mul3A_344 : i32 to index
      %get3A_346 = tpu.vector_load %arg7[%get3A_345] {strides = array<i32>} : memref<512xi32, #tpu.memory_space<vmem>>, vector<16xi32>,
      %mul3A_347 = arith.constant 16 : i32
      %mul3A_348 = arith.muli %scan3A_342, %mul3A_347 : i32
      %get3A_349 = arith.index_cast %mul3A_348 : i32 to index
      %get3A_350 = tpu.vector_load %arg8[%get3A_349] {strides = array<i32>} : memref<512xi32, #tpu.memory_space<vmem>>, vector<16xi32>,
      %add3A_351 = arith.constant 1 : i32
      %add3A_352 = arith.addi %scan3A_342, %add3A_351 : i32
      %min3A = arith.constant 31 : i32
      %min3A_353 = arith.minsi %add3A_352, %min3A : i32
      %mul3A_354 = arith.constant 16 : i32
      %mul3A_355 = arith.muli %min3A_353, %mul3A_354 : i32
      %get3A_356 = arith.index_cast %mul3A_355 : i32 to index
      %get3A_357 = tpu.vector_load %arg7[%get3A_356] {strides = array<i32>} : memref<512xi32, #tpu.memory_space<vmem>>, vector<16xi32>,
      %get3A_358 = arith.index_cast %mul3A_355 : i32 to index
      %get3A_359 = tpu.vector_load %arg8[%get3A_358] {strides = array<i32>} : memref<512xi32, #tpu.memory_space<vmem>>, vector<16xi32>,
      %broadcast_in_dim3A = arith.constant 0.000000e+00 : f32
      %broadcast_in_dim3A_360 = vector.broadcast %broadcast_in_dim3A : f32 to vector<16xf32>
      %dma_wait3A = arith.constant 0 : i32
      %dma_wait3A_361 = arith.constant 0 : i32
      %dma_wait3A_362 = arith.constant 0 : i32
      %dma_wait3A_363 = arith.constant 0 : i32
      %dma_wait3A_364 = tpu.memref_slice %arg9[%dma_wait3A, %dma_wait3A_362, %dma_wait3A_363] : memref<8x32x128xf32, #tpu.memory_space<vmem>> -> memref<1x32x128xf32, #tpu.memory_space<vmem>>
      %dma_wait3A_365 = tpu.memref_squeeze %dma_wait3A_364 : memref<1x32x128xf32, #tpu.memory_space<vmem>> -> memref<32x128xf32, #tpu.memory_space<vmem>>
      %dma_wait3A_366 = arith.constant 0 : i32
      %dma_wait3A_367 = arith.constant 0 : i32
      %dma_wait3A_368 = tpu.memref_slice %arg4[%dma_wait3A_366, %dma_wait3A_367] : memref<32x1000000xf32, #tpu.memory_space<hbm>> -> memref<32x128xf32, #tpu.memory_space<hbm>>
      %dma_wait3A_369 = tpu.memref_slice %arg12[%dma_wait3A_361] : memref<8x!tpu.dma_semaphore, #tpu.memory_space<semaphore_mem>> -> memref<1x!tpu.dma_semaphore, #tpu.memory_space<semaphore_mem>>
      %dma_wait3A_370 = tpu.memref_squeeze %dma_wait3A_369 : memref<1x!tpu.dma_semaphore, #tpu.memory_space<semaphore_mem>> -> memref<!tpu.dma_semaphore, #tpu.memory_space<semaphore_mem>>
      %dma_wait3A_371 = arith.constant 0 : i32
      %dma_wait3A_372 = arith.constant 0 : i32
      %dma_wait3A_373 = tpu.memref_slice %arg9[%dma_wait3A, %dma_wait3A_371, %dma_wait3A_372] : memref<8x32x128xf32, #tpu.memory_space<vmem>> -> memref<1x32x128xf32, #tpu.memory_space<vmem>>
      %dma_wait3A_374 = tpu.memref_squeeze %dma_wait3A_373 : memref<1x32x128xf32, #tpu.memory_space<vmem>> -> memref<32x128xf32, #tpu.memory_space<vmem>>
      %dma_wait3A_375 = arith.constant 0 : i32
      %dma_wait3A_376 = arith.constant 0 : i32
      %dma_wait3A_377 = tpu.memref_slice %arg4[%dma_wait3A_375, %dma_wait3A_376] : memref<32x1000000xf32, #tpu.memory_space<hbm>> -> memref<32x128xf32, #tpu.memory_space<hbm>>
      tpu.wait_dma2 semaphore(%dma_wait3A_370 : memref<!tpu.dma_semaphore, #tpu.memory_space<semaphore_mem>>) src(%dma_wait3A_377 : memref<32x128xf32, #tpu.memory_space<hbm>>) dst(%dma_wait3A_374 : memref<32x128xf32, #tpu.memory_space<vmem>>)
      %dma_wait3A_378 = arith.constant 0 : i32
      %dma_wait3A_379 = arith.constant 0 : i32
      %dma_wait3A_380 = arith.constant 0 : i32
      %dma_wait3A_381 = arith.constant 0 : i32
      %dma_wait3A_382 = tpu.memref_slice %arg10[%dma_wait3A_378, %dma_wait3A_380, %dma_wait3A_381] : memref<8x32x128xf32, #tpu.memory_space<vmem>> -> memref<1x32x128xf32, #tpu.memory_space<vmem>>
      %dma_wait3A_383 = tpu.memref_squeeze %dma_wait3A_382 : memref<1x32x128xf32, #tpu.memory_space<vmem>> -> memref<32x128xf32, #tpu.memory_space<vmem>>
      %dma_wait3A_384 = arith.constant 0 : i32
      %dma_wait3A_385 = arith.constant 0 : i32
      %dma_wait3A_386 = tpu.memref_slice %arg5[%dma_wait3A_384, %dma_wait3A_385] : memref<32x1000000xf32, #tpu.memory_space<hbm>> -> memref<32x128xf32, #tpu.memory_space<hbm>>
      %dma_wait3A_387 = tpu.memref_slice %arg13[%dma_wait3A_379] : memref<8x!tpu.dma_semaphore, #tpu.memory_space<semaphore_mem>> -> memref<1x!tpu.dma_semaphore, #tpu.memory_space<semaphore_mem>>
      %dma_wait3A_388 = tpu.memref_squeeze %dma_wait3A_387 : memref<1x!tpu.dma_semaphore, #tpu.memory_space<semaphore_mem>> -> memref<!tpu.dma_semaphore, #tpu.memory_space<semaphore_mem>>
      %dma_wait3A_389 = arith.constant 0 : i32
      %dma_wait3A_390 = arith.constant 0 : i32
      %dma_wait3A_391 = tpu.memref_slice %arg10[%dma_wait3A_378, %dma_wait3A_389, %dma_wait3A_390] : memref<8x32x128xf32, #tpu.memory_space<vmem>> -> memref<1x32x128xf32, #tpu.memory_space<vmem>>
      %dma_wait3A_392 = tpu.memref_squeeze %dma_wait3A_391 : memref<1x32x128xf32, #tpu.memory_space<vmem>> -> memref<32x128xf32, #tpu.memory_space<vmem>>
      %dma_wait3A_393 = arith.constant 0 : i32
      %dma_wait3A_394 = arith.constant 0 : i32
      %dma_wait3A_395 = tpu.memref_slice %arg5[%dma_wait3A_393, %dma_wait3A_394] : memref<32x1000000xf32, #tpu.memory_space<hbm>> -> memref<32x128xf32, #tpu.memory_space<hbm>>
      tpu.wait_dma2 semaphore(%dma_wait3A_388 : memref<!tpu.dma_semaphore, #tpu.memory_space<semaphore_mem>>) src(%dma_wait3A_395 : memref<32x128xf32, #tpu.memory_space<hbm>>) dst(%dma_wait3A_392 : memref<32x128xf32, #tpu.memory_space<vmem>>)
      %slice3A_396 = vector.extract_strided_slice %get3A_346 {offsets = [0], sizes = [1], strides = [1]} : vector<16xi32> to vector<1xi32>
      %squeeze3A_397 = vector.extract %slice3A_396[0] : i32 from vector<1xi32>
      %slice3A_398 = vector.extract_strided_slice %get3A_350 {offsets = [0], sizes = [1], strides = [1]} : vector<16xi32> to vector<1xi32>
      %squeeze3A_399 = vector.extract %slice3A_398[0] : i32 from vector<1xi32>
      %broadcast_in_dim3A_400 = arith.constant 0 : i32
      %broadcast_in_dim3A_401 = vector.broadcast %broadcast_in_dim3A_400 : i32 to vector<16xi32>
      %and3A_402 = arith.constant 127 : i32
      %and3A_403 = arith.andi %squeeze3A_397, %and3A_402 : i32
      %add3A_404 = vector.broadcast %and3A_403 : i32 to vector<16xi32>
      %add3A_405 = arith.addi %broadcast_in_dim3A_401, %add3A_404 : vector<16xi32>
      %broadcast_in_dim3A_406 = arith.constant 0 : i32
      %broadcast_in_dim3A_407 = vector.broadcast %broadcast_in_dim3A_406 : i32 to vector<16xi32>
      %and3A_408 = arith.constant 127 : i32
      %and3A_409 = arith.andi %squeeze3A_399, %and3A_408 : i32
      %add3A_410 = vector.broadcast %and3A_409 : i32 to vector<16xi32>
      %add3A_411 = arith.addi %broadcast_in_dim3A_407, %add3A_410 : vector<16xi32>
      %gather3A = arith.constant 0 : i32
      %gather3A_412 = arith.constant 0 : i32
      %gather3A_413 = arith.constant 0 : i32
      %gather3A_414 = tpu.memref_slice %arg9[%gather3A, %gather3A_412, %gather3A_413] : memref<8x32x128xf32, #tpu.memory_space<vmem>> -> memref<1x32x128xf32, #tpu.memory_space<vmem>>
      %gather3A_415 = tpu.memref_squeeze %gather3A_414 : memref<1x32x128xf32, #tpu.memory_space<vmem>> -> memref<32x128xf32, #tpu.memory_space<vmem>>
      %gather3A_416 = tpu.vector_load_idx %gather3A_415[%iota3A, %add3A_405] : memref<32x128xf32, #tpu.memory_space<vmem>>[vector<16xi32>, vector<16xi32>], vector<16xf32>,
      %add3A_417 = arith.constant 16 : i32
      %add3A_418 = vector.broadcast %add3A_417 : i32 to vector<16xi32>
      %add3A_419 = arith.addi %iota3A, %add3A_418 : vector<16xi32>
      %gather3A_420 = arith.constant 0 : i32
      %gather3A_421 = arith.constant 0 : i32
      %gather3A_422 = arith.constant 0 : i32
      %gather3A_423 = tpu.memref_slice %arg9[%gather3A_420, %gather3A_421, %gather3A_422] : memref<8x32x128xf32, #tpu.memory_space<vmem>> -> memref<1x32x128xf32, #tpu.memory_space<vmem>>
      %gather3A_424 = tpu.memref_squeeze %gather3A_423 : memref<1x32x128xf32, #tpu.memory_space<vmem>> -> memref<32x128xf32, #tpu.memory_space<vmem>>
      %gather3A_425 = tpu.vector_load_idx %gather3A_424[%add3A_419, %add3A_405] : memref<32x128xf32, #tpu.memory_space<vmem>>[vector<16xi32>, vector<16xi32>], vector<16xf32>,
      %gather3A_426 = arith.constant 0 : i32
      %gather3A_427 = arith.constant 0 : i32
      %gather3A_428 = arith.constant 0 : i32
      %gather3A_429 = tpu.memref_slice %arg10[%gather3A_426, %gather3A_427, %gather3A_428] : memref<8x32x128xf32, #tpu.memory_space<vmem>> -> memref<1x32x128xf32, #tpu.memory_space<vmem>>
      %gather3A_430 = tpu.memref_squeeze %gather3A_429 : memref<1x32x128xf32, #tpu.memory_space<vmem>> -> memref<32x128xf32, #tpu.memory_space<vmem>>
      %gather3A_431 = tpu.vector_load_idx %gather3A_430[%iota3A, %add3A_411] : memref<32x128xf32, #tpu.memory_space<vmem>>[vector<16xi32>, vector<16xi32>], vector<16xf32>,
      %add3A_432 = arith.constant 16 : i32
      %add3A_433 = vector.broadcast %add3A_432 : i32 to vector<16xi32>
      %add3A_434 = arith.addi %iota3A, %add3A_433 : vector<16xi32>
      %gather3A_435 = arith.constant 0 : i32
      %gather3A_436 = arith.constant 0 : i32
      %gather3A_437 = arith.constant 0 : i32
      %gather3A_438 = tpu.memref_slice %arg10[%gather3A_435, %gather3A_436, %gather3A_437] : memref<8x32x128xf32, #tpu.memory_space<vmem>> -> memref<1x32x128xf32, #tpu.memory_space<vmem>>
      %gather3A_439 = tpu.memref_squeeze %gather3A_438 : memref<1x32x128xf32, #tpu.memory_space<vmem>> -> memref<32x128xf32, #tpu.memory_space<vmem>>
      %gather3A_440 = tpu.vector_load_idx %gather3A_439[%add3A_434, %add3A_411] : memref<32x128xf32, #tpu.memory_space<vmem>>[vector<16xi32>, vector<16xi32>], vector<16xf32>,
      %mul3A_441 = arith.mulf %gather3A_416, %gather3A_431 : vector<16xf32>
      %mul3A_442 = arith.mulf %gather3A_425, %gather3A_440 : vector<16xf32>
      %add3A_443 = arith.addf %mul3A_441, %mul3A_442 : vector<16xf32>
      %reduce_sum3A = arith.constant true
      %reduce_sum3A_444 = vector.broadcast %reduce_sum3A : i1 to vector<16xi1>
      %reduce_sum3A_445 = tpu.scan <sum>, %add3A_443 masked %reduce_sum3A_444 : vector<16xf32>, vector<16xi1> -> vector<16xf32>
      %reduce_sum3A_446 = vector.extract %reduce_sum3A_445[15] : f32 from vector<16xf32>
      %slice3A_447 = vector.extract_strided_slice %get3A_346 {offsets = [8], sizes = [1], strides = [1]} : vector<16xi32> to vector<1xi32>
      %squeeze3A_448 = vector.extract %slice3A_447[0] : i32 from vector<1xi32>
      %slice3A_449 = vector.extract_strided_slice %get3A_350 {offsets = [8], sizes = [1], strides = [1]} : vector<16xi32> to vector<1xi32>
      %squeeze3A_450 = vector.extract %slice3A_449[0] : i32 from vector<1xi32>
      %and3A_451 = arith.constant -128 : i32
      %and3A_452 = arith.andi %squeeze3A_448, %and3A_451 : i32
      %multiple_of3A_453 = tpu.assume_multiple %and3A_452, 128 : i32
      %and3A_454 = arith.constant -128 : i32
      %and3A_455 = arith.andi %squeeze3A_450, %and3A_454 : i32
      %multiple_of3A_456 = tpu.assume_multiple %and3A_455, 128 : i32
      %dma_start3A_457 = arith.constant 0 : i32
      %dma_start3A_458 = arith.constant 0 : i32
      %dma_start3A_459 = arith.constant 0 : i32
      %dma_start3A_460 = arith.constant 0 : i32
      %dma_start3A_461 = tpu.memref_slice %arg9[%dma_start3A_457, %dma_start3A_459, %dma_start3A_460] : memref<8x32x128xf32, #tpu.memory_space<vmem>> -> memref<1x32x128xf32, #tpu.memory_space<vmem>>
      %dma_start3A_462 = tpu.memref_squeeze %dma_start3A_461 : memref<1x32x128xf32, #tpu.memory_space<vmem>> -> memref<32x128xf32, #tpu.memory_space<vmem>>
      %dma_start3A_463 = arith.constant 0 : i32
      %dma_start3A_464 = tpu.memref_slice %arg4[%dma_start3A_463, %multiple_of3A_453] : memref<32x1000000xf32, #tpu.memory_space<hbm>> -> memref<32x128xf32, #tpu.memory_space<hbm>>
      %dma_start3A_465 = tpu.memref_slice %arg12[%dma_start3A_458] : memref<8x!tpu.dma_semaphore, #tpu.memory_space<semaphore_mem>> -> memref<1x!tpu.dma_semaphore, #tpu.memory_space<semaphore_mem>>
      %dma_start3A_466 = tpu.memref_squeeze %dma_start3A_465 : memref<1x!tpu.dma_semaphore, #tpu.memory_space<semaphore_mem>> -> memref<!tpu.dma_semaphore, #tpu.memory_space<semaphore_mem>>
      %dma_start3A_467 = arith.constant 0 : i32
      %dma_start3A_468 = arith.constant 0 : i32
      %dma_start3A_469 = tpu.memref_slice %arg9[%dma_start3A_457, %dma_start3A_467, %dma_start3A_468] : memref<8x32x128xf32, #tpu.memory_space<vmem>> -> memref<1x32x128xf32, #tpu.memory_space<vmem>>
      %dma_start3A_470 = tpu.memref_squeeze %dma_start3A_469 : memref<1x32x128xf32, #tpu.memory_space<vmem>> -> memref<32x128xf32, #tpu.memory_space<vmem>>
      %dma_start3A_471 = arith.constant 0 : i32
      %dma_start3A_472 = tpu.memref_slice %arg4[%dma_start3A_471, %multiple_of3A_453] : memref<32x1000000xf32, #tpu.memory_space<hbm>> -> memref<32x128xf32, #tpu.memory_space<hbm>>
      tpu.enqueue_dma source(%dma_start3A_472 : memref<32x128xf32, #tpu.memory_space<hbm>>) target(%dma_start3A_470 : memref<32x128xf32, #tpu.memory_space<vmem>>) target_semaphore(%dma_start3A_466 : memref<!tpu.dma_semaphore, #tpu.memory_space<semaphore_mem>>)
      %dma_start3A_473 = arith.constant 0 : i32
      %dma_start3A_474 = arith.constant 0 : i32
      %dma_start3A_475 = arith.constant 0 : i32
      %dma_start3A_476 = arith.constant 0 : i32
      %dma_start3A_477 = tpu.memref_slice %arg10[%dma_start3A_473, %dma_start3A_475, %dma_start3A_476] : memref<8x32x128xf32, #tpu.memory_space<vmem>> -> memref<1x32x128xf32, #tpu.memory_space<vmem>>
      %dma_start3A_478 = tpu.memref_squeeze %dma_start3A_477 : memref<1x32x128xf32, #tpu.memory_space<vmem>> -> memref<32x128xf32, #tpu.memory_space<vmem>>
      %dma_start3A_479 = arith.constant 0 : i32
      %dma_start3A_480 = tpu.memref_slice %arg5[%dma_start3A_479, %multiple_of3A_456] : memref<32x1000000xf32, #tpu.memory_space<hbm>> -> memref<32x128xf32, #tpu.memory_space<hbm>>
      %dma_start3A_481 = tpu.memref_slice %arg13[%dma_start3A_474] : memref<8x!tpu.dma_semaphore, #tpu.memory_space<semaphore_mem>> -> memref<1x!tpu.dma_semaphore, #tpu.memory_space<semaphore_mem>>
      %dma_start3A_482 = tpu.memref_squeeze %dma_start3A_481 : memref<1x!tpu.dma_semaphore, #tpu.memory_space<semaphore_mem>> -> memref<!tpu.dma_semaphore, #tpu.memory_space<semaphore_mem>>
      %dma_start3A_483 = arith.constant 0 : i32
      %dma_start3A_484 = arith.constant 0 : i32
      %dma_start3A_485 = tpu.memref_slice %arg10[%dma_start3A_473, %dma_start3A_483, %dma_start3A_484] : memref<8x32x128xf32, #tpu.memory_space<vmem>> -> memref<1x32x128xf32, #tpu.memory_space<vmem>>
      %dma_start3A_486 = tpu.memref_squeeze %dma_start3A_485 : memref<1x32x128xf32, #tpu.memory_space<vmem>> -> memref<32x128xf32, #tpu.memory_space<vmem>>
      %dma_start3A_487 = arith.constant 0 : i32
      %dma_start3A_488 = tpu.memref_slice %arg5[%dma_start3A_487, %multiple_of3A_456] : memref<32x1000000xf32, #tpu.memory_space<hbm>> -> memref<32x128xf32, #tpu.memory_space<hbm>>
      tpu.enqueue_dma source(%dma_start3A_488 : memref<32x128xf32, #tpu.memory_space<hbm>>) target(%dma_start3A_486 : memref<32x128xf32, #tpu.memory_space<vmem>>) target_semaphore(%dma_start3A_482 : memref<!tpu.dma_semaphore, #tpu.memory_space<semaphore_mem>>)
      %eq3A = arith.constant 0 : i32
      %eq3A_489 = vector.broadcast %eq3A : i32 to vector<16xi32>
      %eq3A_490 = arith.cmpi eq, %iota3A, %eq3A_489 : vector<16xi32>
      %broadcast_in_dim3A_491 = vector.broadcast %reduce_sum3A_446 : f32 to vector<16xf32>
      %select_n3A = arith.select %eq3A_490, %broadcast_in_dim3A_491, %broadcast_in_dim3A_360 : vector<16xi1>, vector<16xf32>
      %dma_wait3A_492 = arith.constant 1 : i32
      %dma_wait3A_493 = arith.constant 1 : i32
      %dma_wait3A_494 = arith.constant 0 : i32
      %dma_wait3A_495 = arith.constant 0 : i32
      %dma_wait3A_496 = tpu.memref_slice %arg9[%dma_wait3A_492, %dma_wait3A_494, %dma_wait3A_495] : memref<8x32x128xf32, #tpu.memory_space<vmem>> -> memref<1x32x128xf32, #tpu.memory_space<vmem>>
      %dma_wait3A_497 = tpu.memref_squeeze %dma_wait3A_496 : memref<1x32x128xf32, #tpu.memory_space<vmem>> -> memref<32x128xf32, #tpu.memory_space<vmem>>
      %dma_wait3A_498 = arith.constant 0 : i32
      %dma_wait3A_499 = arith.constant 0 : i32
      %dma_wait3A_500 = tpu.memref_slice %arg4[%dma_wait3A_498, %dma_wait3A_499] : memref<32x1000000xf32, #tpu.memory_space<hbm>> -> memref<32x128xf32, #tpu.memory_space<hbm>>
      %dma_wait3A_501 = tpu.memref_slice %arg12[%dma_wait3A_493] : memref<8x!tpu.dma_semaphore, #tpu.memory_space<semaphore_mem>> -> memref<1x!tpu.dma_semaphore, #tpu.memory_space<semaphore_mem>>
      %dma_wait3A_502 = tpu.memref_squeeze %dma_wait3A_501 : memref<1x!tpu.dma_semaphore, #tpu.memory_space<semaphore_mem>> -> memref<!tpu.dma_semaphore, #tpu.memory_space<semaphore_mem>>
      %dma_wait3A_503 = arith.constant 0 : i32
      %dma_wait3A_504 = arith.constant 0 : i32
      %dma_wait3A_505 = tpu.memref_slice %arg9[%dma_wait3A_492, %dma_wait3A_503, %dma_wait3A_504] : memref<8x32x128xf32, #tpu.memory_space<vmem>> -> memref<1x32x128xf32, #tpu.memory_space<vmem>>
      %dma_wait3A_506 = tpu.memref_squeeze %dma_wait3A_505 : memref<1x32x128xf32, #tpu.memory_space<vmem>> -> memref<32x128xf32, #tpu.memory_space<vmem>>
      %dma_wait3A_507 = arith.constant 0 : i32
      %dma_wait3A_508 = arith.constant 0 : i32
      %dma_wait3A_509 = tpu.memref_slice %arg4[%dma_wait3A_507, %dma_wait3A_508] : memref<32x1000000xf32, #tpu.memory_space<hbm>> -> memref<32x128xf32, #tpu.memory_space<hbm>>
      tpu.wait_dma2 semaphore(%dma_wait3A_502 : memref<!tpu.dma_semaphore, #tpu.memory_space<semaphore_mem>>) src(%dma_wait3A_509 : memref<32x128xf32, #tpu.memory_space<hbm>>) dst(%dma_wait3A_506 : memref<32x128xf32, #tpu.memory_space<vmem>>)
      %dma_wait3A_510 = arith.constant 1 : i32
      %dma_wait3A_511 = arith.constant 1 : i32
      %dma_wait3A_512 = arith.constant 0 : i32
      %dma_wait3A_513 = arith.constant 0 : i32
      %dma_wait3A_514 = tpu.memref_slice %arg10[%dma_wait3A_510, %dma_wait3A_512, %dma_wait3A_513] : memref<8x32x128xf32, #tpu.memory_space<vmem>> -> memref<1x32x128xf32, #tpu.memory_space<vmem>>
      %dma_wait3A_515 = tpu.memref_squeeze %dma_wait3A_514 : memref<1x32x128xf32, #tpu.memory_space<vmem>> -> memref<32x128xf32, #tpu.memory_space<vmem>>
      %dma_wait3A_516 = arith.constant 0 : i32
      %dma_wait3A_517 = arith.constant 0 : i32
      %dma_wait3A_518 = tpu.memref_slice %arg5[%dma_wait3A_516, %dma_wait3A_517] : memref<32x1000000xf32, #tpu.memory_space<hbm>> -> memref<32x128xf32, #tpu.memory_space<hbm>>
      %dma_wait3A_519 = tpu.memref_slice %arg13[%dma_wait3A_511] : memref<8x!tpu.dma_semaphore, #tpu.memory_space<semaphore_mem>> -> memref<1x!tpu.dma_semaphore, #tpu.memory_space<semaphore_mem>>
      %dma_wait3A_520 = tpu.memref_squeeze %dma_wait3A_519 : memref<1x!tpu.dma_semaphore, #tpu.memory_space<semaphore_mem>> -> memref<!tpu.dma_semaphore, #tpu.memory_space<semaphore_mem>>
      %dma_wait3A_521 = arith.constant 0 : i32
      %dma_wait3A_522 = arith.constant 0 : i32
      %dma_wait3A_523 = tpu.memref_slice %arg10[%dma_wait3A_510, %dma_wait3A_521, %dma_wait3A_522] : memref<8x32x128xf32, #tpu.memory_space<vmem>> -> memref<1x32x128xf32, #tpu.memory_space<vmem>>
      %dma_wait3A_524 = tpu.memref_squeeze %dma_wait3A_523 : memref<1x32x128xf32, #tpu.memory_space<vmem>> -> memref<32x128xf32, #tpu.memory_space<vmem>>
      %dma_wait3A_525 = arith.constant 0 : i32
      %dma_wait3A_526 = arith.constant 0 : i32
      %dma_wait3A_527 = tpu.memref_slice %arg5[%dma_wait3A_525, %dma_wait3A_526] : memref<32x1000000xf32, #tpu.memory_space<hbm>> -> memref<32x128xf32, #tpu.memory_space<hbm>>
      tpu.wait_dma2 semaphore(%dma_wait3A_520 : memref<!tpu.dma_semaphore, #tpu.memory_space<semaphore_mem>>) src(%dma_wait3A_527 : memref<32x128xf32, #tpu.memory_space<hbm>>) dst(%dma_wait3A_524 : memref<32x128xf32, #tpu.memory_space<vmem>>)
      %slice3A_528 = vector.extract_strided_slice %get3A_346 {offsets = [1], sizes = [1], strides = [1]} : vector<16xi32> to vector<1xi32>
      %squeeze3A_529 = vector.extract %slice3A_528[0] : i32 from vector<1xi32>
      %slice3A_530 = vector.extract_strided_slice %get3A_350 {offsets = [1], sizes = [1], strides = [1]} : vector<16xi32> to vector<1xi32>
      %squeeze3A_531 = vector.extract %slice3A_530[0] : i32 from vector<1xi32>
      %broadcast_in_dim3A_532 = arith.constant 0 : i32
      %broadcast_in_dim3A_533 = vector.broadcast %broadcast_in_dim3A_532 : i32 to vector<16xi32>
      %and3A_534 = arith.constant 127 : i32
      %and3A_535 = arith.andi %squeeze3A_529, %and3A_534 : i32
      %add3A_536 = vector.broadcast %and3A_535 : i32 to vector<16xi32>
      %add3A_537 = arith.addi %broadcast_in_dim3A_533, %add3A_536 : vector<16xi32>
      %broadcast_in_dim3A_538 = arith.constant 0 : i32
      %broadcast_in_dim3A_539 = vector.broadcast %broadcast_in_dim3A_538 : i32 to vector<16xi32>
      %and3A_540 = arith.constant 127 : i32
      %and3A_541 = arith.andi %squeeze3A_531, %and3A_540 : i32
      %add3A_542 = vector.broadcast %and3A_541 : i32 to vector<16xi32>
      %add3A_543 = arith.addi %broadcast_in_dim3A_539, %add3A_542 : vector<16xi32>
      %gather3A_544 = arith.constant 1 : i32
      %gather3A_545 = arith.constant 0 : i32
      %gather3A_546 = arith.constant 0 : i32
      %gather3A_547 = tpu.memref_slice %arg9[%gather3A_544, %gather3A_545, %gather3A_546] : memref<8x32x128xf32, #tpu.memory_space<vmem>> -> memref<1x32x128xf32, #tpu.memory_space<vmem>>
      %gather3A_548 = tpu.memref_squeeze %gather3A_547 : memref<1x32x128xf32, #tpu.memory_space<vmem>> -> memref<32x128xf32, #tpu.memory_space<vmem>>
      %gather3A_549 = tpu.vector_load_idx %gather3A_548[%iota3A, %add3A_537] : memref<32x128xf32, #tpu.memory_space<vmem>>[vector<16xi32>, vector<16xi32>], vector<16xf32>,
      %add3A_550 = arith.constant 16 : i32
      %add3A_551 = vector.broadcast %add3A_550 : i32 to vector<16xi32>
      %add3A_552 = arith.addi %iota3A, %add3A_551 : vector<16xi32>
      %gather3A_553 = arith.constant 1 : i32
      %gather3A_554 = arith.constant 0 : i32
      %gather3A_555 = arith.constant 0 : i32
      %gather3A_556 = tpu.memref_slice %arg9[%gather3A_553, %gather3A_554, %gather3A_555] : memref<8x32x128xf32, #tpu.memory_space<vmem>> -> memref<1x32x128xf32, #tpu.memory_space<vmem>>
      %gather3A_557 = tpu.memref_squeeze %gather3A_556 : memref<1x32x128xf32, #tpu.memory_space<vmem>> -> memref<32x128xf32, #tpu.memory_space<vmem>>
      %gather3A_558 = tpu.vector_load_idx %gather3A_557[%add3A_552, %add3A_537] : memref<32x128xf32, #tpu.memory_space<vmem>>[vector<16xi32>, vector<16xi32>], vector<16xf32>,
      %gather3A_559 = arith.constant 1 : i32
      %gather3A_560 = arith.constant 0 : i32
      %gather3A_561 = arith.constant 0 : i32
      %gather3A_562 = tpu.memref_slice %arg10[%gather3A_559, %gather3A_560, %gather3A_561] : memref<8x32x128xf32, #tpu.memory_space<vmem>> -> memref<1x32x128xf32, #tpu.memory_space<vmem>>
      %gather3A_563 = tpu.memref_squeeze %gather3A_562 : memref<1x32x128xf32, #tpu.memory_space<vmem>> -> memref<32x128xf32, #tpu.memory_space<vmem>>
      %gather3A_564 = tpu.vector_load_idx %gather3A_563[%iota3A, %add3A_543] : memref<32x128xf32, #tpu.memory_space<vmem>>[vector<16xi32>, vector<16xi32>], vector<16xf32>,
      %add3A_565 = arith.constant 16 : i32
      %add3A_566 = vector.broadcast %add3A_565 : i32 to vector<16xi32>
      %add3A_567 = arith.addi %iota3A, %add3A_566 : vector<16xi32>
      %gather3A_568 = arith.constant 1 : i32
      %gather3A_569 = arith.constant 0 : i32
      %gather3A_570 = arith.constant 0 : i32
      %gather3A_571 = tpu.memref_slice %arg10[%gather3A_568, %gather3A_569, %gather3A_570] : memref<8x32x128xf32, #tpu.memory_space<vmem>> -> memref<1x32x128xf32, #tpu.memory_space<vmem>>
      %gather3A_572 = tpu.memref_squeeze %gather3A_571 : memref<1x32x128xf32, #tpu.memory_space<vmem>> -> memref<32x128xf32, #tpu.memory_space<vmem>>
      %gather3A_573 = tpu.vector_load_idx %gather3A_572[%add3A_567, %add3A_543] : memref<32x128xf32, #tpu.memory_space<vmem>>[vector<16xi32>, vector<16xi32>], vector<16xf32>,
      %mul3A_574 = arith.mulf %gather3A_549, %gather3A_564 : vector<16xf32>
      %mul3A_575 = arith.mulf %gather3A_558, %gather3A_573 : vector<16xf32>
      %add3A_576 = arith.addf %mul3A_574, %mul3A_575 : vector<16xf32>
      %reduce_sum3A_577 = arith.constant true
      %reduce_sum3A_578 = vector.broadcast %reduce_sum3A_577 : i1 to vector<16xi1>
      %reduce_sum3A_579 = tpu.scan <sum>, %add3A_576 masked %reduce_sum3A_578 : vector<16xf32>, vector<16xi1> -> vector<16xf32>
      %reduce_sum3A_580 = vector.extract %reduce_sum3A_579[15] : f32 from vector<16xf32>
      %slice3A_581 = vector.extract_strided_slice %get3A_346 {offsets = [9], sizes = [1], strides = [1]} : vector<16xi32> to vector<1xi32>
      %squeeze3A_582 = vector.extract %slice3A_581[0] : i32 from vector<1xi32>
      %slice3A_583 = vector.extract_strided_slice %get3A_350 {offsets = [9], sizes = [1], strides = [1]} : vector<16xi32> to vector<1xi32>
      %squeeze3A_584 = vector.extract %slice3A_583[0] : i32 from vector<1xi32>
      %and3A_585 = arith.constant -128 : i32
      %and3A_586 = arith.andi %squeeze3A_582, %and3A_585 : i32
      %multiple_of3A_587 = tpu.assume_multiple %and3A_586, 128 : i32
      %and3A_588 = arith.constant -128 : i32
      %and3A_589 = arith.andi %squeeze3A_584, %and3A_588 : i32
      %multiple_of3A_590 = tpu.assume_multiple %and3A_589, 128 : i32
      %dma_start3A_591 = arith.constant 1 : i32
      %dma_start3A_592 = arith.constant 1 : i32
      %dma_start3A_593 = arith.constant 0 : i32
      %dma_start3A_594 = arith.constant 0 : i32
      %dma_start3A_595 = tpu.memref_slice %arg9[%dma_start3A_591, %dma_start3A_593, %dma_start3A_594] : memref<8x32x128xf32, #tpu.memory_space<vmem>> -> memref<1x32x128xf32, #tpu.memory_space<vmem>>
      %dma_start3A_596 = tpu.memref_squeeze %dma_start3A_595 : memref<1x32x128xf32, #tpu.memory_space<vmem>> -> memref<32x128xf32, #tpu.memory_space<vmem>>
      %dma_start3A_597 = arith.constant 0 : i32
      %dma_start3A_598 = tpu.memref_slice %arg4[%dma_start3A_597, %multiple_of3A_587] : memref<32x1000000xf32, #tpu.memory_space<hbm>> -> memref<32x128xf32, #tpu.memory_space<hbm>>
      %dma_start3A_599 = tpu.memref_slice %arg12[%dma_start3A_592] : memref<8x!tpu.dma_semaphore, #tpu.memory_space<semaphore_mem>> -> memref<1x!tpu.dma_semaphore, #tpu.memory_space<semaphore_mem>>
      %dma_start3A_600 = tpu.memref_squeeze %dma_start3A_599 : memref<1x!tpu.dma_semaphore, #tpu.memory_space<semaphore_mem>> -> memref<!tpu.dma_semaphore, #tpu.memory_space<semaphore_mem>>
      %dma_start3A_601 = arith.constant 0 : i32
      %dma_start3A_602 = arith.constant 0 : i32
      %dma_start3A_603 = tpu.memref_slice %arg9[%dma_start3A_591, %dma_start3A_601, %dma_start3A_602] : memref<8x32x128xf32, #tpu.memory_space<vmem>> -> memref<1x32x128xf32, #tpu.memory_space<vmem>>
      %dma_start3A_604 = tpu.memref_squeeze %dma_start3A_603 : memref<1x32x128xf32, #tpu.memory_space<vmem>> -> memref<32x128xf32, #tpu.memory_space<vmem>>
      %dma_start3A_605 = arith.constant 0 : i32
      %dma_start3A_606 = tpu.memref_slice %arg4[%dma_start3A_605, %multiple_of3A_587] : memref<32x1000000xf32, #tpu.memory_space<hbm>> -> memref<32x128xf32, #tpu.memory_space<hbm>>
      tpu.enqueue_dma source(%dma_start3A_606 : memref<32x128xf32, #tpu.memory_space<hbm>>) target(%dma_start3A_604 : memref<32x128xf32, #tpu.memory_space<vmem>>) target_semaphore(%dma_start3A_600 : memref<!tpu.dma_semaphore, #tpu.memory_space<semaphore_mem>>)
      %dma_start3A_607 = arith.constant 1 : i32
      %dma_start3A_608 = arith.constant 1 : i32
      %dma_start3A_609 = arith.constant 0 : i32
      %dma_start3A_610 = arith.constant 0 : i32
      %dma_start3A_611 = tpu.memref_slice %arg10[%dma_start3A_607, %dma_start3A_609, %dma_start3A_610] : memref<8x32x128xf32, #tpu.memory_space<vmem>> -> memref<1x32x128xf32, #tpu.memory_space<vmem>>
      %dma_start3A_612 = tpu.memref_squeeze %dma_start3A_611 : memref<1x32x128xf32, #tpu.memory_space<vmem>> -> memref<32x128xf32, #tpu.memory_space<vmem>>
      %dma_start3A_613 = arith.constant 0 : i32
      %dma_start3A_614 = tpu.memref_slice %arg5[%dma_start3A_613, %multiple_of3A_590] : memref<32x1000000xf32, #tpu.memory_space<hbm>> -> memref<32x128xf32, #tpu.memory_space<hbm>>
      %dma_start3A_615 = tpu.memref_slice %arg13[%dma_start3A_608] : memref<8x!tpu.dma_semaphore, #tpu.memory_space<semaphore_mem>> -> memref<1x!tpu.dma_semaphore, #tpu.memory_space<semaphore_mem>>
      %dma_start3A_616 = tpu.memref_squeeze %dma_start3A_615 : memref<1x!tpu.dma_semaphore, #tpu.memory_space<semaphore_mem>> -> memref<!tpu.dma_semaphore, #tpu.memory_space<semaphore_mem>>
      %dma_start3A_617 = arith.constant 0 : i32
      %dma_start3A_618 = arith.constant 0 : i32
      %dma_start3A_619 = tpu.memref_slice %arg10[%dma_start3A_607, %dma_start3A_617, %dma_start3A_618] : memref<8x32x128xf32, #tpu.memory_space<vmem>> -> memref<1x32x128xf32, #tpu.memory_space<vmem>>
      %dma_start3A_620 = tpu.memref_squeeze %dma_start3A_619 : memref<1x32x128xf32, #tpu.memory_space<vmem>> -> memref<32x128xf32, #tpu.memory_space<vmem>>
      %dma_start3A_621 = arith.constant 0 : i32
      %dma_start3A_622 = tpu.memref_slice %arg5[%dma_start3A_621, %multiple_of3A_590] : memref<32x1000000xf32, #tpu.memory_space<hbm>> -> memref<32x128xf32, #tpu.memory_space<hbm>>
      tpu.enqueue_dma source(%dma_start3A_622 : memref<32x128xf32, #tpu.memory_space<hbm>>) target(%dma_start3A_620 : memref<32x128xf32, #tpu.memory_space<vmem>>) target_semaphore(%dma_start3A_616 : memref<!tpu.dma_semaphore, #tpu.memory_space<semaphore_mem>>)
      %eq3A_623 = arith.constant 1 : i32
      %eq3A_624 = vector.broadcast %eq3A_623 : i32 to vector<16xi32>
      %eq3A_625 = arith.cmpi eq, %iota3A, %eq3A_624 : vector<16xi32>
      %broadcast_in_dim3A_626 = vector.broadcast %reduce_sum3A_580 : f32 to vector<16xf32>
      %select_n3A_627 = arith.select %eq3A_625, %broadcast_in_dim3A_626, %select_n3A : vector<16xi1>, vector<16xf32>
      %dma_wait3A_628 = arith.constant 2 : i32
      %dma_wait3A_629 = arith.constant 2 : i32
      %dma_wait3A_630 = arith.constant 0 : i32
      %dma_wait3A_631 = arith.constant 0 : i32
      %dma_wait3A_632 = tpu.memref_slice %arg9[%dma_wait3A_628, %dma_wait3A_630, %dma_wait3A_631] : memref<8x32x128xf32, #tpu.memory_space<vmem>> -> memref<1x32x128xf32, #tpu.memory_space<vmem>>
      %dma_wait3A_633 = tpu.memref_squeeze %dma_wait3A_632 : memref<1x32x128xf32, #tpu.memory_space<vmem>> -> memref<32x128xf32, #tpu.memory_space<vmem>>
      %dma_wait3A_634 = arith.constant 0 : i32
      %dma_wait3A_635 = arith.constant 0 : i32
      %dma_wait3A_636 = tpu.memref_slice %arg4[%dma_wait3A_634, %dma_wait3A_635] : memref<32x1000000xf32, #tpu.memory_space<hbm>> -> memref<32x128xf32, #tpu.memory_space<hbm>>
      %dma_wait3A_637 = tpu.memref_slice %arg12[%dma_wait3A_629] : memref<8x!tpu.dma_semaphore, #tpu.memory_space<semaphore_mem>> -> memref<1x!tpu.dma_semaphore, #tpu.memory_space<semaphore_mem>>
      %dma_wait3A_638 = tpu.memref_squeeze %dma_wait3A_637 : memref<1x!tpu.dma_semaphore, #tpu.memory_space<semaphore_mem>> -> memref<!tpu.dma_semaphore, #tpu.memory_space<semaphore_mem>>
      %dma_wait3A_639 = arith.constant 0 : i32
      %dma_wait3A_640 = arith.constant 0 : i32
      %dma_wait3A_641 = tpu.memref_slice %arg9[%dma_wait3A_628, %dma_wait3A_639, %dma_wait3A_640] : memref<8x32x128xf32, #tpu.memory_space<vmem>> -> memref<1x32x128xf32, #tpu.memory_space<vmem>>
      %dma_wait3A_642 = tpu.memref_squeeze %dma_wait3A_641 : memref<1x32x128xf32, #tpu.memory_space<vmem>> -> memref<32x128xf32, #tpu.memory_space<vmem>>
      %dma_wait3A_643 = arith.constant 0 : i32
      %dma_wait3A_644 = arith.constant 0 : i32
      %dma_wait3A_645 = tpu.memref_slice %arg4[%dma_wait3A_643, %dma_wait3A_644] : memref<32x1000000xf32, #tpu.memory_space<hbm>> -> memref<32x128xf32, #tpu.memory_space<hbm>>
      tpu.wait_dma2 semaphore(%dma_wait3A_638 : memref<!tpu.dma_semaphore, #tpu.memory_space<semaphore_mem>>) src(%dma_wait3A_645 : memref<32x128xf32, #tpu.memory_space<hbm>>) dst(%dma_wait3A_642 : memref<32x128xf32, #tpu.memory_space<vmem>>)
      %dma_wait3A_646 = arith.constant 2 : i32
      %dma_wait3A_647 = arith.constant 2 : i32
      %dma_wait3A_648 = arith.constant 0 : i32
      %dma_wait3A_649 = arith.constant 0 : i32
      %dma_wait3A_650 = tpu.memref_slice %arg10[%dma_wait3A_646, %dma_wait3A_648, %dma_wait3A_649] : memref<8x32x128xf32, #tpu.memory_space<vmem>> -> memref<1x32x128xf32, #tpu.memory_space<vmem>>
      %dma_wait3A_651 = tpu.memref_squeeze %dma_wait3A_650 : memref<1x32x128xf32, #tpu.memory_space<vmem>> -> memref<32x128xf32, #tpu.memory_space<vmem>>
      %dma_wait3A_652 = arith.constant 0 : i32
      %dma_wait3A_653 = arith.constant 0 : i32
      %dma_wait3A_654 = tpu.memref_slice %arg5[%dma_wait3A_652, %dma_wait3A_653] : memref<32x1000000xf32, #tpu.memory_space<hbm>> -> memref<32x128xf32, #tpu.memory_space<hbm>>
      %dma_wait3A_655 = tpu.memref_slice %arg13[%dma_wait3A_647] : memref<8x!tpu.dma_semaphore, #tpu.memory_space<semaphore_mem>> -> memref<1x!tpu.dma_semaphore, #tpu.memory_space<semaphore_mem>>
      %dma_wait3A_656 = tpu.memref_squeeze %dma_wait3A_655 : memref<1x!tpu.dma_semaphore, #tpu.memory_space<semaphore_mem>> -> memref<!tpu.dma_semaphore, #tpu.memory_space<semaphore_mem>>
      %dma_wait3A_657 = arith.constant 0 : i32
      %dma_wait3A_658 = arith.constant 0 : i32
      %dma_wait3A_659 = tpu.memref_slice %arg10[%dma_wait3A_646, %dma_wait3A_657, %dma_wait3A_658] : memref<8x32x128xf32, #tpu.memory_space<vmem>> -> memref<1x32x128xf32, #tpu.memory_space<vmem>>
      %dma_wait3A_660 = tpu.memref_squeeze %dma_wait3A_659 : memref<1x32x128xf32, #tpu.memory_space<vmem>> -> memref<32x128xf32, #tpu.memory_space<vmem>>
      %dma_wait3A_661 = arith.constant 0 : i32
      %dma_wait3A_662 = arith.constant 0 : i32
      %dma_wait3A_663 = tpu.memref_slice %arg5[%dma_wait3A_661, %dma_wait3A_662] : memref<32x1000000xf32, #tpu.memory_space<hbm>> -> memref<32x128xf32, #tpu.memory_space<hbm>>
      tpu.wait_dma2 semaphore(%dma_wait3A_656 : memref<!tpu.dma_semaphore, #tpu.memory_space<semaphore_mem>>) src(%dma_wait3A_663 : memref<32x128xf32, #tpu.memory_space<hbm>>) dst(%dma_wait3A_660 : memref<32x128xf32, #tpu.memory_space<vmem>>)
      %slice3A_664 = vector.extract_strided_slice %get3A_346 {offsets = [2], sizes = [1], strides = [1]} : vector<16xi32> to vector<1xi32>
      %squeeze3A_665 = vector.extract %slice3A_664[0] : i32 from vector<1xi32>
      %slice3A_666 = vector.extract_strided_slice %get3A_350 {offsets = [2], sizes = [1], strides = [1]} : vector<16xi32> to vector<1xi32>
      %squeeze3A_667 = vector.extract %slice3A_666[0] : i32 from vector<1xi32>
      %broadcast_in_dim3A_668 = arith.constant 0 : i32
      %broadcast_in_dim3A_669 = vector.broadcast %broadcast_in_dim3A_668 : i32 to vector<16xi32>
      %and3A_670 = arith.constant 127 : i32
      %and3A_671 = arith.andi %squeeze3A_665, %and3A_670 : i32
      %add3A_672 = vector.broadcast %and3A_671 : i32 to vector<16xi32>
      %add3A_673 = arith.addi %broadcast_in_dim3A_669, %add3A_672 : vector<16xi32>
      %broadcast_in_dim3A_674 = arith.constant 0 : i32
      %broadcast_in_dim3A_675 = vector.broadcast %broadcast_in_dim3A_674 : i32 to vector<16xi32>
      %and3A_676 = arith.constant 127 : i32
      %and3A_677 = arith.andi %squeeze3A_667, %and3A_676 : i32
      %add3A_678 = vector.broadcast %and3A_677 : i32 to vector<16xi32>
      %add3A_679 = arith.addi %broadcast_in_dim3A_675, %add3A_678 : vector<16xi32>
      %gather3A_680 = arith.constant 2 : i32
      %gather3A_681 = arith.constant 0 : i32
      %gather3A_682 = arith.constant 0 : i32
      %gather3A_683 = tpu.memref_slice %arg9[%gather3A_680, %gather3A_681, %gather3A_682] : memref<8x32x128xf32, #tpu.memory_space<vmem>> -> memref<1x32x128xf32, #tpu.memory_space<vmem>>
      %gather3A_684 = tpu.memref_squeeze %gather3A_683 : memref<1x32x128xf32, #tpu.memory_space<vmem>> -> memref<32x128xf32, #tpu.memory_space<vmem>>
      %gather3A_685 = tpu.vector_load_idx %gather3A_684[%iota3A, %add3A_673] : memref<32x128xf32, #tpu.memory_space<vmem>>[vector<16xi32>, vector<16xi32>], vector<16xf32>,
      %add3A_686 = arith.constant 16 : i32
      %add3A_687 = vector.broadcast %add3A_686 : i32 to vector<16xi32>
      %add3A_688 = arith.addi %iota3A, %add3A_687 : vector<16xi32>
      %gather3A_689 = arith.constant 2 : i32
      %gather3A_690 = arith.constant 0 : i32
      %gather3A_691 = arith.constant 0 : i32
      %gather3A_692 = tpu.memref_slice %arg9[%gather3A_689, %gather3A_690, %gather3A_691] : memref<8x32x128xf32, #tpu.memory_space<vmem>> -> memref<1x32x128xf32, #tpu.memory_space<vmem>>
      %gather3A_693 = tpu.memref_squeeze %gather3A_692 : memref<1x32x128xf32, #tpu.memory_space<vmem>> -> memref<32x128xf32, #tpu.memory_space<vmem>>
      %gather3A_694 = tpu.vector_load_idx %gather3A_693[%add3A_688, %add3A_673] : memref<32x128xf32, #tpu.memory_space<vmem>>[vector<16xi32>, vector<16xi32>], vector<16xf32>,
      %gather3A_695 = arith.constant 2 : i32
      %gather3A_696 = arith.constant 0 : i32
      %gather3A_697 = arith.constant 0 : i32
      %gather3A_698 = tpu.memref_slice %arg10[%gather3A_695, %gather3A_696, %gather3A_697] : memref<8x32x128xf32, #tpu.memory_space<vmem>> -> memref<1x32x128xf32, #tpu.memory_space<vmem>>
      %gather3A_699 = tpu.memref_squeeze %gather3A_698 : memref<1x32x128xf32, #tpu.memory_space<vmem>> -> memref<32x128xf32, #tpu.memory_space<vmem>>
      %gather3A_700 = tpu.vector_load_idx %gather3A_699[%iota3A, %add3A_679] : memref<32x128xf32, #tpu.memory_space<vmem>>[vector<16xi32>, vector<16xi32>], vector<16xf32>,
      %add3A_701 = arith.constant 16 : i32
      %add3A_702 = vector.broadcast %add3A_701 : i32 to vector<16xi32>
      %add3A_703 = arith.addi %iota3A, %add3A_702 : vector<16xi32>
      %gather3A_704 = arith.constant 2 : i32
      %gather3A_705 = arith.constant 0 : i32
      %gather3A_706 = arith.constant 0 : i32
      %gather3A_707 = tpu.memref_slice %arg10[%gather3A_704, %gather3A_705, %gather3A_706] : memref<8x32x128xf32, #tpu.memory_space<vmem>> -> memref<1x32x128xf32, #tpu.memory_space<vmem>>
      %gather3A_708 = tpu.memref_squeeze %gather3A_707 : memref<1x32x128xf32, #tpu.memory_space<vmem>> -> memref<32x128xf32, #tpu.memory_space<vmem>>
      %gather3A_709 = tpu.vector_load_idx %gather3A_708[%add3A_703, %add3A_679] : memref<32x128xf32, #tpu.memory_space<vmem>>[vector<16xi32>, vector<16xi32>], vector<16xf32>,
      %mul3A_710 = arith.mulf %gather3A_685, %gather3A_700 : vector<16xf32>
      %mul3A_711 = arith.mulf %gather3A_694, %gather3A_709 : vector<16xf32>
      %add3A_712 = arith.addf %mul3A_710, %mul3A_711 : vector<16xf32>
      %reduce_sum3A_713 = arith.constant true
      %reduce_sum3A_714 = vector.broadcast %reduce_sum3A_713 : i1 to vector<16xi1>
      %reduce_sum3A_715 = tpu.scan <sum>, %add3A_712 masked %reduce_sum3A_714 : vector<16xf32>, vector<16xi1> -> vector<16xf32>
      %reduce_sum3A_716 = vector.extract %reduce_sum3A_715[15] : f32 from vector<16xf32>
      %slice3A_717 = vector.extract_strided_slice %get3A_346 {offsets = [10], sizes = [1], strides = [1]} : vector<16xi32> to vector<1xi32>
      %squeeze3A_718 = vector.extract %slice3A_717[0] : i32 from vector<1xi32>
      %slice3A_719 = vector.extract_strided_slice %get3A_350 {offsets = [10], sizes = [1], strides = [1]} : vector<16xi32> to vector<1xi32>
      %squeeze3A_720 = vector.extract %slice3A_719[0] : i32 from vector<1xi32>
      %and3A_721 = arith.constant -128 : i32
      %and3A_722 = arith.andi %squeeze3A_718, %and3A_721 : i32
      %multiple_of3A_723 = tpu.assume_multiple %and3A_722, 128 : i32
      %and3A_724 = arith.constant -128 : i32
      %and3A_725 = arith.andi %squeeze3A_720, %and3A_724 : i32
      %multiple_of3A_726 = tpu.assume_multiple %and3A_725, 128 : i32
      %dma_start3A_727 = arith.constant 2 : i32
      %dma_start3A_728 = arith.constant 2 : i32
      %dma_start3A_729 = arith.constant 0 : i32
      %dma_start3A_730 = arith.constant 0 : i32
      %dma_start3A_731 = tpu.memref_slice %arg9[%dma_start3A_727, %dma_start3A_729, %dma_start3A_730] : memref<8x32x128xf32, #tpu.memory_space<vmem>> -> memref<1x32x128xf32, #tpu.memory_space<vmem>>
      %dma_start3A_732 = tpu.memref_squeeze %dma_start3A_731 : memref<1x32x128xf32, #tpu.memory_space<vmem>> -> memref<32x128xf32, #tpu.memory_space<vmem>>
      %dma_start3A_733 = arith.constant 0 : i32
      %dma_start3A_734 = tpu.memref_slice %arg4[%dma_start3A_733, %multiple_of3A_723] : memref<32x1000000xf32, #tpu.memory_space<hbm>> -> memref<32x128xf32, #tpu.memory_space<hbm>>
      %dma_start3A_735 = tpu.memref_slice %arg12[%dma_start3A_728] : memref<8x!tpu.dma_semaphore, #tpu.memory_space<semaphore_mem>> -> memref<1x!tpu.dma_semaphore, #tpu.memory_space<semaphore_mem>>
      %dma_start3A_736 = tpu.memref_squeeze %dma_start3A_735 : memref<1x!tpu.dma_semaphore, #tpu.memory_space<semaphore_mem>> -> memref<!tpu.dma_semaphore, #tpu.memory_space<semaphore_mem>>
      %dma_start3A_737 = arith.constant 0 : i32
      %dma_start3A_738 = arith.constant 0 : i32
      %dma_start3A_739 = tpu.memref_slice %arg9[%dma_start3A_727, %dma_start3A_737, %dma_start3A_738] : memref<8x32x128xf32, #tpu.memory_space<vmem>> -> memref<1x32x128xf32, #tpu.memory_space<vmem>>
      %dma_start3A_740 = tpu.memref_squeeze %dma_start3A_739 : memref<1x32x128xf32, #tpu.memory_space<vmem>> -> memref<32x128xf32, #tpu.memory_space<vmem>>
      %dma_start3A_741 = arith.constant 0 : i32
      %dma_start3A_742 = tpu.memref_slice %arg4[%dma_start3A_741, %multiple_of3A_723] : memref<32x1000000xf32, #tpu.memory_space<hbm>> -> memref<32x128xf32, #tpu.memory_space<hbm>>
      tpu.enqueue_dma source(%dma_start3A_742 : memref<32x128xf32, #tpu.memory_space<hbm>>) target(%dma_start3A_740 : memref<32x128xf32, #tpu.memory_space<vmem>>) target_semaphore(%dma_start3A_736 : memref<!tpu.dma_semaphore, #tpu.memory_space<semaphore_mem>>)
      %dma_start3A_743 = arith.constant 2 : i32
      %dma_start3A_744 = arith.constant 2 : i32
      %dma_start3A_745 = arith.constant 0 : i32
      %dma_start3A_746 = arith.constant 0 : i32
      %dma_start3A_747 = tpu.memref_slice %arg10[%dma_start3A_743, %dma_start3A_745, %dma_start3A_746] : memref<8x32x128xf32, #tpu.memory_space<vmem>> -> memref<1x32x128xf32, #tpu.memory_space<vmem>>
      %dma_start3A_748 = tpu.memref_squeeze %dma_start3A_747 : memref<1x32x128xf32, #tpu.memory_space<vmem>> -> memref<32x128xf32, #tpu.memory_space<vmem>>
      %dma_start3A_749 = arith.constant 0 : i32
      %dma_start3A_750 = tpu.memref_slice %arg5[%dma_start3A_749, %multiple_of3A_726] : memref<32x1000000xf32, #tpu.memory_space<hbm>> -> memref<32x128xf32, #tpu.memory_space<hbm>>
      %dma_start3A_751 = tpu.memref_slice %arg13[%dma_start3A_744] : memref<8x!tpu.dma_semaphore, #tpu.memory_space<semaphore_mem>> -> memref<1x!tpu.dma_semaphore, #tpu.memory_space<semaphore_mem>>
      %dma_start3A_752 = tpu.memref_squeeze %dma_start3A_751 : memref<1x!tpu.dma_semaphore, #tpu.memory_space<semaphore_mem>> -> memref<!tpu.dma_semaphore, #tpu.memory_space<semaphore_mem>>
      %dma_start3A_753 = arith.constant 0 : i32
      %dma_start3A_754 = arith.constant 0 : i32
      %dma_start3A_755 = tpu.memref_slice %arg10[%dma_start3A_743, %dma_start3A_753, %dma_start3A_754] : memref<8x32x128xf32, #tpu.memory_space<vmem>> -> memref<1x32x128xf32, #tpu.memory_space<vmem>>
      %dma_start3A_756 = tpu.memref_squeeze %dma_start3A_755 : memref<1x32x128xf32, #tpu.memory_space<vmem>> -> memref<32x128xf32, #tpu.memory_space<vmem>>
      %dma_start3A_757 = arith.constant 0 : i32
      %dma_start3A_758 = tpu.memref_slice %arg5[%dma_start3A_757, %multiple_of3A_726] : memref<32x1000000xf32, #tpu.memory_space<hbm>> -> memref<32x128xf32, #tpu.memory_space<hbm>>
      tpu.enqueue_dma source(%dma_start3A_758 : memref<32x128xf32, #tpu.memory_space<hbm>>) target(%dma_start3A_756 : memref<32x128xf32, #tpu.memory_space<vmem>>) target_semaphore(%dma_start3A_752 : memref<!tpu.dma_semaphore, #tpu.memory_space<semaphore_mem>>)
      %eq3A_759 = arith.constant 2 : i32
      %eq3A_760 = vector.broadcast %eq3A_759 : i32 to vector<16xi32>
      %eq3A_761 = arith.cmpi eq, %iota3A, %eq3A_760 : vector<16xi32>
      %broadcast_in_dim3A_762 = vector.broadcast %reduce_sum3A_716 : f32 to vector<16xf32>
      %select_n3A_763 = arith.select %eq3A_761, %broadcast_in_dim3A_762, %select_n3A_627 : vector<16xi1>, vector<16xf32>
      %dma_wait3A_764 = arith.constant 3 : i32
      %dma_wait3A_765 = arith.constant 3 : i32
      %dma_wait3A_766 = arith.constant 0 : i32
      %dma_wait3A_767 = arith.constant 0 : i32
      %dma_wait3A_768 = tpu.memref_slice %arg9[%dma_wait3A_764, %dma_wait3A_766, %dma_wait3A_767] : memref<8x32x128xf32, #tpu.memory_space<vmem>> -> memref<1x32x128xf32, #tpu.memory_space<vmem>>
      %dma_wait3A_769 = tpu.memref_squeeze %dma_wait3A_768 : memref<1x32x128xf32, #tpu.memory_space<vmem>> -> memref<32x128xf32, #tpu.memory_space<vmem>>
      %dma_wait3A_770 = arith.constant 0 : i32
      %dma_wait3A_771 = arith.constant 0 : i32
      %dma_wait3A_772 = tpu.memref_slice %arg4[%dma_wait3A_770, %dma_wait3A_771] : memref<32x1000000xf32, #tpu.memory_space<hbm>> -> memref<32x128xf32, #tpu.memory_space<hbm>>
      %dma_wait3A_773 = tpu.memref_slice %arg12[%dma_wait3A_765] : memref<8x!tpu.dma_semaphore, #tpu.memory_space<semaphore_mem>> -> memref<1x!tpu.dma_semaphore, #tpu.memory_space<semaphore_mem>>
      %dma_wait3A_774 = tpu.memref_squeeze %dma_wait3A_773 : memref<1x!tpu.dma_semaphore, #tpu.memory_space<semaphore_mem>> -> memref<!tpu.dma_semaphore, #tpu.memory_space<semaphore_mem>>
      %dma_wait3A_775 = arith.constant 0 : i32
      %dma_wait3A_776 = arith.constant 0 : i32
      %dma_wait3A_777 = tpu.memref_slice %arg9[%dma_wait3A_764, %dma_wait3A_775, %dma_wait3A_776] : memref<8x32x128xf32, #tpu.memory_space<vmem>> -> memref<1x32x128xf32, #tpu.memory_space<vmem>>
      %dma_wait3A_778 = tpu.memref_squeeze %dma_wait3A_777 : memref<1x32x128xf32, #tpu.memory_space<vmem>> -> memref<32x128xf32, #tpu.memory_space<vmem>>
      %dma_wait3A_779 = arith.constant 0 : i32
      %dma_wait3A_780 = arith.constant 0 : i32
      %dma_wait3A_781 = tpu.memref_slice %arg4[%dma_wait3A_779, %dma_wait3A_780] : memref<32x1000000xf32, #tpu.memory_space<hbm>> -> memref<32x128xf32, #tpu.memory_space<hbm>>
      tpu.wait_dma2 semaphore(%dma_wait3A_774 : memref<!tpu.dma_semaphore, #tpu.memory_space<semaphore_mem>>) src(%dma_wait3A_781 : memref<32x128xf32, #tpu.memory_space<hbm>>) dst(%dma_wait3A_778 : memref<32x128xf32, #tpu.memory_space<vmem>>)
      %dma_wait3A_782 = arith.constant 3 : i32
      %dma_wait3A_783 = arith.constant 3 : i32
      %dma_wait3A_784 = arith.constant 0 : i32
      %dma_wait3A_785 = arith.constant 0 : i32
      %dma_wait3A_786 = tpu.memref_slice %arg10[%dma_wait3A_782, %dma_wait3A_784, %dma_wait3A_785] : memref<8x32x128xf32, #tpu.memory_space<vmem>> -> memref<1x32x128xf32, #tpu.memory_space<vmem>>
      %dma_wait3A_787 = tpu.memref_squeeze %dma_wait3A_786 : memref<1x32x128xf32, #tpu.memory_space<vmem>> -> memref<32x128xf32, #tpu.memory_space<vmem>>
      %dma_wait3A_788 = arith.constant 0 : i32
      %dma_wait3A_789 = arith.constant 0 : i32
      %dma_wait3A_790 = tpu.memref_slice %arg5[%dma_wait3A_788, %dma_wait3A_789] : memref<32x1000000xf32, #tpu.memory_space<hbm>> -> memref<32x128xf32, #tpu.memory_space<hbm>>
      %dma_wait3A_791 = tpu.memref_slice %arg13[%dma_wait3A_783] : memref<8x!tpu.dma_semaphore, #tpu.memory_space<semaphore_mem>> -> memref<1x!tpu.dma_semaphore, #tpu.memory_space<semaphore_mem>>
      %dma_wait3A_792 = tpu.memref_squeeze %dma_wait3A_791 : memref<1x!tpu.dma_semaphore, #tpu.memory_space<semaphore_mem>> -> memref<!tpu.dma_semaphore, #tpu.memory_space<semaphore_mem>>
      %dma_wait3A_793 = arith.constant 0 : i32
      %dma_wait3A_794 = arith.constant 0 : i32
      %dma_wait3A_795 = tpu.memref_slice %arg10[%dma_wait3A_782, %dma_wait3A_793, %dma_wait3A_794] : memref<8x32x128xf32, #tpu.memory_space<vmem>> -> memref<1x32x128xf32, #tpu.memory_space<vmem>>
      %dma_wait3A_796 = tpu.memref_squeeze %dma_wait3A_795 : memref<1x32x128xf32, #tpu.memory_space<vmem>> -> memref<32x128xf32, #tpu.memory_space<vmem>>
      %dma_wait3A_797 = arith.constant 0 : i32
      %dma_wait3A_798 = arith.constant 0 : i32
      %dma_wait3A_799 = tpu.memref_slice %arg5[%dma_wait3A_797, %dma_wait3A_798] : memref<32x1000000xf32, #tpu.memory_space<hbm>> -> memref<32x128xf32, #tpu.memory_space<hbm>>
      tpu.wait_dma2 semaphore(%dma_wait3A_792 : memref<!tpu.dma_semaphore, #tpu.memory_space<semaphore_mem>>) src(%dma_wait3A_799 : memref<32x128xf32, #tpu.memory_space<hbm>>) dst(%dma_wait3A_796 : memref<32x128xf32, #tpu.memory_space<vmem>>)
      %slice3A_800 = vector.extract_strided_slice %get3A_346 {offsets = [3], sizes = [1], strides = [1]} : vector<16xi32> to vector<1xi32>
      %squeeze3A_801 = vector.extract %slice3A_800[0] : i32 from vector<1xi32>
      %slice3A_802 = vector.extract_strided_slice %get3A_350 {offsets = [3], sizes = [1], strides = [1]} : vector<16xi32> to vector<1xi32>
      %squeeze3A_803 = vector.extract %slice3A_802[0] : i32 from vector<1xi32>
      %broadcast_in_dim3A_804 = arith.constant 0 : i32
      %broadcast_in_dim3A_805 = vector.broadcast %broadcast_in_dim3A_804 : i32 to vector<16xi32>
      %and3A_806 = arith.constant 127 : i32
      %and3A_807 = arith.andi %squeeze3A_801, %and3A_806 : i32
      %add3A_808 = vector.broadcast %and3A_807 : i32 to vector<16xi32>
      %add3A_809 = arith.addi %broadcast_in_dim3A_805, %add3A_808 : vector<16xi32>
      %broadcast_in_dim3A_810 = arith.constant 0 : i32
      %broadcast_in_dim3A_811 = vector.broadcast %broadcast_in_dim3A_810 : i32 to vector<16xi32>
      %and3A_812 = arith.constant 127 : i32
      %and3A_813 = arith.andi %squeeze3A_803, %and3A_812 : i32
      %add3A_814 = vector.broadcast %and3A_813 : i32 to vector<16xi32>
      %add3A_815 = arith.addi %broadcast_in_dim3A_811, %add3A_814 : vector<16xi32>
      %gather3A_816 = arith.constant 3 : i32
      %gather3A_817 = arith.constant 0 : i32
      %gather3A_818 = arith.constant 0 : i32
      %gather3A_819 = tpu.memref_slice %arg9[%gather3A_816, %gather3A_817, %gather3A_818] : memref<8x32x128xf32, #tpu.memory_space<vmem>> -> memref<1x32x128xf32, #tpu.memory_space<vmem>>
      %gather3A_820 = tpu.memref_squeeze %gather3A_819 : memref<1x32x128xf32, #tpu.memory_space<vmem>> -> memref<32x128xf32, #tpu.memory_space<vmem>>
      %gather3A_821 = tpu.vector_load_idx %gather3A_820[%iota3A, %add3A_809] : memref<32x128xf32, #tpu.memory_space<vmem>>[vector<16xi32>, vector<16xi32>], vector<16xf32>,
      %add3A_822 = arith.constant 16 : i32
      %add3A_823 = vector.broadcast %add3A_822 : i32 to vector<16xi32>
      %add3A_824 = arith.addi %iota3A, %add3A_823 : vector<16xi32>
      %gather3A_825 = arith.constant 3 : i32
      %gather3A_826 = arith.constant 0 : i32
      %gather3A_827 = arith.constant 0 : i32
      %gather3A_828 = tpu.memref_slice %arg9[%gather3A_825, %gather3A_826, %gather3A_827] : memref<8x32x128xf32, #tpu.memory_space<vmem>> -> memref<1x32x128xf32, #tpu.memory_space<vmem>>
      %gather3A_829 = tpu.memref_squeeze %gather3A_828 : memref<1x32x128xf32, #tpu.memory_space<vmem>> -> memref<32x128xf32, #tpu.memory_space<vmem>>
      %gather3A_830 = tpu.vector_load_idx %gather3A_829[%add3A_824, %add3A_809] : memref<32x128xf32, #tpu.memory_space<vmem>>[vector<16xi32>, vector<16xi32>], vector<16xf32>,
      %gather3A_831 = arith.constant 3 : i32
      %gather3A_832 = arith.constant 0 : i32
      %gather3A_833 = arith.constant 0 : i32
      %gather3A_834 = tpu.memref_slice %arg10[%gather3A_831, %gather3A_832, %gather3A_833] : memref<8x32x128xf32, #tpu.memory_space<vmem>> -> memref<1x32x128xf32, #tpu.memory_space<vmem>>
      %gather3A_835 = tpu.memref_squeeze %gather3A_834 : memref<1x32x128xf32, #tpu.memory_space<vmem>> -> memref<32x128xf32, #tpu.memory_space<vmem>>
      %gather3A_836 = tpu.vector_load_idx %gather3A_835[%iota3A, %add3A_815] : memref<32x128xf32, #tpu.memory_space<vmem>>[vector<16xi32>, vector<16xi32>], vector<16xf32>,
      %add3A_837 = arith.constant 16 : i32
      %add3A_838 = vector.broadcast %add3A_837 : i32 to vector<16xi32>
      %add3A_839 = arith.addi %iota3A, %add3A_838 : vector<16xi32>
      %gather3A_840 = arith.constant 3 : i32
      %gather3A_841 = arith.constant 0 : i32
      %gather3A_842 = arith.constant 0 : i32
      %gather3A_843 = tpu.memref_slice %arg10[%gather3A_840, %gather3A_841, %gather3A_842] : memref<8x32x128xf32, #tpu.memory_space<vmem>> -> memref<1x32x128xf32, #tpu.memory_space<vmem>>
      %gather3A_844 = tpu.memref_squeeze %gather3A_843 : memref<1x32x128xf32, #tpu.memory_space<vmem>> -> memref<32x128xf32, #tpu.memory_space<vmem>>
      %gather3A_845 = tpu.vector_load_idx %gather3A_844[%add3A_839, %add3A_815] : memref<32x128xf32, #tpu.memory_space<vmem>>[vector<16xi32>, vector<16xi32>], vector<16xf32>,
      %mul3A_846 = arith.mulf %gather3A_821, %gather3A_836 : vector<16xf32>
      %mul3A_847 = arith.mulf %gather3A_830, %gather3A_845 : vector<16xf32>
      %add3A_848 = arith.addf %mul3A_846, %mul3A_847 : vector<16xf32>
      %reduce_sum3A_849 = arith.constant true
      %reduce_sum3A_850 = vector.broadcast %reduce_sum3A_849 : i1 to vector<16xi1>
      %reduce_sum3A_851 = tpu.scan <sum>, %add3A_848 masked %reduce_sum3A_850 : vector<16xf32>, vector<16xi1> -> vector<16xf32>
      %reduce_sum3A_852 = vector.extract %reduce_sum3A_851[15] : f32 from vector<16xf32>
      %slice3A_853 = vector.extract_strided_slice %get3A_346 {offsets = [11], sizes = [1], strides = [1]} : vector<16xi32> to vector<1xi32>
      %squeeze3A_854 = vector.extract %slice3A_853[0] : i32 from vector<1xi32>
      %slice3A_855 = vector.extract_strided_slice %get3A_350 {offsets = [11], sizes = [1], strides = [1]} : vector<16xi32> to vector<1xi32>
      %squeeze3A_856 = vector.extract %slice3A_855[0] : i32 from vector<1xi32>
      %and3A_857 = arith.constant -128 : i32
      %and3A_858 = arith.andi %squeeze3A_854, %and3A_857 : i32
      %multiple_of3A_859 = tpu.assume_multiple %and3A_858, 128 : i32
      %and3A_860 = arith.constant -128 : i32
      %and3A_861 = arith.andi %squeeze3A_856, %and3A_860 : i32
      %multiple_of3A_862 = tpu.assume_multiple %and3A_861, 128 : i32
      %dma_start3A_863 = arith.constant 3 : i32
      %dma_start3A_864 = arith.constant 3 : i32
      %dma_start3A_865 = arith.constant 0 : i32
      %dma_start3A_866 = arith.constant 0 : i32
      %dma_start3A_867 = tpu.memref_slice %arg9[%dma_start3A_863, %dma_start3A_865, %dma_start3A_866] : memref<8x32x128xf32, #tpu.memory_space<vmem>> -> memref<1x32x128xf32, #tpu.memory_space<vmem>>
      %dma_start3A_868 = tpu.memref_squeeze %dma_start3A_867 : memref<1x32x128xf32, #tpu.memory_space<vmem>> -> memref<32x128xf32, #tpu.memory_space<vmem>>
      %dma_start3A_869 = arith.constant 0 : i32
      %dma_start3A_870 = tpu.memref_slice %arg4[%dma_start3A_869, %multiple_of3A_859] : memref<32x1000000xf32, #tpu.memory_space<hbm>> -> memref<32x128xf32, #tpu.memory_space<hbm>>
      %dma_start3A_871 = tpu.memref_slice %arg12[%dma_start3A_864] : memref<8x!tpu.dma_semaphore, #tpu.memory_space<semaphore_mem>> -> memref<1x!tpu.dma_semaphore, #tpu.memory_space<semaphore_mem>>
      %dma_start3A_872 = tpu.memref_squeeze %dma_start3A_871 : memref<1x!tpu.dma_semaphore, #tpu.memory_space<semaphore_mem>> -> memref<!tpu.dma_semaphore, #tpu.memory_space<semaphore_mem>>
      %dma_start3A_873 = arith.constant 0 : i32
      %dma_start3A_874 = arith.constant 0 : i32
      %dma_start3A_875 = tpu.memref_slice %arg9[%dma_start3A_863, %dma_start3A_873, %dma_start3A_874] : memref<8x32x128xf32, #tpu.memory_space<vmem>> -> memref<1x32x128xf32, #tpu.memory_space<vmem>>
      %dma_start3A_876 = tpu.memref_squeeze %dma_start3A_875 : memref<1x32x128xf32, #tpu.memory_space<vmem>> -> memref<32x128xf32, #tpu.memory_space<vmem>>
      %dma_start3A_877 = arith.constant 0 : i32
      %dma_start3A_878 = tpu.memref_slice %arg4[%dma_start3A_877, %multiple_of3A_859] : memref<32x1000000xf32, #tpu.memory_space<hbm>> -> memref<32x128xf32, #tpu.memory_space<hbm>>
      tpu.enqueue_dma source(%dma_start3A_878 : memref<32x128xf32, #tpu.memory_space<hbm>>) target(%dma_start3A_876 : memref<32x128xf32, #tpu.memory_space<vmem>>) target_semaphore(%dma_start3A_872 : memref<!tpu.dma_semaphore, #tpu.memory_space<semaphore_mem>>)
      %dma_start3A_879 = arith.constant 3 : i32
      %dma_start3A_880 = arith.constant 3 : i32
      %dma_start3A_881 = arith.constant 0 : i32
      %dma_start3A_882 = arith.constant 0 : i32
      %dma_start3A_883 = tpu.memref_slice %arg10[%dma_start3A_879, %dma_start3A_881, %dma_start3A_882] : memref<8x32x128xf32, #tpu.memory_space<vmem>> -> memref<1x32x128xf32, #tpu.memory_space<vmem>>
      %dma_start3A_884 = tpu.memref_squeeze %dma_start3A_883 : memref<1x32x128xf32, #tpu.memory_space<vmem>> -> memref<32x128xf32, #tpu.memory_space<vmem>>
      %dma_start3A_885 = arith.constant 0 : i32
      %dma_start3A_886 = tpu.memref_slice %arg5[%dma_start3A_885, %multiple_of3A_862] : memref<32x1000000xf32, #tpu.memory_space<hbm>> -> memref<32x128xf32, #tpu.memory_space<hbm>>
      %dma_start3A_887 = tpu.memref_slice %arg13[%dma_start3A_880] : memref<8x!tpu.dma_semaphore, #tpu.memory_space<semaphore_mem>> -> memref<1x!tpu.dma_semaphore, #tpu.memory_space<semaphore_mem>>
      %dma_start3A_888 = tpu.memref_squeeze %dma_start3A_887 : memref<1x!tpu.dma_semaphore, #tpu.memory_space<semaphore_mem>> -> memref<!tpu.dma_semaphore, #tpu.memory_space<semaphore_mem>>
      %dma_start3A_889 = arith.constant 0 : i32
      %dma_start3A_890 = arith.constant 0 : i32
      %dma_start3A_891 = tpu.memref_slice %arg10[%dma_start3A_879, %dma_start3A_889, %dma_start3A_890] : memref<8x32x128xf32, #tpu.memory_space<vmem>> -> memref<1x32x128xf32, #tpu.memory_space<vmem>>
      %dma_start3A_892 = tpu.memref_squeeze %dma_start3A_891 : memref<1x32x128xf32, #tpu.memory_space<vmem>> -> memref<32x128xf32, #tpu.memory_space<vmem>>
      %dma_start3A_893 = arith.constant 0 : i32
      %dma_start3A_894 = tpu.memref_slice %arg5[%dma_start3A_893, %multiple_of3A_862] : memref<32x1000000xf32, #tpu.memory_space<hbm>> -> memref<32x128xf32, #tpu.memory_space<hbm>>
      tpu.enqueue_dma source(%dma_start3A_894 : memref<32x128xf32, #tpu.memory_space<hbm>>) target(%dma_start3A_892 : memref<32x128xf32, #tpu.memory_space<vmem>>) target_semaphore(%dma_start3A_888 : memref<!tpu.dma_semaphore, #tpu.memory_space<semaphore_mem>>)
      %eq3A_895 = arith.constant 3 : i32
      %eq3A_896 = vector.broadcast %eq3A_895 : i32 to vector<16xi32>
      %eq3A_897 = arith.cmpi eq, %iota3A, %eq3A_896 : vector<16xi32>
      %broadcast_in_dim3A_898 = vector.broadcast %reduce_sum3A_852 : f32 to vector<16xf32>
      %select_n3A_899 = arith.select %eq3A_897, %broadcast_in_dim3A_898, %select_n3A_763 : vector<16xi1>, vector<16xf32>
      %dma_wait3A_900 = arith.constant 4 : i32
      %dma_wait3A_901 = arith.constant 4 : i32
      %dma_wait3A_902 = arith.constant 0 : i32
      %dma_wait3A_903 = arith.constant 0 : i32
      %dma_wait3A_904 = tpu.memref_slice %arg9[%dma_wait3A_900, %dma_wait3A_902, %dma_wait3A_903] : memref<8x32x128xf32, #tpu.memory_space<vmem>> -> memref<1x32x128xf32, #tpu.memory_space<vmem>>
      %dma_wait3A_905 = tpu.memref_squeeze %dma_wait3A_904 : memref<1x32x128xf32, #tpu.memory_space<vmem>> -> memref<32x128xf32, #tpu.memory_space<vmem>>
      %dma_wait3A_906 = arith.constant 0 : i32
      %dma_wait3A_907 = arith.constant 0 : i32
      %dma_wait3A_908 = tpu.memref_slice %arg4[%dma_wait3A_906, %dma_wait3A_907] : memref<32x1000000xf32, #tpu.memory_space<hbm>> -> memref<32x128xf32, #tpu.memory_space<hbm>>
      %dma_wait3A_909 = tpu.memref_slice %arg12[%dma_wait3A_901] : memref<8x!tpu.dma_semaphore, #tpu.memory_space<semaphore_mem>> -> memref<1x!tpu.dma_semaphore, #tpu.memory_space<semaphore_mem>>
      %dma_wait3A_910 = tpu.memref_squeeze %dma_wait3A_909 : memref<1x!tpu.dma_semaphore, #tpu.memory_space<semaphore_mem>> -> memref<!tpu.dma_semaphore, #tpu.memory_space<semaphore_mem>>
      %dma_wait3A_911 = arith.constant 0 : i32
      %dma_wait3A_912 = arith.constant 0 : i32
      %dma_wait3A_913 = tpu.memref_slice %arg9[%dma_wait3A_900, %dma_wait3A_911, %dma_wait3A_912] : memref<8x32x128xf32, #tpu.memory_space<vmem>> -> memref<1x32x128xf32, #tpu.memory_space<vmem>>
      %dma_wait3A_914 = tpu.memref_squeeze %dma_wait3A_913 : memref<1x32x128xf32, #tpu.memory_space<vmem>> -> memref<32x128xf32, #tpu.memory_space<vmem>>
      %dma_wait3A_915 = arith.constant 0 : i32
      %dma_wait3A_916 = arith.constant 0 : i32
      %dma_wait3A_917 = tpu.memref_slice %arg4[%dma_wait3A_915, %dma_wait3A_916] : memref<32x1000000xf32, #tpu.memory_space<hbm>> -> memref<32x128xf32, #tpu.memory_space<hbm>>
      tpu.wait_dma2 semaphore(%dma_wait3A_910 : memref<!tpu.dma_semaphore, #tpu.memory_space<semaphore_mem>>) src(%dma_wait3A_917 : memref<32x128xf32, #tpu.memory_space<hbm>>) dst(%dma_wait3A_914 : memref<32x128xf32, #tpu.memory_space<vmem>>)
      %dma_wait3A_918 = arith.constant 4 : i32
      %dma_wait3A_919 = arith.constant 4 : i32
      %dma_wait3A_920 = arith.constant 0 : i32
      %dma_wait3A_921 = arith.constant 0 : i32
      %dma_wait3A_922 = tpu.memref_slice %arg10[%dma_wait3A_918, %dma_wait3A_920, %dma_wait3A_921] : memref<8x32x128xf32, #tpu.memory_space<vmem>> -> memref<1x32x128xf32, #tpu.memory_space<vmem>>
      %dma_wait3A_923 = tpu.memref_squeeze %dma_wait3A_922 : memref<1x32x128xf32, #tpu.memory_space<vmem>> -> memref<32x128xf32, #tpu.memory_space<vmem>>
      %dma_wait3A_924 = arith.constant 0 : i32
      %dma_wait3A_925 = arith.constant 0 : i32
      %dma_wait3A_926 = tpu.memref_slice %arg5[%dma_wait3A_924, %dma_wait3A_925] : memref<32x1000000xf32, #tpu.memory_space<hbm>> -> memref<32x128xf32, #tpu.memory_space<hbm>>
      %dma_wait3A_927 = tpu.memref_slice %arg13[%dma_wait3A_919] : memref<8x!tpu.dma_semaphore, #tpu.memory_space<semaphore_mem>> -> memref<1x!tpu.dma_semaphore, #tpu.memory_space<semaphore_mem>>
      %dma_wait3A_928 = tpu.memref_squeeze %dma_wait3A_927 : memref<1x!tpu.dma_semaphore, #tpu.memory_space<semaphore_mem>> -> memref<!tpu.dma_semaphore, #tpu.memory_space<semaphore_mem>>
      %dma_wait3A_929 = arith.constant 0 : i32
      %dma_wait3A_930 = arith.constant 0 : i32
      %dma_wait3A_931 = tpu.memref_slice %arg10[%dma_wait3A_918, %dma_wait3A_929, %dma_wait3A_930] : memref<8x32x128xf32, #tpu.memory_space<vmem>> -> memref<1x32x128xf32, #tpu.memory_space<vmem>>
      %dma_wait3A_932 = tpu.memref_squeeze %dma_wait3A_931 : memref<1x32x128xf32, #tpu.memory_space<vmem>> -> memref<32x128xf32, #tpu.memory_space<vmem>>
      %dma_wait3A_933 = arith.constant 0 : i32
      %dma_wait3A_934 = arith.constant 0 : i32
      %dma_wait3A_935 = tpu.memref_slice %arg5[%dma_wait3A_933, %dma_wait3A_934] : memref<32x1000000xf32, #tpu.memory_space<hbm>> -> memref<32x128xf32, #tpu.memory_space<hbm>>
      tpu.wait_dma2 semaphore(%dma_wait3A_928 : memref<!tpu.dma_semaphore, #tpu.memory_space<semaphore_mem>>) src(%dma_wait3A_935 : memref<32x128xf32, #tpu.memory_space<hbm>>) dst(%dma_wait3A_932 : memref<32x128xf32, #tpu.memory_space<vmem>>)
      %slice3A_936 = vector.extract_strided_slice %get3A_346 {offsets = [4], sizes = [1], strides = [1]} : vector<16xi32> to vector<1xi32>
      %squeeze3A_937 = vector.extract %slice3A_936[0] : i32 from vector<1xi32>
      %slice3A_938 = vector.extract_strided_slice %get3A_350 {offsets = [4], sizes = [1], strides = [1]} : vector<16xi32> to vector<1xi32>
      %squeeze3A_939 = vector.extract %slice3A_938[0] : i32 from vector<1xi32>
      %broadcast_in_dim3A_940 = arith.constant 0 : i32
      %broadcast_in_dim3A_941 = vector.broadcast %broadcast_in_dim3A_940 : i32 to vector<16xi32>
      %and3A_942 = arith.constant 127 : i32
      %and3A_943 = arith.andi %squeeze3A_937, %and3A_942 : i32
      %add3A_944 = vector.broadcast %and3A_943 : i32 to vector<16xi32>
      %add3A_945 = arith.addi %broadcast_in_dim3A_941, %add3A_944 : vector<16xi32>
      %broadcast_in_dim3A_946 = arith.constant 0 : i32
      %broadcast_in_dim3A_947 = vector.broadcast %broadcast_in_dim3A_946 : i32 to vector<16xi32>
      %and3A_948 = arith.constant 127 : i32
      %and3A_949 = arith.andi %squeeze3A_939, %and3A_948 : i32
      %add3A_950 = vector.broadcast %and3A_949 : i32 to vector<16xi32>
      %add3A_951 = arith.addi %broadcast_in_dim3A_947, %add3A_950 : vector<16xi32>
      %gather3A_952 = arith.constant 4 : i32
      %gather3A_953 = arith.constant 0 : i32
      %gather3A_954 = arith.constant 0 : i32
      %gather3A_955 = tpu.memref_slice %arg9[%gather3A_952, %gather3A_953, %gather3A_954] : memref<8x32x128xf32, #tpu.memory_space<vmem>> -> memref<1x32x128xf32, #tpu.memory_space<vmem>>
      %gather3A_956 = tpu.memref_squeeze %gather3A_955 : memref<1x32x128xf32, #tpu.memory_space<vmem>> -> memref<32x128xf32, #tpu.memory_space<vmem>>
      %gather3A_957 = tpu.vector_load_idx %gather3A_956[%iota3A, %add3A_945] : memref<32x128xf32, #tpu.memory_space<vmem>>[vector<16xi32>, vector<16xi32>], vector<16xf32>,
      %add3A_958 = arith.constant 16 : i32
      %add3A_959 = vector.broadcast %add3A_958 : i32 to vector<16xi32>
      %add3A_960 = arith.addi %iota3A, %add3A_959 : vector<16xi32>
      %gather3A_961 = arith.constant 4 : i32
      %gather3A_962 = arith.constant 0 : i32
      %gather3A_963 = arith.constant 0 : i32
      %gather3A_964 = tpu.memref_slice %arg9[%gather3A_961, %gather3A_962, %gather3A_963] : memref<8x32x128xf32, #tpu.memory_space<vmem>> -> memref<1x32x128xf32, #tpu.memory_space<vmem>>
      %gather3A_965 = tpu.memref_squeeze %gather3A_964 : memref<1x32x128xf32, #tpu.memory_space<vmem>> -> memref<32x128xf32, #tpu.memory_space<vmem>>
      %gather3A_966 = tpu.vector_load_idx %gather3A_965[%add3A_960, %add3A_945] : memref<32x128xf32, #tpu.memory_space<vmem>>[vector<16xi32>, vector<16xi32>], vector<16xf32>,
      %gather3A_967 = arith.constant 4 : i32
      %gather3A_968 = arith.constant 0 : i32
      %gather3A_969 = arith.constant 0 : i32
      %gather3A_970 = tpu.memref_slice %arg10[%gather3A_967, %gather3A_968, %gather3A_969] : memref<8x32x128xf32, #tpu.memory_space<vmem>> -> memref<1x32x128xf32, #tpu.memory_space<vmem>>
      %gather3A_971 = tpu.memref_squeeze %gather3A_970 : memref<1x32x128xf32, #tpu.memory_space<vmem>> -> memref<32x128xf32, #tpu.memory_space<vmem>>
      %gather3A_972 = tpu.vector_load_idx %gather3A_971[%iota3A, %add3A_951] : memref<32x128xf32, #tpu.memory_space<vmem>>[vector<16xi32>, vector<16xi32>], vector<16xf32>,
      %add3A_973 = arith.constant 16 : i32
      %add3A_974 = vector.broadcast %add3A_973 : i32 to vector<16xi32>
      %add3A_975 = arith.addi %iota3A, %add3A_974 : vector<16xi32>
      %gather3A_976 = arith.constant 4 : i32
      %gather3A_977 = arith.constant 0 : i32
      %gather3A_978 = arith.constant 0 : i32
      %gather3A_979 = tpu.memref_slice %arg10[%gather3A_976, %gather3A_977, %gather3A_978] : memref<8x32x128xf32, #tpu.memory_space<vmem>> -> memref<1x32x128xf32, #tpu.memory_space<vmem>>
      %gather3A_980 = tpu.memref_squeeze %gather3A_979 : memref<1x32x128xf32, #tpu.memory_space<vmem>> -> memref<32x128xf32, #tpu.memory_space<vmem>>
      %gather3A_981 = tpu.vector_load_idx %gather3A_980[%add3A_975, %add3A_951] : memref<32x128xf32, #tpu.memory_space<vmem>>[vector<16xi32>, vector<16xi32>], vector<16xf32>,
      %mul3A_982 = arith.mulf %gather3A_957, %gather3A_972 : vector<16xf32>
      %mul3A_983 = arith.mulf %gather3A_966, %gather3A_981 : vector<16xf32>
      %add3A_984 = arith.addf %mul3A_982, %mul3A_983 : vector<16xf32>
      %reduce_sum3A_985 = arith.constant true
      %reduce_sum3A_986 = vector.broadcast %reduce_sum3A_985 : i1 to vector<16xi1>
      %reduce_sum3A_987 = tpu.scan <sum>, %add3A_984 masked %reduce_sum3A_986 : vector<16xf32>, vector<16xi1> -> vector<16xf32>
      %reduce_sum3A_988 = vector.extract %reduce_sum3A_987[15] : f32 from vector<16xf32>
      %slice3A_989 = vector.extract_strided_slice %get3A_346 {offsets = [12], sizes = [1], strides = [1]} : vector<16xi32> to vector<1xi32>
      %squeeze3A_990 = vector.extract %slice3A_989[0] : i32 from vector<1xi32>
      %slice3A_991 = vector.extract_strided_slice %get3A_350 {offsets = [12], sizes = [1], strides = [1]} : vector<16xi32> to vector<1xi32>
      %squeeze3A_992 = vector.extract %slice3A_991[0] : i32 from vector<1xi32>
      %and3A_993 = arith.constant -128 : i32
      %and3A_994 = arith.andi %squeeze3A_990, %and3A_993 : i32
      %multiple_of3A_995 = tpu.assume_multiple %and3A_994, 128 : i32
      %and3A_996 = arith.constant -128 : i32
      %and3A_997 = arith.andi %squeeze3A_992, %and3A_996 : i32
      %multiple_of3A_998 = tpu.assume_multiple %and3A_997, 128 : i32
      %dma_start3A_999 = arith.constant 4 : i32
      %dma_start3A_1000 = arith.constant 4 : i32
      %dma_start3A_1001 = arith.constant 0 : i32
      %dma_start3A_1002 = arith.constant 0 : i32
      %dma_start3A_1003 = tpu.memref_slice %arg9[%dma_start3A_999, %dma_start3A_1001, %dma_start3A_1002] : memref<8x32x128xf32, #tpu.memory_space<vmem>> -> memref<1x32x128xf32, #tpu.memory_space<vmem>>
      %dma_start3A_1004 = tpu.memref_squeeze %dma_start3A_1003 : memref<1x32x128xf32, #tpu.memory_space<vmem>> -> memref<32x128xf32, #tpu.memory_space<vmem>>
      %dma_start3A_1005 = arith.constant 0 : i32
      %dma_start3A_1006 = tpu.memref_slice %arg4[%dma_start3A_1005, %multiple_of3A_995] : memref<32x1000000xf32, #tpu.memory_space<hbm>> -> memref<32x128xf32, #tpu.memory_space<hbm>>
      %dma_start3A_1007 = tpu.memref_slice %arg12[%dma_start3A_1000] : memref<8x!tpu.dma_semaphore, #tpu.memory_space<semaphore_mem>> -> memref<1x!tpu.dma_semaphore, #tpu.memory_space<semaphore_mem>>
      %dma_start3A_1008 = tpu.memref_squeeze %dma_start3A_1007 : memref<1x!tpu.dma_semaphore, #tpu.memory_space<semaphore_mem>> -> memref<!tpu.dma_semaphore, #tpu.memory_space<semaphore_mem>>
      %dma_start3A_1009 = arith.constant 0 : i32
      %dma_start3A_1010 = arith.constant 0 : i32
      %dma_start3A_1011 = tpu.memref_slice %arg9[%dma_start3A_999, %dma_start3A_1009, %dma_start3A_1010] : memref<8x32x128xf32, #tpu.memory_space<vmem>> -> memref<1x32x128xf32, #tpu.memory_space<vmem>>
      %dma_start3A_1012 = tpu.memref_squeeze %dma_start3A_1011 : memref<1x32x128xf32, #tpu.memory_space<vmem>> -> memref<32x128xf32, #tpu.memory_space<vmem>>
      %dma_start3A_1013 = arith.constant 0 : i32
      %dma_start3A_1014 = tpu.memref_slice %arg4[%dma_start3A_1013, %multiple_of3A_995] : memref<32x1000000xf32, #tpu.memory_space<hbm>> -> memref<32x128xf32, #tpu.memory_space<hbm>>
      tpu.enqueue_dma source(%dma_start3A_1014 : memref<32x128xf32, #tpu.memory_space<hbm>>) target(%dma_start3A_1012 : memref<32x128xf32, #tpu.memory_space<vmem>>) target_semaphore(%dma_start3A_1008 : memref<!tpu.dma_semaphore, #tpu.memory_space<semaphore_mem>>)
      %dma_start3A_1015 = arith.constant 4 : i32
      %dma_start3A_1016 = arith.constant 4 : i32
      %dma_start3A_1017 = arith.constant 0 : i32
      %dma_start3A_1018 = arith.constant 0 : i32
      %dma_start3A_1019 = tpu.memref_slice %arg10[%dma_start3A_1015, %dma_start3A_1017, %dma_start3A_1018] : memref<8x32x128xf32, #tpu.memory_space<vmem>> -> memref<1x32x128xf32, #tpu.memory_space<vmem>>
      %dma_start3A_1020 = tpu.memref_squeeze %dma_start3A_1019 : memref<1x32x128xf32, #tpu.memory_space<vmem>> -> memref<32x128xf32, #tpu.memory_space<vmem>>
      %dma_start3A_1021 = arith.constant 0 : i32
      %dma_start3A_1022 = tpu.memref_slice %arg5[%dma_start3A_1021, %multiple_of3A_998] : memref<32x1000000xf32, #tpu.memory_space<hbm>> -> memref<32x128xf32, #tpu.memory_space<hbm>>
      %dma_start3A_1023 = tpu.memref_slice %arg13[%dma_start3A_1016] : memref<8x!tpu.dma_semaphore, #tpu.memory_space<semaphore_mem>> -> memref<1x!tpu.dma_semaphore, #tpu.memory_space<semaphore_mem>>
      %dma_start3A_1024 = tpu.memref_squeeze %dma_start3A_1023 : memref<1x!tpu.dma_semaphore, #tpu.memory_space<semaphore_mem>> -> memref<!tpu.dma_semaphore, #tpu.memory_space<semaphore_mem>>
      %dma_start3A_1025 = arith.constant 0 : i32
      %dma_start3A_1026 = arith.constant 0 : i32
      %dma_start3A_1027 = tpu.memref_slice %arg10[%dma_start3A_1015, %dma_start3A_1025, %dma_start3A_1026] : memref<8x32x128xf32, #tpu.memory_space<vmem>> -> memref<1x32x128xf32, #tpu.memory_space<vmem>>
      %dma_start3A_1028 = tpu.memref_squeeze %dma_start3A_1027 : memref<1x32x128xf32, #tpu.memory_space<vmem>> -> memref<32x128xf32, #tpu.memory_space<vmem>>
      %dma_start3A_1029 = arith.constant 0 : i32
      %dma_start3A_1030 = tpu.memref_slice %arg5[%dma_start3A_1029, %multiple_of3A_998] : memref<32x1000000xf32, #tpu.memory_space<hbm>> -> memref<32x128xf32, #tpu.memory_space<hbm>>
      tpu.enqueue_dma source(%dma_start3A_1030 : memref<32x128xf32, #tpu.memory_space<hbm>>) target(%dma_start3A_1028 : memref<32x128xf32, #tpu.memory_space<vmem>>) target_semaphore(%dma_start3A_1024 : memref<!tpu.dma_semaphore, #tpu.memory_space<semaphore_mem>>)
      %eq3A_1031 = arith.constant 4 : i32
      %eq3A_1032 = vector.broadcast %eq3A_1031 : i32 to vector<16xi32>
      %eq3A_1033 = arith.cmpi eq, %iota3A, %eq3A_1032 : vector<16xi32>
      %broadcast_in_dim3A_1034 = vector.broadcast %reduce_sum3A_988 : f32 to vector<16xf32>
      %select_n3A_1035 = arith.select %eq3A_1033, %broadcast_in_dim3A_1034, %select_n3A_899 : vector<16xi1>, vector<16xf32>
      %dma_wait3A_1036 = arith.constant 5 : i32
      %dma_wait3A_1037 = arith.constant 5 : i32
      %dma_wait3A_1038 = arith.constant 0 : i32
      %dma_wait3A_1039 = arith.constant 0 : i32
      %dma_wait3A_1040 = tpu.memref_slice %arg9[%dma_wait3A_1036, %dma_wait3A_1038, %dma_wait3A_1039] : memref<8x32x128xf32, #tpu.memory_space<vmem>> -> memref<1x32x128xf32, #tpu.memory_space<vmem>>
      %dma_wait3A_1041 = tpu.memref_squeeze %dma_wait3A_1040 : memref<1x32x128xf32, #tpu.memory_space<vmem>> -> memref<32x128xf32, #tpu.memory_space<vmem>>
      %dma_wait3A_1042 = arith.constant 0 : i32
      %dma_wait3A_1043 = arith.constant 0 : i32
      %dma_wait3A_1044 = tpu.memref_slice %arg4[%dma_wait3A_1042, %dma_wait3A_1043] : memref<32x1000000xf32, #tpu.memory_space<hbm>> -> memref<32x128xf32, #tpu.memory_space<hbm>>
      %dma_wait3A_1045 = tpu.memref_slice %arg12[%dma_wait3A_1037] : memref<8x!tpu.dma_semaphore, #tpu.memory_space<semaphore_mem>> -> memref<1x!tpu.dma_semaphore, #tpu.memory_space<semaphore_mem>>
      %dma_wait3A_1046 = tpu.memref_squeeze %dma_wait3A_1045 : memref<1x!tpu.dma_semaphore, #tpu.memory_space<semaphore_mem>> -> memref<!tpu.dma_semaphore, #tpu.memory_space<semaphore_mem>>
      %dma_wait3A_1047 = arith.constant 0 : i32
      %dma_wait3A_1048 = arith.constant 0 : i32
      %dma_wait3A_1049 = tpu.memref_slice %arg9[%dma_wait3A_1036, %dma_wait3A_1047, %dma_wait3A_1048] : memref<8x32x128xf32, #tpu.memory_space<vmem>> -> memref<1x32x128xf32, #tpu.memory_space<vmem>>
      %dma_wait3A_1050 = tpu.memref_squeeze %dma_wait3A_1049 : memref<1x32x128xf32, #tpu.memory_space<vmem>> -> memref<32x128xf32, #tpu.memory_space<vmem>>
      %dma_wait3A_1051 = arith.constant 0 : i32
      %dma_wait3A_1052 = arith.constant 0 : i32
      %dma_wait3A_1053 = tpu.memref_slice %arg4[%dma_wait3A_1051, %dma_wait3A_1052] : memref<32x1000000xf32, #tpu.memory_space<hbm>> -> memref<32x128xf32, #tpu.memory_space<hbm>>
      tpu.wait_dma2 semaphore(%dma_wait3A_1046 : memref<!tpu.dma_semaphore, #tpu.memory_space<semaphore_mem>>) src(%dma_wait3A_1053 : memref<32x128xf32, #tpu.memory_space<hbm>>) dst(%dma_wait3A_1050 : memref<32x128xf32, #tpu.memory_space<vmem>>)
      %dma_wait3A_1054 = arith.constant 5 : i32
      %dma_wait3A_1055 = arith.constant 5 : i32
      %dma_wait3A_1056 = arith.constant 0 : i32
      %dma_wait3A_1057 = arith.constant 0 : i32
      %dma_wait3A_1058 = tpu.memref_slice %arg10[%dma_wait3A_1054, %dma_wait3A_1056, %dma_wait3A_1057] : memref<8x32x128xf32, #tpu.memory_space<vmem>> -> memref<1x32x128xf32, #tpu.memory_space<vmem>>
      %dma_wait3A_1059 = tpu.memref_squeeze %dma_wait3A_1058 : memref<1x32x128xf32, #tpu.memory_space<vmem>> -> memref<32x128xf32, #tpu.memory_space<vmem>>
      %dma_wait3A_1060 = arith.constant 0 : i32
      %dma_wait3A_1061 = arith.constant 0 : i32
      %dma_wait3A_1062 = tpu.memref_slice %arg5[%dma_wait3A_1060, %dma_wait3A_1061] : memref<32x1000000xf32, #tpu.memory_space<hbm>> -> memref<32x128xf32, #tpu.memory_space<hbm>>
      %dma_wait3A_1063 = tpu.memref_slice %arg13[%dma_wait3A_1055] : memref<8x!tpu.dma_semaphore, #tpu.memory_space<semaphore_mem>> -> memref<1x!tpu.dma_semaphore, #tpu.memory_space<semaphore_mem>>
      %dma_wait3A_1064 = tpu.memref_squeeze %dma_wait3A_1063 : memref<1x!tpu.dma_semaphore, #tpu.memory_space<semaphore_mem>> -> memref<!tpu.dma_semaphore, #tpu.memory_space<semaphore_mem>>
      %dma_wait3A_1065 = arith.constant 0 : i32
      %dma_wait3A_1066 = arith.constant 0 : i32
      %dma_wait3A_1067 = tpu.memref_slice %arg10[%dma_wait3A_1054, %dma_wait3A_1065, %dma_wait3A_1066] : memref<8x32x128xf32, #tpu.memory_space<vmem>> -> memref<1x32x128xf32, #tpu.memory_space<vmem>>
      %dma_wait3A_1068 = tpu.memref_squeeze %dma_wait3A_1067 : memref<1x32x128xf32, #tpu.memory_space<vmem>> -> memref<32x128xf32, #tpu.memory_space<vmem>>
      %dma_wait3A_1069 = arith.constant 0 : i32
      %dma_wait3A_1070 = arith.constant 0 : i32
      %dma_wait3A_1071 = tpu.memref_slice %arg5[%dma_wait3A_1069, %dma_wait3A_1070] : memref<32x1000000xf32, #tpu.memory_space<hbm>> -> memref<32x128xf32, #tpu.memory_space<hbm>>
      tpu.wait_dma2 semaphore(%dma_wait3A_1064 : memref<!tpu.dma_semaphore, #tpu.memory_space<semaphore_mem>>) src(%dma_wait3A_1071 : memref<32x128xf32, #tpu.memory_space<hbm>>) dst(%dma_wait3A_1068 : memref<32x128xf32, #tpu.memory_space<vmem>>)
      %slice3A_1072 = vector.extract_strided_slice %get3A_346 {offsets = [5], sizes = [1], strides = [1]} : vector<16xi32> to vector<1xi32>
      %squeeze3A_1073 = vector.extract %slice3A_1072[0] : i32 from vector<1xi32>
      %slice3A_1074 = vector.extract_strided_slice %get3A_350 {offsets = [5], sizes = [1], strides = [1]} : vector<16xi32> to vector<1xi32>
      %squeeze3A_1075 = vector.extract %slice3A_1074[0] : i32 from vector<1xi32>
      %broadcast_in_dim3A_1076 = arith.constant 0 : i32
      %broadcast_in_dim3A_1077 = vector.broadcast %broadcast_in_dim3A_1076 : i32 to vector<16xi32>
      %and3A_1078 = arith.constant 127 : i32
      %and3A_1079 = arith.andi %squeeze3A_1073, %and3A_1078 : i32
      %add3A_1080 = vector.broadcast %and3A_1079 : i32 to vector<16xi32>
      %add3A_1081 = arith.addi %broadcast_in_dim3A_1077, %add3A_1080 : vector<16xi32>
      %broadcast_in_dim3A_1082 = arith.constant 0 : i32
      %broadcast_in_dim3A_1083 = vector.broadcast %broadcast_in_dim3A_1082 : i32 to vector<16xi32>
      %and3A_1084 = arith.constant 127 : i32
      %and3A_1085 = arith.andi %squeeze3A_1075, %and3A_1084 : i32
      %add3A_1086 = vector.broadcast %and3A_1085 : i32 to vector<16xi32>
      %add3A_1087 = arith.addi %broadcast_in_dim3A_1083, %add3A_1086 : vector<16xi32>
      %gather3A_1088 = arith.constant 5 : i32
      %gather3A_1089 = arith.constant 0 : i32
      %gather3A_1090 = arith.constant 0 : i32
      %gather3A_1091 = tpu.memref_slice %arg9[%gather3A_1088, %gather3A_1089, %gather3A_1090] : memref<8x32x128xf32, #tpu.memory_space<vmem>> -> memref<1x32x128xf32, #tpu.memory_space<vmem>>
      %gather3A_1092 = tpu.memref_squeeze %gather3A_1091 : memref<1x32x128xf32, #tpu.memory_space<vmem>> -> memref<32x128xf32, #tpu.memory_space<vmem>>
      %gather3A_1093 = tpu.vector_load_idx %gather3A_1092[%iota3A, %add3A_1081] : memref<32x128xf32, #tpu.memory_space<vmem>>[vector<16xi32>, vector<16xi32>], vector<16xf32>,
      %add3A_1094 = arith.constant 16 : i32
      %add3A_1095 = vector.broadcast %add3A_1094 : i32 to vector<16xi32>
      %add3A_1096 = arith.addi %iota3A, %add3A_1095 : vector<16xi32>
      %gather3A_1097 = arith.constant 5 : i32
      %gather3A_1098 = arith.constant 0 : i32
      %gather3A_1099 = arith.constant 0 : i32
      %gather3A_1100 = tpu.memref_slice %arg9[%gather3A_1097, %gather3A_1098, %gather3A_1099] : memref<8x32x128xf32, #tpu.memory_space<vmem>> -> memref<1x32x128xf32, #tpu.memory_space<vmem>>
      %gather3A_1101 = tpu.memref_squeeze %gather3A_1100 : memref<1x32x128xf32, #tpu.memory_space<vmem>> -> memref<32x128xf32, #tpu.memory_space<vmem>>
      %gather3A_1102 = tpu.vector_load_idx %gather3A_1101[%add3A_1096, %add3A_1081] : memref<32x128xf32, #tpu.memory_space<vmem>>[vector<16xi32>, vector<16xi32>], vector<16xf32>,
      %gather3A_1103 = arith.constant 5 : i32
      %gather3A_1104 = arith.constant 0 : i32
      %gather3A_1105 = arith.constant 0 : i32
      %gather3A_1106 = tpu.memref_slice %arg10[%gather3A_1103, %gather3A_1104, %gather3A_1105] : memref<8x32x128xf32, #tpu.memory_space<vmem>> -> memref<1x32x128xf32, #tpu.memory_space<vmem>>
      %gather3A_1107 = tpu.memref_squeeze %gather3A_1106 : memref<1x32x128xf32, #tpu.memory_space<vmem>> -> memref<32x128xf32, #tpu.memory_space<vmem>>
      %gather3A_1108 = tpu.vector_load_idx %gather3A_1107[%iota3A, %add3A_1087] : memref<32x128xf32, #tpu.memory_space<vmem>>[vector<16xi32>, vector<16xi32>], vector<16xf32>,
      %add3A_1109 = arith.constant 16 : i32
      %add3A_1110 = vector.broadcast %add3A_1109 : i32 to vector<16xi32>
      %add3A_1111 = arith.addi %iota3A, %add3A_1110 : vector<16xi32>
      %gather3A_1112 = arith.constant 5 : i32
      %gather3A_1113 = arith.constant 0 : i32
      %gather3A_1114 = arith.constant 0 : i32
      %gather3A_1115 = tpu.memref_slice %arg10[%gather3A_1112, %gather3A_1113, %gather3A_1114] : memref<8x32x128xf32, #tpu.memory_space<vmem>> -> memref<1x32x128xf32, #tpu.memory_space<vmem>>
      %gather3A_1116 = tpu.memref_squeeze %gather3A_1115 : memref<1x32x128xf32, #tpu.memory_space<vmem>> -> memref<32x128xf32, #tpu.memory_space<vmem>>
      %gather3A_1117 = tpu.vector_load_idx %gather3A_1116[%add3A_1111, %add3A_1087] : memref<32x128xf32, #tpu.memory_space<vmem>>[vector<16xi32>, vector<16xi32>], vector<16xf32>,
      %mul3A_1118 = arith.mulf %gather3A_1093, %gather3A_1108 : vector<16xf32>
      %mul3A_1119 = arith.mulf %gather3A_1102, %gather3A_1117 : vector<16xf32>
      %add3A_1120 = arith.addf %mul3A_1118, %mul3A_1119 : vector<16xf32>
      %reduce_sum3A_1121 = arith.constant true
      %reduce_sum3A_1122 = vector.broadcast %reduce_sum3A_1121 : i1 to vector<16xi1>
      %reduce_sum3A_1123 = tpu.scan <sum>, %add3A_1120 masked %reduce_sum3A_1122 : vector<16xf32>, vector<16xi1> -> vector<16xf32>
      %reduce_sum3A_1124 = vector.extract %reduce_sum3A_1123[15] : f32 from vector<16xf32>
      %slice3A_1125 = vector.extract_strided_slice %get3A_346 {offsets = [13], sizes = [1], strides = [1]} : vector<16xi32> to vector<1xi32>
      %squeeze3A_1126 = vector.extract %slice3A_1125[0] : i32 from vector<1xi32>
      %slice3A_1127 = vector.extract_strided_slice %get3A_350 {offsets = [13], sizes = [1], strides = [1]} : vector<16xi32> to vector<1xi32>
      %squeeze3A_1128 = vector.extract %slice3A_1127[0] : i32 from vector<1xi32>
      %and3A_1129 = arith.constant -128 : i32
      %and3A_1130 = arith.andi %squeeze3A_1126, %and3A_1129 : i32
      %multiple_of3A_1131 = tpu.assume_multiple %and3A_1130, 128 : i32
      %and3A_1132 = arith.constant -128 : i32
      %and3A_1133 = arith.andi %squeeze3A_1128, %and3A_1132 : i32
      %multiple_of3A_1134 = tpu.assume_multiple %and3A_1133, 128 : i32
      %dma_start3A_1135 = arith.constant 5 : i32
      %dma_start3A_1136 = arith.constant 5 : i32
      %dma_start3A_1137 = arith.constant 0 : i32
      %dma_start3A_1138 = arith.constant 0 : i32
      %dma_start3A_1139 = tpu.memref_slice %arg9[%dma_start3A_1135, %dma_start3A_1137, %dma_start3A_1138] : memref<8x32x128xf32, #tpu.memory_space<vmem>> -> memref<1x32x128xf32, #tpu.memory_space<vmem>>
      %dma_start3A_1140 = tpu.memref_squeeze %dma_start3A_1139 : memref<1x32x128xf32, #tpu.memory_space<vmem>> -> memref<32x128xf32, #tpu.memory_space<vmem>>
      %dma_start3A_1141 = arith.constant 0 : i32
      %dma_start3A_1142 = tpu.memref_slice %arg4[%dma_start3A_1141, %multiple_of3A_1131] : memref<32x1000000xf32, #tpu.memory_space<hbm>> -> memref<32x128xf32, #tpu.memory_space<hbm>>
      %dma_start3A_1143 = tpu.memref_slice %arg12[%dma_start3A_1136] : memref<8x!tpu.dma_semaphore, #tpu.memory_space<semaphore_mem>> -> memref<1x!tpu.dma_semaphore, #tpu.memory_space<semaphore_mem>>
      %dma_start3A_1144 = tpu.memref_squeeze %dma_start3A_1143 : memref<1x!tpu.dma_semaphore, #tpu.memory_space<semaphore_mem>> -> memref<!tpu.dma_semaphore, #tpu.memory_space<semaphore_mem>>
      %dma_start3A_1145 = arith.constant 0 : i32
      %dma_start3A_1146 = arith.constant 0 : i32
      %dma_start3A_1147 = tpu.memref_slice %arg9[%dma_start3A_1135, %dma_start3A_1145, %dma_start3A_1146] : memref<8x32x128xf32, #tpu.memory_space<vmem>> -> memref<1x32x128xf32, #tpu.memory_space<vmem>>
      %dma_start3A_1148 = tpu.memref_squeeze %dma_start3A_1147 : memref<1x32x128xf32, #tpu.memory_space<vmem>> -> memref<32x128xf32, #tpu.memory_space<vmem>>
      %dma_start3A_1149 = arith.constant 0 : i32
      %dma_start3A_1150 = tpu.memref_slice %arg4[%dma_start3A_1149, %multiple_of3A_1131] : memref<32x1000000xf32, #tpu.memory_space<hbm>> -> memref<32x128xf32, #tpu.memory_space<hbm>>
      tpu.enqueue_dma source(%dma_start3A_1150 : memref<32x128xf32, #tpu.memory_space<hbm>>) target(%dma_start3A_1148 : memref<32x128xf32, #tpu.memory_space<vmem>>) target_semaphore(%dma_start3A_1144 : memref<!tpu.dma_semaphore, #tpu.memory_space<semaphore_mem>>)
      %dma_start3A_1151 = arith.constant 5 : i32
      %dma_start3A_1152 = arith.constant 5 : i32
      %dma_start3A_1153 = arith.constant 0 : i32
      %dma_start3A_1154 = arith.constant 0 : i32
      %dma_start3A_1155 = tpu.memref_slice %arg10[%dma_start3A_1151, %dma_start3A_1153, %dma_start3A_1154] : memref<8x32x128xf32, #tpu.memory_space<vmem>> -> memref<1x32x128xf32, #tpu.memory_space<vmem>>
      %dma_start3A_1156 = tpu.memref_squeeze %dma_start3A_1155 : memref<1x32x128xf32, #tpu.memory_space<vmem>> -> memref<32x128xf32, #tpu.memory_space<vmem>>
      %dma_start3A_1157 = arith.constant 0 : i32
      %dma_start3A_1158 = tpu.memref_slice %arg5[%dma_start3A_1157, %multiple_of3A_1134] : memref<32x1000000xf32, #tpu.memory_space<hbm>> -> memref<32x128xf32, #tpu.memory_space<hbm>>
      %dma_start3A_1159 = tpu.memref_slice %arg13[%dma_start3A_1152] : memref<8x!tpu.dma_semaphore, #tpu.memory_space<semaphore_mem>> -> memref<1x!tpu.dma_semaphore, #tpu.memory_space<semaphore_mem>>
      %dma_start3A_1160 = tpu.memref_squeeze %dma_start3A_1159 : memref<1x!tpu.dma_semaphore, #tpu.memory_space<semaphore_mem>> -> memref<!tpu.dma_semaphore, #tpu.memory_space<semaphore_mem>>
      %dma_start3A_1161 = arith.constant 0 : i32
      %dma_start3A_1162 = arith.constant 0 : i32
      %dma_start3A_1163 = tpu.memref_slice %arg10[%dma_start3A_1151, %dma_start3A_1161, %dma_start3A_1162] : memref<8x32x128xf32, #tpu.memory_space<vmem>> -> memref<1x32x128xf32, #tpu.memory_space<vmem>>
      %dma_start3A_1164 = tpu.memref_squeeze %dma_start3A_1163 : memref<1x32x128xf32, #tpu.memory_space<vmem>> -> memref<32x128xf32, #tpu.memory_space<vmem>>
      %dma_start3A_1165 = arith.constant 0 : i32
      %dma_start3A_1166 = tpu.memref_slice %arg5[%dma_start3A_1165, %multiple_of3A_1134] : memref<32x1000000xf32, #tpu.memory_space<hbm>> -> memref<32x128xf32, #tpu.memory_space<hbm>>
      tpu.enqueue_dma source(%dma_start3A_1166 : memref<32x128xf32, #tpu.memory_space<hbm>>) target(%dma_start3A_1164 : memref<32x128xf32, #tpu.memory_space<vmem>>) target_semaphore(%dma_start3A_1160 : memref<!tpu.dma_semaphore, #tpu.memory_space<semaphore_mem>>)
      %eq3A_1167 = arith.constant 5 : i32
      %eq3A_1168 = vector.broadcast %eq3A_1167 : i32 to vector<16xi32>
      %eq3A_1169 = arith.cmpi eq, %iota3A, %eq3A_1168 : vector<16xi32>
      %broadcast_in_dim3A_1170 = vector.broadcast %reduce_sum3A_1124 : f32 to vector<16xf32>
      %select_n3A_1171 = arith.select %eq3A_1169, %broadcast_in_dim3A_1170, %select_n3A_1035 : vector<16xi1>, vector<16xf32>
      %dma_wait3A_1172 = arith.constant 6 : i32
      %dma_wait3A_1173 = arith.constant 6 : i32
      %dma_wait3A_1174 = arith.constant 0 : i32
      %dma_wait3A_1175 = arith.constant 0 : i32
      %dma_wait3A_1176 = tpu.memref_slice %arg9[%dma_wait3A_1172, %dma_wait3A_1174, %dma_wait3A_1175] : memref<8x32x128xf32, #tpu.memory_space<vmem>> -> memref<1x32x128xf32, #tpu.memory_space<vmem>>
      %dma_wait3A_1177 = tpu.memref_squeeze %dma_wait3A_1176 : memref<1x32x128xf32, #tpu.memory_space<vmem>> -> memref<32x128xf32, #tpu.memory_space<vmem>>
      %dma_wait3A_1178 = arith.constant 0 : i32
      %dma_wait3A_1179 = arith.constant 0 : i32
      %dma_wait3A_1180 = tpu.memref_slice %arg4[%dma_wait3A_1178, %dma_wait3A_1179] : memref<32x1000000xf32, #tpu.memory_space<hbm>> -> memref<32x128xf32, #tpu.memory_space<hbm>>
      %dma_wait3A_1181 = tpu.memref_slice %arg12[%dma_wait3A_1173] : memref<8x!tpu.dma_semaphore, #tpu.memory_space<semaphore_mem>> -> memref<1x!tpu.dma_semaphore, #tpu.memory_space<semaphore_mem>>
      %dma_wait3A_1182 = tpu.memref_squeeze %dma_wait3A_1181 : memref<1x!tpu.dma_semaphore, #tpu.memory_space<semaphore_mem>> -> memref<!tpu.dma_semaphore, #tpu.memory_space<semaphore_mem>>
      %dma_wait3A_1183 = arith.constant 0 : i32
      %dma_wait3A_1184 = arith.constant 0 : i32
      %dma_wait3A_1185 = tpu.memref_slice %arg9[%dma_wait3A_1172, %dma_wait3A_1183, %dma_wait3A_1184] : memref<8x32x128xf32, #tpu.memory_space<vmem>> -> memref<1x32x128xf32, #tpu.memory_space<vmem>>
      %dma_wait3A_1186 = tpu.memref_squeeze %dma_wait3A_1185 : memref<1x32x128xf32, #tpu.memory_space<vmem>> -> memref<32x128xf32, #tpu.memory_space<vmem>>
      %dma_wait3A_1187 = arith.constant 0 : i32
      %dma_wait3A_1188 = arith.constant 0 : i32
      %dma_wait3A_1189 = tpu.memref_slice %arg4[%dma_wait3A_1187, %dma_wait3A_1188] : memref<32x1000000xf32, #tpu.memory_space<hbm>> -> memref<32x128xf32, #tpu.memory_space<hbm>>
      tpu.wait_dma2 semaphore(%dma_wait3A_1182 : memref<!tpu.dma_semaphore, #tpu.memory_space<semaphore_mem>>) src(%dma_wait3A_1189 : memref<32x128xf32, #tpu.memory_space<hbm>>) dst(%dma_wait3A_1186 : memref<32x128xf32, #tpu.memory_space<vmem>>)
      %dma_wait3A_1190 = arith.constant 6 : i32
      %dma_wait3A_1191 = arith.constant 6 : i32
      %dma_wait3A_1192 = arith.constant 0 : i32
      %dma_wait3A_1193 = arith.constant 0 : i32
      %dma_wait3A_1194 = tpu.memref_slice %arg10[%dma_wait3A_1190, %dma_wait3A_1192, %dma_wait3A_1193] : memref<8x32x128xf32, #tpu.memory_space<vmem>> -> memref<1x32x128xf32, #tpu.memory_space<vmem>>
      %dma_wait3A_1195 = tpu.memref_squeeze %dma_wait3A_1194 : memref<1x32x128xf32, #tpu.memory_space<vmem>> -> memref<32x128xf32, #tpu.memory_space<vmem>>
      %dma_wait3A_1196 = arith.constant 0 : i32
      %dma_wait3A_1197 = arith.constant 0 : i32
      %dma_wait3A_1198 = tpu.memref_slice %arg5[%dma_wait3A_1196, %dma_wait3A_1197] : memref<32x1000000xf32, #tpu.memory_space<hbm>> -> memref<32x128xf32, #tpu.memory_space<hbm>>
      %dma_wait3A_1199 = tpu.memref_slice %arg13[%dma_wait3A_1191] : memref<8x!tpu.dma_semaphore, #tpu.memory_space<semaphore_mem>> -> memref<1x!tpu.dma_semaphore, #tpu.memory_space<semaphore_mem>>
      %dma_wait3A_1200 = tpu.memref_squeeze %dma_wait3A_1199 : memref<1x!tpu.dma_semaphore, #tpu.memory_space<semaphore_mem>> -> memref<!tpu.dma_semaphore, #tpu.memory_space<semaphore_mem>>
      %dma_wait3A_1201 = arith.constant 0 : i32
      %dma_wait3A_1202 = arith.constant 0 : i32
      %dma_wait3A_1203 = tpu.memref_slice %arg10[%dma_wait3A_1190, %dma_wait3A_1201, %dma_wait3A_1202] : memref<8x32x128xf32, #tpu.memory_space<vmem>> -> memref<1x32x128xf32, #tpu.memory_space<vmem>>
      %dma_wait3A_1204 = tpu.memref_squeeze %dma_wait3A_1203 : memref<1x32x128xf32, #tpu.memory_space<vmem>> -> memref<32x128xf32, #tpu.memory_space<vmem>>
      %dma_wait3A_1205 = arith.constant 0 : i32
      %dma_wait3A_1206 = arith.constant 0 : i32
      %dma_wait3A_1207 = tpu.memref_slice %arg5[%dma_wait3A_1205, %dma_wait3A_1206] : memref<32x1000000xf32, #tpu.memory_space<hbm>> -> memref<32x128xf32, #tpu.memory_space<hbm>>
      tpu.wait_dma2 semaphore(%dma_wait3A_1200 : memref<!tpu.dma_semaphore, #tpu.memory_space<semaphore_mem>>) src(%dma_wait3A_1207 : memref<32x128xf32, #tpu.memory_space<hbm>>) dst(%dma_wait3A_1204 : memref<32x128xf32, #tpu.memory_space<vmem>>)
      %slice3A_1208 = vector.extract_strided_slice %get3A_346 {offsets = [6], sizes = [1], strides = [1]} : vector<16xi32> to vector<1xi32>
      %squeeze3A_1209 = vector.extract %slice3A_1208[0] : i32 from vector<1xi32>
      %slice3A_1210 = vector.extract_strided_slice %get3A_350 {offsets = [6], sizes = [1], strides = [1]} : vector<16xi32> to vector<1xi32>
      %squeeze3A_1211 = vector.extract %slice3A_1210[0] : i32 from vector<1xi32>
      %broadcast_in_dim3A_1212 = arith.constant 0 : i32
      %broadcast_in_dim3A_1213 = vector.broadcast %broadcast_in_dim3A_1212 : i32 to vector<16xi32>
      %and3A_1214 = arith.constant 127 : i32
      %and3A_1215 = arith.andi %squeeze3A_1209, %and3A_1214 : i32
      %add3A_1216 = vector.broadcast %and3A_1215 : i32 to vector<16xi32>
      %add3A_1217 = arith.addi %broadcast_in_dim3A_1213, %add3A_1216 : vector<16xi32>
      %broadcast_in_dim3A_1218 = arith.constant 0 : i32
      %broadcast_in_dim3A_1219 = vector.broadcast %broadcast_in_dim3A_1218 : i32 to vector<16xi32>
      %and3A_1220 = arith.constant 127 : i32
      %and3A_1221 = arith.andi %squeeze3A_1211, %and3A_1220 : i32
      %add3A_1222 = vector.broadcast %and3A_1221 : i32 to vector<16xi32>
      %add3A_1223 = arith.addi %broadcast_in_dim3A_1219, %add3A_1222 : vector<16xi32>
      %gather3A_1224 = arith.constant 6 : i32
      %gather3A_1225 = arith.constant 0 : i32
      %gather3A_1226 = arith.constant 0 : i32
      %gather3A_1227 = tpu.memref_slice %arg9[%gather3A_1224, %gather3A_1225, %gather3A_1226] : memref<8x32x128xf32, #tpu.memory_space<vmem>> -> memref<1x32x128xf32, #tpu.memory_space<vmem>>
      %gather3A_1228 = tpu.memref_squeeze %gather3A_1227 : memref<1x32x128xf32, #tpu.memory_space<vmem>> -> memref<32x128xf32, #tpu.memory_space<vmem>>
      %gather3A_1229 = tpu.vector_load_idx %gather3A_1228[%iota3A, %add3A_1217] : memref<32x128xf32, #tpu.memory_space<vmem>>[vector<16xi32>, vector<16xi32>], vector<16xf32>,
      %add3A_1230 = arith.constant 16 : i32
      %add3A_1231 = vector.broadcast %add3A_1230 : i32 to vector<16xi32>
      %add3A_1232 = arith.addi %iota3A, %add3A_1231 : vector<16xi32>
      %gather3A_1233 = arith.constant 6 : i32
      %gather3A_1234 = arith.constant 0 : i32
      %gather3A_1235 = arith.constant 0 : i32
      %gather3A_1236 = tpu.memref_slice %arg9[%gather3A_1233, %gather3A_1234, %gather3A_1235] : memref<8x32x128xf32, #tpu.memory_space<vmem>> -> memref<1x32x128xf32, #tpu.memory_space<vmem>>
      %gather3A_1237 = tpu.memref_squeeze %gather3A_1236 : memref<1x32x128xf32, #tpu.memory_space<vmem>> -> memref<32x128xf32, #tpu.memory_space<vmem>>
      %gather3A_1238 = tpu.vector_load_idx %gather3A_1237[%add3A_1232, %add3A_1217] : memref<32x128xf32, #tpu.memory_space<vmem>>[vector<16xi32>, vector<16xi32>], vector<16xf32>,
      %gather3A_1239 = arith.constant 6 : i32
      %gather3A_1240 = arith.constant 0 : i32
      %gather3A_1241 = arith.constant 0 : i32
      %gather3A_1242 = tpu.memref_slice %arg10[%gather3A_1239, %gather3A_1240, %gather3A_1241] : memref<8x32x128xf32, #tpu.memory_space<vmem>> -> memref<1x32x128xf32, #tpu.memory_space<vmem>>
      %gather3A_1243 = tpu.memref_squeeze %gather3A_1242 : memref<1x32x128xf32, #tpu.memory_space<vmem>> -> memref<32x128xf32, #tpu.memory_space<vmem>>
      %gather3A_1244 = tpu.vector_load_idx %gather3A_1243[%iota3A, %add3A_1223] : memref<32x128xf32, #tpu.memory_space<vmem>>[vector<16xi32>, vector<16xi32>], vector<16xf32>,
      %add3A_1245 = arith.constant 16 : i32
      %add3A_1246 = vector.broadcast %add3A_1245 : i32 to vector<16xi32>
      %add3A_1247 = arith.addi %iota3A, %add3A_1246 : vector<16xi32>
      %gather3A_1248 = arith.constant 6 : i32
      %gather3A_1249 = arith.constant 0 : i32
      %gather3A_1250 = arith.constant 0 : i32
      %gather3A_1251 = tpu.memref_slice %arg10[%gather3A_1248, %gather3A_1249, %gather3A_1250] : memref<8x32x128xf32, #tpu.memory_space<vmem>> -> memref<1x32x128xf32, #tpu.memory_space<vmem>>
      %gather3A_1252 = tpu.memref_squeeze %gather3A_1251 : memref<1x32x128xf32, #tpu.memory_space<vmem>> -> memref<32x128xf32, #tpu.memory_space<vmem>>
      %gather3A_1253 = tpu.vector_load_idx %gather3A_1252[%add3A_1247, %add3A_1223] : memref<32x128xf32, #tpu.memory_space<vmem>>[vector<16xi32>, vector<16xi32>], vector<16xf32>,
      %mul3A_1254 = arith.mulf %gather3A_1229, %gather3A_1244 : vector<16xf32>
      %mul3A_1255 = arith.mulf %gather3A_1238, %gather3A_1253 : vector<16xf32>
      %add3A_1256 = arith.addf %mul3A_1254, %mul3A_1255 : vector<16xf32>
      %reduce_sum3A_1257 = arith.constant true
      %reduce_sum3A_1258 = vector.broadcast %reduce_sum3A_1257 : i1 to vector<16xi1>
      %reduce_sum3A_1259 = tpu.scan <sum>, %add3A_1256 masked %reduce_sum3A_1258 : vector<16xf32>, vector<16xi1> -> vector<16xf32>
      %reduce_sum3A_1260 = vector.extract %reduce_sum3A_1259[15] : f32 from vector<16xf32>
      %slice3A_1261 = vector.extract_strided_slice %get3A_346 {offsets = [14], sizes = [1], strides = [1]} : vector<16xi32> to vector<1xi32>
      %squeeze3A_1262 = vector.extract %slice3A_1261[0] : i32 from vector<1xi32>
      %slice3A_1263 = vector.extract_strided_slice %get3A_350 {offsets = [14], sizes = [1], strides = [1]} : vector<16xi32> to vector<1xi32>
      %squeeze3A_1264 = vector.extract %slice3A_1263[0] : i32 from vector<1xi32>
      %and3A_1265 = arith.constant -128 : i32
      %and3A_1266 = arith.andi %squeeze3A_1262, %and3A_1265 : i32
      %multiple_of3A_1267 = tpu.assume_multiple %and3A_1266, 128 : i32
      %and3A_1268 = arith.constant -128 : i32
      %and3A_1269 = arith.andi %squeeze3A_1264, %and3A_1268 : i32
      %multiple_of3A_1270 = tpu.assume_multiple %and3A_1269, 128 : i32
      %dma_start3A_1271 = arith.constant 6 : i32
      %dma_start3A_1272 = arith.constant 6 : i32
      %dma_start3A_1273 = arith.constant 0 : i32
      %dma_start3A_1274 = arith.constant 0 : i32
      %dma_start3A_1275 = tpu.memref_slice %arg9[%dma_start3A_1271, %dma_start3A_1273, %dma_start3A_1274] : memref<8x32x128xf32, #tpu.memory_space<vmem>> -> memref<1x32x128xf32, #tpu.memory_space<vmem>>
      %dma_start3A_1276 = tpu.memref_squeeze %dma_start3A_1275 : memref<1x32x128xf32, #tpu.memory_space<vmem>> -> memref<32x128xf32, #tpu.memory_space<vmem>>
      %dma_start3A_1277 = arith.constant 0 : i32
      %dma_start3A_1278 = tpu.memref_slice %arg4[%dma_start3A_1277, %multiple_of3A_1267] : memref<32x1000000xf32, #tpu.memory_space<hbm>> -> memref<32x128xf32, #tpu.memory_space<hbm>>
      %dma_start3A_1279 = tpu.memref_slice %arg12[%dma_start3A_1272] : memref<8x!tpu.dma_semaphore, #tpu.memory_space<semaphore_mem>> -> memref<1x!tpu.dma_semaphore, #tpu.memory_space<semaphore_mem>>
      %dma_start3A_1280 = tpu.memref_squeeze %dma_start3A_1279 : memref<1x!tpu.dma_semaphore, #tpu.memory_space<semaphore_mem>> -> memref<!tpu.dma_semaphore, #tpu.memory_space<semaphore_mem>>
      %dma_start3A_1281 = arith.constant 0 : i32
      %dma_start3A_1282 = arith.constant 0 : i32
      %dma_start3A_1283 = tpu.memref_slice %arg9[%dma_start3A_1271, %dma_start3A_1281, %dma_start3A_1282] : memref<8x32x128xf32, #tpu.memory_space<vmem>> -> memref<1x32x128xf32, #tpu.memory_space<vmem>>
      %dma_start3A_1284 = tpu.memref_squeeze %dma_start3A_1283 : memref<1x32x128xf32, #tpu.memory_space<vmem>> -> memref<32x128xf32, #tpu.memory_space<vmem>>
      %dma_start3A_1285 = arith.constant 0 : i32
      %dma_start3A_1286 = tpu.memref_slice %arg4[%dma_start3A_1285, %multiple_of3A_1267] : memref<32x1000000xf32, #tpu.memory_space<hbm>> -> memref<32x128xf32, #tpu.memory_space<hbm>>
      tpu.enqueue_dma source(%dma_start3A_1286 : memref<32x128xf32, #tpu.memory_space<hbm>>) target(%dma_start3A_1284 : memref<32x128xf32, #tpu.memory_space<vmem>>) target_semaphore(%dma_start3A_1280 : memref<!tpu.dma_semaphore, #tpu.memory_space<semaphore_mem>>)
      %dma_start3A_1287 = arith.constant 6 : i32
      %dma_start3A_1288 = arith.constant 6 : i32
      %dma_start3A_1289 = arith.constant 0 : i32
      %dma_start3A_1290 = arith.constant 0 : i32
      %dma_start3A_1291 = tpu.memref_slice %arg10[%dma_start3A_1287, %dma_start3A_1289, %dma_start3A_1290] : memref<8x32x128xf32, #tpu.memory_space<vmem>> -> memref<1x32x128xf32, #tpu.memory_space<vmem>>
      %dma_start3A_1292 = tpu.memref_squeeze %dma_start3A_1291 : memref<1x32x128xf32, #tpu.memory_space<vmem>> -> memref<32x128xf32, #tpu.memory_space<vmem>>
      %dma_start3A_1293 = arith.constant 0 : i32
      %dma_start3A_1294 = tpu.memref_slice %arg5[%dma_start3A_1293, %multiple_of3A_1270] : memref<32x1000000xf32, #tpu.memory_space<hbm>> -> memref<32x128xf32, #tpu.memory_space<hbm>>
      %dma_start3A_1295 = tpu.memref_slice %arg13[%dma_start3A_1288] : memref<8x!tpu.dma_semaphore, #tpu.memory_space<semaphore_mem>> -> memref<1x!tpu.dma_semaphore, #tpu.memory_space<semaphore_mem>>
      %dma_start3A_1296 = tpu.memref_squeeze %dma_start3A_1295 : memref<1x!tpu.dma_semaphore, #tpu.memory_space<semaphore_mem>> -> memref<!tpu.dma_semaphore, #tpu.memory_space<semaphore_mem>>
      %dma_start3A_1297 = arith.constant 0 : i32
      %dma_start3A_1298 = arith.constant 0 : i32
      %dma_start3A_1299 = tpu.memref_slice %arg10[%dma_start3A_1287, %dma_start3A_1297, %dma_start3A_1298] : memref<8x32x128xf32, #tpu.memory_space<vmem>> -> memref<1x32x128xf32, #tpu.memory_space<vmem>>
      %dma_start3A_1300 = tpu.memref_squeeze %dma_start3A_1299 : memref<1x32x128xf32, #tpu.memory_space<vmem>> -> memref<32x128xf32, #tpu.memory_space<vmem>>
      %dma_start3A_1301 = arith.constant 0 : i32
      %dma_start3A_1302 = tpu.memref_slice %arg5[%dma_start3A_1301, %multiple_of3A_1270] : memref<32x1000000xf32, #tpu.memory_space<hbm>> -> memref<32x128xf32, #tpu.memory_space<hbm>>
      tpu.enqueue_dma source(%dma_start3A_1302 : memref<32x128xf32, #tpu.memory_space<hbm>>) target(%dma_start3A_1300 : memref<32x128xf32, #tpu.memory_space<vmem>>) target_semaphore(%dma_start3A_1296 : memref<!tpu.dma_semaphore, #tpu.memory_space<semaphore_mem>>)
      %eq3A_1303 = arith.constant 6 : i32
      %eq3A_1304 = vector.broadcast %eq3A_1303 : i32 to vector<16xi32>
      %eq3A_1305 = arith.cmpi eq, %iota3A, %eq3A_1304 : vector<16xi32>
      %broadcast_in_dim3A_1306 = vector.broadcast %reduce_sum3A_1260 : f32 to vector<16xf32>
      %select_n3A_1307 = arith.select %eq3A_1305, %broadcast_in_dim3A_1306, %select_n3A_1171 : vector<16xi1>, vector<16xf32>
      %dma_wait3A_1308 = arith.constant 7 : i32
      %dma_wait3A_1309 = arith.constant 7 : i32
      %dma_wait3A_1310 = arith.constant 0 : i32
      %dma_wait3A_1311 = arith.constant 0 : i32
      %dma_wait3A_1312 = tpu.memref_slice %arg9[%dma_wait3A_1308, %dma_wait3A_1310, %dma_wait3A_1311] : memref<8x32x128xf32, #tpu.memory_space<vmem>> -> memref<1x32x128xf32, #tpu.memory_space<vmem>>
      %dma_wait3A_1313 = tpu.memref_squeeze %dma_wait3A_1312 : memref<1x32x128xf32, #tpu.memory_space<vmem>> -> memref<32x128xf32, #tpu.memory_space<vmem>>
      %dma_wait3A_1314 = arith.constant 0 : i32
      %dma_wait3A_1315 = arith.constant 0 : i32
      %dma_wait3A_1316 = tpu.memref_slice %arg4[%dma_wait3A_1314, %dma_wait3A_1315] : memref<32x1000000xf32, #tpu.memory_space<hbm>> -> memref<32x128xf32, #tpu.memory_space<hbm>>
      %dma_wait3A_1317 = tpu.memref_slice %arg12[%dma_wait3A_1309] : memref<8x!tpu.dma_semaphore, #tpu.memory_space<semaphore_mem>> -> memref<1x!tpu.dma_semaphore, #tpu.memory_space<semaphore_mem>>
      %dma_wait3A_1318 = tpu.memref_squeeze %dma_wait3A_1317 : memref<1x!tpu.dma_semaphore, #tpu.memory_space<semaphore_mem>> -> memref<!tpu.dma_semaphore, #tpu.memory_space<semaphore_mem>>
      %dma_wait3A_1319 = arith.constant 0 : i32
      %dma_wait3A_1320 = arith.constant 0 : i32
      %dma_wait3A_1321 = tpu.memref_slice %arg9[%dma_wait3A_1308, %dma_wait3A_1319, %dma_wait3A_1320] : memref<8x32x128xf32, #tpu.memory_space<vmem>> -> memref<1x32x128xf32, #tpu.memory_space<vmem>>
      %dma_wait3A_1322 = tpu.memref_squeeze %dma_wait3A_1321 : memref<1x32x128xf32, #tpu.memory_space<vmem>> -> memref<32x128xf32, #tpu.memory_space<vmem>>
      %dma_wait3A_1323 = arith.constant 0 : i32
      %dma_wait3A_1324 = arith.constant 0 : i32
      %dma_wait3A_1325 = tpu.memref_slice %arg4[%dma_wait3A_1323, %dma_wait3A_1324] : memref<32x1000000xf32, #tpu.memory_space<hbm>> -> memref<32x128xf32, #tpu.memory_space<hbm>>
      tpu.wait_dma2 semaphore(%dma_wait3A_1318 : memref<!tpu.dma_semaphore, #tpu.memory_space<semaphore_mem>>) src(%dma_wait3A_1325 : memref<32x128xf32, #tpu.memory_space<hbm>>) dst(%dma_wait3A_1322 : memref<32x128xf32, #tpu.memory_space<vmem>>)
      %dma_wait3A_1326 = arith.constant 7 : i32
      %dma_wait3A_1327 = arith.constant 7 : i32
      %dma_wait3A_1328 = arith.constant 0 : i32
      %dma_wait3A_1329 = arith.constant 0 : i32
      %dma_wait3A_1330 = tpu.memref_slice %arg10[%dma_wait3A_1326, %dma_wait3A_1328, %dma_wait3A_1329] : memref<8x32x128xf32, #tpu.memory_space<vmem>> -> memref<1x32x128xf32, #tpu.memory_space<vmem>>
      %dma_wait3A_1331 = tpu.memref_squeeze %dma_wait3A_1330 : memref<1x32x128xf32, #tpu.memory_space<vmem>> -> memref<32x128xf32, #tpu.memory_space<vmem>>
      %dma_wait3A_1332 = arith.constant 0 : i32
      %dma_wait3A_1333 = arith.constant 0 : i32
      %dma_wait3A_1334 = tpu.memref_slice %arg5[%dma_wait3A_1332, %dma_wait3A_1333] : memref<32x1000000xf32, #tpu.memory_space<hbm>> -> memref<32x128xf32, #tpu.memory_space<hbm>>
      %dma_wait3A_1335 = tpu.memref_slice %arg13[%dma_wait3A_1327] : memref<8x!tpu.dma_semaphore, #tpu.memory_space<semaphore_mem>> -> memref<1x!tpu.dma_semaphore, #tpu.memory_space<semaphore_mem>>
      %dma_wait3A_1336 = tpu.memref_squeeze %dma_wait3A_1335 : memref<1x!tpu.dma_semaphore, #tpu.memory_space<semaphore_mem>> -> memref<!tpu.dma_semaphore, #tpu.memory_space<semaphore_mem>>
      %dma_wait3A_1337 = arith.constant 0 : i32
      %dma_wait3A_1338 = arith.constant 0 : i32
      %dma_wait3A_1339 = tpu.memref_slice %arg10[%dma_wait3A_1326, %dma_wait3A_1337, %dma_wait3A_1338] : memref<8x32x128xf32, #tpu.memory_space<vmem>> -> memref<1x32x128xf32, #tpu.memory_space<vmem>>
      %dma_wait3A_1340 = tpu.memref_squeeze %dma_wait3A_1339 : memref<1x32x128xf32, #tpu.memory_space<vmem>> -> memref<32x128xf32, #tpu.memory_space<vmem>>
      %dma_wait3A_1341 = arith.constant 0 : i32
      %dma_wait3A_1342 = arith.constant 0 : i32
      %dma_wait3A_1343 = tpu.memref_slice %arg5[%dma_wait3A_1341, %dma_wait3A_1342] : memref<32x1000000xf32, #tpu.memory_space<hbm>> -> memref<32x128xf32, #tpu.memory_space<hbm>>
      tpu.wait_dma2 semaphore(%dma_wait3A_1336 : memref<!tpu.dma_semaphore, #tpu.memory_space<semaphore_mem>>) src(%dma_wait3A_1343 : memref<32x128xf32, #tpu.memory_space<hbm>>) dst(%dma_wait3A_1340 : memref<32x128xf32, #tpu.memory_space<vmem>>)
      %slice3A_1344 = vector.extract_strided_slice %get3A_346 {offsets = [7], sizes = [1], strides = [1]} : vector<16xi32> to vector<1xi32>
      %squeeze3A_1345 = vector.extract %slice3A_1344[0] : i32 from vector<1xi32>
      %slice3A_1346 = vector.extract_strided_slice %get3A_350 {offsets = [7], sizes = [1], strides = [1]} : vector<16xi32> to vector<1xi32>
      %squeeze3A_1347 = vector.extract %slice3A_1346[0] : i32 from vector<1xi32>
      %broadcast_in_dim3A_1348 = arith.constant 0 : i32
      %broadcast_in_dim3A_1349 = vector.broadcast %broadcast_in_dim3A_1348 : i32 to vector<16xi32>
      %and3A_1350 = arith.constant 127 : i32
      %and3A_1351 = arith.andi %squeeze3A_1345, %and3A_1350 : i32
      %add3A_1352 = vector.broadcast %and3A_1351 : i32 to vector<16xi32>
      %add3A_1353 = arith.addi %broadcast_in_dim3A_1349, %add3A_1352 : vector<16xi32>
      %broadcast_in_dim3A_1354 = arith.constant 0 : i32
      %broadcast_in_dim3A_1355 = vector.broadcast %broadcast_in_dim3A_1354 : i32 to vector<16xi32>
      %and3A_1356 = arith.constant 127 : i32
      %and3A_1357 = arith.andi %squeeze3A_1347, %and3A_1356 : i32
      %add3A_1358 = vector.broadcast %and3A_1357 : i32 to vector<16xi32>
      %add3A_1359 = arith.addi %broadcast_in_dim3A_1355, %add3A_1358 : vector<16xi32>
      %gather3A_1360 = arith.constant 7 : i32
      %gather3A_1361 = arith.constant 0 : i32
      %gather3A_1362 = arith.constant 0 : i32
      %gather3A_1363 = tpu.memref_slice %arg9[%gather3A_1360, %gather3A_1361, %gather3A_1362] : memref<8x32x128xf32, #tpu.memory_space<vmem>> -> memref<1x32x128xf32, #tpu.memory_space<vmem>>
      %gather3A_1364 = tpu.memref_squeeze %gather3A_1363 : memref<1x32x128xf32, #tpu.memory_space<vmem>> -> memref<32x128xf32, #tpu.memory_space<vmem>>
      %gather3A_1365 = tpu.vector_load_idx %gather3A_1364[%iota3A, %add3A_1353] : memref<32x128xf32, #tpu.memory_space<vmem>>[vector<16xi32>, vector<16xi32>], vector<16xf32>,
      %add3A_1366 = arith.constant 16 : i32
      %add3A_1367 = vector.broadcast %add3A_1366 : i32 to vector<16xi32>
      %add3A_1368 = arith.addi %iota3A, %add3A_1367 : vector<16xi32>
      %gather3A_1369 = arith.constant 7 : i32
      %gather3A_1370 = arith.constant 0 : i32
      %gather3A_1371 = arith.constant 0 : i32
      %gather3A_1372 = tpu.memref_slice %arg9[%gather3A_1369, %gather3A_1370, %gather3A_1371] : memref<8x32x128xf32, #tpu.memory_space<vmem>> -> memref<1x32x128xf32, #tpu.memory_space<vmem>>
      %gather3A_1373 = tpu.memref_squeeze %gather3A_1372 : memref<1x32x128xf32, #tpu.memory_space<vmem>> -> memref<32x128xf32, #tpu.memory_space<vmem>>
      %gather3A_1374 = tpu.vector_load_idx %gather3A_1373[%add3A_1368, %add3A_1353] : memref<32x128xf32, #tpu.memory_space<vmem>>[vector<16xi32>, vector<16xi32>], vector<16xf32>,
      %gather3A_1375 = arith.constant 7 : i32
      %gather3A_1376 = arith.constant 0 : i32
      %gather3A_1377 = arith.constant 0 : i32
      %gather3A_1378 = tpu.memref_slice %arg10[%gather3A_1375, %gather3A_1376, %gather3A_1377] : memref<8x32x128xf32, #tpu.memory_space<vmem>> -> memref<1x32x128xf32, #tpu.memory_space<vmem>>
      %gather3A_1379 = tpu.memref_squeeze %gather3A_1378 : memref<1x32x128xf32, #tpu.memory_space<vmem>> -> memref<32x128xf32, #tpu.memory_space<vmem>>
      %gather3A_1380 = tpu.vector_load_idx %gather3A_1379[%iota3A, %add3A_1359] : memref<32x128xf32, #tpu.memory_space<vmem>>[vector<16xi32>, vector<16xi32>], vector<16xf32>,
      %add3A_1381 = arith.constant 16 : i32
      %add3A_1382 = vector.broadcast %add3A_1381 : i32 to vector<16xi32>
      %add3A_1383 = arith.addi %iota3A, %add3A_1382 : vector<16xi32>
      %gather3A_1384 = arith.constant 7 : i32
      %gather3A_1385 = arith.constant 0 : i32
      %gather3A_1386 = arith.constant 0 : i32
      %gather3A_1387 = tpu.memref_slice %arg10[%gather3A_1384, %gather3A_1385, %gather3A_1386] : memref<8x32x128xf32, #tpu.memory_space<vmem>> -> memref<1x32x128xf32, #tpu.memory_space<vmem>>
      %gather3A_1388 = tpu.memref_squeeze %gather3A_1387 : memref<1x32x128xf32, #tpu.memory_space<vmem>> -> memref<32x128xf32, #tpu.memory_space<vmem>>
      %gather3A_1389 = tpu.vector_load_idx %gather3A_1388[%add3A_1383, %add3A_1359] : memref<32x128xf32, #tpu.memory_space<vmem>>[vector<16xi32>, vector<16xi32>], vector<16xf32>,
      %mul3A_1390 = arith.mulf %gather3A_1365, %gather3A_1380 : vector<16xf32>
      %mul3A_1391 = arith.mulf %gather3A_1374, %gather3A_1389 : vector<16xf32>
      %add3A_1392 = arith.addf %mul3A_1390, %mul3A_1391 : vector<16xf32>
      %reduce_sum3A_1393 = arith.constant true
      %reduce_sum3A_1394 = vector.broadcast %reduce_sum3A_1393 : i1 to vector<16xi1>
      %reduce_sum3A_1395 = tpu.scan <sum>, %add3A_1392 masked %reduce_sum3A_1394 : vector<16xf32>, vector<16xi1> -> vector<16xf32>
      %reduce_sum3A_1396 = vector.extract %reduce_sum3A_1395[15] : f32 from vector<16xf32>
      %slice3A_1397 = vector.extract_strided_slice %get3A_346 {offsets = [15], sizes = [1], strides = [1]} : vector<16xi32> to vector<1xi32>
      %squeeze3A_1398 = vector.extract %slice3A_1397[0] : i32 from vector<1xi32>
      %slice3A_1399 = vector.extract_strided_slice %get3A_350 {offsets = [15], sizes = [1], strides = [1]} : vector<16xi32> to vector<1xi32>
      %squeeze3A_1400 = vector.extract %slice3A_1399[0] : i32 from vector<1xi32>
      %and3A_1401 = arith.constant -128 : i32
      %and3A_1402 = arith.andi %squeeze3A_1398, %and3A_1401 : i32
      %multiple_of3A_1403 = tpu.assume_multiple %and3A_1402, 128 : i32
      %and3A_1404 = arith.constant -128 : i32
      %and3A_1405 = arith.andi %squeeze3A_1400, %and3A_1404 : i32
      %multiple_of3A_1406 = tpu.assume_multiple %and3A_1405, 128 : i32
      %dma_start3A_1407 = arith.constant 7 : i32
      %dma_start3A_1408 = arith.constant 7 : i32
      %dma_start3A_1409 = arith.constant 0 : i32
      %dma_start3A_1410 = arith.constant 0 : i32
      %dma_start3A_1411 = tpu.memref_slice %arg9[%dma_start3A_1407, %dma_start3A_1409, %dma_start3A_1410] : memref<8x32x128xf32, #tpu.memory_space<vmem>> -> memref<1x32x128xf32, #tpu.memory_space<vmem>>
      %dma_start3A_1412 = tpu.memref_squeeze %dma_start3A_1411 : memref<1x32x128xf32, #tpu.memory_space<vmem>> -> memref<32x128xf32, #tpu.memory_space<vmem>>
      %dma_start3A_1413 = arith.constant 0 : i32
      %dma_start3A_1414 = tpu.memref_slice %arg4[%dma_start3A_1413, %multiple_of3A_1403] : memref<32x1000000xf32, #tpu.memory_space<hbm>> -> memref<32x128xf32, #tpu.memory_space<hbm>>
      %dma_start3A_1415 = tpu.memref_slice %arg12[%dma_start3A_1408] : memref<8x!tpu.dma_semaphore, #tpu.memory_space<semaphore_mem>> -> memref<1x!tpu.dma_semaphore, #tpu.memory_space<semaphore_mem>>
      %dma_start3A_1416 = tpu.memref_squeeze %dma_start3A_1415 : memref<1x!tpu.dma_semaphore, #tpu.memory_space<semaphore_mem>> -> memref<!tpu.dma_semaphore, #tpu.memory_space<semaphore_mem>>
      %dma_start3A_1417 = arith.constant 0 : i32
      %dma_start3A_1418 = arith.constant 0 : i32
      %dma_start3A_1419 = tpu.memref_slice %arg9[%dma_start3A_1407, %dma_start3A_1417, %dma_start3A_1418] : memref<8x32x128xf32, #tpu.memory_space<vmem>> -> memref<1x32x128xf32, #tpu.memory_space<vmem>>
      %dma_start3A_1420 = tpu.memref_squeeze %dma_start3A_1419 : memref<1x32x128xf32, #tpu.memory_space<vmem>> -> memref<32x128xf32, #tpu.memory_space<vmem>>
      %dma_start3A_1421 = arith.constant 0 : i32
      %dma_start3A_1422 = tpu.memref_slice %arg4[%dma_start3A_1421, %multiple_of3A_1403] : memref<32x1000000xf32, #tpu.memory_space<hbm>> -> memref<32x128xf32, #tpu.memory_space<hbm>>
      tpu.enqueue_dma source(%dma_start3A_1422 : memref<32x128xf32, #tpu.memory_space<hbm>>) target(%dma_start3A_1420 : memref<32x128xf32, #tpu.memory_space<vmem>>) target_semaphore(%dma_start3A_1416 : memref<!tpu.dma_semaphore, #tpu.memory_space<semaphore_mem>>)
      %dma_start3A_1423 = arith.constant 7 : i32
      %dma_start3A_1424 = arith.constant 7 : i32
      %dma_start3A_1425 = arith.constant 0 : i32
      %dma_start3A_1426 = arith.constant 0 : i32
      %dma_start3A_1427 = tpu.memref_slice %arg10[%dma_start3A_1423, %dma_start3A_1425, %dma_start3A_1426] : memref<8x32x128xf32, #tpu.memory_space<vmem>> -> memref<1x32x128xf32, #tpu.memory_space<vmem>>
      %dma_start3A_1428 = tpu.memref_squeeze %dma_start3A_1427 : memref<1x32x128xf32, #tpu.memory_space<vmem>> -> memref<32x128xf32, #tpu.memory_space<vmem>>
      %dma_start3A_1429 = arith.constant 0 : i32
      %dma_start3A_1430 = tpu.memref_slice %arg5[%dma_start3A_1429, %multiple_of3A_1406] : memref<32x1000000xf32, #tpu.memory_space<hbm>> -> memref<32x128xf32, #tpu.memory_space<hbm>>
      %dma_start3A_1431 = tpu.memref_slice %arg13[%dma_start3A_1424] : memref<8x!tpu.dma_semaphore, #tpu.memory_space<semaphore_mem>> -> memref<1x!tpu.dma_semaphore, #tpu.memory_space<semaphore_mem>>
      %dma_start3A_1432 = tpu.memref_squeeze %dma_start3A_1431 : memref<1x!tpu.dma_semaphore, #tpu.memory_space<semaphore_mem>> -> memref<!tpu.dma_semaphore, #tpu.memory_space<semaphore_mem>>
      %dma_start3A_1433 = arith.constant 0 : i32
      %dma_start3A_1434 = arith.constant 0 : i32
      %dma_start3A_1435 = tpu.memref_slice %arg10[%dma_start3A_1423, %dma_start3A_1433, %dma_start3A_1434] : memref<8x32x128xf32, #tpu.memory_space<vmem>> -> memref<1x32x128xf32, #tpu.memory_space<vmem>>
      %dma_start3A_1436 = tpu.memref_squeeze %dma_start3A_1435 : memref<1x32x128xf32, #tpu.memory_space<vmem>> -> memref<32x128xf32, #tpu.memory_space<vmem>>
      %dma_start3A_1437 = arith.constant 0 : i32
      %dma_start3A_1438 = tpu.memref_slice %arg5[%dma_start3A_1437, %multiple_of3A_1406] : memref<32x1000000xf32, #tpu.memory_space<hbm>> -> memref<32x128xf32, #tpu.memory_space<hbm>>
      tpu.enqueue_dma source(%dma_start3A_1438 : memref<32x128xf32, #tpu.memory_space<hbm>>) target(%dma_start3A_1436 : memref<32x128xf32, #tpu.memory_space<vmem>>) target_semaphore(%dma_start3A_1432 : memref<!tpu.dma_semaphore, #tpu.memory_space<semaphore_mem>>)
      %eq3A_1439 = arith.constant 7 : i32
      %eq3A_1440 = vector.broadcast %eq3A_1439 : i32 to vector<16xi32>
      %eq3A_1441 = arith.cmpi eq, %iota3A, %eq3A_1440 : vector<16xi32>
      %broadcast_in_dim3A_1442 = vector.broadcast %reduce_sum3A_1396 : f32 to vector<16xf32>
      %select_n3A_1443 = arith.select %eq3A_1441, %broadcast_in_dim3A_1442, %select_n3A_1307 : vector<16xi1>, vector<16xf32>
      %dma_wait3A_1444 = arith.constant 0 : i32
      %dma_wait3A_1445 = arith.constant 0 : i32
      %dma_wait3A_1446 = arith.constant 0 : i32
      %dma_wait3A_1447 = arith.constant 0 : i32
      %dma_wait3A_1448 = tpu.memref_slice %arg9[%dma_wait3A_1444, %dma_wait3A_1446, %dma_wait3A_1447] : memref<8x32x128xf32, #tpu.memory_space<vmem>> -> memref<1x32x128xf32, #tpu.memory_space<vmem>>
      %dma_wait3A_1449 = tpu.memref_squeeze %dma_wait3A_1448 : memref<1x32x128xf32, #tpu.memory_space<vmem>> -> memref<32x128xf32, #tpu.memory_space<vmem>>
      %dma_wait3A_1450 = arith.constant 0 : i32
      %dma_wait3A_1451 = arith.constant 0 : i32
      %dma_wait3A_1452 = tpu.memref_slice %arg4[%dma_wait3A_1450, %dma_wait3A_1451] : memref<32x1000000xf32, #tpu.memory_space<hbm>> -> memref<32x128xf32, #tpu.memory_space<hbm>>
      %dma_wait3A_1453 = tpu.memref_slice %arg12[%dma_wait3A_1445] : memref<8x!tpu.dma_semaphore, #tpu.memory_space<semaphore_mem>> -> memref<1x!tpu.dma_semaphore, #tpu.memory_space<semaphore_mem>>
      %dma_wait3A_1454 = tpu.memref_squeeze %dma_wait3A_1453 : memref<1x!tpu.dma_semaphore, #tpu.memory_space<semaphore_mem>> -> memref<!tpu.dma_semaphore, #tpu.memory_space<semaphore_mem>>
      %dma_wait3A_1455 = arith.constant 0 : i32
      %dma_wait3A_1456 = arith.constant 0 : i32
      %dma_wait3A_1457 = tpu.memref_slice %arg9[%dma_wait3A_1444, %dma_wait3A_1455, %dma_wait3A_1456] : memref<8x32x128xf32, #tpu.memory_space<vmem>> -> memref<1x32x128xf32, #tpu.memory_space<vmem>>
      %dma_wait3A_1458 = tpu.memref_squeeze %dma_wait3A_1457 : memref<1x32x128xf32, #tpu.memory_space<vmem>> -> memref<32x128xf32, #tpu.memory_space<vmem>>
      %dma_wait3A_1459 = arith.constant 0 : i32
      %dma_wait3A_1460 = arith.constant 0 : i32
      %dma_wait3A_1461 = tpu.memref_slice %arg4[%dma_wait3A_1459, %dma_wait3A_1460] : memref<32x1000000xf32, #tpu.memory_space<hbm>> -> memref<32x128xf32, #tpu.memory_space<hbm>>
      tpu.wait_dma2 semaphore(%dma_wait3A_1454 : memref<!tpu.dma_semaphore, #tpu.memory_space<semaphore_mem>>) src(%dma_wait3A_1461 : memref<32x128xf32, #tpu.memory_space<hbm>>) dst(%dma_wait3A_1458 : memref<32x128xf32, #tpu.memory_space<vmem>>)
      %dma_wait3A_1462 = arith.constant 0 : i32
      %dma_wait3A_1463 = arith.constant 0 : i32
      %dma_wait3A_1464 = arith.constant 0 : i32
      %dma_wait3A_1465 = arith.constant 0 : i32
      %dma_wait3A_1466 = tpu.memref_slice %arg10[%dma_wait3A_1462, %dma_wait3A_1464, %dma_wait3A_1465] : memref<8x32x128xf32, #tpu.memory_space<vmem>> -> memref<1x32x128xf32, #tpu.memory_space<vmem>>
      %dma_wait3A_1467 = tpu.memref_squeeze %dma_wait3A_1466 : memref<1x32x128xf32, #tpu.memory_space<vmem>> -> memref<32x128xf32, #tpu.memory_space<vmem>>
      %dma_wait3A_1468 = arith.constant 0 : i32
      %dma_wait3A_1469 = arith.constant 0 : i32
      %dma_wait3A_1470 = tpu.memref_slice %arg5[%dma_wait3A_1468, %dma_wait3A_1469] : memref<32x1000000xf32, #tpu.memory_space<hbm>> -> memref<32x128xf32, #tpu.memory_space<hbm>>
      %dma_wait3A_1471 = tpu.memref_slice %arg13[%dma_wait3A_1463] : memref<8x!tpu.dma_semaphore, #tpu.memory_space<semaphore_mem>> -> memref<1x!tpu.dma_semaphore, #tpu.memory_space<semaphore_mem>>
      %dma_wait3A_1472 = tpu.memref_squeeze %dma_wait3A_1471 : memref<1x!tpu.dma_semaphore, #tpu.memory_space<semaphore_mem>> -> memref<!tpu.dma_semaphore, #tpu.memory_space<semaphore_mem>>
      %dma_wait3A_1473 = arith.constant 0 : i32
      %dma_wait3A_1474 = arith.constant 0 : i32
      %dma_wait3A_1475 = tpu.memref_slice %arg10[%dma_wait3A_1462, %dma_wait3A_1473, %dma_wait3A_1474] : memref<8x32x128xf32, #tpu.memory_space<vmem>> -> memref<1x32x128xf32, #tpu.memory_space<vmem>>
      %dma_wait3A_1476 = tpu.memref_squeeze %dma_wait3A_1475 : memref<1x32x128xf32, #tpu.memory_space<vmem>> -> memref<32x128xf32, #tpu.memory_space<vmem>>
      %dma_wait3A_1477 = arith.constant 0 : i32
      %dma_wait3A_1478 = arith.constant 0 : i32
      %dma_wait3A_1479 = tpu.memref_slice %arg5[%dma_wait3A_1477, %dma_wait3A_1478] : memref<32x1000000xf32, #tpu.memory_space<hbm>> -> memref<32x128xf32, #tpu.memory_space<hbm>>
      tpu.wait_dma2 semaphore(%dma_wait3A_1472 : memref<!tpu.dma_semaphore, #tpu.memory_space<semaphore_mem>>) src(%dma_wait3A_1479 : memref<32x128xf32, #tpu.memory_space<hbm>>) dst(%dma_wait3A_1476 : memref<32x128xf32, #tpu.memory_space<vmem>>)
      %slice3A_1480 = vector.extract_strided_slice %get3A_346 {offsets = [8], sizes = [1], strides = [1]} : vector<16xi32> to vector<1xi32>
      %squeeze3A_1481 = vector.extract %slice3A_1480[0] : i32 from vector<1xi32>
      %slice3A_1482 = vector.extract_strided_slice %get3A_350 {offsets = [8], sizes = [1], strides = [1]} : vector<16xi32> to vector<1xi32>
      %squeeze3A_1483 = vector.extract %slice3A_1482[0] : i32 from vector<1xi32>
      %broadcast_in_dim3A_1484 = arith.constant 0 : i32
      %broadcast_in_dim3A_1485 = vector.broadcast %broadcast_in_dim3A_1484 : i32 to vector<16xi32>
      %and3A_1486 = arith.constant 127 : i32
      %and3A_1487 = arith.andi %squeeze3A_1481, %and3A_1486 : i32
      %add3A_1488 = vector.broadcast %and3A_1487 : i32 to vector<16xi32>
      %add3A_1489 = arith.addi %broadcast_in_dim3A_1485, %add3A_1488 : vector<16xi32>
      %broadcast_in_dim3A_1490 = arith.constant 0 : i32
      %broadcast_in_dim3A_1491 = vector.broadcast %broadcast_in_dim3A_1490 : i32 to vector<16xi32>
      %and3A_1492 = arith.constant 127 : i32
      %and3A_1493 = arith.andi %squeeze3A_1483, %and3A_1492 : i32
      %add3A_1494 = vector.broadcast %and3A_1493 : i32 to vector<16xi32>
      %add3A_1495 = arith.addi %broadcast_in_dim3A_1491, %add3A_1494 : vector<16xi32>
      %gather3A_1496 = arith.constant 0 : i32
      %gather3A_1497 = arith.constant 0 : i32
      %gather3A_1498 = arith.constant 0 : i32
      %gather3A_1499 = tpu.memref_slice %arg9[%gather3A_1496, %gather3A_1497, %gather3A_1498] : memref<8x32x128xf32, #tpu.memory_space<vmem>> -> memref<1x32x128xf32, #tpu.memory_space<vmem>>
      %gather3A_1500 = tpu.memref_squeeze %gather3A_1499 : memref<1x32x128xf32, #tpu.memory_space<vmem>> -> memref<32x128xf32, #tpu.memory_space<vmem>>
      %gather3A_1501 = tpu.vector_load_idx %gather3A_1500[%iota3A, %add3A_1489] : memref<32x128xf32, #tpu.memory_space<vmem>>[vector<16xi32>, vector<16xi32>], vector<16xf32>,
      %add3A_1502 = arith.constant 16 : i32
      %add3A_1503 = vector.broadcast %add3A_1502 : i32 to vector<16xi32>
      %add3A_1504 = arith.addi %iota3A, %add3A_1503 : vector<16xi32>
      %gather3A_1505 = arith.constant 0 : i32
      %gather3A_1506 = arith.constant 0 : i32
      %gather3A_1507 = arith.constant 0 : i32
      %gather3A_1508 = tpu.memref_slice %arg9[%gather3A_1505, %gather3A_1506, %gather3A_1507] : memref<8x32x128xf32, #tpu.memory_space<vmem>> -> memref<1x32x128xf32, #tpu.memory_space<vmem>>
      %gather3A_1509 = tpu.memref_squeeze %gather3A_1508 : memref<1x32x128xf32, #tpu.memory_space<vmem>> -> memref<32x128xf32, #tpu.memory_space<vmem>>
      %gather3A_1510 = tpu.vector_load_idx %gather3A_1509[%add3A_1504, %add3A_1489] : memref<32x128xf32, #tpu.memory_space<vmem>>[vector<16xi32>, vector<16xi32>], vector<16xf32>,
      %gather3A_1511 = arith.constant 0 : i32
      %gather3A_1512 = arith.constant 0 : i32
      %gather3A_1513 = arith.constant 0 : i32
      %gather3A_1514 = tpu.memref_slice %arg10[%gather3A_1511, %gather3A_1512, %gather3A_1513] : memref<8x32x128xf32, #tpu.memory_space<vmem>> -> memref<1x32x128xf32, #tpu.memory_space<vmem>>
      %gather3A_1515 = tpu.memref_squeeze %gather3A_1514 : memref<1x32x128xf32, #tpu.memory_space<vmem>> -> memref<32x128xf32, #tpu.memory_space<vmem>>
      %gather3A_1516 = tpu.vector_load_idx %gather3A_1515[%iota3A, %add3A_1495] : memref<32x128xf32, #tpu.memory_space<vmem>>[vector<16xi32>, vector<16xi32>], vector<16xf32>,
      %add3A_1517 = arith.constant 16 : i32
      %add3A_1518 = vector.broadcast %add3A_1517 : i32 to vector<16xi32>
      %add3A_1519 = arith.addi %iota3A, %add3A_1518 : vector<16xi32>
      %gather3A_1520 = arith.constant 0 : i32
      %gather3A_1521 = arith.constant 0 : i32
      %gather3A_1522 = arith.constant 0 : i32
      %gather3A_1523 = tpu.memref_slice %arg10[%gather3A_1520, %gather3A_1521, %gather3A_1522] : memref<8x32x128xf32, #tpu.memory_space<vmem>> -> memref<1x32x128xf32, #tpu.memory_space<vmem>>
      %gather3A_1524 = tpu.memref_squeeze %gather3A_1523 : memref<1x32x128xf32, #tpu.memory_space<vmem>> -> memref<32x128xf32, #tpu.memory_space<vmem>>
      %gather3A_1525 = tpu.vector_load_idx %gather3A_1524[%add3A_1519, %add3A_1495] : memref<32x128xf32, #tpu.memory_space<vmem>>[vector<16xi32>, vector<16xi32>], vector<16xf32>,
      %mul3A_1526 = arith.mulf %gather3A_1501, %gather3A_1516 : vector<16xf32>
      %mul3A_1527 = arith.mulf %gather3A_1510, %gather3A_1525 : vector<16xf32>
      %add3A_1528 = arith.addf %mul3A_1526, %mul3A_1527 : vector<16xf32>
      %reduce_sum3A_1529 = arith.constant true
      %reduce_sum3A_1530 = vector.broadcast %reduce_sum3A_1529 : i1 to vector<16xi1>
      %reduce_sum3A_1531 = tpu.scan <sum>, %add3A_1528 masked %reduce_sum3A_1530 : vector<16xf32>, vector<16xi1> -> vector<16xf32>
      %reduce_sum3A_1532 = vector.extract %reduce_sum3A_1531[15] : f32 from vector<16xf32>
      %add3A_1533 = arith.constant 1 : i32
      %add3A_1534 = arith.addi %scan3A_342, %add3A_1533 : i32
      %lt3A = arith.constant 32 : i32
      %lt3A_1535 = arith.cmpi slt, %add3A_1534, %lt3A : i32
      %convert_element_type3A = arith.extui %lt3A_1535 : i1 to i32
      %cond3A = arith.constant 0 : i32
      %cond3A_1536 = arith.cmpi ne, %convert_element_type3A, %cond3A : i32
      scf.if %cond3A_1536 {
        %slice3A_2252 = vector.extract_strided_slice %get3A_357 {offsets = [0], sizes = [1], strides = [1]} : vector<16xi32> to vector<1xi32>
        %squeeze3A_2253 = vector.extract %slice3A_2252[0] : i32 from vector<1xi32>
        %slice3A_2254 = vector.extract_strided_slice %get3A_359 {offsets = [0], sizes = [1], strides = [1]} : vector<16xi32> to vector<1xi32>
        %squeeze3A_2255 = vector.extract %slice3A_2254[0] : i32 from vector<1xi32>
        %and3A_2256 = arith.constant -128 : i32
        %and3A_2257 = arith.andi %squeeze3A_2253, %and3A_2256 : i32
        %multiple_of3A_2258 = tpu.assume_multiple %and3A_2257, 128 : i32
        %and3A_2259 = arith.constant -128 : i32
        %and3A_2260 = arith.andi %squeeze3A_2255, %and3A_2259 : i32
        %multiple_of3A_2261 = tpu.assume_multiple %and3A_2260, 128 : i32
        %dma_start3A_2262 = arith.constant 0 : i32
        %dma_start3A_2263 = arith.constant 0 : i32
        %dma_start3A_2264 = arith.constant 0 : i32
        %dma_start3A_2265 = arith.constant 0 : i32
        %dma_start3A_2266 = tpu.memref_slice %arg9[%dma_start3A_2262, %dma_start3A_2264, %dma_start3A_2265] : memref<8x32x128xf32, #tpu.memory_space<vmem>> -> memref<1x32x128xf32, #tpu.memory_space<vmem>>
        %dma_start3A_2267 = tpu.memref_squeeze %dma_start3A_2266 : memref<1x32x128xf32, #tpu.memory_space<vmem>> -> memref<32x128xf32, #tpu.memory_space<vmem>>
        %dma_start3A_2268 = arith.constant 0 : i32
        %dma_start3A_2269 = tpu.memref_slice %arg4[%dma_start3A_2268, %multiple_of3A_2258] : memref<32x1000000xf32, #tpu.memory_space<hbm>> -> memref<32x128xf32, #tpu.memory_space<hbm>>
        %dma_start3A_2270 = tpu.memref_slice %arg12[%dma_start3A_2263] : memref<8x!tpu.dma_semaphore, #tpu.memory_space<semaphore_mem>> -> memref<1x!tpu.dma_semaphore, #tpu.memory_space<semaphore_mem>>
        %dma_start3A_2271 = tpu.memref_squeeze %dma_start3A_2270 : memref<1x!tpu.dma_semaphore, #tpu.memory_space<semaphore_mem>> -> memref<!tpu.dma_semaphore, #tpu.memory_space<semaphore_mem>>
        %dma_start3A_2272 = arith.constant 0 : i32
        %dma_start3A_2273 = arith.constant 0 : i32
        %dma_start3A_2274 = tpu.memref_slice %arg9[%dma_start3A_2262, %dma_start3A_2272, %dma_start3A_2273] : memref<8x32x128xf32, #tpu.memory_space<vmem>> -> memref<1x32x128xf32, #tpu.memory_space<vmem>>
        %dma_start3A_2275 = tpu.memref_squeeze %dma_start3A_2274 : memref<1x32x128xf32, #tpu.memory_space<vmem>> -> memref<32x128xf32, #tpu.memory_space<vmem>>
        %dma_start3A_2276 = arith.constant 0 : i32
        %dma_start3A_2277 = tpu.memref_slice %arg4[%dma_start3A_2276, %multiple_of3A_2258] : memref<32x1000000xf32, #tpu.memory_space<hbm>> -> memref<32x128xf32, #tpu.memory_space<hbm>>
        tpu.enqueue_dma source(%dma_start3A_2277 : memref<32x128xf32, #tpu.memory_space<hbm>>) target(%dma_start3A_2275 : memref<32x128xf32, #tpu.memory_space<vmem>>) target_semaphore(%dma_start3A_2271 : memref<!tpu.dma_semaphore, #tpu.memory_space<semaphore_mem>>)
        %dma_start3A_2278 = arith.constant 0 : i32
        %dma_start3A_2279 = arith.constant 0 : i32
        %dma_start3A_2280 = arith.constant 0 : i32
        %dma_start3A_2281 = arith.constant 0 : i32
        %dma_start3A_2282 = tpu.memref_slice %arg10[%dma_start3A_2278, %dma_start3A_2280, %dma_start3A_2281] : memref<8x32x128xf32, #tpu.memory_space<vmem>> -> memref<1x32x128xf32, #tpu.memory_space<vmem>>
        %dma_start3A_2283 = tpu.memref_squeeze %dma_start3A_2282 : memref<1x32x128xf32, #tpu.memory_space<vmem>> -> memref<32x128xf32, #tpu.memory_space<vmem>>
        %dma_start3A_2284 = arith.constant 0 : i32
        %dma_start3A_2285 = tpu.memref_slice %arg5[%dma_start3A_2284, %multiple_of3A_2261] : memref<32x1000000xf32, #tpu.memory_space<hbm>> -> memref<32x128xf32, #tpu.memory_space<hbm>>
        %dma_start3A_2286 = tpu.memref_slice %arg13[%dma_start3A_2279] : memref<8x!tpu.dma_semaphore, #tpu.memory_space<semaphore_mem>> -> memref<1x!tpu.dma_semaphore, #tpu.memory_space<semaphore_mem>>
        %dma_start3A_2287 = tpu.memref_squeeze %dma_start3A_2286 : memref<1x!tpu.dma_semaphore, #tpu.memory_space<semaphore_mem>> -> memref<!tpu.dma_semaphore, #tpu.memory_space<semaphore_mem>>
        %dma_start3A_2288 = arith.constant 0 : i32
        %dma_start3A_2289 = arith.constant 0 : i32
        %dma_start3A_2290 = tpu.memref_slice %arg10[%dma_start3A_2278, %dma_start3A_2288, %dma_start3A_2289] : memref<8x32x128xf32, #tpu.memory_space<vmem>> -> memref<1x32x128xf32, #tpu.memory_space<vmem>>
        %dma_start3A_2291 = tpu.memref_squeeze %dma_start3A_2290 : memref<1x32x128xf32, #tpu.memory_space<vmem>> -> memref<32x128xf32, #tpu.memory_space<vmem>>
        %dma_start3A_2292 = arith.constant 0 : i32
        %dma_start3A_2293 = tpu.memref_slice %arg5[%dma_start3A_2292, %multiple_of3A_2261] : memref<32x1000000xf32, #tpu.memory_space<hbm>> -> memref<32x128xf32, #tpu.memory_space<hbm>>
        tpu.enqueue_dma source(%dma_start3A_2293 : memref<32x128xf32, #tpu.memory_space<hbm>>) target(%dma_start3A_2291 : memref<32x128xf32, #tpu.memory_space<vmem>>) target_semaphore(%dma_start3A_2287 : memref<!tpu.dma_semaphore, #tpu.memory_space<semaphore_mem>>)
      } else {
      }
      %eq3A_1537 = arith.constant 8 : i32
      %eq3A_1538 = vector.broadcast %eq3A_1537 : i32 to vector<16xi32>
      %eq3A_1539 = arith.cmpi eq, %iota3A, %eq3A_1538 : vector<16xi32>
      %broadcast_in_dim3A_1540 = vector.broadcast %reduce_sum3A_1532 : f32 to vector<16xf32>
      %select_n3A_1541 = arith.select %eq3A_1539, %broadcast_in_dim3A_1540, %select_n3A_1443 : vector<16xi1>, vector<16xf32>
      %dma_wait3A_1542 = arith.constant 1 : i32
      %dma_wait3A_1543 = arith.constant 1 : i32
      %dma_wait3A_1544 = arith.constant 0 : i32
      %dma_wait3A_1545 = arith.constant 0 : i32
      %dma_wait3A_1546 = tpu.memref_slice %arg9[%dma_wait3A_1542, %dma_wait3A_1544, %dma_wait3A_1545] : memref<8x32x128xf32, #tpu.memory_space<vmem>> -> memref<1x32x128xf32, #tpu.memory_space<vmem>>
      %dma_wait3A_1547 = tpu.memref_squeeze %dma_wait3A_1546 : memref<1x32x128xf32, #tpu.memory_space<vmem>> -> memref<32x128xf32, #tpu.memory_space<vmem>>
      %dma_wait3A_1548 = arith.constant 0 : i32
      %dma_wait3A_1549 = arith.constant 0 : i32
      %dma_wait3A_1550 = tpu.memref_slice %arg4[%dma_wait3A_1548, %dma_wait3A_1549] : memref<32x1000000xf32, #tpu.memory_space<hbm>> -> memref<32x128xf32, #tpu.memory_space<hbm>>
      %dma_wait3A_1551 = tpu.memref_slice %arg12[%dma_wait3A_1543] : memref<8x!tpu.dma_semaphore, #tpu.memory_space<semaphore_mem>> -> memref<1x!tpu.dma_semaphore, #tpu.memory_space<semaphore_mem>>
      %dma_wait3A_1552 = tpu.memref_squeeze %dma_wait3A_1551 : memref<1x!tpu.dma_semaphore, #tpu.memory_space<semaphore_mem>> -> memref<!tpu.dma_semaphore, #tpu.memory_space<semaphore_mem>>
      %dma_wait3A_1553 = arith.constant 0 : i32
      %dma_wait3A_1554 = arith.constant 0 : i32
      %dma_wait3A_1555 = tpu.memref_slice %arg9[%dma_wait3A_1542, %dma_wait3A_1553, %dma_wait3A_1554] : memref<8x32x128xf32, #tpu.memory_space<vmem>> -> memref<1x32x128xf32, #tpu.memory_space<vmem>>
      %dma_wait3A_1556 = tpu.memref_squeeze %dma_wait3A_1555 : memref<1x32x128xf32, #tpu.memory_space<vmem>> -> memref<32x128xf32, #tpu.memory_space<vmem>>
      %dma_wait3A_1557 = arith.constant 0 : i32
      %dma_wait3A_1558 = arith.constant 0 : i32
      %dma_wait3A_1559 = tpu.memref_slice %arg4[%dma_wait3A_1557, %dma_wait3A_1558] : memref<32x1000000xf32, #tpu.memory_space<hbm>> -> memref<32x128xf32, #tpu.memory_space<hbm>>
      tpu.wait_dma2 semaphore(%dma_wait3A_1552 : memref<!tpu.dma_semaphore, #tpu.memory_space<semaphore_mem>>) src(%dma_wait3A_1559 : memref<32x128xf32, #tpu.memory_space<hbm>>) dst(%dma_wait3A_1556 : memref<32x128xf32, #tpu.memory_space<vmem>>)
      %dma_wait3A_1560 = arith.constant 1 : i32
      %dma_wait3A_1561 = arith.constant 1 : i32
      %dma_wait3A_1562 = arith.constant 0 : i32
      %dma_wait3A_1563 = arith.constant 0 : i32
      %dma_wait3A_1564 = tpu.memref_slice %arg10[%dma_wait3A_1560, %dma_wait3A_1562, %dma_wait3A_1563] : memref<8x32x128xf32, #tpu.memory_space<vmem>> -> memref<1x32x128xf32, #tpu.memory_space<vmem>>
      %dma_wait3A_1565 = tpu.memref_squeeze %dma_wait3A_1564 : memref<1x32x128xf32, #tpu.memory_space<vmem>> -> memref<32x128xf32, #tpu.memory_space<vmem>>
      %dma_wait3A_1566 = arith.constant 0 : i32
      %dma_wait3A_1567 = arith.constant 0 : i32
      %dma_wait3A_1568 = tpu.memref_slice %arg5[%dma_wait3A_1566, %dma_wait3A_1567] : memref<32x1000000xf32, #tpu.memory_space<hbm>> -> memref<32x128xf32, #tpu.memory_space<hbm>>
      %dma_wait3A_1569 = tpu.memref_slice %arg13[%dma_wait3A_1561] : memref<8x!tpu.dma_semaphore, #tpu.memory_space<semaphore_mem>> -> memref<1x!tpu.dma_semaphore, #tpu.memory_space<semaphore_mem>>
      %dma_wait3A_1570 = tpu.memref_squeeze %dma_wait3A_1569 : memref<1x!tpu.dma_semaphore, #tpu.memory_space<semaphore_mem>> -> memref<!tpu.dma_semaphore, #tpu.memory_space<semaphore_mem>>
      %dma_wait3A_1571 = arith.constant 0 : i32
      %dma_wait3A_1572 = arith.constant 0 : i32
      %dma_wait3A_1573 = tpu.memref_slice %arg10[%dma_wait3A_1560, %dma_wait3A_1571, %dma_wait3A_1572] : memref<8x32x128xf32, #tpu.memory_space<vmem>> -> memref<1x32x128xf32, #tpu.memory_space<vmem>>
      %dma_wait3A_1574 = tpu.memref_squeeze %dma_wait3A_1573 : memref<1x32x128xf32, #tpu.memory_space<vmem>> -> memref<32x128xf32, #tpu.memory_space<vmem>>
      %dma_wait3A_1575 = arith.constant 0 : i32
      %dma_wait3A_1576 = arith.constant 0 : i32
      %dma_wait3A_1577 = tpu.memref_slice %arg5[%dma_wait3A_1575, %dma_wait3A_1576] : memref<32x1000000xf32, #tpu.memory_space<hbm>> -> memref<32x128xf32, #tpu.memory_space<hbm>>
      tpu.wait_dma2 semaphore(%dma_wait3A_1570 : memref<!tpu.dma_semaphore, #tpu.memory_space<semaphore_mem>>) src(%dma_wait3A_1577 : memref<32x128xf32, #tpu.memory_space<hbm>>) dst(%dma_wait3A_1574 : memref<32x128xf32, #tpu.memory_space<vmem>>)
      %slice3A_1578 = vector.extract_strided_slice %get3A_346 {offsets = [9], sizes = [1], strides = [1]} : vector<16xi32> to vector<1xi32>
      %squeeze3A_1579 = vector.extract %slice3A_1578[0] : i32 from vector<1xi32>
      %slice3A_1580 = vector.extract_strided_slice %get3A_350 {offsets = [9], sizes = [1], strides = [1]} : vector<16xi32> to vector<1xi32>
      %squeeze3A_1581 = vector.extract %slice3A_1580[0] : i32 from vector<1xi32>
      %broadcast_in_dim3A_1582 = arith.constant 0 : i32
      %broadcast_in_dim3A_1583 = vector.broadcast %broadcast_in_dim3A_1582 : i32 to vector<16xi32>
      %and3A_1584 = arith.constant 127 : i32
      %and3A_1585 = arith.andi %squeeze3A_1579, %and3A_1584 : i32
      %add3A_1586 = vector.broadcast %and3A_1585 : i32 to vector<16xi32>
      %add3A_1587 = arith.addi %broadcast_in_dim3A_1583, %add3A_1586 : vector<16xi32>
      %broadcast_in_dim3A_1588 = arith.constant 0 : i32
      %broadcast_in_dim3A_1589 = vector.broadcast %broadcast_in_dim3A_1588 : i32 to vector<16xi32>
      %and3A_1590 = arith.constant 127 : i32
      %and3A_1591 = arith.andi %squeeze3A_1581, %and3A_1590 : i32
      %add3A_1592 = vector.broadcast %and3A_1591 : i32 to vector<16xi32>
      %add3A_1593 = arith.addi %broadcast_in_dim3A_1589, %add3A_1592 : vector<16xi32>
      %gather3A_1594 = arith.constant 1 : i32
      %gather3A_1595 = arith.constant 0 : i32
      %gather3A_1596 = arith.constant 0 : i32
      %gather3A_1597 = tpu.memref_slice %arg9[%gather3A_1594, %gather3A_1595, %gather3A_1596] : memref<8x32x128xf32, #tpu.memory_space<vmem>> -> memref<1x32x128xf32, #tpu.memory_space<vmem>>
      %gather3A_1598 = tpu.memref_squeeze %gather3A_1597 : memref<1x32x128xf32, #tpu.memory_space<vmem>> -> memref<32x128xf32, #tpu.memory_space<vmem>>
      %gather3A_1599 = tpu.vector_load_idx %gather3A_1598[%iota3A, %add3A_1587] : memref<32x128xf32, #tpu.memory_space<vmem>>[vector<16xi32>, vector<16xi32>], vector<16xf32>,
      %add3A_1600 = arith.constant 16 : i32
      %add3A_1601 = vector.broadcast %add3A_1600 : i32 to vector<16xi32>
      %add3A_1602 = arith.addi %iota3A, %add3A_1601 : vector<16xi32>
      %gather3A_1603 = arith.constant 1 : i32
      %gather3A_1604 = arith.constant 0 : i32
      %gather3A_1605 = arith.constant 0 : i32
      %gather3A_1606 = tpu.memref_slice %arg9[%gather3A_1603, %gather3A_1604, %gather3A_1605] : memref<8x32x128xf32, #tpu.memory_space<vmem>> -> memref<1x32x128xf32, #tpu.memory_space<vmem>>
      %gather3A_1607 = tpu.memref_squeeze %gather3A_1606 : memref<1x32x128xf32, #tpu.memory_space<vmem>> -> memref<32x128xf32, #tpu.memory_space<vmem>>
      %gather3A_1608 = tpu.vector_load_idx %gather3A_1607[%add3A_1602, %add3A_1587] : memref<32x128xf32, #tpu.memory_space<vmem>>[vector<16xi32>, vector<16xi32>], vector<16xf32>,
      %gather3A_1609 = arith.constant 1 : i32
      %gather3A_1610 = arith.constant 0 : i32
      %gather3A_1611 = arith.constant 0 : i32
      %gather3A_1612 = tpu.memref_slice %arg10[%gather3A_1609, %gather3A_1610, %gather3A_1611] : memref<8x32x128xf32, #tpu.memory_space<vmem>> -> memref<1x32x128xf32, #tpu.memory_space<vmem>>
      %gather3A_1613 = tpu.memref_squeeze %gather3A_1612 : memref<1x32x128xf32, #tpu.memory_space<vmem>> -> memref<32x128xf32, #tpu.memory_space<vmem>>
      %gather3A_1614 = tpu.vector_load_idx %gather3A_1613[%iota3A, %add3A_1593] : memref<32x128xf32, #tpu.memory_space<vmem>>[vector<16xi32>, vector<16xi32>], vector<16xf32>,
      %add3A_1615 = arith.constant 16 : i32
      %add3A_1616 = vector.broadcast %add3A_1615 : i32 to vector<16xi32>
      %add3A_1617 = arith.addi %iota3A, %add3A_1616 : vector<16xi32>
      %gather3A_1618 = arith.constant 1 : i32
      %gather3A_1619 = arith.constant 0 : i32
      %gather3A_1620 = arith.constant 0 : i32
      %gather3A_1621 = tpu.memref_slice %arg10[%gather3A_1618, %gather3A_1619, %gather3A_1620] : memref<8x32x128xf32, #tpu.memory_space<vmem>> -> memref<1x32x128xf32, #tpu.memory_space<vmem>>
      %gather3A_1622 = tpu.memref_squeeze %gather3A_1621 : memref<1x32x128xf32, #tpu.memory_space<vmem>> -> memref<32x128xf32, #tpu.memory_space<vmem>>
      %gather3A_1623 = tpu.vector_load_idx %gather3A_1622[%add3A_1617, %add3A_1593] : memref<32x128xf32, #tpu.memory_space<vmem>>[vector<16xi32>, vector<16xi32>], vector<16xf32>,
      %mul3A_1624 = arith.mulf %gather3A_1599, %gather3A_1614 : vector<16xf32>
      %mul3A_1625 = arith.mulf %gather3A_1608, %gather3A_1623 : vector<16xf32>
      %add3A_1626 = arith.addf %mul3A_1624, %mul3A_1625 : vector<16xf32>
      %reduce_sum3A_1627 = arith.constant true
      %reduce_sum3A_1628 = vector.broadcast %reduce_sum3A_1627 : i1 to vector<16xi1>
      %reduce_sum3A_1629 = tpu.scan <sum>, %add3A_1626 masked %reduce_sum3A_1628 : vector<16xf32>, vector<16xi1> -> vector<16xf32>
      %reduce_sum3A_1630 = vector.extract %reduce_sum3A_1629[15] : f32 from vector<16xf32>
      %add3A_1631 = arith.constant 1 : i32
      %add3A_1632 = arith.addi %scan3A_342, %add3A_1631 : i32
      %lt3A_1633 = arith.constant 32 : i32
      %lt3A_1634 = arith.cmpi slt, %add3A_1632, %lt3A_1633 : i32
      %convert_element_type3A_1635 = arith.extui %lt3A_1634 : i1 to i32
      %cond3A_1636 = arith.constant 0 : i32
      %cond3A_1637 = arith.cmpi ne, %convert_element_type3A_1635, %cond3A_1636 : i32
      scf.if %cond3A_1637 {
        %slice3A_2252 = vector.extract_strided_slice %get3A_357 {offsets = [1], sizes = [1], strides = [1]} : vector<16xi32> to vector<1xi32>
        %squeeze3A_2253 = vector.extract %slice3A_2252[0] : i32 from vector<1xi32>
        %slice3A_2254 = vector.extract_strided_slice %get3A_359 {offsets = [1], sizes = [1], strides = [1]} : vector<16xi32> to vector<1xi32>
        %squeeze3A_2255 = vector.extract %slice3A_2254[0] : i32 from vector<1xi32>
        %and3A_2256 = arith.constant -128 : i32
        %and3A_2257 = arith.andi %squeeze3A_2253, %and3A_2256 : i32
        %multiple_of3A_2258 = tpu.assume_multiple %and3A_2257, 128 : i32
        %and3A_2259 = arith.constant -128 : i32
        %and3A_2260 = arith.andi %squeeze3A_2255, %and3A_2259 : i32
        %multiple_of3A_2261 = tpu.assume_multiple %and3A_2260, 128 : i32
        %dma_start3A_2262 = arith.constant 1 : i32
        %dma_start3A_2263 = arith.constant 1 : i32
        %dma_start3A_2264 = arith.constant 0 : i32
        %dma_start3A_2265 = arith.constant 0 : i32
        %dma_start3A_2266 = tpu.memref_slice %arg9[%dma_start3A_2262, %dma_start3A_2264, %dma_start3A_2265] : memref<8x32x128xf32, #tpu.memory_space<vmem>> -> memref<1x32x128xf32, #tpu.memory_space<vmem>>
        %dma_start3A_2267 = tpu.memref_squeeze %dma_start3A_2266 : memref<1x32x128xf32, #tpu.memory_space<vmem>> -> memref<32x128xf32, #tpu.memory_space<vmem>>
        %dma_start3A_2268 = arith.constant 0 : i32
        %dma_start3A_2269 = tpu.memref_slice %arg4[%dma_start3A_2268, %multiple_of3A_2258] : memref<32x1000000xf32, #tpu.memory_space<hbm>> -> memref<32x128xf32, #tpu.memory_space<hbm>>
        %dma_start3A_2270 = tpu.memref_slice %arg12[%dma_start3A_2263] : memref<8x!tpu.dma_semaphore, #tpu.memory_space<semaphore_mem>> -> memref<1x!tpu.dma_semaphore, #tpu.memory_space<semaphore_mem>>
        %dma_start3A_2271 = tpu.memref_squeeze %dma_start3A_2270 : memref<1x!tpu.dma_semaphore, #tpu.memory_space<semaphore_mem>> -> memref<!tpu.dma_semaphore, #tpu.memory_space<semaphore_mem>>
        %dma_start3A_2272 = arith.constant 0 : i32
        %dma_start3A_2273 = arith.constant 0 : i32
        %dma_start3A_2274 = tpu.memref_slice %arg9[%dma_start3A_2262, %dma_start3A_2272, %dma_start3A_2273] : memref<8x32x128xf32, #tpu.memory_space<vmem>> -> memref<1x32x128xf32, #tpu.memory_space<vmem>>
        %dma_start3A_2275 = tpu.memref_squeeze %dma_start3A_2274 : memref<1x32x128xf32, #tpu.memory_space<vmem>> -> memref<32x128xf32, #tpu.memory_space<vmem>>
        %dma_start3A_2276 = arith.constant 0 : i32
        %dma_start3A_2277 = tpu.memref_slice %arg4[%dma_start3A_2276, %multiple_of3A_2258] : memref<32x1000000xf32, #tpu.memory_space<hbm>> -> memref<32x128xf32, #tpu.memory_space<hbm>>
        tpu.enqueue_dma source(%dma_start3A_2277 : memref<32x128xf32, #tpu.memory_space<hbm>>) target(%dma_start3A_2275 : memref<32x128xf32, #tpu.memory_space<vmem>>) target_semaphore(%dma_start3A_2271 : memref<!tpu.dma_semaphore, #tpu.memory_space<semaphore_mem>>)
        %dma_start3A_2278 = arith.constant 1 : i32
        %dma_start3A_2279 = arith.constant 1 : i32
        %dma_start3A_2280 = arith.constant 0 : i32
        %dma_start3A_2281 = arith.constant 0 : i32
        %dma_start3A_2282 = tpu.memref_slice %arg10[%dma_start3A_2278, %dma_start3A_2280, %dma_start3A_2281] : memref<8x32x128xf32, #tpu.memory_space<vmem>> -> memref<1x32x128xf32, #tpu.memory_space<vmem>>
        %dma_start3A_2283 = tpu.memref_squeeze %dma_start3A_2282 : memref<1x32x128xf32, #tpu.memory_space<vmem>> -> memref<32x128xf32, #tpu.memory_space<vmem>>
        %dma_start3A_2284 = arith.constant 0 : i32
        %dma_start3A_2285 = tpu.memref_slice %arg5[%dma_start3A_2284, %multiple_of3A_2261] : memref<32x1000000xf32, #tpu.memory_space<hbm>> -> memref<32x128xf32, #tpu.memory_space<hbm>>
        %dma_start3A_2286 = tpu.memref_slice %arg13[%dma_start3A_2279] : memref<8x!tpu.dma_semaphore, #tpu.memory_space<semaphore_mem>> -> memref<1x!tpu.dma_semaphore, #tpu.memory_space<semaphore_mem>>
        %dma_start3A_2287 = tpu.memref_squeeze %dma_start3A_2286 : memref<1x!tpu.dma_semaphore, #tpu.memory_space<semaphore_mem>> -> memref<!tpu.dma_semaphore, #tpu.memory_space<semaphore_mem>>
        %dma_start3A_2288 = arith.constant 0 : i32
        %dma_start3A_2289 = arith.constant 0 : i32
        %dma_start3A_2290 = tpu.memref_slice %arg10[%dma_start3A_2278, %dma_start3A_2288, %dma_start3A_2289] : memref<8x32x128xf32, #tpu.memory_space<vmem>> -> memref<1x32x128xf32, #tpu.memory_space<vmem>>
        %dma_start3A_2291 = tpu.memref_squeeze %dma_start3A_2290 : memref<1x32x128xf32, #tpu.memory_space<vmem>> -> memref<32x128xf32, #tpu.memory_space<vmem>>
        %dma_start3A_2292 = arith.constant 0 : i32
        %dma_start3A_2293 = tpu.memref_slice %arg5[%dma_start3A_2292, %multiple_of3A_2261] : memref<32x1000000xf32, #tpu.memory_space<hbm>> -> memref<32x128xf32, #tpu.memory_space<hbm>>
        tpu.enqueue_dma source(%dma_start3A_2293 : memref<32x128xf32, #tpu.memory_space<hbm>>) target(%dma_start3A_2291 : memref<32x128xf32, #tpu.memory_space<vmem>>) target_semaphore(%dma_start3A_2287 : memref<!tpu.dma_semaphore, #tpu.memory_space<semaphore_mem>>)
      } else {
      }
      %eq3A_1638 = arith.constant 9 : i32
      %eq3A_1639 = vector.broadcast %eq3A_1638 : i32 to vector<16xi32>
      %eq3A_1640 = arith.cmpi eq, %iota3A, %eq3A_1639 : vector<16xi32>
      %broadcast_in_dim3A_1641 = vector.broadcast %reduce_sum3A_1630 : f32 to vector<16xf32>
      %select_n3A_1642 = arith.select %eq3A_1640, %broadcast_in_dim3A_1641, %select_n3A_1541 : vector<16xi1>, vector<16xf32>
      %dma_wait3A_1643 = arith.constant 2 : i32
      %dma_wait3A_1644 = arith.constant 2 : i32
      %dma_wait3A_1645 = arith.constant 0 : i32
      %dma_wait3A_1646 = arith.constant 0 : i32
      %dma_wait3A_1647 = tpu.memref_slice %arg9[%dma_wait3A_1643, %dma_wait3A_1645, %dma_wait3A_1646] : memref<8x32x128xf32, #tpu.memory_space<vmem>> -> memref<1x32x128xf32, #tpu.memory_space<vmem>>
      %dma_wait3A_1648 = tpu.memref_squeeze %dma_wait3A_1647 : memref<1x32x128xf32, #tpu.memory_space<vmem>> -> memref<32x128xf32, #tpu.memory_space<vmem>>
      %dma_wait3A_1649 = arith.constant 0 : i32
      %dma_wait3A_1650 = arith.constant 0 : i32
      %dma_wait3A_1651 = tpu.memref_slice %arg4[%dma_wait3A_1649, %dma_wait3A_1650] : memref<32x1000000xf32, #tpu.memory_space<hbm>> -> memref<32x128xf32, #tpu.memory_space<hbm>>
      %dma_wait3A_1652 = tpu.memref_slice %arg12[%dma_wait3A_1644] : memref<8x!tpu.dma_semaphore, #tpu.memory_space<semaphore_mem>> -> memref<1x!tpu.dma_semaphore, #tpu.memory_space<semaphore_mem>>
      %dma_wait3A_1653 = tpu.memref_squeeze %dma_wait3A_1652 : memref<1x!tpu.dma_semaphore, #tpu.memory_space<semaphore_mem>> -> memref<!tpu.dma_semaphore, #tpu.memory_space<semaphore_mem>>
      %dma_wait3A_1654 = arith.constant 0 : i32
      %dma_wait3A_1655 = arith.constant 0 : i32
      %dma_wait3A_1656 = tpu.memref_slice %arg9[%dma_wait3A_1643, %dma_wait3A_1654, %dma_wait3A_1655] : memref<8x32x128xf32, #tpu.memory_space<vmem>> -> memref<1x32x128xf32, #tpu.memory_space<vmem>>
      %dma_wait3A_1657 = tpu.memref_squeeze %dma_wait3A_1656 : memref<1x32x128xf32, #tpu.memory_space<vmem>> -> memref<32x128xf32, #tpu.memory_space<vmem>>
      %dma_wait3A_1658 = arith.constant 0 : i32
      %dma_wait3A_1659 = arith.constant 0 : i32
      %dma_wait3A_1660 = tpu.memref_slice %arg4[%dma_wait3A_1658, %dma_wait3A_1659] : memref<32x1000000xf32, #tpu.memory_space<hbm>> -> memref<32x128xf32, #tpu.memory_space<hbm>>
      tpu.wait_dma2 semaphore(%dma_wait3A_1653 : memref<!tpu.dma_semaphore, #tpu.memory_space<semaphore_mem>>) src(%dma_wait3A_1660 : memref<32x128xf32, #tpu.memory_space<hbm>>) dst(%dma_wait3A_1657 : memref<32x128xf32, #tpu.memory_space<vmem>>)
      %dma_wait3A_1661 = arith.constant 2 : i32
      %dma_wait3A_1662 = arith.constant 2 : i32
      %dma_wait3A_1663 = arith.constant 0 : i32
      %dma_wait3A_1664 = arith.constant 0 : i32
      %dma_wait3A_1665 = tpu.memref_slice %arg10[%dma_wait3A_1661, %dma_wait3A_1663, %dma_wait3A_1664] : memref<8x32x128xf32, #tpu.memory_space<vmem>> -> memref<1x32x128xf32, #tpu.memory_space<vmem>>
      %dma_wait3A_1666 = tpu.memref_squeeze %dma_wait3A_1665 : memref<1x32x128xf32, #tpu.memory_space<vmem>> -> memref<32x128xf32, #tpu.memory_space<vmem>>
      %dma_wait3A_1667 = arith.constant 0 : i32
      %dma_wait3A_1668 = arith.constant 0 : i32
      %dma_wait3A_1669 = tpu.memref_slice %arg5[%dma_wait3A_1667, %dma_wait3A_1668] : memref<32x1000000xf32, #tpu.memory_space<hbm>> -> memref<32x128xf32, #tpu.memory_space<hbm>>
      %dma_wait3A_1670 = tpu.memref_slice %arg13[%dma_wait3A_1662] : memref<8x!tpu.dma_semaphore, #tpu.memory_space<semaphore_mem>> -> memref<1x!tpu.dma_semaphore, #tpu.memory_space<semaphore_mem>>
      %dma_wait3A_1671 = tpu.memref_squeeze %dma_wait3A_1670 : memref<1x!tpu.dma_semaphore, #tpu.memory_space<semaphore_mem>> -> memref<!tpu.dma_semaphore, #tpu.memory_space<semaphore_mem>>
      %dma_wait3A_1672 = arith.constant 0 : i32
      %dma_wait3A_1673 = arith.constant 0 : i32
      %dma_wait3A_1674 = tpu.memref_slice %arg10[%dma_wait3A_1661, %dma_wait3A_1672, %dma_wait3A_1673] : memref<8x32x128xf32, #tpu.memory_space<vmem>> -> memref<1x32x128xf32, #tpu.memory_space<vmem>>
      %dma_wait3A_1675 = tpu.memref_squeeze %dma_wait3A_1674 : memref<1x32x128xf32, #tpu.memory_space<vmem>> -> memref<32x128xf32, #tpu.memory_space<vmem>>
      %dma_wait3A_1676 = arith.constant 0 : i32
      %dma_wait3A_1677 = arith.constant 0 : i32
      %dma_wait3A_1678 = tpu.memref_slice %arg5[%dma_wait3A_1676, %dma_wait3A_1677] : memref<32x1000000xf32, #tpu.memory_space<hbm>> -> memref<32x128xf32, #tpu.memory_space<hbm>>
      tpu.wait_dma2 semaphore(%dma_wait3A_1671 : memref<!tpu.dma_semaphore, #tpu.memory_space<semaphore_mem>>) src(%dma_wait3A_1678 : memref<32x128xf32, #tpu.memory_space<hbm>>) dst(%dma_wait3A_1675 : memref<32x128xf32, #tpu.memory_space<vmem>>)
      %slice3A_1679 = vector.extract_strided_slice %get3A_346 {offsets = [10], sizes = [1], strides = [1]} : vector<16xi32> to vector<1xi32>
      %squeeze3A_1680 = vector.extract %slice3A_1679[0] : i32 from vector<1xi32>
      %slice3A_1681 = vector.extract_strided_slice %get3A_350 {offsets = [10], sizes = [1], strides = [1]} : vector<16xi32> to vector<1xi32>
      %squeeze3A_1682 = vector.extract %slice3A_1681[0] : i32 from vector<1xi32>
      %broadcast_in_dim3A_1683 = arith.constant 0 : i32
      %broadcast_in_dim3A_1684 = vector.broadcast %broadcast_in_dim3A_1683 : i32 to vector<16xi32>
      %and3A_1685 = arith.constant 127 : i32
      %and3A_1686 = arith.andi %squeeze3A_1680, %and3A_1685 : i32
      %add3A_1687 = vector.broadcast %and3A_1686 : i32 to vector<16xi32>
      %add3A_1688 = arith.addi %broadcast_in_dim3A_1684, %add3A_1687 : vector<16xi32>
      %broadcast_in_dim3A_1689 = arith.constant 0 : i32
      %broadcast_in_dim3A_1690 = vector.broadcast %broadcast_in_dim3A_1689 : i32 to vector<16xi32>
      %and3A_1691 = arith.constant 127 : i32
      %and3A_1692 = arith.andi %squeeze3A_1682, %and3A_1691 : i32
      %add3A_1693 = vector.broadcast %and3A_1692 : i32 to vector<16xi32>
      %add3A_1694 = arith.addi %broadcast_in_dim3A_1690, %add3A_1693 : vector<16xi32>
      %gather3A_1695 = arith.constant 2 : i32
      %gather3A_1696 = arith.constant 0 : i32
      %gather3A_1697 = arith.constant 0 : i32
      %gather3A_1698 = tpu.memref_slice %arg9[%gather3A_1695, %gather3A_1696, %gather3A_1697] : memref<8x32x128xf32, #tpu.memory_space<vmem>> -> memref<1x32x128xf32, #tpu.memory_space<vmem>>
      %gather3A_1699 = tpu.memref_squeeze %gather3A_1698 : memref<1x32x128xf32, #tpu.memory_space<vmem>> -> memref<32x128xf32, #tpu.memory_space<vmem>>
      %gather3A_1700 = tpu.vector_load_idx %gather3A_1699[%iota3A, %add3A_1688] : memref<32x128xf32, #tpu.memory_space<vmem>>[vector<16xi32>, vector<16xi32>], vector<16xf32>,
      %add3A_1701 = arith.constant 16 : i32
      %add3A_1702 = vector.broadcast %add3A_1701 : i32 to vector<16xi32>
      %add3A_1703 = arith.addi %iota3A, %add3A_1702 : vector<16xi32>
      %gather3A_1704 = arith.constant 2 : i32
      %gather3A_1705 = arith.constant 0 : i32
      %gather3A_1706 = arith.constant 0 : i32
      %gather3A_1707 = tpu.memref_slice %arg9[%gather3A_1704, %gather3A_1705, %gather3A_1706] : memref<8x32x128xf32, #tpu.memory_space<vmem>> -> memref<1x32x128xf32, #tpu.memory_space<vmem>>
      %gather3A_1708 = tpu.memref_squeeze %gather3A_1707 : memref<1x32x128xf32, #tpu.memory_space<vmem>> -> memref<32x128xf32, #tpu.memory_space<vmem>>
      %gather3A_1709 = tpu.vector_load_idx %gather3A_1708[%add3A_1703, %add3A_1688] : memref<32x128xf32, #tpu.memory_space<vmem>>[vector<16xi32>, vector<16xi32>], vector<16xf32>,
      %gather3A_1710 = arith.constant 2 : i32
      %gather3A_1711 = arith.constant 0 : i32
      %gather3A_1712 = arith.constant 0 : i32
      %gather3A_1713 = tpu.memref_slice %arg10[%gather3A_1710, %gather3A_1711, %gather3A_1712] : memref<8x32x128xf32, #tpu.memory_space<vmem>> -> memref<1x32x128xf32, #tpu.memory_space<vmem>>
      %gather3A_1714 = tpu.memref_squeeze %gather3A_1713 : memref<1x32x128xf32, #tpu.memory_space<vmem>> -> memref<32x128xf32, #tpu.memory_space<vmem>>
      %gather3A_1715 = tpu.vector_load_idx %gather3A_1714[%iota3A, %add3A_1694] : memref<32x128xf32, #tpu.memory_space<vmem>>[vector<16xi32>, vector<16xi32>], vector<16xf32>,
      %add3A_1716 = arith.constant 16 : i32
      %add3A_1717 = vector.broadcast %add3A_1716 : i32 to vector<16xi32>
      %add3A_1718 = arith.addi %iota3A, %add3A_1717 : vector<16xi32>
      %gather3A_1719 = arith.constant 2 : i32
      %gather3A_1720 = arith.constant 0 : i32
      %gather3A_1721 = arith.constant 0 : i32
      %gather3A_1722 = tpu.memref_slice %arg10[%gather3A_1719, %gather3A_1720, %gather3A_1721] : memref<8x32x128xf32, #tpu.memory_space<vmem>> -> memref<1x32x128xf32, #tpu.memory_space<vmem>>
      %gather3A_1723 = tpu.memref_squeeze %gather3A_1722 : memref<1x32x128xf32, #tpu.memory_space<vmem>> -> memref<32x128xf32, #tpu.memory_space<vmem>>
      %gather3A_1724 = tpu.vector_load_idx %gather3A_1723[%add3A_1718, %add3A_1694] : memref<32x128xf32, #tpu.memory_space<vmem>>[vector<16xi32>, vector<16xi32>], vector<16xf32>,
      %mul3A_1725 = arith.mulf %gather3A_1700, %gather3A_1715 : vector<16xf32>
      %mul3A_1726 = arith.mulf %gather3A_1709, %gather3A_1724 : vector<16xf32>
      %add3A_1727 = arith.addf %mul3A_1725, %mul3A_1726 : vector<16xf32>
      %reduce_sum3A_1728 = arith.constant true
      %reduce_sum3A_1729 = vector.broadcast %reduce_sum3A_1728 : i1 to vector<16xi1>
      %reduce_sum3A_1730 = tpu.scan <sum>, %add3A_1727 masked %reduce_sum3A_1729 : vector<16xf32>, vector<16xi1> -> vector<16xf32>
      %reduce_sum3A_1731 = vector.extract %reduce_sum3A_1730[15] : f32 from vector<16xf32>
      %add3A_1732 = arith.constant 1 : i32
      %add3A_1733 = arith.addi %scan3A_342, %add3A_1732 : i32
      %lt3A_1734 = arith.constant 32 : i32
      %lt3A_1735 = arith.cmpi slt, %add3A_1733, %lt3A_1734 : i32
      %convert_element_type3A_1736 = arith.extui %lt3A_1735 : i1 to i32
      %cond3A_1737 = arith.constant 0 : i32
      %cond3A_1738 = arith.cmpi ne, %convert_element_type3A_1736, %cond3A_1737 : i32
      scf.if %cond3A_1738 {
        %slice3A_2252 = vector.extract_strided_slice %get3A_357 {offsets = [2], sizes = [1], strides = [1]} : vector<16xi32> to vector<1xi32>
        %squeeze3A_2253 = vector.extract %slice3A_2252[0] : i32 from vector<1xi32>
        %slice3A_2254 = vector.extract_strided_slice %get3A_359 {offsets = [2], sizes = [1], strides = [1]} : vector<16xi32> to vector<1xi32>
        %squeeze3A_2255 = vector.extract %slice3A_2254[0] : i32 from vector<1xi32>
        %and3A_2256 = arith.constant -128 : i32
        %and3A_2257 = arith.andi %squeeze3A_2253, %and3A_2256 : i32
        %multiple_of3A_2258 = tpu.assume_multiple %and3A_2257, 128 : i32
        %and3A_2259 = arith.constant -128 : i32
        %and3A_2260 = arith.andi %squeeze3A_2255, %and3A_2259 : i32
        %multiple_of3A_2261 = tpu.assume_multiple %and3A_2260, 128 : i32
        %dma_start3A_2262 = arith.constant 2 : i32
        %dma_start3A_2263 = arith.constant 2 : i32
        %dma_start3A_2264 = arith.constant 0 : i32
        %dma_start3A_2265 = arith.constant 0 : i32
        %dma_start3A_2266 = tpu.memref_slice %arg9[%dma_start3A_2262, %dma_start3A_2264, %dma_start3A_2265] : memref<8x32x128xf32, #tpu.memory_space<vmem>> -> memref<1x32x128xf32, #tpu.memory_space<vmem>>
        %dma_start3A_2267 = tpu.memref_squeeze %dma_start3A_2266 : memref<1x32x128xf32, #tpu.memory_space<vmem>> -> memref<32x128xf32, #tpu.memory_space<vmem>>
        %dma_start3A_2268 = arith.constant 0 : i32
        %dma_start3A_2269 = tpu.memref_slice %arg4[%dma_start3A_2268, %multiple_of3A_2258] : memref<32x1000000xf32, #tpu.memory_space<hbm>> -> memref<32x128xf32, #tpu.memory_space<hbm>>
        %dma_start3A_2270 = tpu.memref_slice %arg12[%dma_start3A_2263] : memref<8x!tpu.dma_semaphore, #tpu.memory_space<semaphore_mem>> -> memref<1x!tpu.dma_semaphore, #tpu.memory_space<semaphore_mem>>
        %dma_start3A_2271 = tpu.memref_squeeze %dma_start3A_2270 : memref<1x!tpu.dma_semaphore, #tpu.memory_space<semaphore_mem>> -> memref<!tpu.dma_semaphore, #tpu.memory_space<semaphore_mem>>
        %dma_start3A_2272 = arith.constant 0 : i32
        %dma_start3A_2273 = arith.constant 0 : i32
        %dma_start3A_2274 = tpu.memref_slice %arg9[%dma_start3A_2262, %dma_start3A_2272, %dma_start3A_2273] : memref<8x32x128xf32, #tpu.memory_space<vmem>> -> memref<1x32x128xf32, #tpu.memory_space<vmem>>
        %dma_start3A_2275 = tpu.memref_squeeze %dma_start3A_2274 : memref<1x32x128xf32, #tpu.memory_space<vmem>> -> memref<32x128xf32, #tpu.memory_space<vmem>>
        %dma_start3A_2276 = arith.constant 0 : i32
        %dma_start3A_2277 = tpu.memref_slice %arg4[%dma_start3A_2276, %multiple_of3A_2258] : memref<32x1000000xf32, #tpu.memory_space<hbm>> -> memref<32x128xf32, #tpu.memory_space<hbm>>
        tpu.enqueue_dma source(%dma_start3A_2277 : memref<32x128xf32, #tpu.memory_space<hbm>>) target(%dma_start3A_2275 : memref<32x128xf32, #tpu.memory_space<vmem>>) target_semaphore(%dma_start3A_2271 : memref<!tpu.dma_semaphore, #tpu.memory_space<semaphore_mem>>)
        %dma_start3A_2278 = arith.constant 2 : i32
        %dma_start3A_2279 = arith.constant 2 : i32
        %dma_start3A_2280 = arith.constant 0 : i32
        %dma_start3A_2281 = arith.constant 0 : i32
        %dma_start3A_2282 = tpu.memref_slice %arg10[%dma_start3A_2278, %dma_start3A_2280, %dma_start3A_2281] : memref<8x32x128xf32, #tpu.memory_space<vmem>> -> memref<1x32x128xf32, #tpu.memory_space<vmem>>
        %dma_start3A_2283 = tpu.memref_squeeze %dma_start3A_2282 : memref<1x32x128xf32, #tpu.memory_space<vmem>> -> memref<32x128xf32, #tpu.memory_space<vmem>>
        %dma_start3A_2284 = arith.constant 0 : i32
        %dma_start3A_2285 = tpu.memref_slice %arg5[%dma_start3A_2284, %multiple_of3A_2261] : memref<32x1000000xf32, #tpu.memory_space<hbm>> -> memref<32x128xf32, #tpu.memory_space<hbm>>
        %dma_start3A_2286 = tpu.memref_slice %arg13[%dma_start3A_2279] : memref<8x!tpu.dma_semaphore, #tpu.memory_space<semaphore_mem>> -> memref<1x!tpu.dma_semaphore, #tpu.memory_space<semaphore_mem>>
        %dma_start3A_2287 = tpu.memref_squeeze %dma_start3A_2286 : memref<1x!tpu.dma_semaphore, #tpu.memory_space<semaphore_mem>> -> memref<!tpu.dma_semaphore, #tpu.memory_space<semaphore_mem>>
        %dma_start3A_2288 = arith.constant 0 : i32
        %dma_start3A_2289 = arith.constant 0 : i32
        %dma_start3A_2290 = tpu.memref_slice %arg10[%dma_start3A_2278, %dma_start3A_2288, %dma_start3A_2289] : memref<8x32x128xf32, #tpu.memory_space<vmem>> -> memref<1x32x128xf32, #tpu.memory_space<vmem>>
        %dma_start3A_2291 = tpu.memref_squeeze %dma_start3A_2290 : memref<1x32x128xf32, #tpu.memory_space<vmem>> -> memref<32x128xf32, #tpu.memory_space<vmem>>
        %dma_start3A_2292 = arith.constant 0 : i32
        %dma_start3A_2293 = tpu.memref_slice %arg5[%dma_start3A_2292, %multiple_of3A_2261] : memref<32x1000000xf32, #tpu.memory_space<hbm>> -> memref<32x128xf32, #tpu.memory_space<hbm>>
        tpu.enqueue_dma source(%dma_start3A_2293 : memref<32x128xf32, #tpu.memory_space<hbm>>) target(%dma_start3A_2291 : memref<32x128xf32, #tpu.memory_space<vmem>>) target_semaphore(%dma_start3A_2287 : memref<!tpu.dma_semaphore, #tpu.memory_space<semaphore_mem>>)
      } else {
      }
      %eq3A_1739 = arith.constant 10 : i32
      %eq3A_1740 = vector.broadcast %eq3A_1739 : i32 to vector<16xi32>
      %eq3A_1741 = arith.cmpi eq, %iota3A, %eq3A_1740 : vector<16xi32>
      %broadcast_in_dim3A_1742 = vector.broadcast %reduce_sum3A_1731 : f32 to vector<16xf32>
      %select_n3A_1743 = arith.select %eq3A_1741, %broadcast_in_dim3A_1742, %select_n3A_1642 : vector<16xi1>, vector<16xf32>
      %dma_wait3A_1744 = arith.constant 3 : i32
      %dma_wait3A_1745 = arith.constant 3 : i32
      %dma_wait3A_1746 = arith.constant 0 : i32
      %dma_wait3A_1747 = arith.constant 0 : i32
      %dma_wait3A_1748 = tpu.memref_slice %arg9[%dma_wait3A_1744, %dma_wait3A_1746, %dma_wait3A_1747] : memref<8x32x128xf32, #tpu.memory_space<vmem>> -> memref<1x32x128xf32, #tpu.memory_space<vmem>>
      %dma_wait3A_1749 = tpu.memref_squeeze %dma_wait3A_1748 : memref<1x32x128xf32, #tpu.memory_space<vmem>> -> memref<32x128xf32, #tpu.memory_space<vmem>>
      %dma_wait3A_1750 = arith.constant 0 : i32
      %dma_wait3A_1751 = arith.constant 0 : i32
      %dma_wait3A_1752 = tpu.memref_slice %arg4[%dma_wait3A_1750, %dma_wait3A_1751] : memref<32x1000000xf32, #tpu.memory_space<hbm>> -> memref<32x128xf32, #tpu.memory_space<hbm>>
      %dma_wait3A_1753 = tpu.memref_slice %arg12[%dma_wait3A_1745] : memref<8x!tpu.dma_semaphore, #tpu.memory_space<semaphore_mem>> -> memref<1x!tpu.dma_semaphore, #tpu.memory_space<semaphore_mem>>
      %dma_wait3A_1754 = tpu.memref_squeeze %dma_wait3A_1753 : memref<1x!tpu.dma_semaphore, #tpu.memory_space<semaphore_mem>> -> memref<!tpu.dma_semaphore, #tpu.memory_space<semaphore_mem>>
      %dma_wait3A_1755 = arith.constant 0 : i32
      %dma_wait3A_1756 = arith.constant 0 : i32
      %dma_wait3A_1757 = tpu.memref_slice %arg9[%dma_wait3A_1744, %dma_wait3A_1755, %dma_wait3A_1756] : memref<8x32x128xf32, #tpu.memory_space<vmem>> -> memref<1x32x128xf32, #tpu.memory_space<vmem>>
      %dma_wait3A_1758 = tpu.memref_squeeze %dma_wait3A_1757 : memref<1x32x128xf32, #tpu.memory_space<vmem>> -> memref<32x128xf32, #tpu.memory_space<vmem>>
      %dma_wait3A_1759 = arith.constant 0 : i32
      %dma_wait3A_1760 = arith.constant 0 : i32
      %dma_wait3A_1761 = tpu.memref_slice %arg4[%dma_wait3A_1759, %dma_wait3A_1760] : memref<32x1000000xf32, #tpu.memory_space<hbm>> -> memref<32x128xf32, #tpu.memory_space<hbm>>
      tpu.wait_dma2 semaphore(%dma_wait3A_1754 : memref<!tpu.dma_semaphore, #tpu.memory_space<semaphore_mem>>) src(%dma_wait3A_1761 : memref<32x128xf32, #tpu.memory_space<hbm>>) dst(%dma_wait3A_1758 : memref<32x128xf32, #tpu.memory_space<vmem>>)
      %dma_wait3A_1762 = arith.constant 3 : i32
      %dma_wait3A_1763 = arith.constant 3 : i32
      %dma_wait3A_1764 = arith.constant 0 : i32
      %dma_wait3A_1765 = arith.constant 0 : i32
      %dma_wait3A_1766 = tpu.memref_slice %arg10[%dma_wait3A_1762, %dma_wait3A_1764, %dma_wait3A_1765] : memref<8x32x128xf32, #tpu.memory_space<vmem>> -> memref<1x32x128xf32, #tpu.memory_space<vmem>>
      %dma_wait3A_1767 = tpu.memref_squeeze %dma_wait3A_1766 : memref<1x32x128xf32, #tpu.memory_space<vmem>> -> memref<32x128xf32, #tpu.memory_space<vmem>>
      %dma_wait3A_1768 = arith.constant 0 : i32
      %dma_wait3A_1769 = arith.constant 0 : i32
      %dma_wait3A_1770 = tpu.memref_slice %arg5[%dma_wait3A_1768, %dma_wait3A_1769] : memref<32x1000000xf32, #tpu.memory_space<hbm>> -> memref<32x128xf32, #tpu.memory_space<hbm>>
      %dma_wait3A_1771 = tpu.memref_slice %arg13[%dma_wait3A_1763] : memref<8x!tpu.dma_semaphore, #tpu.memory_space<semaphore_mem>> -> memref<1x!tpu.dma_semaphore, #tpu.memory_space<semaphore_mem>>
      %dma_wait3A_1772 = tpu.memref_squeeze %dma_wait3A_1771 : memref<1x!tpu.dma_semaphore, #tpu.memory_space<semaphore_mem>> -> memref<!tpu.dma_semaphore, #tpu.memory_space<semaphore_mem>>
      %dma_wait3A_1773 = arith.constant 0 : i32
      %dma_wait3A_1774 = arith.constant 0 : i32
      %dma_wait3A_1775 = tpu.memref_slice %arg10[%dma_wait3A_1762, %dma_wait3A_1773, %dma_wait3A_1774] : memref<8x32x128xf32, #tpu.memory_space<vmem>> -> memref<1x32x128xf32, #tpu.memory_space<vmem>>
      %dma_wait3A_1776 = tpu.memref_squeeze %dma_wait3A_1775 : memref<1x32x128xf32, #tpu.memory_space<vmem>> -> memref<32x128xf32, #tpu.memory_space<vmem>>
      %dma_wait3A_1777 = arith.constant 0 : i32
      %dma_wait3A_1778 = arith.constant 0 : i32
      %dma_wait3A_1779 = tpu.memref_slice %arg5[%dma_wait3A_1777, %dma_wait3A_1778] : memref<32x1000000xf32, #tpu.memory_space<hbm>> -> memref<32x128xf32, #tpu.memory_space<hbm>>
      tpu.wait_dma2 semaphore(%dma_wait3A_1772 : memref<!tpu.dma_semaphore, #tpu.memory_space<semaphore_mem>>) src(%dma_wait3A_1779 : memref<32x128xf32, #tpu.memory_space<hbm>>) dst(%dma_wait3A_1776 : memref<32x128xf32, #tpu.memory_space<vmem>>)
      %slice3A_1780 = vector.extract_strided_slice %get3A_346 {offsets = [11], sizes = [1], strides = [1]} : vector<16xi32> to vector<1xi32>
      %squeeze3A_1781 = vector.extract %slice3A_1780[0] : i32 from vector<1xi32>
      %slice3A_1782 = vector.extract_strided_slice %get3A_350 {offsets = [11], sizes = [1], strides = [1]} : vector<16xi32> to vector<1xi32>
      %squeeze3A_1783 = vector.extract %slice3A_1782[0] : i32 from vector<1xi32>
      %broadcast_in_dim3A_1784 = arith.constant 0 : i32
      %broadcast_in_dim3A_1785 = vector.broadcast %broadcast_in_dim3A_1784 : i32 to vector<16xi32>
      %and3A_1786 = arith.constant 127 : i32
      %and3A_1787 = arith.andi %squeeze3A_1781, %and3A_1786 : i32
      %add3A_1788 = vector.broadcast %and3A_1787 : i32 to vector<16xi32>
      %add3A_1789 = arith.addi %broadcast_in_dim3A_1785, %add3A_1788 : vector<16xi32>
      %broadcast_in_dim3A_1790 = arith.constant 0 : i32
      %broadcast_in_dim3A_1791 = vector.broadcast %broadcast_in_dim3A_1790 : i32 to vector<16xi32>
      %and3A_1792 = arith.constant 127 : i32
      %and3A_1793 = arith.andi %squeeze3A_1783, %and3A_1792 : i32
      %add3A_1794 = vector.broadcast %and3A_1793 : i32 to vector<16xi32>
      %add3A_1795 = arith.addi %broadcast_in_dim3A_1791, %add3A_1794 : vector<16xi32>
      %gather3A_1796 = arith.constant 3 : i32
      %gather3A_1797 = arith.constant 0 : i32
      %gather3A_1798 = arith.constant 0 : i32
      %gather3A_1799 = tpu.memref_slice %arg9[%gather3A_1796, %gather3A_1797, %gather3A_1798] : memref<8x32x128xf32, #tpu.memory_space<vmem>> -> memref<1x32x128xf32, #tpu.memory_space<vmem>>
      %gather3A_1800 = tpu.memref_squeeze %gather3A_1799 : memref<1x32x128xf32, #tpu.memory_space<vmem>> -> memref<32x128xf32, #tpu.memory_space<vmem>>
      %gather3A_1801 = tpu.vector_load_idx %gather3A_1800[%iota3A, %add3A_1789] : memref<32x128xf32, #tpu.memory_space<vmem>>[vector<16xi32>, vector<16xi32>], vector<16xf32>,
      %add3A_1802 = arith.constant 16 : i32
      %add3A_1803 = vector.broadcast %add3A_1802 : i32 to vector<16xi32>
      %add3A_1804 = arith.addi %iota3A, %add3A_1803 : vector<16xi32>
      %gather3A_1805 = arith.constant 3 : i32
      %gather3A_1806 = arith.constant 0 : i32
      %gather3A_1807 = arith.constant 0 : i32
      %gather3A_1808 = tpu.memref_slice %arg9[%gather3A_1805, %gather3A_1806, %gather3A_1807] : memref<8x32x128xf32, #tpu.memory_space<vmem>> -> memref<1x32x128xf32, #tpu.memory_space<vmem>>
      %gather3A_1809 = tpu.memref_squeeze %gather3A_1808 : memref<1x32x128xf32, #tpu.memory_space<vmem>> -> memref<32x128xf32, #tpu.memory_space<vmem>>
      %gather3A_1810 = tpu.vector_load_idx %gather3A_1809[%add3A_1804, %add3A_1789] : memref<32x128xf32, #tpu.memory_space<vmem>>[vector<16xi32>, vector<16xi32>], vector<16xf32>,
      %gather3A_1811 = arith.constant 3 : i32
      %gather3A_1812 = arith.constant 0 : i32
      %gather3A_1813 = arith.constant 0 : i32
      %gather3A_1814 = tpu.memref_slice %arg10[%gather3A_1811, %gather3A_1812, %gather3A_1813] : memref<8x32x128xf32, #tpu.memory_space<vmem>> -> memref<1x32x128xf32, #tpu.memory_space<vmem>>
      %gather3A_1815 = tpu.memref_squeeze %gather3A_1814 : memref<1x32x128xf32, #tpu.memory_space<vmem>> -> memref<32x128xf32, #tpu.memory_space<vmem>>
      %gather3A_1816 = tpu.vector_load_idx %gather3A_1815[%iota3A, %add3A_1795] : memref<32x128xf32, #tpu.memory_space<vmem>>[vector<16xi32>, vector<16xi32>], vector<16xf32>,
      %add3A_1817 = arith.constant 16 : i32
      %add3A_1818 = vector.broadcast %add3A_1817 : i32 to vector<16xi32>
      %add3A_1819 = arith.addi %iota3A, %add3A_1818 : vector<16xi32>
      %gather3A_1820 = arith.constant 3 : i32
      %gather3A_1821 = arith.constant 0 : i32
      %gather3A_1822 = arith.constant 0 : i32
      %gather3A_1823 = tpu.memref_slice %arg10[%gather3A_1820, %gather3A_1821, %gather3A_1822] : memref<8x32x128xf32, #tpu.memory_space<vmem>> -> memref<1x32x128xf32, #tpu.memory_space<vmem>>
      %gather3A_1824 = tpu.memref_squeeze %gather3A_1823 : memref<1x32x128xf32, #tpu.memory_space<vmem>> -> memref<32x128xf32, #tpu.memory_space<vmem>>
      %gather3A_1825 = tpu.vector_load_idx %gather3A_1824[%add3A_1819, %add3A_1795] : memref<32x128xf32, #tpu.memory_space<vmem>>[vector<16xi32>, vector<16xi32>], vector<16xf32>,
      %mul3A_1826 = arith.mulf %gather3A_1801, %gather3A_1816 : vector<16xf32>
      %mul3A_1827 = arith.mulf %gather3A_1810, %gather3A_1825 : vector<16xf32>
      %add3A_1828 = arith.addf %mul3A_1826, %mul3A_1827 : vector<16xf32>
      %reduce_sum3A_1829 = arith.constant true
      %reduce_sum3A_1830 = vector.broadcast %reduce_sum3A_1829 : i1 to vector<16xi1>
      %reduce_sum3A_1831 = tpu.scan <sum>, %add3A_1828 masked %reduce_sum3A_1830 : vector<16xf32>, vector<16xi1> -> vector<16xf32>
      %reduce_sum3A_1832 = vector.extract %reduce_sum3A_1831[15] : f32 from vector<16xf32>
      %add3A_1833 = arith.constant 1 : i32
      %add3A_1834 = arith.addi %scan3A_342, %add3A_1833 : i32
      %lt3A_1835 = arith.constant 32 : i32
      %lt3A_1836 = arith.cmpi slt, %add3A_1834, %lt3A_1835 : i32
      %convert_element_type3A_1837 = arith.extui %lt3A_1836 : i1 to i32
      %cond3A_1838 = arith.constant 0 : i32
      %cond3A_1839 = arith.cmpi ne, %convert_element_type3A_1837, %cond3A_1838 : i32
      scf.if %cond3A_1839 {
        %slice3A_2252 = vector.extract_strided_slice %get3A_357 {offsets = [3], sizes = [1], strides = [1]} : vector<16xi32> to vector<1xi32>
        %squeeze3A_2253 = vector.extract %slice3A_2252[0] : i32 from vector<1xi32>
        %slice3A_2254 = vector.extract_strided_slice %get3A_359 {offsets = [3], sizes = [1], strides = [1]} : vector<16xi32> to vector<1xi32>
        %squeeze3A_2255 = vector.extract %slice3A_2254[0] : i32 from vector<1xi32>
        %and3A_2256 = arith.constant -128 : i32
        %and3A_2257 = arith.andi %squeeze3A_2253, %and3A_2256 : i32
        %multiple_of3A_2258 = tpu.assume_multiple %and3A_2257, 128 : i32
        %and3A_2259 = arith.constant -128 : i32
        %and3A_2260 = arith.andi %squeeze3A_2255, %and3A_2259 : i32
        %multiple_of3A_2261 = tpu.assume_multiple %and3A_2260, 128 : i32
        %dma_start3A_2262 = arith.constant 3 : i32
        %dma_start3A_2263 = arith.constant 3 : i32
        %dma_start3A_2264 = arith.constant 0 : i32
        %dma_start3A_2265 = arith.constant 0 : i32
        %dma_start3A_2266 = tpu.memref_slice %arg9[%dma_start3A_2262, %dma_start3A_2264, %dma_start3A_2265] : memref<8x32x128xf32, #tpu.memory_space<vmem>> -> memref<1x32x128xf32, #tpu.memory_space<vmem>>
        %dma_start3A_2267 = tpu.memref_squeeze %dma_start3A_2266 : memref<1x32x128xf32, #tpu.memory_space<vmem>> -> memref<32x128xf32, #tpu.memory_space<vmem>>
        %dma_start3A_2268 = arith.constant 0 : i32
        %dma_start3A_2269 = tpu.memref_slice %arg4[%dma_start3A_2268, %multiple_of3A_2258] : memref<32x1000000xf32, #tpu.memory_space<hbm>> -> memref<32x128xf32, #tpu.memory_space<hbm>>
        %dma_start3A_2270 = tpu.memref_slice %arg12[%dma_start3A_2263] : memref<8x!tpu.dma_semaphore, #tpu.memory_space<semaphore_mem>> -> memref<1x!tpu.dma_semaphore, #tpu.memory_space<semaphore_mem>>
        %dma_start3A_2271 = tpu.memref_squeeze %dma_start3A_2270 : memref<1x!tpu.dma_semaphore, #tpu.memory_space<semaphore_mem>> -> memref<!tpu.dma_semaphore, #tpu.memory_space<semaphore_mem>>
        %dma_start3A_2272 = arith.constant 0 : i32
        %dma_start3A_2273 = arith.constant 0 : i32
        %dma_start3A_2274 = tpu.memref_slice %arg9[%dma_start3A_2262, %dma_start3A_2272, %dma_start3A_2273] : memref<8x32x128xf32, #tpu.memory_space<vmem>> -> memref<1x32x128xf32, #tpu.memory_space<vmem>>
        %dma_start3A_2275 = tpu.memref_squeeze %dma_start3A_2274 : memref<1x32x128xf32, #tpu.memory_space<vmem>> -> memref<32x128xf32, #tpu.memory_space<vmem>>
        %dma_start3A_2276 = arith.constant 0 : i32
        %dma_start3A_2277 = tpu.memref_slice %arg4[%dma_start3A_2276, %multiple_of3A_2258] : memref<32x1000000xf32, #tpu.memory_space<hbm>> -> memref<32x128xf32, #tpu.memory_space<hbm>>
        tpu.enqueue_dma source(%dma_start3A_2277 : memref<32x128xf32, #tpu.memory_space<hbm>>) target(%dma_start3A_2275 : memref<32x128xf32, #tpu.memory_space<vmem>>) target_semaphore(%dma_start3A_2271 : memref<!tpu.dma_semaphore, #tpu.memory_space<semaphore_mem>>)
        %dma_start3A_2278 = arith.constant 3 : i32
        %dma_start3A_2279 = arith.constant 3 : i32
        %dma_start3A_2280 = arith.constant 0 : i32
        %dma_start3A_2281 = arith.constant 0 : i32
        %dma_start3A_2282 = tpu.memref_slice %arg10[%dma_start3A_2278, %dma_start3A_2280, %dma_start3A_2281] : memref<8x32x128xf32, #tpu.memory_space<vmem>> -> memref<1x32x128xf32, #tpu.memory_space<vmem>>
        %dma_start3A_2283 = tpu.memref_squeeze %dma_start3A_2282 : memref<1x32x128xf32, #tpu.memory_space<vmem>> -> memref<32x128xf32, #tpu.memory_space<vmem>>
        %dma_start3A_2284 = arith.constant 0 : i32
        %dma_start3A_2285 = tpu.memref_slice %arg5[%dma_start3A_2284, %multiple_of3A_2261] : memref<32x1000000xf32, #tpu.memory_space<hbm>> -> memref<32x128xf32, #tpu.memory_space<hbm>>
        %dma_start3A_2286 = tpu.memref_slice %arg13[%dma_start3A_2279] : memref<8x!tpu.dma_semaphore, #tpu.memory_space<semaphore_mem>> -> memref<1x!tpu.dma_semaphore, #tpu.memory_space<semaphore_mem>>
        %dma_start3A_2287 = tpu.memref_squeeze %dma_start3A_2286 : memref<1x!tpu.dma_semaphore, #tpu.memory_space<semaphore_mem>> -> memref<!tpu.dma_semaphore, #tpu.memory_space<semaphore_mem>>
        %dma_start3A_2288 = arith.constant 0 : i32
        %dma_start3A_2289 = arith.constant 0 : i32
        %dma_start3A_2290 = tpu.memref_slice %arg10[%dma_start3A_2278, %dma_start3A_2288, %dma_start3A_2289] : memref<8x32x128xf32, #tpu.memory_space<vmem>> -> memref<1x32x128xf32, #tpu.memory_space<vmem>>
        %dma_start3A_2291 = tpu.memref_squeeze %dma_start3A_2290 : memref<1x32x128xf32, #tpu.memory_space<vmem>> -> memref<32x128xf32, #tpu.memory_space<vmem>>
        %dma_start3A_2292 = arith.constant 0 : i32
        %dma_start3A_2293 = tpu.memref_slice %arg5[%dma_start3A_2292, %multiple_of3A_2261] : memref<32x1000000xf32, #tpu.memory_space<hbm>> -> memref<32x128xf32, #tpu.memory_space<hbm>>
        tpu.enqueue_dma source(%dma_start3A_2293 : memref<32x128xf32, #tpu.memory_space<hbm>>) target(%dma_start3A_2291 : memref<32x128xf32, #tpu.memory_space<vmem>>) target_semaphore(%dma_start3A_2287 : memref<!tpu.dma_semaphore, #tpu.memory_space<semaphore_mem>>)
      } else {
      }
      %eq3A_1840 = arith.constant 11 : i32
      %eq3A_1841 = vector.broadcast %eq3A_1840 : i32 to vector<16xi32>
      %eq3A_1842 = arith.cmpi eq, %iota3A, %eq3A_1841 : vector<16xi32>
      %broadcast_in_dim3A_1843 = vector.broadcast %reduce_sum3A_1832 : f32 to vector<16xf32>
      %select_n3A_1844 = arith.select %eq3A_1842, %broadcast_in_dim3A_1843, %select_n3A_1743 : vector<16xi1>, vector<16xf32>
      %dma_wait3A_1845 = arith.constant 4 : i32
      %dma_wait3A_1846 = arith.constant 4 : i32
      %dma_wait3A_1847 = arith.constant 0 : i32
      %dma_wait3A_1848 = arith.constant 0 : i32
      %dma_wait3A_1849 = tpu.memref_slice %arg9[%dma_wait3A_1845, %dma_wait3A_1847, %dma_wait3A_1848] : memref<8x32x128xf32, #tpu.memory_space<vmem>> -> memref<1x32x128xf32, #tpu.memory_space<vmem>>
      %dma_wait3A_1850 = tpu.memref_squeeze %dma_wait3A_1849 : memref<1x32x128xf32, #tpu.memory_space<vmem>> -> memref<32x128xf32, #tpu.memory_space<vmem>>
      %dma_wait3A_1851 = arith.constant 0 : i32
      %dma_wait3A_1852 = arith.constant 0 : i32
      %dma_wait3A_1853 = tpu.memref_slice %arg4[%dma_wait3A_1851, %dma_wait3A_1852] : memref<32x1000000xf32, #tpu.memory_space<hbm>> -> memref<32x128xf32, #tpu.memory_space<hbm>>
      %dma_wait3A_1854 = tpu.memref_slice %arg12[%dma_wait3A_1846] : memref<8x!tpu.dma_semaphore, #tpu.memory_space<semaphore_mem>> -> memref<1x!tpu.dma_semaphore, #tpu.memory_space<semaphore_mem>>
      %dma_wait3A_1855 = tpu.memref_squeeze %dma_wait3A_1854 : memref<1x!tpu.dma_semaphore, #tpu.memory_space<semaphore_mem>> -> memref<!tpu.dma_semaphore, #tpu.memory_space<semaphore_mem>>
      %dma_wait3A_1856 = arith.constant 0 : i32
      %dma_wait3A_1857 = arith.constant 0 : i32
      %dma_wait3A_1858 = tpu.memref_slice %arg9[%dma_wait3A_1845, %dma_wait3A_1856, %dma_wait3A_1857] : memref<8x32x128xf32, #tpu.memory_space<vmem>> -> memref<1x32x128xf32, #tpu.memory_space<vmem>>
      %dma_wait3A_1859 = tpu.memref_squeeze %dma_wait3A_1858 : memref<1x32x128xf32, #tpu.memory_space<vmem>> -> memref<32x128xf32, #tpu.memory_space<vmem>>
      %dma_wait3A_1860 = arith.constant 0 : i32
      %dma_wait3A_1861 = arith.constant 0 : i32
      %dma_wait3A_1862 = tpu.memref_slice %arg4[%dma_wait3A_1860, %dma_wait3A_1861] : memref<32x1000000xf32, #tpu.memory_space<hbm>> -> memref<32x128xf32, #tpu.memory_space<hbm>>
      tpu.wait_dma2 semaphore(%dma_wait3A_1855 : memref<!tpu.dma_semaphore, #tpu.memory_space<semaphore_mem>>) src(%dma_wait3A_1862 : memref<32x128xf32, #tpu.memory_space<hbm>>) dst(%dma_wait3A_1859 : memref<32x128xf32, #tpu.memory_space<vmem>>)
      %dma_wait3A_1863 = arith.constant 4 : i32
      %dma_wait3A_1864 = arith.constant 4 : i32
      %dma_wait3A_1865 = arith.constant 0 : i32
      %dma_wait3A_1866 = arith.constant 0 : i32
      %dma_wait3A_1867 = tpu.memref_slice %arg10[%dma_wait3A_1863, %dma_wait3A_1865, %dma_wait3A_1866] : memref<8x32x128xf32, #tpu.memory_space<vmem>> -> memref<1x32x128xf32, #tpu.memory_space<vmem>>
      %dma_wait3A_1868 = tpu.memref_squeeze %dma_wait3A_1867 : memref<1x32x128xf32, #tpu.memory_space<vmem>> -> memref<32x128xf32, #tpu.memory_space<vmem>>
      %dma_wait3A_1869 = arith.constant 0 : i32
      %dma_wait3A_1870 = arith.constant 0 : i32
      %dma_wait3A_1871 = tpu.memref_slice %arg5[%dma_wait3A_1869, %dma_wait3A_1870] : memref<32x1000000xf32, #tpu.memory_space<hbm>> -> memref<32x128xf32, #tpu.memory_space<hbm>>
      %dma_wait3A_1872 = tpu.memref_slice %arg13[%dma_wait3A_1864] : memref<8x!tpu.dma_semaphore, #tpu.memory_space<semaphore_mem>> -> memref<1x!tpu.dma_semaphore, #tpu.memory_space<semaphore_mem>>
      %dma_wait3A_1873 = tpu.memref_squeeze %dma_wait3A_1872 : memref<1x!tpu.dma_semaphore, #tpu.memory_space<semaphore_mem>> -> memref<!tpu.dma_semaphore, #tpu.memory_space<semaphore_mem>>
      %dma_wait3A_1874 = arith.constant 0 : i32
      %dma_wait3A_1875 = arith.constant 0 : i32
      %dma_wait3A_1876 = tpu.memref_slice %arg10[%dma_wait3A_1863, %dma_wait3A_1874, %dma_wait3A_1875] : memref<8x32x128xf32, #tpu.memory_space<vmem>> -> memref<1x32x128xf32, #tpu.memory_space<vmem>>
      %dma_wait3A_1877 = tpu.memref_squeeze %dma_wait3A_1876 : memref<1x32x128xf32, #tpu.memory_space<vmem>> -> memref<32x128xf32, #tpu.memory_space<vmem>>
      %dma_wait3A_1878 = arith.constant 0 : i32
      %dma_wait3A_1879 = arith.constant 0 : i32
      %dma_wait3A_1880 = tpu.memref_slice %arg5[%dma_wait3A_1878, %dma_wait3A_1879] : memref<32x1000000xf32, #tpu.memory_space<hbm>> -> memref<32x128xf32, #tpu.memory_space<hbm>>
      tpu.wait_dma2 semaphore(%dma_wait3A_1873 : memref<!tpu.dma_semaphore, #tpu.memory_space<semaphore_mem>>) src(%dma_wait3A_1880 : memref<32x128xf32, #tpu.memory_space<hbm>>) dst(%dma_wait3A_1877 : memref<32x128xf32, #tpu.memory_space<vmem>>)
      %slice3A_1881 = vector.extract_strided_slice %get3A_346 {offsets = [12], sizes = [1], strides = [1]} : vector<16xi32> to vector<1xi32>
      %squeeze3A_1882 = vector.extract %slice3A_1881[0] : i32 from vector<1xi32>
      %slice3A_1883 = vector.extract_strided_slice %get3A_350 {offsets = [12], sizes = [1], strides = [1]} : vector<16xi32> to vector<1xi32>
      %squeeze3A_1884 = vector.extract %slice3A_1883[0] : i32 from vector<1xi32>
      %broadcast_in_dim3A_1885 = arith.constant 0 : i32
      %broadcast_in_dim3A_1886 = vector.broadcast %broadcast_in_dim3A_1885 : i32 to vector<16xi32>
      %and3A_1887 = arith.constant 127 : i32
      %and3A_1888 = arith.andi %squeeze3A_1882, %and3A_1887 : i32
      %add3A_1889 = vector.broadcast %and3A_1888 : i32 to vector<16xi32>
      %add3A_1890 = arith.addi %broadcast_in_dim3A_1886, %add3A_1889 : vector<16xi32>
      %broadcast_in_dim3A_1891 = arith.constant 0 : i32
      %broadcast_in_dim3A_1892 = vector.broadcast %broadcast_in_dim3A_1891 : i32 to vector<16xi32>
      %and3A_1893 = arith.constant 127 : i32
      %and3A_1894 = arith.andi %squeeze3A_1884, %and3A_1893 : i32
      %add3A_1895 = vector.broadcast %and3A_1894 : i32 to vector<16xi32>
      %add3A_1896 = arith.addi %broadcast_in_dim3A_1892, %add3A_1895 : vector<16xi32>
      %gather3A_1897 = arith.constant 4 : i32
      %gather3A_1898 = arith.constant 0 : i32
      %gather3A_1899 = arith.constant 0 : i32
      %gather3A_1900 = tpu.memref_slice %arg9[%gather3A_1897, %gather3A_1898, %gather3A_1899] : memref<8x32x128xf32, #tpu.memory_space<vmem>> -> memref<1x32x128xf32, #tpu.memory_space<vmem>>
      %gather3A_1901 = tpu.memref_squeeze %gather3A_1900 : memref<1x32x128xf32, #tpu.memory_space<vmem>> -> memref<32x128xf32, #tpu.memory_space<vmem>>
      %gather3A_1902 = tpu.vector_load_idx %gather3A_1901[%iota3A, %add3A_1890] : memref<32x128xf32, #tpu.memory_space<vmem>>[vector<16xi32>, vector<16xi32>], vector<16xf32>,
      %add3A_1903 = arith.constant 16 : i32
      %add3A_1904 = vector.broadcast %add3A_1903 : i32 to vector<16xi32>
      %add3A_1905 = arith.addi %iota3A, %add3A_1904 : vector<16xi32>
      %gather3A_1906 = arith.constant 4 : i32
      %gather3A_1907 = arith.constant 0 : i32
      %gather3A_1908 = arith.constant 0 : i32
      %gather3A_1909 = tpu.memref_slice %arg9[%gather3A_1906, %gather3A_1907, %gather3A_1908] : memref<8x32x128xf32, #tpu.memory_space<vmem>> -> memref<1x32x128xf32, #tpu.memory_space<vmem>>
      %gather3A_1910 = tpu.memref_squeeze %gather3A_1909 : memref<1x32x128xf32, #tpu.memory_space<vmem>> -> memref<32x128xf32, #tpu.memory_space<vmem>>
      %gather3A_1911 = tpu.vector_load_idx %gather3A_1910[%add3A_1905, %add3A_1890] : memref<32x128xf32, #tpu.memory_space<vmem>>[vector<16xi32>, vector<16xi32>], vector<16xf32>,
      %gather3A_1912 = arith.constant 4 : i32
      %gather3A_1913 = arith.constant 0 : i32
      %gather3A_1914 = arith.constant 0 : i32
      %gather3A_1915 = tpu.memref_slice %arg10[%gather3A_1912, %gather3A_1913, %gather3A_1914] : memref<8x32x128xf32, #tpu.memory_space<vmem>> -> memref<1x32x128xf32, #tpu.memory_space<vmem>>
      %gather3A_1916 = tpu.memref_squeeze %gather3A_1915 : memref<1x32x128xf32, #tpu.memory_space<vmem>> -> memref<32x128xf32, #tpu.memory_space<vmem>>
      %gather3A_1917 = tpu.vector_load_idx %gather3A_1916[%iota3A, %add3A_1896] : memref<32x128xf32, #tpu.memory_space<vmem>>[vector<16xi32>, vector<16xi32>], vector<16xf32>,
      %add3A_1918 = arith.constant 16 : i32
      %add3A_1919 = vector.broadcast %add3A_1918 : i32 to vector<16xi32>
      %add3A_1920 = arith.addi %iota3A, %add3A_1919 : vector<16xi32>
      %gather3A_1921 = arith.constant 4 : i32
      %gather3A_1922 = arith.constant 0 : i32
      %gather3A_1923 = arith.constant 0 : i32
      %gather3A_1924 = tpu.memref_slice %arg10[%gather3A_1921, %gather3A_1922, %gather3A_1923] : memref<8x32x128xf32, #tpu.memory_space<vmem>> -> memref<1x32x128xf32, #tpu.memory_space<vmem>>
      %gather3A_1925 = tpu.memref_squeeze %gather3A_1924 : memref<1x32x128xf32, #tpu.memory_space<vmem>> -> memref<32x128xf32, #tpu.memory_space<vmem>>
      %gather3A_1926 = tpu.vector_load_idx %gather3A_1925[%add3A_1920, %add3A_1896] : memref<32x128xf32, #tpu.memory_space<vmem>>[vector<16xi32>, vector<16xi32>], vector<16xf32>,
      %mul3A_1927 = arith.mulf %gather3A_1902, %gather3A_1917 : vector<16xf32>
      %mul3A_1928 = arith.mulf %gather3A_1911, %gather3A_1926 : vector<16xf32>
      %add3A_1929 = arith.addf %mul3A_1927, %mul3A_1928 : vector<16xf32>
      %reduce_sum3A_1930 = arith.constant true
      %reduce_sum3A_1931 = vector.broadcast %reduce_sum3A_1930 : i1 to vector<16xi1>
      %reduce_sum3A_1932 = tpu.scan <sum>, %add3A_1929 masked %reduce_sum3A_1931 : vector<16xf32>, vector<16xi1> -> vector<16xf32>
      %reduce_sum3A_1933 = vector.extract %reduce_sum3A_1932[15] : f32 from vector<16xf32>
      %add3A_1934 = arith.constant 1 : i32
      %add3A_1935 = arith.addi %scan3A_342, %add3A_1934 : i32
      %lt3A_1936 = arith.constant 32 : i32
      %lt3A_1937 = arith.cmpi slt, %add3A_1935, %lt3A_1936 : i32
      %convert_element_type3A_1938 = arith.extui %lt3A_1937 : i1 to i32
      %cond3A_1939 = arith.constant 0 : i32
      %cond3A_1940 = arith.cmpi ne, %convert_element_type3A_1938, %cond3A_1939 : i32
      scf.if %cond3A_1940 {
        %slice3A_2252 = vector.extract_strided_slice %get3A_357 {offsets = [4], sizes = [1], strides = [1]} : vector<16xi32> to vector<1xi32>
        %squeeze3A_2253 = vector.extract %slice3A_2252[0] : i32 from vector<1xi32>
        %slice3A_2254 = vector.extract_strided_slice %get3A_359 {offsets = [4], sizes = [1], strides = [1]} : vector<16xi32> to vector<1xi32>
        %squeeze3A_2255 = vector.extract %slice3A_2254[0] : i32 from vector<1xi32>
        %and3A_2256 = arith.constant -128 : i32
        %and3A_2257 = arith.andi %squeeze3A_2253, %and3A_2256 : i32
        %multiple_of3A_2258 = tpu.assume_multiple %and3A_2257, 128 : i32
        %and3A_2259 = arith.constant -128 : i32
        %and3A_2260 = arith.andi %squeeze3A_2255, %and3A_2259 : i32
        %multiple_of3A_2261 = tpu.assume_multiple %and3A_2260, 128 : i32
        %dma_start3A_2262 = arith.constant 4 : i32
        %dma_start3A_2263 = arith.constant 4 : i32
        %dma_start3A_2264 = arith.constant 0 : i32
        %dma_start3A_2265 = arith.constant 0 : i32
        %dma_start3A_2266 = tpu.memref_slice %arg9[%dma_start3A_2262, %dma_start3A_2264, %dma_start3A_2265] : memref<8x32x128xf32, #tpu.memory_space<vmem>> -> memref<1x32x128xf32, #tpu.memory_space<vmem>>
        %dma_start3A_2267 = tpu.memref_squeeze %dma_start3A_2266 : memref<1x32x128xf32, #tpu.memory_space<vmem>> -> memref<32x128xf32, #tpu.memory_space<vmem>>
        %dma_start3A_2268 = arith.constant 0 : i32
        %dma_start3A_2269 = tpu.memref_slice %arg4[%dma_start3A_2268, %multiple_of3A_2258] : memref<32x1000000xf32, #tpu.memory_space<hbm>> -> memref<32x128xf32, #tpu.memory_space<hbm>>
        %dma_start3A_2270 = tpu.memref_slice %arg12[%dma_start3A_2263] : memref<8x!tpu.dma_semaphore, #tpu.memory_space<semaphore_mem>> -> memref<1x!tpu.dma_semaphore, #tpu.memory_space<semaphore_mem>>
        %dma_start3A_2271 = tpu.memref_squeeze %dma_start3A_2270 : memref<1x!tpu.dma_semaphore, #tpu.memory_space<semaphore_mem>> -> memref<!tpu.dma_semaphore, #tpu.memory_space<semaphore_mem>>
        %dma_start3A_2272 = arith.constant 0 : i32
        %dma_start3A_2273 = arith.constant 0 : i32
        %dma_start3A_2274 = tpu.memref_slice %arg9[%dma_start3A_2262, %dma_start3A_2272, %dma_start3A_2273] : memref<8x32x128xf32, #tpu.memory_space<vmem>> -> memref<1x32x128xf32, #tpu.memory_space<vmem>>
        %dma_start3A_2275 = tpu.memref_squeeze %dma_start3A_2274 : memref<1x32x128xf32, #tpu.memory_space<vmem>> -> memref<32x128xf32, #tpu.memory_space<vmem>>
        %dma_start3A_2276 = arith.constant 0 : i32
        %dma_start3A_2277 = tpu.memref_slice %arg4[%dma_start3A_2276, %multiple_of3A_2258] : memref<32x1000000xf32, #tpu.memory_space<hbm>> -> memref<32x128xf32, #tpu.memory_space<hbm>>
        tpu.enqueue_dma source(%dma_start3A_2277 : memref<32x128xf32, #tpu.memory_space<hbm>>) target(%dma_start3A_2275 : memref<32x128xf32, #tpu.memory_space<vmem>>) target_semaphore(%dma_start3A_2271 : memref<!tpu.dma_semaphore, #tpu.memory_space<semaphore_mem>>)
        %dma_start3A_2278 = arith.constant 4 : i32
        %dma_start3A_2279 = arith.constant 4 : i32
        %dma_start3A_2280 = arith.constant 0 : i32
        %dma_start3A_2281 = arith.constant 0 : i32
        %dma_start3A_2282 = tpu.memref_slice %arg10[%dma_start3A_2278, %dma_start3A_2280, %dma_start3A_2281] : memref<8x32x128xf32, #tpu.memory_space<vmem>> -> memref<1x32x128xf32, #tpu.memory_space<vmem>>
        %dma_start3A_2283 = tpu.memref_squeeze %dma_start3A_2282 : memref<1x32x128xf32, #tpu.memory_space<vmem>> -> memref<32x128xf32, #tpu.memory_space<vmem>>
        %dma_start3A_2284 = arith.constant 0 : i32
        %dma_start3A_2285 = tpu.memref_slice %arg5[%dma_start3A_2284, %multiple_of3A_2261] : memref<32x1000000xf32, #tpu.memory_space<hbm>> -> memref<32x128xf32, #tpu.memory_space<hbm>>
        %dma_start3A_2286 = tpu.memref_slice %arg13[%dma_start3A_2279] : memref<8x!tpu.dma_semaphore, #tpu.memory_space<semaphore_mem>> -> memref<1x!tpu.dma_semaphore, #tpu.memory_space<semaphore_mem>>
        %dma_start3A_2287 = tpu.memref_squeeze %dma_start3A_2286 : memref<1x!tpu.dma_semaphore, #tpu.memory_space<semaphore_mem>> -> memref<!tpu.dma_semaphore, #tpu.memory_space<semaphore_mem>>
        %dma_start3A_2288 = arith.constant 0 : i32
        %dma_start3A_2289 = arith.constant 0 : i32
        %dma_start3A_2290 = tpu.memref_slice %arg10[%dma_start3A_2278, %dma_start3A_2288, %dma_start3A_2289] : memref<8x32x128xf32, #tpu.memory_space<vmem>> -> memref<1x32x128xf32, #tpu.memory_space<vmem>>
        %dma_start3A_2291 = tpu.memref_squeeze %dma_start3A_2290 : memref<1x32x128xf32, #tpu.memory_space<vmem>> -> memref<32x128xf32, #tpu.memory_space<vmem>>
        %dma_start3A_2292 = arith.constant 0 : i32
        %dma_start3A_2293 = tpu.memref_slice %arg5[%dma_start3A_2292, %multiple_of3A_2261] : memref<32x1000000xf32, #tpu.memory_space<hbm>> -> memref<32x128xf32, #tpu.memory_space<hbm>>
        tpu.enqueue_dma source(%dma_start3A_2293 : memref<32x128xf32, #tpu.memory_space<hbm>>) target(%dma_start3A_2291 : memref<32x128xf32, #tpu.memory_space<vmem>>) target_semaphore(%dma_start3A_2287 : memref<!tpu.dma_semaphore, #tpu.memory_space<semaphore_mem>>)
      } else {
      }
      %eq3A_1941 = arith.constant 12 : i32
      %eq3A_1942 = vector.broadcast %eq3A_1941 : i32 to vector<16xi32>
      %eq3A_1943 = arith.cmpi eq, %iota3A, %eq3A_1942 : vector<16xi32>
      %broadcast_in_dim3A_1944 = vector.broadcast %reduce_sum3A_1933 : f32 to vector<16xf32>
      %select_n3A_1945 = arith.select %eq3A_1943, %broadcast_in_dim3A_1944, %select_n3A_1844 : vector<16xi1>, vector<16xf32>
      %dma_wait3A_1946 = arith.constant 5 : i32
      %dma_wait3A_1947 = arith.constant 5 : i32
      %dma_wait3A_1948 = arith.constant 0 : i32
      %dma_wait3A_1949 = arith.constant 0 : i32
      %dma_wait3A_1950 = tpu.memref_slice %arg9[%dma_wait3A_1946, %dma_wait3A_1948, %dma_wait3A_1949] : memref<8x32x128xf32, #tpu.memory_space<vmem>> -> memref<1x32x128xf32, #tpu.memory_space<vmem>>
      %dma_wait3A_1951 = tpu.memref_squeeze %dma_wait3A_1950 : memref<1x32x128xf32, #tpu.memory_space<vmem>> -> memref<32x128xf32, #tpu.memory_space<vmem>>
      %dma_wait3A_1952 = arith.constant 0 : i32
      %dma_wait3A_1953 = arith.constant 0 : i32
      %dma_wait3A_1954 = tpu.memref_slice %arg4[%dma_wait3A_1952, %dma_wait3A_1953] : memref<32x1000000xf32, #tpu.memory_space<hbm>> -> memref<32x128xf32, #tpu.memory_space<hbm>>
      %dma_wait3A_1955 = tpu.memref_slice %arg12[%dma_wait3A_1947] : memref<8x!tpu.dma_semaphore, #tpu.memory_space<semaphore_mem>> -> memref<1x!tpu.dma_semaphore, #tpu.memory_space<semaphore_mem>>
      %dma_wait3A_1956 = tpu.memref_squeeze %dma_wait3A_1955 : memref<1x!tpu.dma_semaphore, #tpu.memory_space<semaphore_mem>> -> memref<!tpu.dma_semaphore, #tpu.memory_space<semaphore_mem>>
      %dma_wait3A_1957 = arith.constant 0 : i32
      %dma_wait3A_1958 = arith.constant 0 : i32
      %dma_wait3A_1959 = tpu.memref_slice %arg9[%dma_wait3A_1946, %dma_wait3A_1957, %dma_wait3A_1958] : memref<8x32x128xf32, #tpu.memory_space<vmem>> -> memref<1x32x128xf32, #tpu.memory_space<vmem>>
      %dma_wait3A_1960 = tpu.memref_squeeze %dma_wait3A_1959 : memref<1x32x128xf32, #tpu.memory_space<vmem>> -> memref<32x128xf32, #tpu.memory_space<vmem>>
      %dma_wait3A_1961 = arith.constant 0 : i32
      %dma_wait3A_1962 = arith.constant 0 : i32
      %dma_wait3A_1963 = tpu.memref_slice %arg4[%dma_wait3A_1961, %dma_wait3A_1962] : memref<32x1000000xf32, #tpu.memory_space<hbm>> -> memref<32x128xf32, #tpu.memory_space<hbm>>
      tpu.wait_dma2 semaphore(%dma_wait3A_1956 : memref<!tpu.dma_semaphore, #tpu.memory_space<semaphore_mem>>) src(%dma_wait3A_1963 : memref<32x128xf32, #tpu.memory_space<hbm>>) dst(%dma_wait3A_1960 : memref<32x128xf32, #tpu.memory_space<vmem>>)
      %dma_wait3A_1964 = arith.constant 5 : i32
      %dma_wait3A_1965 = arith.constant 5 : i32
      %dma_wait3A_1966 = arith.constant 0 : i32
      %dma_wait3A_1967 = arith.constant 0 : i32
      %dma_wait3A_1968 = tpu.memref_slice %arg10[%dma_wait3A_1964, %dma_wait3A_1966, %dma_wait3A_1967] : memref<8x32x128xf32, #tpu.memory_space<vmem>> -> memref<1x32x128xf32, #tpu.memory_space<vmem>>
      %dma_wait3A_1969 = tpu.memref_squeeze %dma_wait3A_1968 : memref<1x32x128xf32, #tpu.memory_space<vmem>> -> memref<32x128xf32, #tpu.memory_space<vmem>>
      %dma_wait3A_1970 = arith.constant 0 : i32
      %dma_wait3A_1971 = arith.constant 0 : i32
      %dma_wait3A_1972 = tpu.memref_slice %arg5[%dma_wait3A_1970, %dma_wait3A_1971] : memref<32x1000000xf32, #tpu.memory_space<hbm>> -> memref<32x128xf32, #tpu.memory_space<hbm>>
      %dma_wait3A_1973 = tpu.memref_slice %arg13[%dma_wait3A_1965] : memref<8x!tpu.dma_semaphore, #tpu.memory_space<semaphore_mem>> -> memref<1x!tpu.dma_semaphore, #tpu.memory_space<semaphore_mem>>
      %dma_wait3A_1974 = tpu.memref_squeeze %dma_wait3A_1973 : memref<1x!tpu.dma_semaphore, #tpu.memory_space<semaphore_mem>> -> memref<!tpu.dma_semaphore, #tpu.memory_space<semaphore_mem>>
      %dma_wait3A_1975 = arith.constant 0 : i32
      %dma_wait3A_1976 = arith.constant 0 : i32
      %dma_wait3A_1977 = tpu.memref_slice %arg10[%dma_wait3A_1964, %dma_wait3A_1975, %dma_wait3A_1976] : memref<8x32x128xf32, #tpu.memory_space<vmem>> -> memref<1x32x128xf32, #tpu.memory_space<vmem>>
      %dma_wait3A_1978 = tpu.memref_squeeze %dma_wait3A_1977 : memref<1x32x128xf32, #tpu.memory_space<vmem>> -> memref<32x128xf32, #tpu.memory_space<vmem>>
      %dma_wait3A_1979 = arith.constant 0 : i32
      %dma_wait3A_1980 = arith.constant 0 : i32
      %dma_wait3A_1981 = tpu.memref_slice %arg5[%dma_wait3A_1979, %dma_wait3A_1980] : memref<32x1000000xf32, #tpu.memory_space<hbm>> -> memref<32x128xf32, #tpu.memory_space<hbm>>
      tpu.wait_dma2 semaphore(%dma_wait3A_1974 : memref<!tpu.dma_semaphore, #tpu.memory_space<semaphore_mem>>) src(%dma_wait3A_1981 : memref<32x128xf32, #tpu.memory_space<hbm>>) dst(%dma_wait3A_1978 : memref<32x128xf32, #tpu.memory_space<vmem>>)
      %slice3A_1982 = vector.extract_strided_slice %get3A_346 {offsets = [13], sizes = [1], strides = [1]} : vector<16xi32> to vector<1xi32>
      %squeeze3A_1983 = vector.extract %slice3A_1982[0] : i32 from vector<1xi32>
      %slice3A_1984 = vector.extract_strided_slice %get3A_350 {offsets = [13], sizes = [1], strides = [1]} : vector<16xi32> to vector<1xi32>
      %squeeze3A_1985 = vector.extract %slice3A_1984[0] : i32 from vector<1xi32>
      %broadcast_in_dim3A_1986 = arith.constant 0 : i32
      %broadcast_in_dim3A_1987 = vector.broadcast %broadcast_in_dim3A_1986 : i32 to vector<16xi32>
      %and3A_1988 = arith.constant 127 : i32
      %and3A_1989 = arith.andi %squeeze3A_1983, %and3A_1988 : i32
      %add3A_1990 = vector.broadcast %and3A_1989 : i32 to vector<16xi32>
      %add3A_1991 = arith.addi %broadcast_in_dim3A_1987, %add3A_1990 : vector<16xi32>
      %broadcast_in_dim3A_1992 = arith.constant 0 : i32
      %broadcast_in_dim3A_1993 = vector.broadcast %broadcast_in_dim3A_1992 : i32 to vector<16xi32>
      %and3A_1994 = arith.constant 127 : i32
      %and3A_1995 = arith.andi %squeeze3A_1985, %and3A_1994 : i32
      %add3A_1996 = vector.broadcast %and3A_1995 : i32 to vector<16xi32>
      %add3A_1997 = arith.addi %broadcast_in_dim3A_1993, %add3A_1996 : vector<16xi32>
      %gather3A_1998 = arith.constant 5 : i32
      %gather3A_1999 = arith.constant 0 : i32
      %gather3A_2000 = arith.constant 0 : i32
      %gather3A_2001 = tpu.memref_slice %arg9[%gather3A_1998, %gather3A_1999, %gather3A_2000] : memref<8x32x128xf32, #tpu.memory_space<vmem>> -> memref<1x32x128xf32, #tpu.memory_space<vmem>>
      %gather3A_2002 = tpu.memref_squeeze %gather3A_2001 : memref<1x32x128xf32, #tpu.memory_space<vmem>> -> memref<32x128xf32, #tpu.memory_space<vmem>>
      %gather3A_2003 = tpu.vector_load_idx %gather3A_2002[%iota3A, %add3A_1991] : memref<32x128xf32, #tpu.memory_space<vmem>>[vector<16xi32>, vector<16xi32>], vector<16xf32>,
      %add3A_2004 = arith.constant 16 : i32
      %add3A_2005 = vector.broadcast %add3A_2004 : i32 to vector<16xi32>
      %add3A_2006 = arith.addi %iota3A, %add3A_2005 : vector<16xi32>
      %gather3A_2007 = arith.constant 5 : i32
      %gather3A_2008 = arith.constant 0 : i32
      %gather3A_2009 = arith.constant 0 : i32
      %gather3A_2010 = tpu.memref_slice %arg9[%gather3A_2007, %gather3A_2008, %gather3A_2009] : memref<8x32x128xf32, #tpu.memory_space<vmem>> -> memref<1x32x128xf32, #tpu.memory_space<vmem>>
      %gather3A_2011 = tpu.memref_squeeze %gather3A_2010 : memref<1x32x128xf32, #tpu.memory_space<vmem>> -> memref<32x128xf32, #tpu.memory_space<vmem>>
      %gather3A_2012 = tpu.vector_load_idx %gather3A_2011[%add3A_2006, %add3A_1991] : memref<32x128xf32, #tpu.memory_space<vmem>>[vector<16xi32>, vector<16xi32>], vector<16xf32>,
      %gather3A_2013 = arith.constant 5 : i32
      %gather3A_2014 = arith.constant 0 : i32
      %gather3A_2015 = arith.constant 0 : i32
      %gather3A_2016 = tpu.memref_slice %arg10[%gather3A_2013, %gather3A_2014, %gather3A_2015] : memref<8x32x128xf32, #tpu.memory_space<vmem>> -> memref<1x32x128xf32, #tpu.memory_space<vmem>>
      %gather3A_2017 = tpu.memref_squeeze %gather3A_2016 : memref<1x32x128xf32, #tpu.memory_space<vmem>> -> memref<32x128xf32, #tpu.memory_space<vmem>>
      %gather3A_2018 = tpu.vector_load_idx %gather3A_2017[%iota3A, %add3A_1997] : memref<32x128xf32, #tpu.memory_space<vmem>>[vector<16xi32>, vector<16xi32>], vector<16xf32>,
      %add3A_2019 = arith.constant 16 : i32
      %add3A_2020 = vector.broadcast %add3A_2019 : i32 to vector<16xi32>
      %add3A_2021 = arith.addi %iota3A, %add3A_2020 : vector<16xi32>
      %gather3A_2022 = arith.constant 5 : i32
      %gather3A_2023 = arith.constant 0 : i32
      %gather3A_2024 = arith.constant 0 : i32
      %gather3A_2025 = tpu.memref_slice %arg10[%gather3A_2022, %gather3A_2023, %gather3A_2024] : memref<8x32x128xf32, #tpu.memory_space<vmem>> -> memref<1x32x128xf32, #tpu.memory_space<vmem>>
      %gather3A_2026 = tpu.memref_squeeze %gather3A_2025 : memref<1x32x128xf32, #tpu.memory_space<vmem>> -> memref<32x128xf32, #tpu.memory_space<vmem>>
      %gather3A_2027 = tpu.vector_load_idx %gather3A_2026[%add3A_2021, %add3A_1997] : memref<32x128xf32, #tpu.memory_space<vmem>>[vector<16xi32>, vector<16xi32>], vector<16xf32>,
      %mul3A_2028 = arith.mulf %gather3A_2003, %gather3A_2018 : vector<16xf32>
      %mul3A_2029 = arith.mulf %gather3A_2012, %gather3A_2027 : vector<16xf32>
      %add3A_2030 = arith.addf %mul3A_2028, %mul3A_2029 : vector<16xf32>
      %reduce_sum3A_2031 = arith.constant true
      %reduce_sum3A_2032 = vector.broadcast %reduce_sum3A_2031 : i1 to vector<16xi1>
      %reduce_sum3A_2033 = tpu.scan <sum>, %add3A_2030 masked %reduce_sum3A_2032 : vector<16xf32>, vector<16xi1> -> vector<16xf32>
      %reduce_sum3A_2034 = vector.extract %reduce_sum3A_2033[15] : f32 from vector<16xf32>
      %add3A_2035 = arith.constant 1 : i32
      %add3A_2036 = arith.addi %scan3A_342, %add3A_2035 : i32
      %lt3A_2037 = arith.constant 32 : i32
      %lt3A_2038 = arith.cmpi slt, %add3A_2036, %lt3A_2037 : i32
      %convert_element_type3A_2039 = arith.extui %lt3A_2038 : i1 to i32
      %cond3A_2040 = arith.constant 0 : i32
      %cond3A_2041 = arith.cmpi ne, %convert_element_type3A_2039, %cond3A_2040 : i32
      scf.if %cond3A_2041 {
        %slice3A_2252 = vector.extract_strided_slice %get3A_357 {offsets = [5], sizes = [1], strides = [1]} : vector<16xi32> to vector<1xi32>
        %squeeze3A_2253 = vector.extract %slice3A_2252[0] : i32 from vector<1xi32>
        %slice3A_2254 = vector.extract_strided_slice %get3A_359 {offsets = [5], sizes = [1], strides = [1]} : vector<16xi32> to vector<1xi32>
        %squeeze3A_2255 = vector.extract %slice3A_2254[0] : i32 from vector<1xi32>
        %and3A_2256 = arith.constant -128 : i32
        %and3A_2257 = arith.andi %squeeze3A_2253, %and3A_2256 : i32
        %multiple_of3A_2258 = tpu.assume_multiple %and3A_2257, 128 : i32
        %and3A_2259 = arith.constant -128 : i32
        %and3A_2260 = arith.andi %squeeze3A_2255, %and3A_2259 : i32
        %multiple_of3A_2261 = tpu.assume_multiple %and3A_2260, 128 : i32
        %dma_start3A_2262 = arith.constant 5 : i32
        %dma_start3A_2263 = arith.constant 5 : i32
        %dma_start3A_2264 = arith.constant 0 : i32
        %dma_start3A_2265 = arith.constant 0 : i32
        %dma_start3A_2266 = tpu.memref_slice %arg9[%dma_start3A_2262, %dma_start3A_2264, %dma_start3A_2265] : memref<8x32x128xf32, #tpu.memory_space<vmem>> -> memref<1x32x128xf32, #tpu.memory_space<vmem>>
        %dma_start3A_2267 = tpu.memref_squeeze %dma_start3A_2266 : memref<1x32x128xf32, #tpu.memory_space<vmem>> -> memref<32x128xf32, #tpu.memory_space<vmem>>
        %dma_start3A_2268 = arith.constant 0 : i32
        %dma_start3A_2269 = tpu.memref_slice %arg4[%dma_start3A_2268, %multiple_of3A_2258] : memref<32x1000000xf32, #tpu.memory_space<hbm>> -> memref<32x128xf32, #tpu.memory_space<hbm>>
        %dma_start3A_2270 = tpu.memref_slice %arg12[%dma_start3A_2263] : memref<8x!tpu.dma_semaphore, #tpu.memory_space<semaphore_mem>> -> memref<1x!tpu.dma_semaphore, #tpu.memory_space<semaphore_mem>>
        %dma_start3A_2271 = tpu.memref_squeeze %dma_start3A_2270 : memref<1x!tpu.dma_semaphore, #tpu.memory_space<semaphore_mem>> -> memref<!tpu.dma_semaphore, #tpu.memory_space<semaphore_mem>>
        %dma_start3A_2272 = arith.constant 0 : i32
        %dma_start3A_2273 = arith.constant 0 : i32
        %dma_start3A_2274 = tpu.memref_slice %arg9[%dma_start3A_2262, %dma_start3A_2272, %dma_start3A_2273] : memref<8x32x128xf32, #tpu.memory_space<vmem>> -> memref<1x32x128xf32, #tpu.memory_space<vmem>>
        %dma_start3A_2275 = tpu.memref_squeeze %dma_start3A_2274 : memref<1x32x128xf32, #tpu.memory_space<vmem>> -> memref<32x128xf32, #tpu.memory_space<vmem>>
        %dma_start3A_2276 = arith.constant 0 : i32
        %dma_start3A_2277 = tpu.memref_slice %arg4[%dma_start3A_2276, %multiple_of3A_2258] : memref<32x1000000xf32, #tpu.memory_space<hbm>> -> memref<32x128xf32, #tpu.memory_space<hbm>>
        tpu.enqueue_dma source(%dma_start3A_2277 : memref<32x128xf32, #tpu.memory_space<hbm>>) target(%dma_start3A_2275 : memref<32x128xf32, #tpu.memory_space<vmem>>) target_semaphore(%dma_start3A_2271 : memref<!tpu.dma_semaphore, #tpu.memory_space<semaphore_mem>>)
        %dma_start3A_2278 = arith.constant 5 : i32
        %dma_start3A_2279 = arith.constant 5 : i32
        %dma_start3A_2280 = arith.constant 0 : i32
        %dma_start3A_2281 = arith.constant 0 : i32
        %dma_start3A_2282 = tpu.memref_slice %arg10[%dma_start3A_2278, %dma_start3A_2280, %dma_start3A_2281] : memref<8x32x128xf32, #tpu.memory_space<vmem>> -> memref<1x32x128xf32, #tpu.memory_space<vmem>>
        %dma_start3A_2283 = tpu.memref_squeeze %dma_start3A_2282 : memref<1x32x128xf32, #tpu.memory_space<vmem>> -> memref<32x128xf32, #tpu.memory_space<vmem>>
        %dma_start3A_2284 = arith.constant 0 : i32
        %dma_start3A_2285 = tpu.memref_slice %arg5[%dma_start3A_2284, %multiple_of3A_2261] : memref<32x1000000xf32, #tpu.memory_space<hbm>> -> memref<32x128xf32, #tpu.memory_space<hbm>>
        %dma_start3A_2286 = tpu.memref_slice %arg13[%dma_start3A_2279] : memref<8x!tpu.dma_semaphore, #tpu.memory_space<semaphore_mem>> -> memref<1x!tpu.dma_semaphore, #tpu.memory_space<semaphore_mem>>
        %dma_start3A_2287 = tpu.memref_squeeze %dma_start3A_2286 : memref<1x!tpu.dma_semaphore, #tpu.memory_space<semaphore_mem>> -> memref<!tpu.dma_semaphore, #tpu.memory_space<semaphore_mem>>
        %dma_start3A_2288 = arith.constant 0 : i32
        %dma_start3A_2289 = arith.constant 0 : i32
        %dma_start3A_2290 = tpu.memref_slice %arg10[%dma_start3A_2278, %dma_start3A_2288, %dma_start3A_2289] : memref<8x32x128xf32, #tpu.memory_space<vmem>> -> memref<1x32x128xf32, #tpu.memory_space<vmem>>
        %dma_start3A_2291 = tpu.memref_squeeze %dma_start3A_2290 : memref<1x32x128xf32, #tpu.memory_space<vmem>> -> memref<32x128xf32, #tpu.memory_space<vmem>>
        %dma_start3A_2292 = arith.constant 0 : i32
        %dma_start3A_2293 = tpu.memref_slice %arg5[%dma_start3A_2292, %multiple_of3A_2261] : memref<32x1000000xf32, #tpu.memory_space<hbm>> -> memref<32x128xf32, #tpu.memory_space<hbm>>
        tpu.enqueue_dma source(%dma_start3A_2293 : memref<32x128xf32, #tpu.memory_space<hbm>>) target(%dma_start3A_2291 : memref<32x128xf32, #tpu.memory_space<vmem>>) target_semaphore(%dma_start3A_2287 : memref<!tpu.dma_semaphore, #tpu.memory_space<semaphore_mem>>)
      } else {
      }
      %eq3A_2042 = arith.constant 13 : i32
      %eq3A_2043 = vector.broadcast %eq3A_2042 : i32 to vector<16xi32>
      %eq3A_2044 = arith.cmpi eq, %iota3A, %eq3A_2043 : vector<16xi32>
      %broadcast_in_dim3A_2045 = vector.broadcast %reduce_sum3A_2034 : f32 to vector<16xf32>
      %select_n3A_2046 = arith.select %eq3A_2044, %broadcast_in_dim3A_2045, %select_n3A_1945 : vector<16xi1>, vector<16xf32>
      %dma_wait3A_2047 = arith.constant 6 : i32
      %dma_wait3A_2048 = arith.constant 6 : i32
      %dma_wait3A_2049 = arith.constant 0 : i32
      %dma_wait3A_2050 = arith.constant 0 : i32
      %dma_wait3A_2051 = tpu.memref_slice %arg9[%dma_wait3A_2047, %dma_wait3A_2049, %dma_wait3A_2050] : memref<8x32x128xf32, #tpu.memory_space<vmem>> -> memref<1x32x128xf32, #tpu.memory_space<vmem>>
      %dma_wait3A_2052 = tpu.memref_squeeze %dma_wait3A_2051 : memref<1x32x128xf32, #tpu.memory_space<vmem>> -> memref<32x128xf32, #tpu.memory_space<vmem>>
      %dma_wait3A_2053 = arith.constant 0 : i32
      %dma_wait3A_2054 = arith.constant 0 : i32
      %dma_wait3A_2055 = tpu.memref_slice %arg4[%dma_wait3A_2053, %dma_wait3A_2054] : memref<32x1000000xf32, #tpu.memory_space<hbm>> -> memref<32x128xf32, #tpu.memory_space<hbm>>
      %dma_wait3A_2056 = tpu.memref_slice %arg12[%dma_wait3A_2048] : memref<8x!tpu.dma_semaphore, #tpu.memory_space<semaphore_mem>> -> memref<1x!tpu.dma_semaphore, #tpu.memory_space<semaphore_mem>>
      %dma_wait3A_2057 = tpu.memref_squeeze %dma_wait3A_2056 : memref<1x!tpu.dma_semaphore, #tpu.memory_space<semaphore_mem>> -> memref<!tpu.dma_semaphore, #tpu.memory_space<semaphore_mem>>
      %dma_wait3A_2058 = arith.constant 0 : i32
      %dma_wait3A_2059 = arith.constant 0 : i32
      %dma_wait3A_2060 = tpu.memref_slice %arg9[%dma_wait3A_2047, %dma_wait3A_2058, %dma_wait3A_2059] : memref<8x32x128xf32, #tpu.memory_space<vmem>> -> memref<1x32x128xf32, #tpu.memory_space<vmem>>
      %dma_wait3A_2061 = tpu.memref_squeeze %dma_wait3A_2060 : memref<1x32x128xf32, #tpu.memory_space<vmem>> -> memref<32x128xf32, #tpu.memory_space<vmem>>
      %dma_wait3A_2062 = arith.constant 0 : i32
      %dma_wait3A_2063 = arith.constant 0 : i32
      %dma_wait3A_2064 = tpu.memref_slice %arg4[%dma_wait3A_2062, %dma_wait3A_2063] : memref<32x1000000xf32, #tpu.memory_space<hbm>> -> memref<32x128xf32, #tpu.memory_space<hbm>>
      tpu.wait_dma2 semaphore(%dma_wait3A_2057 : memref<!tpu.dma_semaphore, #tpu.memory_space<semaphore_mem>>) src(%dma_wait3A_2064 : memref<32x128xf32, #tpu.memory_space<hbm>>) dst(%dma_wait3A_2061 : memref<32x128xf32, #tpu.memory_space<vmem>>)
      %dma_wait3A_2065 = arith.constant 6 : i32
      %dma_wait3A_2066 = arith.constant 6 : i32
      %dma_wait3A_2067 = arith.constant 0 : i32
      %dma_wait3A_2068 = arith.constant 0 : i32
      %dma_wait3A_2069 = tpu.memref_slice %arg10[%dma_wait3A_2065, %dma_wait3A_2067, %dma_wait3A_2068] : memref<8x32x128xf32, #tpu.memory_space<vmem>> -> memref<1x32x128xf32, #tpu.memory_space<vmem>>
      %dma_wait3A_2070 = tpu.memref_squeeze %dma_wait3A_2069 : memref<1x32x128xf32, #tpu.memory_space<vmem>> -> memref<32x128xf32, #tpu.memory_space<vmem>>
      %dma_wait3A_2071 = arith.constant 0 : i32
      %dma_wait3A_2072 = arith.constant 0 : i32
      %dma_wait3A_2073 = tpu.memref_slice %arg5[%dma_wait3A_2071, %dma_wait3A_2072] : memref<32x1000000xf32, #tpu.memory_space<hbm>> -> memref<32x128xf32, #tpu.memory_space<hbm>>
      %dma_wait3A_2074 = tpu.memref_slice %arg13[%dma_wait3A_2066] : memref<8x!tpu.dma_semaphore, #tpu.memory_space<semaphore_mem>> -> memref<1x!tpu.dma_semaphore, #tpu.memory_space<semaphore_mem>>
      %dma_wait3A_2075 = tpu.memref_squeeze %dma_wait3A_2074 : memref<1x!tpu.dma_semaphore, #tpu.memory_space<semaphore_mem>> -> memref<!tpu.dma_semaphore, #tpu.memory_space<semaphore_mem>>
      %dma_wait3A_2076 = arith.constant 0 : i32
      %dma_wait3A_2077 = arith.constant 0 : i32
      %dma_wait3A_2078 = tpu.memref_slice %arg10[%dma_wait3A_2065, %dma_wait3A_2076, %dma_wait3A_2077] : memref<8x32x128xf32, #tpu.memory_space<vmem>> -> memref<1x32x128xf32, #tpu.memory_space<vmem>>
      %dma_wait3A_2079 = tpu.memref_squeeze %dma_wait3A_2078 : memref<1x32x128xf32, #tpu.memory_space<vmem>> -> memref<32x128xf32, #tpu.memory_space<vmem>>
      %dma_wait3A_2080 = arith.constant 0 : i32
      %dma_wait3A_2081 = arith.constant 0 : i32
      %dma_wait3A_2082 = tpu.memref_slice %arg5[%dma_wait3A_2080, %dma_wait3A_2081] : memref<32x1000000xf32, #tpu.memory_space<hbm>> -> memref<32x128xf32, #tpu.memory_space<hbm>>
      tpu.wait_dma2 semaphore(%dma_wait3A_2075 : memref<!tpu.dma_semaphore, #tpu.memory_space<semaphore_mem>>) src(%dma_wait3A_2082 : memref<32x128xf32, #tpu.memory_space<hbm>>) dst(%dma_wait3A_2079 : memref<32x128xf32, #tpu.memory_space<vmem>>)
      %slice3A_2083 = vector.extract_strided_slice %get3A_346 {offsets = [14], sizes = [1], strides = [1]} : vector<16xi32> to vector<1xi32>
      %squeeze3A_2084 = vector.extract %slice3A_2083[0] : i32 from vector<1xi32>
      %slice3A_2085 = vector.extract_strided_slice %get3A_350 {offsets = [14], sizes = [1], strides = [1]} : vector<16xi32> to vector<1xi32>
      %squeeze3A_2086 = vector.extract %slice3A_2085[0] : i32 from vector<1xi32>
      %broadcast_in_dim3A_2087 = arith.constant 0 : i32
      %broadcast_in_dim3A_2088 = vector.broadcast %broadcast_in_dim3A_2087 : i32 to vector<16xi32>
      %and3A_2089 = arith.constant 127 : i32
      %and3A_2090 = arith.andi %squeeze3A_2084, %and3A_2089 : i32
      %add3A_2091 = vector.broadcast %and3A_2090 : i32 to vector<16xi32>
      %add3A_2092 = arith.addi %broadcast_in_dim3A_2088, %add3A_2091 : vector<16xi32>
      %broadcast_in_dim3A_2093 = arith.constant 0 : i32
      %broadcast_in_dim3A_2094 = vector.broadcast %broadcast_in_dim3A_2093 : i32 to vector<16xi32>
      %and3A_2095 = arith.constant 127 : i32
      %and3A_2096 = arith.andi %squeeze3A_2086, %and3A_2095 : i32
      %add3A_2097 = vector.broadcast %and3A_2096 : i32 to vector<16xi32>
      %add3A_2098 = arith.addi %broadcast_in_dim3A_2094, %add3A_2097 : vector<16xi32>
      %gather3A_2099 = arith.constant 6 : i32
      %gather3A_2100 = arith.constant 0 : i32
      %gather3A_2101 = arith.constant 0 : i32
      %gather3A_2102 = tpu.memref_slice %arg9[%gather3A_2099, %gather3A_2100, %gather3A_2101] : memref<8x32x128xf32, #tpu.memory_space<vmem>> -> memref<1x32x128xf32, #tpu.memory_space<vmem>>
      %gather3A_2103 = tpu.memref_squeeze %gather3A_2102 : memref<1x32x128xf32, #tpu.memory_space<vmem>> -> memref<32x128xf32, #tpu.memory_space<vmem>>
      %gather3A_2104 = tpu.vector_load_idx %gather3A_2103[%iota3A, %add3A_2092] : memref<32x128xf32, #tpu.memory_space<vmem>>[vector<16xi32>, vector<16xi32>], vector<16xf32>,
      %add3A_2105 = arith.constant 16 : i32
      %add3A_2106 = vector.broadcast %add3A_2105 : i32 to vector<16xi32>
      %add3A_2107 = arith.addi %iota3A, %add3A_2106 : vector<16xi32>
      %gather3A_2108 = arith.constant 6 : i32
      %gather3A_2109 = arith.constant 0 : i32
      %gather3A_2110 = arith.constant 0 : i32
      %gather3A_2111 = tpu.memref_slice %arg9[%gather3A_2108, %gather3A_2109, %gather3A_2110] : memref<8x32x128xf32, #tpu.memory_space<vmem>> -> memref<1x32x128xf32, #tpu.memory_space<vmem>>
      %gather3A_2112 = tpu.memref_squeeze %gather3A_2111 : memref<1x32x128xf32, #tpu.memory_space<vmem>> -> memref<32x128xf32, #tpu.memory_space<vmem>>
      %gather3A_2113 = tpu.vector_load_idx %gather3A_2112[%add3A_2107, %add3A_2092] : memref<32x128xf32, #tpu.memory_space<vmem>>[vector<16xi32>, vector<16xi32>], vector<16xf32>,
      %gather3A_2114 = arith.constant 6 : i32
      %gather3A_2115 = arith.constant 0 : i32
      %gather3A_2116 = arith.constant 0 : i32
      %gather3A_2117 = tpu.memref_slice %arg10[%gather3A_2114, %gather3A_2115, %gather3A_2116] : memref<8x32x128xf32, #tpu.memory_space<vmem>> -> memref<1x32x128xf32, #tpu.memory_space<vmem>>
      %gather3A_2118 = tpu.memref_squeeze %gather3A_2117 : memref<1x32x128xf32, #tpu.memory_space<vmem>> -> memref<32x128xf32, #tpu.memory_space<vmem>>
      %gather3A_2119 = tpu.vector_load_idx %gather3A_2118[%iota3A, %add3A_2098] : memref<32x128xf32, #tpu.memory_space<vmem>>[vector<16xi32>, vector<16xi32>], vector<16xf32>,
      %add3A_2120 = arith.constant 16 : i32
      %add3A_2121 = vector.broadcast %add3A_2120 : i32 to vector<16xi32>
      %add3A_2122 = arith.addi %iota3A, %add3A_2121 : vector<16xi32>
      %gather3A_2123 = arith.constant 6 : i32
      %gather3A_2124 = arith.constant 0 : i32
      %gather3A_2125 = arith.constant 0 : i32
      %gather3A_2126 = tpu.memref_slice %arg10[%gather3A_2123, %gather3A_2124, %gather3A_2125] : memref<8x32x128xf32, #tpu.memory_space<vmem>> -> memref<1x32x128xf32, #tpu.memory_space<vmem>>
      %gather3A_2127 = tpu.memref_squeeze %gather3A_2126 : memref<1x32x128xf32, #tpu.memory_space<vmem>> -> memref<32x128xf32, #tpu.memory_space<vmem>>
      %gather3A_2128 = tpu.vector_load_idx %gather3A_2127[%add3A_2122, %add3A_2098] : memref<32x128xf32, #tpu.memory_space<vmem>>[vector<16xi32>, vector<16xi32>], vector<16xf32>,
      %mul3A_2129 = arith.mulf %gather3A_2104, %gather3A_2119 : vector<16xf32>
      %mul3A_2130 = arith.mulf %gather3A_2113, %gather3A_2128 : vector<16xf32>
      %add3A_2131 = arith.addf %mul3A_2129, %mul3A_2130 : vector<16xf32>
      %reduce_sum3A_2132 = arith.constant true
      %reduce_sum3A_2133 = vector.broadcast %reduce_sum3A_2132 : i1 to vector<16xi1>
      %reduce_sum3A_2134 = tpu.scan <sum>, %add3A_2131 masked %reduce_sum3A_2133 : vector<16xf32>, vector<16xi1> -> vector<16xf32>
      %reduce_sum3A_2135 = vector.extract %reduce_sum3A_2134[15] : f32 from vector<16xf32>
      %add3A_2136 = arith.constant 1 : i32
      %add3A_2137 = arith.addi %scan3A_342, %add3A_2136 : i32
      %lt3A_2138 = arith.constant 32 : i32
      %lt3A_2139 = arith.cmpi slt, %add3A_2137, %lt3A_2138 : i32
      %convert_element_type3A_2140 = arith.extui %lt3A_2139 : i1 to i32
      %cond3A_2141 = arith.constant 0 : i32
      %cond3A_2142 = arith.cmpi ne, %convert_element_type3A_2140, %cond3A_2141 : i32
      scf.if %cond3A_2142 {
        %slice3A_2252 = vector.extract_strided_slice %get3A_357 {offsets = [6], sizes = [1], strides = [1]} : vector<16xi32> to vector<1xi32>
        %squeeze3A_2253 = vector.extract %slice3A_2252[0] : i32 from vector<1xi32>
        %slice3A_2254 = vector.extract_strided_slice %get3A_359 {offsets = [6], sizes = [1], strides = [1]} : vector<16xi32> to vector<1xi32>
        %squeeze3A_2255 = vector.extract %slice3A_2254[0] : i32 from vector<1xi32>
        %and3A_2256 = arith.constant -128 : i32
        %and3A_2257 = arith.andi %squeeze3A_2253, %and3A_2256 : i32
        %multiple_of3A_2258 = tpu.assume_multiple %and3A_2257, 128 : i32
        %and3A_2259 = arith.constant -128 : i32
        %and3A_2260 = arith.andi %squeeze3A_2255, %and3A_2259 : i32
        %multiple_of3A_2261 = tpu.assume_multiple %and3A_2260, 128 : i32
        %dma_start3A_2262 = arith.constant 6 : i32
        %dma_start3A_2263 = arith.constant 6 : i32
        %dma_start3A_2264 = arith.constant 0 : i32
        %dma_start3A_2265 = arith.constant 0 : i32
        %dma_start3A_2266 = tpu.memref_slice %arg9[%dma_start3A_2262, %dma_start3A_2264, %dma_start3A_2265] : memref<8x32x128xf32, #tpu.memory_space<vmem>> -> memref<1x32x128xf32, #tpu.memory_space<vmem>>
        %dma_start3A_2267 = tpu.memref_squeeze %dma_start3A_2266 : memref<1x32x128xf32, #tpu.memory_space<vmem>> -> memref<32x128xf32, #tpu.memory_space<vmem>>
        %dma_start3A_2268 = arith.constant 0 : i32
        %dma_start3A_2269 = tpu.memref_slice %arg4[%dma_start3A_2268, %multiple_of3A_2258] : memref<32x1000000xf32, #tpu.memory_space<hbm>> -> memref<32x128xf32, #tpu.memory_space<hbm>>
        %dma_start3A_2270 = tpu.memref_slice %arg12[%dma_start3A_2263] : memref<8x!tpu.dma_semaphore, #tpu.memory_space<semaphore_mem>> -> memref<1x!tpu.dma_semaphore, #tpu.memory_space<semaphore_mem>>
        %dma_start3A_2271 = tpu.memref_squeeze %dma_start3A_2270 : memref<1x!tpu.dma_semaphore, #tpu.memory_space<semaphore_mem>> -> memref<!tpu.dma_semaphore, #tpu.memory_space<semaphore_mem>>
        %dma_start3A_2272 = arith.constant 0 : i32
        %dma_start3A_2273 = arith.constant 0 : i32
        %dma_start3A_2274 = tpu.memref_slice %arg9[%dma_start3A_2262, %dma_start3A_2272, %dma_start3A_2273] : memref<8x32x128xf32, #tpu.memory_space<vmem>> -> memref<1x32x128xf32, #tpu.memory_space<vmem>>
        %dma_start3A_2275 = tpu.memref_squeeze %dma_start3A_2274 : memref<1x32x128xf32, #tpu.memory_space<vmem>> -> memref<32x128xf32, #tpu.memory_space<vmem>>
        %dma_start3A_2276 = arith.constant 0 : i32
        %dma_start3A_2277 = tpu.memref_slice %arg4[%dma_start3A_2276, %multiple_of3A_2258] : memref<32x1000000xf32, #tpu.memory_space<hbm>> -> memref<32x128xf32, #tpu.memory_space<hbm>>
        tpu.enqueue_dma source(%dma_start3A_2277 : memref<32x128xf32, #tpu.memory_space<hbm>>) target(%dma_start3A_2275 : memref<32x128xf32, #tpu.memory_space<vmem>>) target_semaphore(%dma_start3A_2271 : memref<!tpu.dma_semaphore, #tpu.memory_space<semaphore_mem>>)
        %dma_start3A_2278 = arith.constant 6 : i32
        %dma_start3A_2279 = arith.constant 6 : i32
        %dma_start3A_2280 = arith.constant 0 : i32
        %dma_start3A_2281 = arith.constant 0 : i32
        %dma_start3A_2282 = tpu.memref_slice %arg10[%dma_start3A_2278, %dma_start3A_2280, %dma_start3A_2281] : memref<8x32x128xf32, #tpu.memory_space<vmem>> -> memref<1x32x128xf32, #tpu.memory_space<vmem>>
        %dma_start3A_2283 = tpu.memref_squeeze %dma_start3A_2282 : memref<1x32x128xf32, #tpu.memory_space<vmem>> -> memref<32x128xf32, #tpu.memory_space<vmem>>
        %dma_start3A_2284 = arith.constant 0 : i32
        %dma_start3A_2285 = tpu.memref_slice %arg5[%dma_start3A_2284, %multiple_of3A_2261] : memref<32x1000000xf32, #tpu.memory_space<hbm>> -> memref<32x128xf32, #tpu.memory_space<hbm>>
        %dma_start3A_2286 = tpu.memref_slice %arg13[%dma_start3A_2279] : memref<8x!tpu.dma_semaphore, #tpu.memory_space<semaphore_mem>> -> memref<1x!tpu.dma_semaphore, #tpu.memory_space<semaphore_mem>>
        %dma_start3A_2287 = tpu.memref_squeeze %dma_start3A_2286 : memref<1x!tpu.dma_semaphore, #tpu.memory_space<semaphore_mem>> -> memref<!tpu.dma_semaphore, #tpu.memory_space<semaphore_mem>>
        %dma_start3A_2288 = arith.constant 0 : i32
        %dma_start3A_2289 = arith.constant 0 : i32
        %dma_start3A_2290 = tpu.memref_slice %arg10[%dma_start3A_2278, %dma_start3A_2288, %dma_start3A_2289] : memref<8x32x128xf32, #tpu.memory_space<vmem>> -> memref<1x32x128xf32, #tpu.memory_space<vmem>>
        %dma_start3A_2291 = tpu.memref_squeeze %dma_start3A_2290 : memref<1x32x128xf32, #tpu.memory_space<vmem>> -> memref<32x128xf32, #tpu.memory_space<vmem>>
        %dma_start3A_2292 = arith.constant 0 : i32
        %dma_start3A_2293 = tpu.memref_slice %arg5[%dma_start3A_2292, %multiple_of3A_2261] : memref<32x1000000xf32, #tpu.memory_space<hbm>> -> memref<32x128xf32, #tpu.memory_space<hbm>>
        tpu.enqueue_dma source(%dma_start3A_2293 : memref<32x128xf32, #tpu.memory_space<hbm>>) target(%dma_start3A_2291 : memref<32x128xf32, #tpu.memory_space<vmem>>) target_semaphore(%dma_start3A_2287 : memref<!tpu.dma_semaphore, #tpu.memory_space<semaphore_mem>>)
      } else {
      }
      %eq3A_2143 = arith.constant 14 : i32
      %eq3A_2144 = vector.broadcast %eq3A_2143 : i32 to vector<16xi32>
      %eq3A_2145 = arith.cmpi eq, %iota3A, %eq3A_2144 : vector<16xi32>
      %broadcast_in_dim3A_2146 = vector.broadcast %reduce_sum3A_2135 : f32 to vector<16xf32>
      %select_n3A_2147 = arith.select %eq3A_2145, %broadcast_in_dim3A_2146, %select_n3A_2046 : vector<16xi1>, vector<16xf32>
      %dma_wait3A_2148 = arith.constant 7 : i32
      %dma_wait3A_2149 = arith.constant 7 : i32
      %dma_wait3A_2150 = arith.constant 0 : i32
      %dma_wait3A_2151 = arith.constant 0 : i32
      %dma_wait3A_2152 = tpu.memref_slice %arg9[%dma_wait3A_2148, %dma_wait3A_2150, %dma_wait3A_2151] : memref<8x32x128xf32, #tpu.memory_space<vmem>> -> memref<1x32x128xf32, #tpu.memory_space<vmem>>
      %dma_wait3A_2153 = tpu.memref_squeeze %dma_wait3A_2152 : memref<1x32x128xf32, #tpu.memory_space<vmem>> -> memref<32x128xf32, #tpu.memory_space<vmem>>
      %dma_wait3A_2154 = arith.constant 0 : i32
      %dma_wait3A_2155 = arith.constant 0 : i32
      %dma_wait3A_2156 = tpu.memref_slice %arg4[%dma_wait3A_2154, %dma_wait3A_2155] : memref<32x1000000xf32, #tpu.memory_space<hbm>> -> memref<32x128xf32, #tpu.memory_space<hbm>>
      %dma_wait3A_2157 = tpu.memref_slice %arg12[%dma_wait3A_2149] : memref<8x!tpu.dma_semaphore, #tpu.memory_space<semaphore_mem>> -> memref<1x!tpu.dma_semaphore, #tpu.memory_space<semaphore_mem>>
      %dma_wait3A_2158 = tpu.memref_squeeze %dma_wait3A_2157 : memref<1x!tpu.dma_semaphore, #tpu.memory_space<semaphore_mem>> -> memref<!tpu.dma_semaphore, #tpu.memory_space<semaphore_mem>>
      %dma_wait3A_2159 = arith.constant 0 : i32
      %dma_wait3A_2160 = arith.constant 0 : i32
      %dma_wait3A_2161 = tpu.memref_slice %arg9[%dma_wait3A_2148, %dma_wait3A_2159, %dma_wait3A_2160] : memref<8x32x128xf32, #tpu.memory_space<vmem>> -> memref<1x32x128xf32, #tpu.memory_space<vmem>>
      %dma_wait3A_2162 = tpu.memref_squeeze %dma_wait3A_2161 : memref<1x32x128xf32, #tpu.memory_space<vmem>> -> memref<32x128xf32, #tpu.memory_space<vmem>>
      %dma_wait3A_2163 = arith.constant 0 : i32
      %dma_wait3A_2164 = arith.constant 0 : i32
      %dma_wait3A_2165 = tpu.memref_slice %arg4[%dma_wait3A_2163, %dma_wait3A_2164] : memref<32x1000000xf32, #tpu.memory_space<hbm>> -> memref<32x128xf32, #tpu.memory_space<hbm>>
      tpu.wait_dma2 semaphore(%dma_wait3A_2158 : memref<!tpu.dma_semaphore, #tpu.memory_space<semaphore_mem>>) src(%dma_wait3A_2165 : memref<32x128xf32, #tpu.memory_space<hbm>>) dst(%dma_wait3A_2162 : memref<32x128xf32, #tpu.memory_space<vmem>>)
      %dma_wait3A_2166 = arith.constant 7 : i32
      %dma_wait3A_2167 = arith.constant 7 : i32
      %dma_wait3A_2168 = arith.constant 0 : i32
      %dma_wait3A_2169 = arith.constant 0 : i32
      %dma_wait3A_2170 = tpu.memref_slice %arg10[%dma_wait3A_2166, %dma_wait3A_2168, %dma_wait3A_2169] : memref<8x32x128xf32, #tpu.memory_space<vmem>> -> memref<1x32x128xf32, #tpu.memory_space<vmem>>
      %dma_wait3A_2171 = tpu.memref_squeeze %dma_wait3A_2170 : memref<1x32x128xf32, #tpu.memory_space<vmem>> -> memref<32x128xf32, #tpu.memory_space<vmem>>
      %dma_wait3A_2172 = arith.constant 0 : i32
      %dma_wait3A_2173 = arith.constant 0 : i32
      %dma_wait3A_2174 = tpu.memref_slice %arg5[%dma_wait3A_2172, %dma_wait3A_2173] : memref<32x1000000xf32, #tpu.memory_space<hbm>> -> memref<32x128xf32, #tpu.memory_space<hbm>>
      %dma_wait3A_2175 = tpu.memref_slice %arg13[%dma_wait3A_2167] : memref<8x!tpu.dma_semaphore, #tpu.memory_space<semaphore_mem>> -> memref<1x!tpu.dma_semaphore, #tpu.memory_space<semaphore_mem>>
      %dma_wait3A_2176 = tpu.memref_squeeze %dma_wait3A_2175 : memref<1x!tpu.dma_semaphore, #tpu.memory_space<semaphore_mem>> -> memref<!tpu.dma_semaphore, #tpu.memory_space<semaphore_mem>>
      %dma_wait3A_2177 = arith.constant 0 : i32
      %dma_wait3A_2178 = arith.constant 0 : i32
      %dma_wait3A_2179 = tpu.memref_slice %arg10[%dma_wait3A_2166, %dma_wait3A_2177, %dma_wait3A_2178] : memref<8x32x128xf32, #tpu.memory_space<vmem>> -> memref<1x32x128xf32, #tpu.memory_space<vmem>>
      %dma_wait3A_2180 = tpu.memref_squeeze %dma_wait3A_2179 : memref<1x32x128xf32, #tpu.memory_space<vmem>> -> memref<32x128xf32, #tpu.memory_space<vmem>>
      %dma_wait3A_2181 = arith.constant 0 : i32
      %dma_wait3A_2182 = arith.constant 0 : i32
      %dma_wait3A_2183 = tpu.memref_slice %arg5[%dma_wait3A_2181, %dma_wait3A_2182] : memref<32x1000000xf32, #tpu.memory_space<hbm>> -> memref<32x128xf32, #tpu.memory_space<hbm>>
      tpu.wait_dma2 semaphore(%dma_wait3A_2176 : memref<!tpu.dma_semaphore, #tpu.memory_space<semaphore_mem>>) src(%dma_wait3A_2183 : memref<32x128xf32, #tpu.memory_space<hbm>>) dst(%dma_wait3A_2180 : memref<32x128xf32, #tpu.memory_space<vmem>>)
      %slice3A_2184 = vector.extract_strided_slice %get3A_346 {offsets = [15], sizes = [1], strides = [1]} : vector<16xi32> to vector<1xi32>
      %squeeze3A_2185 = vector.extract %slice3A_2184[0] : i32 from vector<1xi32>
      %slice3A_2186 = vector.extract_strided_slice %get3A_350 {offsets = [15], sizes = [1], strides = [1]} : vector<16xi32> to vector<1xi32>
      %squeeze3A_2187 = vector.extract %slice3A_2186[0] : i32 from vector<1xi32>
      %broadcast_in_dim3A_2188 = arith.constant 0 : i32
      %broadcast_in_dim3A_2189 = vector.broadcast %broadcast_in_dim3A_2188 : i32 to vector<16xi32>
      %and3A_2190 = arith.constant 127 : i32
      %and3A_2191 = arith.andi %squeeze3A_2185, %and3A_2190 : i32
      %add3A_2192 = vector.broadcast %and3A_2191 : i32 to vector<16xi32>
      %add3A_2193 = arith.addi %broadcast_in_dim3A_2189, %add3A_2192 : vector<16xi32>
      %broadcast_in_dim3A_2194 = arith.constant 0 : i32
      %broadcast_in_dim3A_2195 = vector.broadcast %broadcast_in_dim3A_2194 : i32 to vector<16xi32>
      %and3A_2196 = arith.constant 127 : i32
      %and3A_2197 = arith.andi %squeeze3A_2187, %and3A_2196 : i32
      %add3A_2198 = vector.broadcast %and3A_2197 : i32 to vector<16xi32>
      %add3A_2199 = arith.addi %broadcast_in_dim3A_2195, %add3A_2198 : vector<16xi32>
      %gather3A_2200 = arith.constant 7 : i32
      %gather3A_2201 = arith.constant 0 : i32
      %gather3A_2202 = arith.constant 0 : i32
      %gather3A_2203 = tpu.memref_slice %arg9[%gather3A_2200, %gather3A_2201, %gather3A_2202] : memref<8x32x128xf32, #tpu.memory_space<vmem>> -> memref<1x32x128xf32, #tpu.memory_space<vmem>>
      %gather3A_2204 = tpu.memref_squeeze %gather3A_2203 : memref<1x32x128xf32, #tpu.memory_space<vmem>> -> memref<32x128xf32, #tpu.memory_space<vmem>>
      %gather3A_2205 = tpu.vector_load_idx %gather3A_2204[%iota3A, %add3A_2193] : memref<32x128xf32, #tpu.memory_space<vmem>>[vector<16xi32>, vector<16xi32>], vector<16xf32>,
      %add3A_2206 = arith.constant 16 : i32
      %add3A_2207 = vector.broadcast %add3A_2206 : i32 to vector<16xi32>
      %add3A_2208 = arith.addi %iota3A, %add3A_2207 : vector<16xi32>
      %gather3A_2209 = arith.constant 7 : i32
      %gather3A_2210 = arith.constant 0 : i32
      %gather3A_2211 = arith.constant 0 : i32
      %gather3A_2212 = tpu.memref_slice %arg9[%gather3A_2209, %gather3A_2210, %gather3A_2211] : memref<8x32x128xf32, #tpu.memory_space<vmem>> -> memref<1x32x128xf32, #tpu.memory_space<vmem>>
      %gather3A_2213 = tpu.memref_squeeze %gather3A_2212 : memref<1x32x128xf32, #tpu.memory_space<vmem>> -> memref<32x128xf32, #tpu.memory_space<vmem>>
      %gather3A_2214 = tpu.vector_load_idx %gather3A_2213[%add3A_2208, %add3A_2193] : memref<32x128xf32, #tpu.memory_space<vmem>>[vector<16xi32>, vector<16xi32>], vector<16xf32>,
      %gather3A_2215 = arith.constant 7 : i32
      %gather3A_2216 = arith.constant 0 : i32
      %gather3A_2217 = arith.constant 0 : i32
      %gather3A_2218 = tpu.memref_slice %arg10[%gather3A_2215, %gather3A_2216, %gather3A_2217] : memref<8x32x128xf32, #tpu.memory_space<vmem>> -> memref<1x32x128xf32, #tpu.memory_space<vmem>>
      %gather3A_2219 = tpu.memref_squeeze %gather3A_2218 : memref<1x32x128xf32, #tpu.memory_space<vmem>> -> memref<32x128xf32, #tpu.memory_space<vmem>>
      %gather3A_2220 = tpu.vector_load_idx %gather3A_2219[%iota3A, %add3A_2199] : memref<32x128xf32, #tpu.memory_space<vmem>>[vector<16xi32>, vector<16xi32>], vector<16xf32>,
      %add3A_2221 = arith.constant 16 : i32
      %add3A_2222 = vector.broadcast %add3A_2221 : i32 to vector<16xi32>
      %add3A_2223 = arith.addi %iota3A, %add3A_2222 : vector<16xi32>
      %gather3A_2224 = arith.constant 7 : i32
      %gather3A_2225 = arith.constant 0 : i32
      %gather3A_2226 = arith.constant 0 : i32
      %gather3A_2227 = tpu.memref_slice %arg10[%gather3A_2224, %gather3A_2225, %gather3A_2226] : memref<8x32x128xf32, #tpu.memory_space<vmem>> -> memref<1x32x128xf32, #tpu.memory_space<vmem>>
      %gather3A_2228 = tpu.memref_squeeze %gather3A_2227 : memref<1x32x128xf32, #tpu.memory_space<vmem>> -> memref<32x128xf32, #tpu.memory_space<vmem>>
      %gather3A_2229 = tpu.vector_load_idx %gather3A_2228[%add3A_2223, %add3A_2199] : memref<32x128xf32, #tpu.memory_space<vmem>>[vector<16xi32>, vector<16xi32>], vector<16xf32>,
      %mul3A_2230 = arith.mulf %gather3A_2205, %gather3A_2220 : vector<16xf32>
      %mul3A_2231 = arith.mulf %gather3A_2214, %gather3A_2229 : vector<16xf32>
      %add3A_2232 = arith.addf %mul3A_2230, %mul3A_2231 : vector<16xf32>
      %reduce_sum3A_2233 = arith.constant true
      %reduce_sum3A_2234 = vector.broadcast %reduce_sum3A_2233 : i1 to vector<16xi1>
      %reduce_sum3A_2235 = tpu.scan <sum>, %add3A_2232 masked %reduce_sum3A_2234 : vector<16xf32>, vector<16xi1> -> vector<16xf32>
      %reduce_sum3A_2236 = vector.extract %reduce_sum3A_2235[15] : f32 from vector<16xf32>
      %add3A_2237 = arith.constant 1 : i32
      %add3A_2238 = arith.addi %scan3A_342, %add3A_2237 : i32
      %lt3A_2239 = arith.constant 32 : i32
      %lt3A_2240 = arith.cmpi slt, %add3A_2238, %lt3A_2239 : i32
      %convert_element_type3A_2241 = arith.extui %lt3A_2240 : i1 to i32
      %cond3A_2242 = arith.constant 0 : i32
      %cond3A_2243 = arith.cmpi ne, %convert_element_type3A_2241, %cond3A_2242 : i32
      scf.if %cond3A_2243 {
        %slice3A_2252 = vector.extract_strided_slice %get3A_357 {offsets = [7], sizes = [1], strides = [1]} : vector<16xi32> to vector<1xi32>
        %squeeze3A_2253 = vector.extract %slice3A_2252[0] : i32 from vector<1xi32>
        %slice3A_2254 = vector.extract_strided_slice %get3A_359 {offsets = [7], sizes = [1], strides = [1]} : vector<16xi32> to vector<1xi32>
        %squeeze3A_2255 = vector.extract %slice3A_2254[0] : i32 from vector<1xi32>
        %and3A_2256 = arith.constant -128 : i32
        %and3A_2257 = arith.andi %squeeze3A_2253, %and3A_2256 : i32
        %multiple_of3A_2258 = tpu.assume_multiple %and3A_2257, 128 : i32
        %and3A_2259 = arith.constant -128 : i32
        %and3A_2260 = arith.andi %squeeze3A_2255, %and3A_2259 : i32
        %multiple_of3A_2261 = tpu.assume_multiple %and3A_2260, 128 : i32
        %dma_start3A_2262 = arith.constant 7 : i32
        %dma_start3A_2263 = arith.constant 7 : i32
        %dma_start3A_2264 = arith.constant 0 : i32
        %dma_start3A_2265 = arith.constant 0 : i32
        %dma_start3A_2266 = tpu.memref_slice %arg9[%dma_start3A_2262, %dma_start3A_2264, %dma_start3A_2265] : memref<8x32x128xf32, #tpu.memory_space<vmem>> -> memref<1x32x128xf32, #tpu.memory_space<vmem>>
        %dma_start3A_2267 = tpu.memref_squeeze %dma_start3A_2266 : memref<1x32x128xf32, #tpu.memory_space<vmem>> -> memref<32x128xf32, #tpu.memory_space<vmem>>
        %dma_start3A_2268 = arith.constant 0 : i32
        %dma_start3A_2269 = tpu.memref_slice %arg4[%dma_start3A_2268, %multiple_of3A_2258] : memref<32x1000000xf32, #tpu.memory_space<hbm>> -> memref<32x128xf32, #tpu.memory_space<hbm>>
        %dma_start3A_2270 = tpu.memref_slice %arg12[%dma_start3A_2263] : memref<8x!tpu.dma_semaphore, #tpu.memory_space<semaphore_mem>> -> memref<1x!tpu.dma_semaphore, #tpu.memory_space<semaphore_mem>>
        %dma_start3A_2271 = tpu.memref_squeeze %dma_start3A_2270 : memref<1x!tpu.dma_semaphore, #tpu.memory_space<semaphore_mem>> -> memref<!tpu.dma_semaphore, #tpu.memory_space<semaphore_mem>>
        %dma_start3A_2272 = arith.constant 0 : i32
        %dma_start3A_2273 = arith.constant 0 : i32
        %dma_start3A_2274 = tpu.memref_slice %arg9[%dma_start3A_2262, %dma_start3A_2272, %dma_start3A_2273] : memref<8x32x128xf32, #tpu.memory_space<vmem>> -> memref<1x32x128xf32, #tpu.memory_space<vmem>>
        %dma_start3A_2275 = tpu.memref_squeeze %dma_start3A_2274 : memref<1x32x128xf32, #tpu.memory_space<vmem>> -> memref<32x128xf32, #tpu.memory_space<vmem>>
        %dma_start3A_2276 = arith.constant 0 : i32
        %dma_start3A_2277 = tpu.memref_slice %arg4[%dma_start3A_2276, %multiple_of3A_2258] : memref<32x1000000xf32, #tpu.memory_space<hbm>> -> memref<32x128xf32, #tpu.memory_space<hbm>>
        tpu.enqueue_dma source(%dma_start3A_2277 : memref<32x128xf32, #tpu.memory_space<hbm>>) target(%dma_start3A_2275 : memref<32x128xf32, #tpu.memory_space<vmem>>) target_semaphore(%dma_start3A_2271 : memref<!tpu.dma_semaphore, #tpu.memory_space<semaphore_mem>>)
        %dma_start3A_2278 = arith.constant 7 : i32
        %dma_start3A_2279 = arith.constant 7 : i32
        %dma_start3A_2280 = arith.constant 0 : i32
        %dma_start3A_2281 = arith.constant 0 : i32
        %dma_start3A_2282 = tpu.memref_slice %arg10[%dma_start3A_2278, %dma_start3A_2280, %dma_start3A_2281] : memref<8x32x128xf32, #tpu.memory_space<vmem>> -> memref<1x32x128xf32, #tpu.memory_space<vmem>>
        %dma_start3A_2283 = tpu.memref_squeeze %dma_start3A_2282 : memref<1x32x128xf32, #tpu.memory_space<vmem>> -> memref<32x128xf32, #tpu.memory_space<vmem>>
        %dma_start3A_2284 = arith.constant 0 : i32
        %dma_start3A_2285 = tpu.memref_slice %arg5[%dma_start3A_2284, %multiple_of3A_2261] : memref<32x1000000xf32, #tpu.memory_space<hbm>> -> memref<32x128xf32, #tpu.memory_space<hbm>>
        %dma_start3A_2286 = tpu.memref_slice %arg13[%dma_start3A_2279] : memref<8x!tpu.dma_semaphore, #tpu.memory_space<semaphore_mem>> -> memref<1x!tpu.dma_semaphore, #tpu.memory_space<semaphore_mem>>
        %dma_start3A_2287 = tpu.memref_squeeze %dma_start3A_2286 : memref<1x!tpu.dma_semaphore, #tpu.memory_space<semaphore_mem>> -> memref<!tpu.dma_semaphore, #tpu.memory_space<semaphore_mem>>
        %dma_start3A_2288 = arith.constant 0 : i32
        %dma_start3A_2289 = arith.constant 0 : i32
        %dma_start3A_2290 = tpu.memref_slice %arg10[%dma_start3A_2278, %dma_start3A_2288, %dma_start3A_2289] : memref<8x32x128xf32, #tpu.memory_space<vmem>> -> memref<1x32x128xf32, #tpu.memory_space<vmem>>
        %dma_start3A_2291 = tpu.memref_squeeze %dma_start3A_2290 : memref<1x32x128xf32, #tpu.memory_space<vmem>> -> memref<32x128xf32, #tpu.memory_space<vmem>>
        %dma_start3A_2292 = arith.constant 0 : i32
        %dma_start3A_2293 = tpu.memref_slice %arg5[%dma_start3A_2292, %multiple_of3A_2261] : memref<32x1000000xf32, #tpu.memory_space<hbm>> -> memref<32x128xf32, #tpu.memory_space<hbm>>
        tpu.enqueue_dma source(%dma_start3A_2293 : memref<32x128xf32, #tpu.memory_space<hbm>>) target(%dma_start3A_2291 : memref<32x128xf32, #tpu.memory_space<vmem>>) target_semaphore(%dma_start3A_2287 : memref<!tpu.dma_semaphore, #tpu.memory_space<semaphore_mem>>)
      } else {
      }
      %eq3A_2244 = arith.constant 15 : i32
      %eq3A_2245 = vector.broadcast %eq3A_2244 : i32 to vector<16xi32>
      %eq3A_2246 = arith.cmpi eq, %iota3A, %eq3A_2245 : vector<16xi32>
      %broadcast_in_dim3A_2247 = vector.broadcast %reduce_sum3A_2236 : f32 to vector<16xf32>
      %select_n3A_2248 = arith.select %eq3A_2246, %broadcast_in_dim3A_2247, %select_n3A_2147 : vector<16xi1>, vector<16xf32>
      %mul3A_2249 = arith.constant 16 : i32
      %mul3A_2250 = arith.muli %scan3A_342, %mul3A_2249 : i32
      %swap3A = arith.index_cast %mul3A_2250 : i32 to index
      %swap3A_2251 = tpu.vector_load %arg11[%swap3A] {strides = array<i32>} : memref<512xf32, #tpu.memory_space<vmem>>, vector<16xf32>,
      tpu.vector_store %arg11[%swap3A], %select_n3A_2248 {strides = array<i32>} : memref<512xf32, #tpu.memory_space<vmem>>, vector<16xf32>,
    }
    %scan3A_341 = arith.constant 32 : i32
    "tpu.region"() ({
      %run_scoped3A = tpu.sem_alloc : memref<!tpu.dma_semaphore, #tpu.memory_space<semaphore_mem>>
      %dma_start3A_342 = tpu.memref_slice %arg6[%mul3A_2] : memref<16384xf32, #tpu.memory_space<hbm>> -> memref<512xf32, #tpu.memory_space<hbm>>
      %dma_start3A_343 = tpu.memref_slice %arg6[%mul3A_2] : memref<16384xf32, #tpu.memory_space<hbm>> -> memref<512xf32, #tpu.memory_space<hbm>>
      tpu.enqueue_dma source(%arg11 : memref<512xf32, #tpu.memory_space<vmem>>) target(%dma_start3A_343 : memref<512xf32, #tpu.memory_space<hbm>>) target_semaphore(%run_scoped3A : memref<!tpu.dma_semaphore, #tpu.memory_space<semaphore_mem>>)
      %dma_wait3A = tpu.memref_slice %arg6[%mul3A_2] : memref<16384xf32, #tpu.memory_space<hbm>> -> memref<512xf32, #tpu.memory_space<hbm>>
      %dma_wait3A_344 = tpu.memref_slice %arg6[%mul3A_2] : memref<16384xf32, #tpu.memory_space<hbm>> -> memref<512xf32, #tpu.memory_space<hbm>>
      tpu.wait_dma2 semaphore(%run_scoped3A : memref<!tpu.dma_semaphore, #tpu.memory_space<semaphore_mem>>) src(%arg11 : memref<512xf32, #tpu.memory_space<vmem>>) dst(%dma_wait3A_344 : memref<512xf32, #tpu.memory_space<hbm>>)
      tpu.yield
    }) : () -> ()
    return
  }
}

</mosaic_0001>

<sc_bundles>
// kernel: kernel.3.cloned.1.call-start
scs
__scs_entry_jumppad:
0x0: {  	(pc) =	sbr.rel $0x88, $3  }
0x1: {  	(tag) =	ssettag $0x0;
	lr =	simm.s32 $0x1  }
0x2: {  	[smem:$0x3F9D] =	sst lr;
	_ =	strace $0xD0000000  }
0x3: {  	_ = 	snop  }
0x4: {  	_ = 	snop  }
0x5: {  	_ = 	snop  }
0x6: {  	_ = 	snop  }
0x7: {  	_ = 	snop  }
__scs_overlays_trampoline_lowered:
0x8: {  	[smem:$0x3FAC] =	sst s0  }
0x9: {  	[smem:$0x3FAD] =	sst s1  }
0xa: {  	[smem:$0x3FAE] =	sst s2  }
0xb: {  	[smem:$0x3FAF] =	sst s3  }
0xc: {  	[smem:$0x3FB0] =	sst s4  }
0xd: {  	[smem:$0x3FB1] =	sst s5  }
0xe: {  	[smem:$0x3FB2] =	sst s6  }
0xf: {  	[smem:$0x3FB3] =	sst s7  }
0x10: {  	[smem:$0x3FB4] =	sst s8  }
0x11: {  	[smem:$0x3FB5] =	sst s9;
	s0 =	simm.s32 @!p0 $0x0  }
0x12: {  	s1 =	sld [smem:$0x3F9B];
	s0 =	simm.s32 @p0 $0x1  }
0x13: {  	[smem:$0x3FB6] =	sst s0;
	s0 =	simm.s32 @!p1 $0x0  }
0x14: {  	s2 =	sld [smem:$0x3F9A];
	s0 =	simm.s32 @p1 $0x1  }
0x15: {  	[smem:$0x3FB7] =	sst s0;
	s0 =	simm.s32 @!p2 $0x0  }
0x16: {  	s3 =	sld [smem:$0x3FDB];
	s0 =	simm.s32 @p2 $0x1  }
0x17: {  	s4 =	simm.s32 $0x1BF5;
	[smem:$0x3FB9] =	sst s0  }
0x18: {  	s0 =	sld [smem:$0x3F9C];
	_ =	swait.ge [sflag:s4], $0x0  }
0x19: {  	s7 =	sld [smem:$0x3F9D]  }
0x1a: {  	s8 =	sadd.s32 $0xFFFFE003, lr  }
0x1b: {  	s9 =	sadd.s32 $0xFFFFFEF7, lr;
	s5 =	simm.s32 $0xFFFFFFFF;
	p2 =	slt.u32 s8, $0xFFFFF086  }
0x1c: {  	p1 =	slt.u32 s9, $0xF7A;
	s5 =	simm.s32 @!p2 $0x0  }
0x1d: {  	s5 =	simm.s32 @p1 $0x1;
	p0 =	seq.s32 s7, s2  }
0x1e: {  	s7 =	smul.u32 @!p0 $0xF7A, s2;
	p2 =	seq.s32 @!p0 s5, $0x0  }
0x1f: {  	s9 =	smul.u32 $0xF7A, s1;
	s8 =	simm.s32 @!p0 $0x1BF5;
	p2 =	por !p2, p0  }
0x20: {  	[sflag:s8] =	ssyncset.s32 @!p0 $0xFFFFF086;
	s6 =	sadd.s32 @!p0 s3, s7;
	s7 =	simm.s32 @!p0 $0x108  }
0x21: {  	s3 =	sadd.s32 s3, s9;
	s6 =	sadd.s32 @!p0 $0x88, s6;
	s7 =	simm.s32 @p2 $0x1082  }
0x22: {  	[simem:s7], [sflag:s8] =	dma.local @!p0 [hbm:s6], $0xF7A  }
0x23: {  	s9 =	sor.u32 $0xD0000000, s2;
	s6 =	simm.s32 $0x108;
	_ =	swait.ge @!p0 [sflag:s8], $0x0  }
0x24: {  	s3 =	sadd.s32 $0x88, s3;
	s6 =	simm.s32 @!p1 $0x1082;
	[sflag:s4] =	ssyncset.s32 $0xFFFFF086  }
0x25: {  	[simem:s6], [sflag:s4] =	dma.local [hbm:s3], $0xF7A  }
0x26: {  	[smem:$0x3F9D] =	sst s1;
	(tag) =	ssettag s2;
	_ =	strace s9  }
0x27: {  	s1 =	sld [smem:$0x3FAD]  }
0x28: {  	s2 =	sld [smem:$0x3FAE]  }
0x29: {  	s4 =	sld [smem:$0x3FB0]  }
0x2a: {  	p0 =	seq.s32 s5, $0x0;
	s5 =	sld [smem:$0x3FB1]  }
0x2b: {  	s6 =	sld [smem:$0x3FB2]  }
0x2c: {  	s7 =	sld [smem:$0x3FB3]  }
0x2d: {  	s3 =	simm.s32 $0x108;
	s8 =	sld [smem:$0x3FB4]  }
0x2e: {  	s3 =	simm.s32 @!p0 $0x1082;
	s9 =	sld [smem:$0x3FB5]  }
0x2f: {  	lr =	sadd.s32 s0, s3;
	s0 =	sld [smem:$0x3FAC]  }
0x30: {  	s3 =	sld [smem:$0x3FAF]  }
0x31: {  	[smem:$0x3FB8] =	sst s10  }
0x32: {  	s10 =	sld [smem:$0x3FB6];
	_ =	sdelay $0x3  }
0x33: {  	p0 =	seq.s32 s10, $0x1;
	s10 =	sld [smem:$0x3FB8];
	_ =	sdelay $0x3  }
0x34: {  	[smem:$0x3FB8] =	sst s10  }
0x35: {  	s10 =	sld [smem:$0x3FB7];
	_ =	sdelay $0x3  }
0x36: {  	p1 =	seq.s32 s10, $0x1;
	s10 =	sld [smem:$0x3FB8];
	_ =	sdelay $0x3  }
0x37: {  	[smem:$0x3FB8] =	sst s10  }
0x38: {  	s10 =	sld [smem:$0x3FB9]  }
0x39: {  	_ = 	snop;
	(pc) =	sbr.ind lr, $3  }
0x3a: {  	_ = 	snop  }
0x3b: {  	_ = 	snop  }
0x3c: {  	p2 =	seq.s32 s10, $0x1;
	s10 =	sld [smem:$0x3FB8]  }
0x3d: {  	_ =	shalt  }
0x3e: {  	_ =	shalt  }
0x3f: {  	_ =	shalt  }
0x40: {  	_ =	shalt  }
0x41: {  	_ =	shalt  }
0x42: {  	_ =	shalt  }
0x43: {  	_ =	shalt  }
0x44: {  	_ =	shalt  }
0x45: {  	_ =	shalt  }
0x46: {  	_ =	shalt  }
0x47: {  	_ =	shalt  }
0x48: {  	_ =	shalt  }
0x49: {  	_ =	shalt  }
0x4a: {  	_ =	shalt  }
0x4b: {  	_ =	shalt  }
0x4c: {  	_ =	shalt  }
0x4d: {  	_ =	shalt  }
0x4e: {  	_ =	shalt  }
0x4f: {  	_ =	shalt  }
0x50: {  	_ =	shalt  }
0x51: {  	_ =	shalt  }
0x52: {  	_ =	shalt  }
0x53: {  	_ =	shalt  }
0x54: {  	_ =	shalt  }
0x55: {  	_ =	shalt  }
0x56: {  	_ =	shalt  }
0x57: {  	_ =	shalt  }
0x58: {  	_ =	shalt  }
0x59: {  	_ =	shalt  }
0x5a: {  	_ =	shalt  }
0x5b: {  	_ =	shalt  }
0x5c: {  	_ =	shalt  }
0x5d: {  	_ =	shalt  }
0x5e: {  	_ =	shalt  }
0x5f: {  	_ =	shalt  }
0x60: {  	_ =	shalt  }
0x61: {  	_ =	shalt  }
0x62: {  	_ =	shalt  }
0x63: {  	_ =	shalt  }
0x64: {  	_ =	shalt  }
0x65: {  	_ =	shalt  }
0x66: {  	_ =	shalt  }
0x67: {  	_ =	shalt  }
0x68: {  	_ =	shalt  }
0x69: {  	_ =	shalt  }
0x6a: {  	_ =	shalt  }
0x6b: {  	_ =	shalt  }
0x6c: {  	_ =	shalt  }
0x6d: {  	_ =	shalt  }
0x6e: {  	_ =	shalt  }
0x6f: {  	_ =	shalt  }
0x70: {  	_ =	shalt  }
0x71: {  	_ =	shalt  }
0x72: {  	_ =	shalt  }
0x73: {  	_ =	shalt  }
0x74: {  	_ =	shalt  }
0x75: {  	_ =	shalt  }
0x76: {  	_ =	shalt  }
0x77: {  	_ =	shalt  }
0x78: {  	_ =	shalt  }
0x79: {  	_ =	shalt  }
0x7a: {  	_ =	shalt  }
0x7b: {  	_ =	shalt  }
0x7c: {  	_ =	shalt  }
0x7d: {  	_ =	shalt  }
0x7e: {  	_ =	shalt  }
0x7f: {  	_ =	shalt  }
0x80: {  	_ =	shalt  }
0x81: {  	_ =	shalt  }
0x82: {  	_ =	shalt  }
0x83: {  	_ =	shalt  }
0x84: {  	_ =	shalt  }
0x85: {  	_ =	shalt  }
0x86: {  	_ =	shalt  }
0x87: {  	_ =	shalt  }
.Lfunc_end0:
.L_simem_size_0:
called_computation_lowered:
.L_overlay_start_0:
0x88: {  	s2 =	sld [smem:$0x3FD9]  }
0x89: {  	s3 =	sld [smem:$0x3FFE];
	_ =	sdelay $0x1  }
0x8a: {  	s1 =	srdreg.scid  }
0x8b: {  	s0 =	sand.u32 $0x1, s1  }
0x8c: {  	s18 =	sshll.u32 s0, $0xA;
	s2 =	sadd.s32 s3, s2  }
0x8d: {  	s2 =	sadd.s32 s2, s18  }
0x8e: {  	[smem:$0x3FC4] =	sst s2  }
0x8f: {  	_ = 	snop  }
0x90: {  	s2 =	sld [smem:$0x3FC9]  }
0x91: {  	s19 =	sld [smem:$0x3FC8]  }
0x92: {  	s4 =	sld [smem:$0x3FC7]  }
0x93: {  	s5 =	sld [smem:$0x3FC6]  }
0x94: {  	s6 =	sld [smem:$0x3FD0];
	(tm) =	ssettm $0x1  }
0x95: {  	s7 =	sld [smem:$0x3FFB];
	_ =	sdelay $0x3  }
0x96: {  	_ =	strace s7  }
0x97: {  	s7 =	sld [smem:$0x3FFC];
	_ =	sdelay $0x3  }
0x98: {  	_ =	strace s7  }
0x99: {  	s7 =	sld [smem:$0x3FFD];
	_ =	sdelay $0x3  }
0x9a: {  	_ =	strace s7  }
0x9b: {  	_ =	strace $0x8FFFFFFF  }
0x9c: {  	s20 =	sld [smem:$0x3FDB];
	_ =	sdelay $0x1  }
0x9d: {  	s8 =	simm.s32 $_scs_section_size  }
0x9e: {  	s9 =	simm.s32 $_size__tile_overlayer_lowered;
	s10 =	simm.s32 $_tile_overlayer_lowered  }
0x9f: {  	s23 =	simm.s32 $0x1BFF;
	s22 =	sshll.u32 s10, $0x1;
	s7 =	sadd.s32 s8, s20  }
0xa0: {  	s11 =	simm.s32 $0x0;
	s21 =	sshll.u32 s9, $0x1;
	s9 =	sadd.s32 s22, s7  }
0xa1: {  	[timem:s11], [sflag:s23] =	dma.local [hbm:s9], s21  }
0xa2: {  	_ =	swait.ge [sflag:s23], s21  }
0xa3: {  	s8 =	ssub.s32 $0x0, s21;
	[sflag:s23] =	ssyncset.done $0x0  }
0xa4: {  	[sflag:s23] =	ssyncadd.s32 s8;
	_ =	sdelay $0x1  }
0xa5: {  	s24 =	simm.s32 $0x1B8B  }
0xa6: {  	_ =	swait.ge [sflag:s24], $0x1  }
0xa7: {  	[sflag:s24] =	ssyncset.done $0x0  }
0xa8: {  	s25 =	simm.s32 $0x1B8E;
	[sflag:s24] =	ssyncadd.s32 $0xFFFFFFFF  }
0xa9: {  	s26 =	simm.s32 $execute0_lowered;
	[smem:$0x3FD2] =	sst s25  }
0xaa: {  	s8 =	sshll.u32 s26, $0x1;
	_ =	strace $0x80000046;
	[dreg:$0x1] =	wrdreg $0xFFFFFFFF  }
0xab: {  	s28 =	simm.s32 $_size_execute0_lowered;
	s7 =	sadd.s32 s7, s8;
	[dreg:$0x0] =	wrdreg $0x0  }
0xac: {  	s8 =	sshll.u32 s28, $0x1;
	[dreg:$0x2] =	wrdreg s7  }
0xad: {  	[dreg:$0x3] =	wrdreg s8  }
0xae: {  	[dreg:$0x4] =	wrdreg $0xC0  }
0xaf: {  	_ =	task [dreg:s11], $0x5FFFF  }
0xb0: {  	[dreg:$0x1] =	wrdreg $0xFFFFFFFF  }
0xb1: {  	[dreg:$0x0] =	wrdreg $0x60  }
0xb2: {  	[dreg:$0x2] =	wrdreg s2  }
0xb3: {  	[dreg:$0x3] =	wrdreg s19  }
0xb4: {  	[dreg:$0x4] =	wrdreg s4  }
0xb5: {  	[dreg:$0x5] =	wrdreg s5  }
0xb6: {  	[dreg:$0x6] =	wrdreg s6  }
0xb7: {  	[dreg:$0x7] =	wrdreg $0x9  }
0xb8: {  	_ =	task.clear_ibuf [dreg:s11], $0x8FFFF;
	_ =	strace $0x90000046  }
0xb9: {  	s29 =	simm.s32 $0x9;
	_ =	strace $0x80000048  }
0xba: {  	_ =	swait.ge [sflag:s29], $0x1  }
0xbb: {  	[sflag:s29] =	ssyncadd.s32 $0xFFFFFFFF  }
0xbc: {  	_ =	strace $0x90000048  }
0xbd: {  	_ =	sfence  }
0xbe: {  	s30 =	sld [smem:$0x0];
	_ =	sdelay $0x2  }
0xbf: {  	s31 =	sshll.u32 s1, $0xD;
	s1 =	sshrl.u32 s1, $0x2  }
0xc0: {  	s3 =	sand.u32 $0x4000, s31;
	s1 =	sadd.s32 s1, s30  }
0xc1: {  	s0 =	sor.u32 s3, s0;
	s1 =	sshll.u32 s1, $0x11  }
0xc2: {  	s0 =	sor.u32 s1, s0  }
0xc3: {  	s0 =	sadd.s32 $0x8F2B, s0  }
0xc4: {  	[sflag:s0] =	ssyncadd.remote.s32 $0x1  }
0xc5: {  	_ =	sfence.sel $0xFFFF  }
0xc6: {  	[dreg:$0x0] =	wrdreg $0xFFFFFFFF;
	(pc) =	sbr.abs _section_cstart, $3  }
0xc7: {  	[dreg:$0x1] =	wrdreg $0xFFFFFFFF  }
0xc8: {  	_ =	task.clear_ibuf [dreg:s11], $0x2FFFF;
	_ =	strace $0x9FFFFFFF  }
0xc9: {  	(tm) =	ssettm $0x7FFFFFFF  }
tec
execute0_lowered:
.L_overlay_start_1:
0x0: {  	(tag) =	ssettag $0x1  }
0x1: {  	s0 =	rddreg [dreg:$0x0]  }
0x2: {  	s3 =	rddreg [dreg:$0x1]  }
0x3: {  	s9 =	rddreg [dreg:$0x2]  }
0x4: {  	s2 =	rddreg [dreg:$0x3]  }
0x5: {  	s4 =	rddreg [dreg:$0x4]  }
0x6: {  	s5 =	srdreg.scid;
	s18 =	simm.s32 $0x0;
	s7 =	stileid.u32  }
0x7: {  	s10 =	simm.s32 $0x7A1400;
	s11 =	simm.s32 $0x400;
	s13 =	simm.s32 $0x1400  }
0x8: {  	s16 =	simm.s32 $0x2400;
	s17 =	simm.s32 $0xA400;
	s20 =	simm.s32 $0x3400  }
0x9: {  	s14 =	simm.s32 $0xB400;
	s15 =	simm.s32 $0x4400;
	s22 =	simm.s32 $0xC400  }
0xa: {  	s12 =	simm.s32 $0xD400;
	s1 =	simm.s32 $0xF400;
	s23 =	simm.s32 $0x5  }
0xb: {  	s28 =	simm.s32 $0x6;
	s29 =	simm.s32 $0x7;
	s30 =	simm.s32 $0xF  }
0xc: {  	s31 =	simm.s32 $0x8;
	s5 =	sand.u32 $0x1, s5;
	s7 =	sshll.u32 s7, $0x7  }
0xd: {  	[smem:$0x7FF] =	sst s18;
	s6 =	ssub.s32 $0x2, s5;
	s5 =	sshll.u32 s5, $0x6  }
0xe: {  	_ =	strace $0x80000047;
	s8 =	sshrl.u32 s6, $0x1;
	s5 =	sor.u32 s5, s7  }
0xf: {  	v0 =	vlaneseq.u32;
	vm0 =	vmmov $0x1;
	vm1 =	vmmov $0x3;
	s7 =	simm.s32 $0x0;
	s6 =	ssub.s32 s6, s8;
	s0 =	sadd.s32 s0, s5  }
.Ltmp0:
0x10: {  	vm2 =	vmmov $0x7;
	vm3 =	vmmov $0xf;
	vm4 =	vmmov $0x1f;
	s24 =	sadd.s32 s3, s5;
	s25 =	sadd.s32 s4, s5;
	(pc) =	sbr.rel .LBB2_1-.Ltmp0, $4  }
0x11: {  	vm5 =	vmmov $0x3f;
	vm6 =	vmmov $0x7f;
	vm7 =	vcmask $0x2320;
	s3 =	simm.s32 $0x11;
	s8 =	simm.s32 $0x5400;
	[dreg:$0x6] =	wrdreg s0  }
0x12: {  	vm8 =	vcmask $0x2724;
	vm9 =	vcmask $0x2B28;
	v0 =	vmul.u32 $0x80, v0;
	s4 =	simm.s32 $0x6400;
	s5 =	simm.s32 $0xE400;
	[dreg:$0x7] =	wrdreg s24  }
0x13: {  	vm10 =	vcmask $0x2F2C;
	vm11 =	vcmask $0x3330;
	vm12 =	vcmask $0x3734;
	[dreg:$0x8] =	wrdreg s25;
	s26 =	smax.u32 s6, $0x1;
	s6 =	simm.s32 $0x7400  }
0x14: {  	vm13 =	vcmask $0x3B38;
	vm14 =	vmmov $0x7fff;
	v1 =	vor.u32 $0x800, v0;
	s25 =	simm.s32 $0xD;
	[dreg:$0x9] =	wrdreg s26;
	s26 =	simm.s32 $0xE  }
.LBB2_3:
0x15: {  	v2 =	vsel vm14, v4, v5;
	s0 =	rddreg [dreg:$0xc]  }
0x16: {  	[tilespmem:s0+$0x0] =	vst v2  }
.LBB2_5:
0x17: {  	s18 =	simm.s32 $0x0;
	s0 =	rddreg [dreg:$0x8];
	s3 =	simm.s32 $0x10400  }
0x18: {  	[hbm4b:s0+s18] =	stream.linear.scatter [tilespmem:s3], [sflag:$0x11], $0x200, $0x38;
	[tilespmem:$0x10600] =	vst v63  }
0x19: {  	s3 =	simm.s32 $0x11  }
0x1a: {  	_ =	swait.ge [sflag:s3], $0x200  }
0x1b: {  	s7 =	rddreg [dreg:$0xa]  }
0x1c: {  	s24 =	rddreg [dreg:$0x9];
	s7 =	sadd.s32 $0x1, s7  }
0x1d: {  	p0 =	sne.s32 s7, s24  }
.Ltmp1:
0x1e: {  	_ = 	snop;
	(pc) =	sbr.rel @!p0 .LBB2_6-.Ltmp1, $3  }
0x1f: {  	_ =	sdelay $0x1  }
0x20: {  	[sflag:s3] =	ssyncset.done $0x0  }
0x21: {  	[sflag:s3] =	ssyncadd.s32 $0xFFFFFE00  }
.LBB2_1:
0x22: {  	[dreg:$0xa] =	wrdreg s7  }
0x23: {  	s0 =	rddreg [dreg:$0x6]  }
0x24: {  	[tilespmem:s18], [sflag:$0x11] =	stream.linear.gather [hbm4b:s0+s18], $0x200, $0x38;
	[tilespmem:$0x10600] =	vst v63  }
0x25: {  	_ =	swait.ge [sflag:s3], $0x200  }
0x26: {  	[sflag:s3] =	ssyncset.done $0x0  }
0x27: {  	s7 =	simm.s32 $0x200;
	s24 =	rddreg [dreg:$0x7];
	[sflag:s3] =	ssyncadd.s32 $0xFFFFFE00  }
0x28: {  	[tilespmem:s7], [sflag:$0x11] =	stream.linear.gather [hbm4b:s24+s18], $0x200, $0x38;
	[tilespmem:$0x10600] =	vst v63  }
0x29: {  	_ =	swait.ge [sflag:s3], $0x200  }
0x2a: {  	[sflag:s3] =	ssyncset.done $0x0  }
0x2b: {  	[sflag:s3] =	ssyncadd.s32 $0xFFFFFE00  }
0x2c: {  	v2 =	vld [tilespmem:$0x0]  }
0x2d: {  	v3 =	vld [tilespmem:$0x200];
	_ =	sdelay $0x3  }
0x2e: {  	(v2sf) =	vpush v2, $0x0  }
0x2f: {  	(v2sf) =	vpush v3, $0x0;
	_ =	sdelay $0x5  }
0x30: {  	(v2sf) =	vpush v2, $0x1;
	_ =	sdelay $0x1  }
0x31: {  	(v2sf) =	vpush v3, $0x1;
	_ =	sdelay $0x5  }
0x32: {  	s18 =	spop (v2sf);
	(v2sf) =	vpush v2, $0x2  }
0x33: {  	s19 =	spop (v2sf);
	(v2sf) =	vpush v3, $0x2;
	_ =	sdelay $0x4  }
0x34: {  	s0 =	sand.u32 $0xFFFFF80, s18  }
0x35: {  	s0 =	sadd.s32 s9, s0;
	s24 =	spop (v2sf);
	(v2sf) =	vpush v2, $0x3  }
0x36: {  	[tilespmem:s11], [sflag:$0x1] =	stream.strided.gather [hbm4b:s0+s11], $0x1000, s10, s11, $0x38;
	[tilespmem:$0x10600] =	vst v63  }
0x37: {  	s0 =	sand.u32 $0xFFFFF80, s19;
	s3 =	spop (v2sf);
	(v2sf) =	vpush v3, $0x3  }
0x38: {  	s21 =	simm.s32 $0x8400;
	s0 =	sadd.s32 s2, s0  }
0x39: {  	[tilespmem:s21], [sflag:$0x9] =	stream.strided.gather [hbm4b:s0+s11], $0x1000, s10, s11, $0x38;
	[tilespmem:$0x10600] =	vst v63  }
0x3a: {  	s0 =	sand.u32 $0xFFFFF80, s24  }
0x3b: {  	s0 =	sadd.s32 s9, s0  }
0x3c: {  	[tilespmem:s13], [sflag:$0x2] =	stream.strided.gather [hbm4b:s0+s11], $0x1000, s10, s11, $0x38;
	[tilespmem:$0x10600] =	vst v63  }
0x3d: {  	s0 =	sand.u32 $0xFFFFF80, s3;
	s18 =	spop (v2sf);
	(v2sf) =	vpush v2, $0x4  }
0x3e: {  	s13 =	simm.s32 $0x9400;
	s0 =	sadd.s32 s2, s0;
	s19 =	spop (v2sf);
	(v2sf) =	vpush v3, $0x4  }
0x3f: {  	[tilespmem:s13], [sflag:$0xA] =	stream.strided.gather [hbm4b:s0+s11], $0x1000, s10, s11, $0x38;
	[tilespmem:$0x10600] =	vst v63  }
0x40: {  	s0 =	sand.u32 $0xFFFFF80, s18;
	(v2sf) =	vpush v2, $0x5  }
0x41: {  	s0 =	sadd.s32 s9, s0  }
0x42: {  	[tilespmem:s16], [sflag:$0x3] =	stream.strided.gather [hbm4b:s0+s11], $0x1000, s10, s11, $0x38;
	[tilespmem:$0x10600] =	vst v63  }
0x43: {  	s0 =	sand.u32 $0xFFFFF80, s19  }
0x44: {  	s21 =	spop (v2sf);
	s0 =	sadd.s32 s2, s0  }
0x45: {  	(v2sf) =	vpush v3, $0x5;
	[tilespmem:s17], [sflag:$0xB] =	stream.strided.gather [hbm4b:s0+s11], $0x1000, s10, s11, $0x38;
	[tilespmem:$0x10600] =	vst v63  }
0x46: {  	s24 =	spop (v2sf);
	(v2sf) =	vpush v2, $0x6;
	s0 =	sand.u32 $0xFFFFF80, s21  }
0x47: {  	s0 =	sadd.s32 s9, s0  }
0x48: {  	[tilespmem:s20], [sflag:$0x4] =	stream.strided.gather [hbm4b:s0+s11], $0x1000, s10, s11, $0x38;
	[tilespmem:$0x10600] =	vst v63  }
0x49: {  	s0 =	sand.u32 $0xFFFFF80, s24  }
0x4a: {  	s0 =	sadd.s32 s2, s0  }
0x4b: {  	[tilespmem:s14], [sflag:$0xC] =	stream.strided.gather [hbm4b:s0+s11], $0x1000, s10, s11, $0x38;
	[tilespmem:$0x10600] =	vst v63  }
0x4c: {  	s3 =	spop (v2sf);
	(v2sf) =	vpush v3, $0x6  }
0x4d: {  	s13 =	spop (v2sf);
	(v2sf) =	vpush v2, $0x7  }
0x4e: {  	s0 =	sand.u32 $0xFFFFF80, s3  }
0x4f: {  	s0 =	sadd.s32 s9, s0;
	s14 =	spop (v2sf)  }
0x50: {  	(v2sf) =	vpush v3, $0x7;
	[tilespmem:s15], [sflag:$0x5] =	stream.strided.gather [hbm4b:s0+s11], $0x1000, s10, s11, $0x38;
	[tilespmem:$0x10600] =	vst v63  }
0x51: {  	s0 =	sand.u32 $0xFFFFF80, s13  }
0x52: {  	s0 =	sadd.s32 s2, s0  }
0x53: {  	[tilespmem:s22], [sflag:$0xD] =	stream.strided.gather [hbm4b:s0+s11], $0x1000, s10, s11, $0x38;
	[tilespmem:$0x10600] =	vst v63  }
0x54: {  	s15 =	spop (v2sf);
	s0 =	sand.u32 $0xFFFFF80, s14  }
0x55: {  	s16 =	sand.u32 $0xFFFFF80, s15;
	s17 =	spop (v2sf);
	s0 =	sadd.s32 s9, s0  }
0x56: {  	[tilespmem:s8], [sflag:$0x6] =	stream.strided.gather [hbm4b:s0+s11], $0x1000, s10, s11, $0x38;
	[tilespmem:$0x10600] =	vst v63  }
0x57: {  	s18 =	sand.u32 $0xFFFFF80, s17;
	s0 =	sadd.s32 s2, s16  }
0x58: {  	[tilespmem:s12], [sflag:$0xE] =	stream.strided.gather [hbm4b:s0+s11], $0x1000, s10, s11, $0x38;
	[tilespmem:$0x10600] =	vst v63  }
0x59: {  	s0 =	sadd.s32 s9, s18  }
0x5a: {  	[tilespmem:s4], [sflag:$0x7] =	stream.strided.gather [hbm4b:s0+s11], $0x1000, s10, s11, $0x38;
	[tilespmem:$0x10600] =	vst v63  }
0x5b: {  	s19 =	spop (v2sf)  }
0x5c: {  	s20 =	sand.u32 $0xFFFFF80, s19;
	s21 =	spop (v2sf)  }
0x5d: {  	s0 =	sadd.s32 s2, s20;
	s22 =	sand.u32 $0xFFFFF80, s21  }
0x5e: {  	[tilespmem:s5], [sflag:$0xF] =	stream.strided.gather [hbm4b:s0+s11], $0x1000, s10, s11, $0x38;
	[tilespmem:$0x10600] =	vst v63  }
0x5f: {  	s24 =	spop (v2sf);
	s0 =	sadd.s32 s9, s22  }
0x60: {  	[tilespmem:s6], [sflag:$0x8] =	stream.strided.gather [hbm4b:s0+s11], $0x1000, s10, s11, $0x38;
	[tilespmem:$0x10600] =	vst v63  }
0x61: {  	s0 =	sand.u32 $0xFFFFF80, s24  }
0x62: {  	s0 =	sadd.s32 s2, s0  }
0x63: {  	[tilespmem:s1], [sflag:$0x10] =	stream.strided.gather [hbm4b:s0+s11], $0x1000, s10, s11, $0x38;
	[tilespmem:$0x10600] =	vst v63  }
0x64: {  	s3 =	simm.s32 $0x0;
	s18 =	simm.s32 $0xFFFFFFE0;
	s0 =	simm.s32 $0x10400  }
.LBB2_2:
0x65: {  	s1 =	sadd.s32 $0x21, s18  }
0x66: {  	[dreg:$0xc] =	wrdreg s0;
	v12 =	vld [tilespmem:s3+$0x0];
	s0 =	smin.u32 s1, $0x1F  }
0x67: {  	[dreg:$0xd] =	wrdreg s3;
	v11 =	vld [tilespmem:s7+$0x0];
	s0 =	sshll.u32 s0, $0x4  }
0x68: {  	[dreg:$0xb] =	wrdreg s7;
	s15 =	simm.s32 $0x1;
	v2 =	vld [tilespmem:s0+$0x0]  }
0x69: {  	v3 =	vld [tilespmem:s0+$0x200];
	_ =	swait.ge [sflag:s15], $0x1000  }
0x6a: {  	[sflag:s15] =	ssyncset.done $0x0  }
0x6b: {  	s16 =	simm.s32 $0x9;
	[sflag:s15] =	ssyncadd.s32 $0xFFFFF000  }
0x6c: {  	_ =	swait.ge [sflag:s16], $0x1000  }
0x6d: {  	(v2sf) =	vpush v12, $0x0;
	_ =	sdelay $0x1  }
0x6e: {  	(v2sf) =	vpush v11, $0x0;
	_ =	sdelay $0xc  }
0x6f: {  	s4 =	spop (v2sf)  }
0x70: {  	s0 =	sand.u32 $0x7F, s4  }
0x71: {  	s5 =	spop (v2sf);
	v4 =	vor.u32 s0, v0  }
0x72: {  	s3 =	sand.u32 $0x7F, s5;
	v5 =	vor.u32 s0, v1  }
0x73: {  	v6 =	vor.u32 s3, v0  }
0x74: {  	[sflag:s16] =	ssyncset.done $0x0;
	v7 =	vor.u32 s3, v1  }
0x75: {  	[sflag:s16] =	ssyncadd.s32 $0xFFFFF000  }
0x76: {  	v4 =	vld.idx.msk [tilespmem:v4+s11+$0x0], $0xffff  }
0x77: {  	s4 =	simm.s32 $0x8400;
	v5 =	vld.idx.msk [tilespmem:v5+s11+$0x0], $0xffff  }
0x78: {  	(v2sf) =	vpush v12, $0x8;
	v6 =	vld.idx.msk [tilespmem:v6+s4+$0x0], $0xffff  }
0x79: {  	(v2sf) =	vpush v11, $0x8;
	v7 =	vld.idx.msk [tilespmem:v7+s4+$0x0], $0xffff;
	_ =	sdelay $0x4  }
0x7a: {  	v4 =	vmul.f32 v6, v4;
	v5 =	vmul.f32 v7, v5;
	_ =	sdelay $0x1  }
0x7b: {  	v4 =	vadd.f32 v5, v4;
	_ =	sdelay $0x1  }
0x7c: {  	(xrf2) =	vadd.scan.msk.f32 $0xffff, v4;
	_ =	sdelay $0x4  }
0x7d: {  	s24 =	spop (v2sf)  }
0x7e: {  	s6 =	sand.u32 $0xFFFFF80, s24;
	s21 =	spop (v2sf)  }
0x7f: {  	s0 =	sadd.s32 s9, s6;
	s7 =	sand.u32 $0xFFFFF80, s21  }
0x80: {  	[tilespmem:s11], [sflag:$0x1] =	stream.strided.gather [hbm4b:s0+s11], $0x1000, s10, s11, $0x38;
	[tilespmem:$0x10600] =	vst v63  }
0x81: {  	s14 =	simm.s32 $0x2;
	s0 =	sadd.s32 s2, s7  }
0x82: {  	[tilespmem:s4], [sflag:$0x9] =	stream.strided.gather [hbm4b:s0+s11], $0x1000, s10, s11, $0x38;
	v4, _, _ =	vpop (xrf2);
	[tilespmem:$0x10600] =	vst v63  }
0x83: {  	_ =	swait.ge [sflag:s14], $0x1000  }
0x84: {  	[sflag:s14] =	ssyncset.done $0x0  }
0x85: {  	s13 =	simm.s32 $0xA;
	[sflag:s14] =	ssyncadd.s32 $0xFFFFF000  }
0x86: {  	_ =	swait.ge [sflag:s13], $0x1000  }
0x87: {  	(v2sf) =	vpush v12, $0x1;
	_ =	sdelay $0x1  }
0x88: {  	(v2sf) =	vpush v11, $0x1;
	_ =	sdelay $0xc  }
0x89: {  	s8 =	spop (v2sf)  }
0x8a: {  	s0 =	sand.u32 $0x7F, s8  }
0x8b: {  	s12 =	spop (v2sf);
	v5 =	vor.u32 s0, v0  }
0x8c: {  	s3 =	sand.u32 $0x7F, s12;
	v6 =	vor.u32 s0, v1  }
0x8d: {  	v7 =	vor.u32 s3, v0  }
0x8e: {  	[sflag:s13] =	ssyncset.done $0x0;
	v8 =	vor.u32 s3, v1  }
0x8f: {  	s17 =	simm.s32 $0x1400;
	[sflag:s13] =	ssyncadd.s32 $0xFFFFF000  }
0x90: {  	v5 =	vld.idx.msk [tilespmem:v5+s17+$0x0], $0xffff  }
0x91: {  	s19 =	simm.s32 $0x9400;
	v6 =	vld.idx.msk [tilespmem:v6+s17+$0x0], $0xffff  }
0x92: {  	(v2sf) =	vpush v12, $0x9;
	v7 =	vld.idx.msk [tilespmem:v7+s19+$0x0], $0xffff  }
0x93: {  	(v2sf) =	vpush v11, $0x9;
	v8 =	vld.idx.msk [tilespmem:v8+s19+$0x0], $0xffff;
	_ =	sdelay $0x4  }
0x94: {  	v5 =	vmul.f32 v7, v5;
	v6 =	vmul.f32 v8, v6;
	_ =	sdelay $0x1  }
0x95: {  	v5 =	vadd.f32 v6, v5;
	_ =	sdelay $0x1  }
0x96: {  	(xrf2) =	vadd.scan.msk.f32 $0xffff, v5;
	_ =	sdelay $0x4  }
0x97: {  	s20 =	simm.s32 $0x9400;
	s22 =	spop (v2sf)  }
0x98: {  	s1 =	simm.s32 $0x1400;
	s0 =	sand.u32 $0xFFFFF80, s22;
	s5 =	spop (v2sf)  }
0x99: {  	[dreg:$0xe] =	wrdreg s5;
	s0 =	sadd.s32 s9, s0;
	s5 =	sand.u32 $0xFFFFF80, s5  }
0x9a: {  	[tilespmem:s1], [sflag:$0x2] =	stream.strided.gather [hbm4b:s0+s11], $0x1000, s10, s11, $0x38;
	[tilespmem:$0x10600] =	vst v63  }
0x9b: {  	s12 =	simm.s32 $0x3;
	[dreg:$0xf] =	wrdreg s22;
	s0 =	sadd.s32 s2, s5  }
0x9c: {  	[tilespmem:s20], [sflag:$0xA] =	stream.strided.gather [hbm4b:s0+s11], $0x1000, s10, s11, $0x38;
	v5, _, _ =	vpop (xrf2);
	[tilespmem:$0x10600] =	vst v63  }
0x9d: {  	_ =	swait.ge [sflag:s12], $0x1000  }
0x9e: {  	[sflag:s12] =	ssyncset.done $0x0  }
0x9f: {  	s17 =	simm.s32 $0xB;
	[sflag:s12] =	ssyncadd.s32 $0xFFFFF000  }
0xa0: {  	_ =	swait.ge [sflag:s17], $0x1000  }
0xa1: {  	(v2sf) =	vpush v12, $0x2;
	_ =	sdelay $0x1  }
0xa2: {  	(v2sf) =	vpush v11, $0x2;
	_ =	sdelay $0xc  }
0xa3: {  	s6 =	spop (v2sf)  }
0xa4: {  	s0 =	sand.u32 $0x7F, s6  }
0xa5: {  	s7 =	spop (v2sf);
	v6 =	vor.u32 s0, v0  }
0xa6: {  	s3 =	sand.u32 $0x7F, s7;
	v7 =	vor.u32 s0, v1  }
0xa7: {  	v18 =	vor.u32 s3, v0  }
0xa8: {  	[sflag:s17] =	ssyncset.done $0x0;
	v9 =	vor.u32 s3, v1  }
0xa9: {  	s8 =	simm.s32 $0x2400;
	[sflag:s17] =	ssyncadd.s32 $0xFFFFF000  }
0xaa: {  	v6 =	vld.idx.msk [tilespmem:v6+s8+$0x0], $0xffff  }
0xab: {  	s20 =	simm.s32 $0xA400;
	v7 =	vld.idx.msk [tilespmem:v7+s8+$0x0], $0xffff  }
0xac: {  	(v2sf) =	vpush v12, $0xA;
	v8 =	vld.idx.msk [tilespmem:v18+s20+$0x0], $0xffff  }
0xad: {  	(v2sf) =	vpush v11, $0xA;
	v9 =	vld.idx.msk [tilespmem:v9+s20+$0x0], $0xffff;
	_ =	sdelay $0x4  }
0xae: {  	v6 =	vmul.f32 v8, v6;
	v7 =	vmul.f32 v9, v7;
	_ =	sdelay $0x1  }
0xaf: {  	v6 =	vadd.f32 v7, v6;
	_ =	sdelay $0x1  }
0xb0: {  	(xrf2) =	vadd.scan.msk.f32 $0xffff, v6;
	_ =	sdelay $0x4  }
0xb1: {  	s19 =	simm.s32 $0x2400;
	s6 =	spop (v2sf)  }
0xb2: {  	s22 =	simm.s32 $0xA400;
	s0 =	sand.u32 $0xFFFFF80, s6;
	s7 =	spop (v2sf)  }
0xb3: {  	[dreg:$0x11] =	wrdreg s6;
	s0 =	sadd.s32 s9, s0;
	s8 =	sand.u32 $0xFFFFF80, s7  }
0xb4: {  	[tilespmem:s19], [sflag:$0x3] =	stream.strided.gather [hbm4b:s0+s11], $0x1000, s10, s11, $0x38;
	[tilespmem:$0x10600] =	vst v63  }
0xb5: {  	s20 =	simm.s32 $0x4;
	[dreg:$0x10] =	wrdreg s7;
	s0 =	sadd.s32 s2, s8  }
0xb6: {  	[tilespmem:s22], [sflag:$0xB] =	stream.strided.gather [hbm4b:s0+s11], $0x1000, s10, s11, $0x38;
	v6, _, _ =	vpop (xrf2);
	[tilespmem:$0x10600] =	vst v63  }
0xb7: {  	_ =	swait.ge [sflag:s20], $0x1000  }
0xb8: {  	[sflag:s20] =	ssyncset.done $0x0  }
0xb9: {  	s22 =	simm.s32 $0xC;
	[sflag:s20] =	ssyncadd.s32 $0xFFFFF000  }
0xba: {  	_ =	swait.ge [sflag:s22], $0x1000  }
0xbb: {  	(v2sf) =	vpush v12, $0x3;
	_ =	sdelay $0x1  }
0xbc: {  	(v2sf) =	vpush v11, $0x3;
	_ =	sdelay $0xc  }
0xbd: {  	s19 =	spop (v2sf)  }
0xbe: {  	s0 =	sand.u32 $0x7F, s19  }
0xbf: {  	s1 =	spop (v2sf);
	v7 =	vor.u32 s0, v0  }
0xc0: {  	s3 =	sand.u32 $0x7F, s1;
	v19 =	vor.u32 s0, v1  }
0xc1: {  	v20 =	vor.u32 s3, v0  }
0xc2: {  	[sflag:s22] =	ssyncset.done $0x0;
	v10 =	vor.u32 s3, v1  }
0xc3: {  	[sflag:s22] =	ssyncadd.s32 $0xFFFFF000;
	s3 =	simm.s32 $0x3400  }
0xc4: {  	v7 =	vld.idx.msk [tilespmem:v7+s3+$0x0], $0xffff  }
0xc5: {  	s8 =	simm.s32 $0xB400;
	v8 =	vld.idx.msk [tilespmem:v19+s3+$0x0], $0xffff  }
0xc6: {  	(v2sf) =	vpush v12, $0xB;
	v9 =	vld.idx.msk [tilespmem:v20+s8+$0x0], $0xffff  }
0xc7: {  	(v2sf) =	vpush v11, $0xB;
	v10 =	vld.idx.msk [tilespmem:v10+s8+$0x0], $0xffff;
	_ =	sdelay $0x4  }
0xc8: {  	v7 =	vmul.f32 v9, v7;
	v8 =	vmul.f32 v10, v8;
	_ =	sdelay $0x1  }
0xc9: {  	v7 =	vadd.f32 v8, v7;
	_ =	sdelay $0x1  }
0xca: {  	(xrf2) =	vadd.scan.msk.f32 $0xffff, v7;
	_ =	sdelay $0x4  }
0xcb: {  	s6 =	spop (v2sf)  }
0xcc: {  	s5 =	simm.s32 $0x3400;
	s0 =	sand.u32 $0xFFFFF80, s6;
	s7 =	spop (v2sf)  }
0xcd: {  	[dreg:$0x13] =	wrdreg s6;
	s0 =	sadd.s32 s9, s0;
	s8 =	sand.u32 $0xFFFFF80, s7  }
0xce: {  	[tilespmem:s5], [sflag:$0x4] =	stream.strided.gather [hbm4b:s0+s11], $0x1000, s10, s11, $0x38;
	[tilespmem:$0x10600] =	vst v63  }
0xcf: {  	s19 =	simm.s32 $0xB400;
	[dreg:$0x12] =	wrdreg s7;
	s0 =	sadd.s32 s2, s8  }
0xd0: {  	[tilespmem:s19], [sflag:$0xC] =	stream.strided.gather [hbm4b:s0+s11], $0x1000, s10, s11, $0x38;
	v7, _, _ =	vpop (xrf2);
	[tilespmem:$0x10600] =	vst v63  }
0xd1: {  	_ =	swait.ge [sflag:s23], $0x1000  }
0xd2: {  	[sflag:s23] =	ssyncset.done $0x0  }
0xd3: {  	[sflag:s23] =	ssyncadd.s32 $0xFFFFF000  }
0xd4: {  	_ =	swait.ge [sflag:s25], $0x1000  }
0xd5: {  	(v2sf) =	vpush v12, $0x4;
	_ =	sdelay $0x1  }
0xd6: {  	(v2sf) =	vpush v11, $0x4;
	_ =	sdelay $0xc  }
0xd7: {  	s19 =	spop (v2sf)  }
0xd8: {  	s0 =	sand.u32 $0x7F, s19  }
0xd9: {  	s1 =	spop (v2sf);
	v21 =	vor.u32 s0, v0  }
0xda: {  	s3 =	sand.u32 $0x7F, s1;
	v22 =	vor.u32 s0, v1  }
0xdb: {  	v23 =	vor.u32 s3, v0  }
0xdc: {  	[sflag:s25] =	ssyncset.done $0x0;
	v13 =	vor.u32 s3, v1  }
0xdd: {  	[sflag:s25] =	ssyncadd.s32 $0xFFFFF000;
	s3 =	simm.s32 $0x4400  }
0xde: {  	v8 =	vld.idx.msk [tilespmem:v21+s3+$0x0], $0xffff  }
0xdf: {  	s8 =	simm.s32 $0xC400;
	v9 =	vld.idx.msk [tilespmem:v22+s3+$0x0], $0xffff  }
0xe0: {  	(v2sf) =	vpush v12, $0xC;
	v10 =	vld.idx.msk [tilespmem:v23+s8+$0x0], $0xffff  }
0xe1: {  	(v2sf) =	vpush v11, $0xC;
	v13 =	vld.idx.msk [tilespmem:v13+s8+$0x0], $0xffff;
	_ =	sdelay $0x4  }
0xe2: {  	v8 =	vmul.f32 v10, v8;
	v9 =	vmul.f32 v13, v9;
	_ =	sdelay $0x1  }
0xe3: {  	v8 =	vadd.f32 v9, v8;
	_ =	sdelay $0x1  }
0xe4: {  	(xrf2) =	vadd.scan.msk.f32 $0xffff, v8;
	_ =	sdelay $0x4  }
0xe5: {  	s6 =	spop (v2sf)  }
0xe6: {  	s5 =	simm.s32 $0x4400;
	s0 =	sand.u32 $0xFFFFF80, s6;
	s7 =	spop (v2sf)  }
0xe7: {  	[dreg:$0x15] =	wrdreg s6;
	s0 =	sadd.s32 s9, s0;
	s8 =	sand.u32 $0xFFFFF80, s7  }
0xe8: {  	[tilespmem:s5], [sflag:$0x5] =	stream.strided.gather [hbm4b:s0+s11], $0x1000, s10, s11, $0x38;
	[tilespmem:$0x10600] =	vst v63  }
0xe9: {  	s19 =	simm.s32 $0xC400;
	[dreg:$0x14] =	wrdreg s7;
	s0 =	sadd.s32 s2, s8  }
0xea: {  	[tilespmem:s19], [sflag:$0xD] =	stream.strided.gather [hbm4b:s0+s11], $0x1000, s10, s11, $0x38;
	v8, _, _ =	vpop (xrf2);
	[tilespmem:$0x10600] =	vst v63  }
0xeb: {  	_ =	swait.ge [sflag:s28], $0x1000  }
0xec: {  	[sflag:s28] =	ssyncset.done $0x0  }
0xed: {  	[sflag:s28] =	ssyncadd.s32 $0xFFFFF000  }
0xee: {  	_ =	swait.ge [sflag:s26], $0x1000  }
0xef: {  	(v2sf) =	vpush v12, $0x5;
	_ =	sdelay $0x1  }
0xf0: {  	(v2sf) =	vpush v11, $0x5;
	_ =	sdelay $0xc  }
0xf1: {  	s19 =	spop (v2sf)  }
0xf2: {  	s0 =	sand.u32 $0x7F, s19  }
0xf3: {  	s1 =	spop (v2sf);
	v24 =	vor.u32 s0, v0  }
0xf4: {  	s3 =	sand.u32 $0x7F, s1;
	v25 =	vor.u32 s0, v1  }
0xf5: {  	v26 =	vor.u32 s3, v0  }
0xf6: {  	[sflag:s26] =	ssyncset.done $0x0;
	v14 =	vor.u32 s3, v1  }
0xf7: {  	[sflag:s26] =	ssyncadd.s32 $0xFFFFF000;
	s3 =	simm.s32 $0x5400  }
0xf8: {  	v9 =	vld.idx.msk [tilespmem:v24+s3+$0x0], $0xffff  }
0xf9: {  	s8 =	simm.s32 $0xD400;
	v10 =	vld.idx.msk [tilespmem:v25+s3+$0x0], $0xffff  }
0xfa: {  	(v2sf) =	vpush v12, $0xD;
	v13 =	vld.idx.msk [tilespmem:v26+s8+$0x0], $0xffff  }
0xfb: {  	(v2sf) =	vpush v11, $0xD;
	v14 =	vld.idx.msk [tilespmem:v14+s8+$0x0], $0xffff;
	_ =	sdelay $0x4  }
0xfc: {  	v9 =	vmul.f32 v13, v9;
	v10 =	vmul.f32 v14, v10;
	_ =	sdelay $0x1  }
0xfd: {  	v9 =	vadd.f32 v10, v9;
	_ =	sdelay $0x1  }
0xfe: {  	(xrf2) =	vadd.scan.msk.f32 $0xffff, v9;
	_ =	sdelay $0x4  }
0xff: {  	s0 =	spop (v2sf)  }
0x100: {  	s7 =	sand.u32 $0xFFFFF80, s0;
	s6 =	spop (v2sf)  }
0x101: {  	s5 =	simm.s32 $0x5400;
	s3 =	sadd.s32 s9, s7;
	s8 =	sand.u32 $0xFFFFF80, s6  }
0x102: {  	[tilespmem:s5], [sflag:$0x6] =	stream.strided.gather [hbm4b:s3+s11], $0x1000, s10, s11, $0x38;
	[tilespmem:$0x10600] =	vst v63  }
0x103: {  	s19 =	simm.s32 $0xD400;
	[dreg:$0x16] =	wrdreg s6;
	s3 =	sadd.s32 s2, s8  }
0x104: {  	[tilespmem:s19], [sflag:$0xE] =	stream.strided.gather [hbm4b:s3+s11], $0x1000, s10, s11, $0x38;
	v9, _, _ =	vpop (xrf2);
	[tilespmem:$0x10600] =	vst v63  }
0x105: {  	_ =	swait.ge [sflag:s29], $0x1000  }
0x106: {  	[sflag:s29] =	ssyncset.done $0x0  }
0x107: {  	[sflag:s29] =	ssyncadd.s32 $0xFFFFF000  }
0x108: {  	_ =	swait.ge [sflag:s30], $0x1000  }
0x109: {  	(v2sf) =	vpush v12, $0x6;
	_ =	sdelay $0x1  }
0x10a: {  	(v2sf) =	vpush v11, $0x6;
	_ =	sdelay $0xc  }
0x10b: {  	s19 =	spop (v2sf)  }
0x10c: {  	s3 =	sand.u32 $0x7F, s19  }
0x10d: {  	s1 =	spop (v2sf);
	v27 =	vor.u32 s3, v0  }
0x10e: {  	s5 =	sand.u32 $0x7F, s1;
	v28 =	vor.u32 s3, v1  }
0x10f: {  	v29 =	vor.u32 s5, v0  }
0x110: {  	[sflag:s30] =	ssyncset.done $0x0;
	v15 =	vor.u32 s5, v1  }
0x111: {  	[sflag:s30] =	ssyncadd.s32 $0xFFFFF000;
	s5 =	simm.s32 $0x6400  }
0x112: {  	v10 =	vld.idx.msk [tilespmem:v27+s5+$0x0], $0xffff  }
0x113: {  	s6 =	simm.s32 $0xE400;
	(v2sf) =	vpush v12, $0xE;
	v13 =	vld.idx.msk [tilespmem:v28+s5+$0x0], $0xffff  }
0x114: {  	v14 =	vld.idx.msk [tilespmem:v29+s6+$0x0], $0xffff  }
0x115: {  	(v2sf) =	vpush v11, $0xE;
	v15 =	vld.idx.msk [tilespmem:v15+s6+$0x0], $0xffff;
	_ =	sdelay $0x4  }
0x116: {  	v10 =	vmul.f32 v14, v10;
	v13 =	vmul.f32 v15, v13;
	_ =	sdelay $0x1  }
0x117: {  	v10 =	vadd.f32 v13, v10;
	_ =	sdelay $0x1  }
0x118: {  	(xrf2) =	vadd.scan.msk.f32 $0xffff, v10;
	_ =	sdelay $0x3  }
0x119: {  	s5 =	spop (v2sf)  }
0x11a: {  	s6 =	sand.u32 $0xFFFFF80, s5  }
0x11b: {  	s7 =	simm.s32 $0x6400;
	s3 =	spop (v2sf);
	s6 =	sadd.s32 s9, s6  }
0x11c: {  	[tilespmem:s7], [sflag:$0x7] =	stream.strided.gather [hbm4b:s6+s11], $0x1000, s10, s11, $0x38;
	[tilespmem:$0x10600] =	vst v63  }
0x11d: {  	s7 =	sand.u32 $0xFFFFF80, s3  }
0x11e: {  	s19 =	simm.s32 $0xE400;
	s6 =	sadd.s32 s2, s7  }
0x11f: {  	[tilespmem:s19], [sflag:$0xF] =	stream.strided.gather [hbm4b:s6+s11], $0x1000, s10, s11, $0x38;
	v10, _, _ =	vpop (xrf2);
	[tilespmem:$0x10600] =	vst v63  }
0x120: {  	_ =	swait.ge [sflag:s31], $0x1000  }
0x121: {  	[sflag:s31] =	ssyncset.done $0x0  }
0x122: {  	s19 =	simm.s32 $0x10;
	[sflag:s31] =	ssyncadd.s32 $0xFFFFF000  }
0x123: {  	_ =	swait.ge [sflag:s19], $0x1000  }
0x124: {  	(v2sf) =	vpush v12, $0x7;
	_ =	sdelay $0x1  }
0x125: {  	(v2sf) =	vpush v11, $0x7;
	_ =	sdelay $0xc  }
0x126: {  	s7 =	spop (v2sf)  }
0x127: {  	s6 =	sand.u32 $0x7F, s7  }
0x128: {  	s7 =	spop (v2sf);
	v30 =	vor.u32 s6, v0  }
0x129: {  	s7 =	sand.u32 $0x7F, s7;
	v31 =	vor.u32 s6, v1  }
0x12a: {  	v32 =	vor.u32 s7, v0  }
0x12b: {  	[sflag:s19] =	ssyncset.done $0x0;
	v16 =	vor.u32 s7, v1  }
0x12c: {  	s1 =	simm.s32 $0x7400;
	[sflag:s19] =	ssyncadd.s32 $0xFFFFF000  }
0x12d: {  	v13 =	vld.idx.msk [tilespmem:v30+s1+$0x0], $0xffff  }
0x12e: {  	s8 =	simm.s32 $0xF400;
	(v2sf) =	vpush v12, $0xF;
	v14 =	vld.idx.msk [tilespmem:v31+s1+$0x0], $0xffff  }
0x12f: {  	v33 =	vld.idx.msk [tilespmem:v32+s8+$0x0], $0xffff  }
0x130: {  	(v2sf) =	vpush v11, $0xF;
	v34 =	vld.idx.msk [tilespmem:v16+s8+$0x0], $0xffff;
	_ =	sdelay $0x4  }
0x131: {  	v35 =	vmul.f32 v33, v13;
	v36 =	vmul.f32 v34, v14;
	_ =	sdelay $0x1  }
0x132: {  	v11 =	vadd.f32 v36, v35;
	_ =	sdelay $0x1  }
0x133: {  	(xrf2) =	vadd.scan.msk.f32 $0xffff, v11;
	_ =	sdelay $0x3  }
0x134: {  	s6 =	spop (v2sf)  }
0x135: {  	s8 =	sand.u32 $0xFFFFF80, s6  }
0x136: {  	s7 =	spop (v2sf);
	s8 =	sadd.s32 s9, s8  }
0x137: {  	[tilespmem:s1], [sflag:$0x8] =	stream.strided.gather [hbm4b:s8+s11], $0x1000, s10, s11, $0x38;
	[tilespmem:$0x10600] =	vst v63  }
0x138: {  	s8 =	sand.u32 $0xFFFFF80, s7  }
0x139: {  	s1 =	simm.s32 $0xF400;
	s8 =	sadd.s32 s2, s8  }
0x13a: {  	[tilespmem:s1], [sflag:$0x10] =	stream.strided.gather [hbm4b:s8+s11], $0x1000, s10, s11, $0x38;
	v11, _, _ =	vpop (xrf2);
	[tilespmem:$0x10600] =	vst v63  }
0x13b: {  	s24 =	sand.u32 $0x7F, s24;
	_ =	swait.ge [sflag:s15], $0x1000  }
0x13c: {  	v37 =	vor.u32 s24, v0;
	[sflag:s15] =	ssyncset.done $0x0  }
0x13d: {  	s21 =	sand.u32 $0x7F, s21;
	v38 =	vor.u32 s24, v1;
	[sflag:s15] =	ssyncadd.s32 $0xFFFFF000  }
0x13e: {  	v39 =	vor.u32 s21, v0;
	_ =	swait.ge [sflag:s16], $0x1000  }
0x13f: {  	v40 =	vor.u32 s21, v1;
	[sflag:s16] =	ssyncset.done $0x0  }
0x140: {  	p0 =	seq.s32 s18, $0xFFFFFFFF;
	[sflag:s16] =	ssyncadd.s32 $0xFFFFF000  }
0x141: {  	(v2sf) =	vpush @!p0 v2, $0x0;
	v12 =	vld.idx.msk [tilespmem:v37+s11+$0x0], $0xffff  }
0x142: {  	v13 =	vld.idx.msk [tilespmem:v38+s11+$0x0], $0xffff  }
0x143: {  	v14 =	vld.idx.msk [tilespmem:v39+s4+$0x0], $0xffff  }
0x144: {  	v15 =	vld.idx.msk [tilespmem:v40+s4+$0x0], $0xffff  }
0x145: {  	(v2sf) =	vpush @!p0 v3, $0x0;
	_ =	sdelay $0x3  }
0x146: {  	v12 =	vmul.f32 v14, v12;
	v13 =	vmul.f32 v15, v13;
	_ =	sdelay $0x1  }
0x147: {  	v12 =	vadd.f32 v13, v12;
	_ =	sdelay $0x1  }
0x148: {  	(xrf2) =	vadd.scan.msk.f32 $0xffff, v12;
	_ =	sdelay $0x2  }
0x149: {  	s8 =	spop @!p0 (v2sf)  }
0x14a: {  	s8 =	sand.u32 @!p0 $0xFFFFF80, s8  }
0x14b: {  	s24 =	simm.s32 @!p0 $0x400;
	s21 =	simm.s32 @!p0 $0x7A1400;
	s8 =	sadd.s32 @!p0 s9, s8  }
0x14c: {  	[tilespmem:s24], [sflag:$0x1] =	stream.strided.gather @!p0 [hbm4b:s8+s24], $0x1000, s21, s24, $0x38;
	[tilespmem:$0x10600] =	vst v63  }
0x14d: {  	s8 =	spop @!p0 (v2sf)  }
0x14e: {  	s8 =	sand.u32 @!p0 $0xFFFFF80, s8  }
0x14f: {  	s4 =	simm.s32 @!p0 $0x8400;
	s8 =	sadd.s32 @!p0 s2, s8  }
0x150: {  	[tilespmem:s4], [sflag:$0x9] =	stream.strided.gather @!p0 [hbm4b:s8+s24], $0x1000, s21, s24, $0x38;
	v12, _, _ =	vpop (xrf2);
	[tilespmem:$0x10600] =	vst v63  }
0x151: {  	_ =	swait.ge [sflag:s14], $0x1000  }
0x152: {  	s15 =	rddreg [dreg:$0xf]  }
0x153: {  	s4 =	sand.u32 $0x7F, s15  }
0x154: {  	[sflag:s14] =	ssyncset.done $0x0;
	s16 =	rddreg [dreg:$0xe];
	v41 =	vor.u32 s4, v0  }
0x155: {  	[sflag:s14] =	ssyncadd.s32 $0xFFFFF000;
	s8 =	sand.u32 $0x7F, s16;
	v42 =	vor.u32 s4, v1  }
0x156: {  	_ =	swait.ge [sflag:s13], $0x1000;
	v43 =	vor.u32 s8, v0  }
0x157: {  	v44 =	vor.u32 s8, v1;
	[sflag:s13] =	ssyncset.done $0x0  }
0x158: {  	s8 =	simm.s32 $0x1400;
	[sflag:s13] =	ssyncadd.s32 $0xFFFFF000  }
0x159: {  	(v2sf) =	vpush @!p0 v2, $0x1;
	v13 =	vld.idx.msk [tilespmem:v41+s8+$0x0], $0xffff  }
0x15a: {  	s14 =	simm.s32 $0x9400;
	v14 =	vld.idx.msk [tilespmem:v42+s8+$0x0], $0xffff  }
0x15b: {  	v15 =	vld.idx.msk [tilespmem:v43+s14+$0x0], $0xffff  }
0x15c: {  	v16 =	vld.idx.msk [tilespmem:v44+s14+$0x0], $0xffff  }
0x15d: {  	(v2sf) =	vpush @!p0 v3, $0x1;
	_ =	sdelay $0x3  }
0x15e: {  	v13 =	vmul.f32 v15, v13;
	v14 =	vmul.f32 v16, v14;
	_ =	sdelay $0x1  }
0x15f: {  	v13 =	vadd.f32 v14, v13;
	_ =	sdelay $0x1  }
0x160: {  	(xrf2) =	vadd.scan.msk.f32 $0xffff, v13;
	_ =	sdelay $0x2  }
0x161: {  	s4 =	spop @!p0 (v2sf)  }
0x162: {  	s4 =	sand.u32 @!p0 $0xFFFFF80, s4  }
0x163: {  	s8 =	simm.s32 @!p0 $0x1400;
	s4 =	sadd.s32 @!p0 s9, s4  }
0x164: {  	[tilespmem:s8], [sflag:$0x2] =	stream.strided.gather @!p0 [hbm4b:s4+s24], $0x1000, s21, s24, $0x38;
	[tilespmem:$0x10600] =	vst v63  }
0x165: {  	s4 =	spop @!p0 (v2sf)  }
0x166: {  	s4 =	sand.u32 @!p0 $0xFFFFF80, s4  }
0x167: {  	s8 =	simm.s32 @!p0 $0x9400;
	s4 =	sadd.s32 @!p0 s2, s4  }
0x168: {  	[tilespmem:s8], [sflag:$0xA] =	stream.strided.gather @!p0 [hbm4b:s4+s24], $0x1000, s21, s24, $0x38;
	v13, _, _ =	vpop (xrf2);
	[tilespmem:$0x10600] =	vst v63  }
0x169: {  	_ =	swait.ge [sflag:s12], $0x1000  }
0x16a: {  	s15 =	rddreg [dreg:$0x11]  }
0x16b: {  	s4 =	sand.u32 $0x7F, s15  }
0x16c: {  	[sflag:s12] =	ssyncset.done $0x0;
	s16 =	rddreg [dreg:$0x10];
	v45 =	vor.u32 s4, v0  }
0x16d: {  	[sflag:s12] =	ssyncadd.s32 $0xFFFFF000;
	s8 =	sand.u32 $0x7F, s16;
	v46 =	vor.u32 s4, v1  }
0x16e: {  	_ =	swait.ge [sflag:s17], $0x1000;
	v47 =	vor.u32 s8, v0  }
0x16f: {  	v17 =	vor.u32 s8, v1;
	[sflag:s17] =	ssyncset.done $0x0  }
0x170: {  	s12 =	simm.s32 $0x2400;
	[sflag:s17] =	ssyncadd.s32 $0xFFFFF000  }
0x171: {  	(v2sf) =	vpush @!p0 v2, $0x2;
	v14 =	vld.idx.msk [tilespmem:v45+s12+$0x0], $0xffff  }
0x172: {  	s14 =	simm.s32 $0xA400;
	v15 =	vld.idx.msk [tilespmem:v46+s12+$0x0], $0xffff  }
0x173: {  	v16 =	vld.idx.msk [tilespmem:v47+s14+$0x0], $0xffff  }
0x174: {  	v17 =	vld.idx.msk [tilespmem:v17+s14+$0x0], $0xffff  }
0x175: {  	(v2sf) =	vpush @!p0 v3, $0x2;
	_ =	sdelay $0x3  }
0x176: {  	v14 =	vmul.f32 v16, v14;
	v15 =	vmul.f32 v17, v15;
	_ =	sdelay $0x1  }
0x177: {  	v14 =	vadd.f32 v15, v14;
	_ =	sdelay $0x1  }
0x178: {  	(xrf2) =	vadd.scan.msk.f32 $0xffff, v14;
	_ =	sdelay $0x2  }
0x179: {  	s4 =	spop @!p0 (v2sf)  }
0x17a: {  	s4 =	sand.u32 @!p0 $0xFFFFF80, s4  }
0x17b: {  	s8 =	simm.s32 @!p0 $0x2400;
	s4 =	sadd.s32 @!p0 s9, s4  }
0x17c: {  	[tilespmem:s8], [sflag:$0x3] =	stream.strided.gather @!p0 [hbm4b:s4+s24], $0x1000, s21, s24, $0x38;
	[tilespmem:$0x10600] =	vst v63  }
0x17d: {  	s4 =	spop @!p0 (v2sf)  }
0x17e: {  	s4 =	sand.u32 @!p0 $0xFFFFF80, s4  }
0x17f: {  	s8 =	simm.s32 @!p0 $0xA400;
	s4 =	sadd.s32 @!p0 s2, s4  }
0x180: {  	[tilespmem:s8], [sflag:$0xB] =	stream.strided.gather @!p0 [hbm4b:s4+s24], $0x1000, s21, s24, $0x38;
	v14, _, _ =	vpop (xrf2);
	[tilespmem:$0x10600] =	vst v63  }
0x181: {  	_ =	swait.ge [sflag:s20], $0x1000  }
0x182: {  	s15 =	rddreg [dreg:$0x13]  }
0x183: {  	[sflag:s20] =	ssyncset.done $0x0;
	s4 =	sand.u32 $0x7F, s15  }
0x184: {  	[sflag:s20] =	ssyncadd.s32 $0xFFFFF000;
	s20 =	rddreg [dreg:$0x12];
	v48 =	vor.u32 s4, v0  }
0x185: {  	s8 =	sand.u32 $0x7F, s20;
	v49 =	vor.u32 s4, v1  }
0x186: {  	_ =	swait.ge [sflag:s22], $0x1000;
	v50 =	vor.u32 s8, v0  }
0x187: {  	[sflag:s22] =	ssyncset.done $0x0;
	v18 =	vor.u32 s8, v1  }
0x188: {  	s8 =	simm.s32 $0x3400;
	[sflag:s22] =	ssyncadd.s32 $0xFFFFF000  }
0x189: {  	(v2sf) =	vpush @!p0 v2, $0x3;
	v15 =	vld.idx.msk [tilespmem:v48+s8+$0x0], $0xffff  }
0x18a: {  	s12 =	simm.s32 $0xB400;
	v16 =	vld.idx.msk [tilespmem:v49+s8+$0x0], $0xffff  }
0x18b: {  	v17 =	vld.idx.msk [tilespmem:v50+s12+$0x0], $0xffff  }
0x18c: {  	v18 =	vld.idx.msk [tilespmem:v18+s12+$0x0], $0xffff  }
0x18d: {  	(v2sf) =	vpush @!p0 v3, $0x3;
	_ =	sdelay $0x3  }
0x18e: {  	v15 =	vmul.f32 v17, v15;
	v16 =	vmul.f32 v18, v16;
	_ =	sdelay $0x1  }
0x18f: {  	v15 =	vadd.f32 v16, v15;
	_ =	sdelay $0x1  }
0x190: {  	(xrf2) =	vadd.scan.msk.f32 $0xffff, v15;
	_ =	sdelay $0x2  }
0x191: {  	s4 =	spop @!p0 (v2sf)  }
0x192: {  	s4 =	sand.u32 @!p0 $0xFFFFF80, s4  }
0x193: {  	s8 =	simm.s32 @!p0 $0x3400;
	s4 =	sadd.s32 @!p0 s9, s4  }
0x194: {  	[tilespmem:s8], [sflag:$0x4] =	stream.strided.gather @!p0 [hbm4b:s4+s24], $0x1000, s21, s24, $0x38;
	[tilespmem:$0x10600] =	vst v63  }
0x195: {  	s4 =	spop @!p0 (v2sf)  }
0x196: {  	s4 =	sand.u32 @!p0 $0xFFFFF80, s4  }
0x197: {  	s8 =	simm.s32 @!p0 $0xB400;
	s4 =	sadd.s32 @!p0 s2, s4  }
0x198: {  	[tilespmem:s8], [sflag:$0xC] =	stream.strided.gather @!p0 [hbm4b:s4+s24], $0x1000, s21, s24, $0x38;
	v15, _, _ =	vpop (xrf2);
	[tilespmem:$0x10600] =	vst v63  }
0x199: {  	_ =	swait.ge [sflag:s23], $0x1000  }
0x19a: {  	s15 =	rddreg [dreg:$0x15]  }
0x19b: {  	s4 =	sand.u32 $0x7F, s15  }
0x19c: {  	[sflag:s23] =	ssyncset.done $0x0;
	s22 =	rddreg [dreg:$0x14];
	v51 =	vor.u32 s4, v0  }
0x19d: {  	[sflag:s23] =	ssyncadd.s32 $0xFFFFF000;
	s8 =	sand.u32 $0x7F, s22;
	v52 =	vor.u32 s4, v1  }
0x19e: {  	_ =	swait.ge [sflag:s25], $0x1000;
	v53 =	vor.u32 s8, v0  }
0x19f: {  	v19 =	vor.u32 s8, v1;
	[sflag:s25] =	ssyncset.done $0x0  }
0x1a0: {  	s8 =	simm.s32 $0x4400;
	[sflag:s25] =	ssyncadd.s32 $0xFFFFF000  }
0x1a1: {  	(v2sf) =	vpush @!p0 v2, $0x4;
	v16 =	vld.idx.msk [tilespmem:v51+s8+$0x0], $0xffff  }
0x1a2: {  	s12 =	simm.s32 $0xC400;
	v17 =	vld.idx.msk [tilespmem:v52+s8+$0x0], $0xffff  }
0x1a3: {  	v18 =	vld.idx.msk [tilespmem:v53+s12+$0x0], $0xffff  }
0x1a4: {  	v19 =	vld.idx.msk [tilespmem:v19+s12+$0x0], $0xffff  }
0x1a5: {  	(v2sf) =	vpush @!p0 v3, $0x4;
	_ =	sdelay $0x3  }
0x1a6: {  	v16 =	vmul.f32 v18, v16;
	v17 =	vmul.f32 v19, v17;
	_ =	sdelay $0x1  }
0x1a7: {  	v16 =	vadd.f32 v17, v16;
	_ =	sdelay $0x1  }
0x1a8: {  	(xrf2) =	vadd.scan.msk.f32 $0xffff, v16;
	_ =	sdelay $0x2  }
0x1a9: {  	s4 =	spop @!p0 (v2sf)  }
0x1aa: {  	s4 =	sand.u32 @!p0 $0xFFFFF80, s4  }
0x1ab: {  	s8 =	simm.s32 @!p0 $0x4400;
	s4 =	sadd.s32 @!p0 s9, s4  }
0x1ac: {  	[tilespmem:s8], [sflag:$0x5] =	stream.strided.gather @!p0 [hbm4b:s4+s24], $0x1000, s21, s24, $0x38;
	[tilespmem:$0x10600] =	vst v63  }
0x1ad: {  	s4 =	spop @!p0 (v2sf)  }
0x1ae: {  	s4 =	sand.u32 @!p0 $0xFFFFF80, s4  }
0x1af: {  	s8 =	simm.s32 @!p0 $0xC400;
	s4 =	sadd.s32 @!p0 s2, s4  }
0x1b0: {  	[tilespmem:s8], [sflag:$0xD] =	stream.strided.gather @!p0 [hbm4b:s4+s24], $0x1000, s21, s24, $0x38;
	v16, _, _ =	vpop (xrf2);
	[tilespmem:$0x10600] =	vst v63  }
0x1b1: {  	s0 =	sand.u32 $0x7F, s0;
	_ =	swait.ge [sflag:s28], $0x1000  }
0x1b2: {  	v54 =	vor.u32 s0, v0;
	[sflag:s28] =	ssyncset.done $0x0;
	s8 =	rddreg [dreg:$0x16]  }
0x1b3: {  	v55 =	vor.u32 s0, v1;
	[sflag:s28] =	ssyncadd.s32 $0xFFFFF000;
	s4 =	sand.u32 $0x7F, s8  }
0x1b4: {  	_ =	swait.ge [sflag:s26], $0x1000;
	v56 =	vor.u32 s4, v0  }
0x1b5: {  	v20 =	vor.u32 s4, v1;
	[sflag:s26] =	ssyncset.done $0x0  }
0x1b6: {  	s12 =	simm.s32 $0x5400;
	[sflag:s26] =	ssyncadd.s32 $0xFFFFF000  }
0x1b7: {  	(v2sf) =	vpush @!p0 v2, $0x5;
	v17 =	vld.idx.msk [tilespmem:v54+s12+$0x0], $0xffff  }
0x1b8: {  	s4 =	simm.s32 $0xD400;
	v18 =	vld.idx.msk [tilespmem:v55+s12+$0x0], $0xffff  }
0x1b9: {  	v19 =	vld.idx.msk [tilespmem:v56+s4+$0x0], $0xffff  }
0x1ba: {  	v20 =	vld.idx.msk [tilespmem:v20+s4+$0x0], $0xffff  }
0x1bb: {  	(v2sf) =	vpush @!p0 v3, $0x5;
	_ =	sdelay $0x3  }
0x1bc: {  	v17 =	vmul.f32 v19, v17;
	v18 =	vmul.f32 v20, v18;
	_ =	sdelay $0x1  }
0x1bd: {  	v17 =	vadd.f32 v18, v17;
	_ =	sdelay $0x1  }
0x1be: {  	(xrf2) =	vadd.scan.msk.f32 $0xffff, v17;
	_ =	sdelay $0x2  }
0x1bf: {  	s0 =	spop @!p0 (v2sf)  }
0x1c0: {  	s0 =	sand.u32 @!p0 $0xFFFFF80, s0  }
0x1c1: {  	s4 =	simm.s32 @!p0 $0x5400;
	s0 =	sadd.s32 @!p0 s9, s0  }
0x1c2: {  	[tilespmem:s4], [sflag:$0x6] =	stream.strided.gather @!p0 [hbm4b:s0+s24], $0x1000, s21, s24, $0x38;
	[tilespmem:$0x10600] =	vst v63  }
0x1c3: {  	s0 =	spop @!p0 (v2sf)  }
0x1c4: {  	s0 =	sand.u32 @!p0 $0xFFFFF80, s0  }
0x1c5: {  	s4 =	simm.s32 @!p0 $0xD400;
	s0 =	sadd.s32 @!p0 s2, s0  }
0x1c6: {  	[tilespmem:s4], [sflag:$0xE] =	stream.strided.gather @!p0 [hbm4b:s0+s24], $0x1000, s21, s24, $0x38;
	v17, _, _ =	vpop (xrf2);
	[tilespmem:$0x10600] =	vst v63  }
0x1c7: {  	s4 =	sand.u32 $0x7F, s5;
	_ =	swait.ge [sflag:s29], $0x1000  }
0x1c8: {  	v57 =	vor.u32 s4, v0;
	[sflag:s29] =	ssyncset.done $0x0  }
0x1c9: {  	s3 =	sand.u32 $0x7F, s3;
	v58 =	vor.u32 s4, v1;
	[sflag:s29] =	ssyncadd.s32 $0xFFFFF000  }
0x1ca: {  	v59 =	vor.u32 s3, v0;
	_ =	swait.ge [sflag:s30], $0x1000  }
0x1cb: {  	v21 =	vor.u32 s3, v1;
	[sflag:s30] =	ssyncset.done $0x0  }
0x1cc: {  	s5 =	simm.s32 $0x6400;
	[sflag:s30] =	ssyncadd.s32 $0xFFFFF000  }
0x1cd: {  	(v2sf) =	vpush @!p0 v2, $0x6;
	v18 =	vld.idx.msk [tilespmem:v57+s5+$0x0], $0xffff  }
0x1ce: {  	s3 =	simm.s32 $0xE400;
	v19 =	vld.idx.msk [tilespmem:v58+s5+$0x0], $0xffff  }
0x1cf: {  	v20 =	vld.idx.msk [tilespmem:v59+s3+$0x0], $0xffff  }
0x1d0: {  	v21 =	vld.idx.msk [tilespmem:v21+s3+$0x0], $0xffff  }
0x1d1: {  	(v2sf) =	vpush @!p0 v3, $0x6;
	_ =	sdelay $0x3  }
0x1d2: {  	v18 =	vmul.f32 v20, v18;
	v19 =	vmul.f32 v21, v19;
	_ =	sdelay $0x1  }
0x1d3: {  	v18 =	vadd.f32 v19, v18;
	_ =	sdelay $0x1  }
0x1d4: {  	(xrf2) =	vadd.scan.msk.f32 $0xffff, v18;
	_ =	sdelay $0x2  }
0x1d5: {  	s0 =	spop @!p0 (v2sf)  }
0x1d6: {  	s0 =	sand.u32 @!p0 $0xFFFFF80, s0  }
0x1d7: {  	s3 =	simm.s32 @!p0 $0x6400;
	s0 =	sadd.s32 @!p0 s9, s0  }
0x1d8: {  	[tilespmem:s3], [sflag:$0x7] =	stream.strided.gather @!p0 [hbm4b:s0+s24], $0x1000, s21, s24, $0x38;
	[tilespmem:$0x10600] =	vst v63  }
0x1d9: {  	s0 =	spop @!p0 (v2sf)  }
0x1da: {  	s0 =	sand.u32 @!p0 $0xFFFFF80, s0  }
0x1db: {  	s3 =	simm.s32 @!p0 $0xE400;
	s0 =	sadd.s32 @!p0 s2, s0  }
0x1dc: {  	[tilespmem:s3], [sflag:$0xF] =	stream.strided.gather @!p0 [hbm4b:s0+s24], $0x1000, s21, s24, $0x38;
	v18, _, _ =	vpop (xrf2);
	[tilespmem:$0x10600] =	vst v63  }
0x1dd: {  	s21 =	sand.u32 $0x7F, s6;
	_ =	swait.ge [sflag:s31], $0x1000  }
0x1de: {  	s24 =	sand.u32 $0x7F, s7;
	v60 =	vor.u32 s21, v0;
	[sflag:s31] =	ssyncset.done $0x0  }
0x1df: {  	v61 =	vor.u32 s24, v0;
	[sflag:s31] =	ssyncadd.s32 $0xFFFFF000  }
0x1e0: {  	v62 =	vor.u32 s21, v1;
	_ =	swait.ge [sflag:s19], $0x1000  }
0x1e1: {  	v22 =	vor.u32 s24, v1;
	[sflag:s19] =	ssyncset.done $0x0  }
0x1e2: {  	s6 =	simm.s32 $0x7400;
	[sflag:s19] =	ssyncadd.s32 $0xFFFFF000  }
0x1e3: {  	v19 =	vld.idx.msk [tilespmem:v60+s6+$0x0], $0xffff  }
0x1e4: {  	v20 =	vld.idx.msk [tilespmem:v61+s1+$0x0], $0xffff  }
0x1e5: {  	v21 =	vld.idx.msk [tilespmem:v62+s6+$0x0], $0xffff  }
0x1e6: {  	v22 =	vld.idx.msk [tilespmem:v22+s1+$0x0], $0xffff;
	_ =	sdelay $0x2  }
0x1e7: {  	v4 =	vbroadcast v4, $0xF  }
0x1e8: {  	v5 =	vbroadcast v5, $0xF;
	v6 =	vbroadcast v6, $0xF  }
0x1e9: {  	v19 =	vmul.f32 v20, v19;
	v63 =	vmul.f32 v22, v21  }
0x1ea: {  	v4 =	vsel vm0, v4, v5;
	v5 =	vbroadcast v7, $0xF  }
0x1eb: {  	v4 =	vsel vm1, v4, v6;
	v7 =	vbroadcast v8, $0xF;
	v6 =	vadd.f32 v63, v19  }
0x1ec: {  	v4 =	vsel vm2, v4, v5;
	v5 =	vbroadcast v9, $0xF  }
0x1ed: {  	v4 =	vsel vm3, v4, v7;
	(xrf2) =	vadd.scan.msk.f32 $0xffff, v6;
	v6 =	vbroadcast v10, $0xF  }
0x1ee: {  	v4 =	vsel vm4, v4, v5;
	v5 =	vbroadcast v11, $0xF  }
0x1ef: {  	v4 =	vsel vm5, v4, v6;
	v6 =	vbroadcast v12, $0xF  }
0x1f0: {  	v4 =	vsel vm6, v4, v5;
	v5 =	vbroadcast v13, $0xF  }
0x1f1: {  	v4 =	vsel vm7, v6, v4;
	v6 =	vbroadcast v14, $0xF  }
0x1f2: {  	v4 =	vsel vm8, v5, v4;
	v5 =	vbroadcast v15, $0xF  }
0x1f3: {  	p0 =	sne.s32 s18, $0xFFFFFFFF;
	v4 =	vsel vm9, v6, v4  }
.Ltmp2:
0x1f4: {  	v6 =	vbroadcast v16, $0xF;
	v4 =	vsel vm10, v5, v4;
	v5 =	vbroadcast v17, $0xF;
	(pc) =	sbr.rel @!p0 .LBB2_3-.Ltmp2, $4  }
0x1f5: {  	s13 =	simm.s32 $0x1400;
	s16 =	simm.s32 $0x2400  }
0x1f6: {  	s17 =	simm.s32 $0xA400;
	s14 =	simm.s32 $0xB400;
	s20 =	simm.s32 $0x3400;
	v4 =	vsel vm11, v6, v4;
	v6 =	vbroadcast v18, $0xF  }
0x1f7: {  	s15 =	simm.s32 $0x4400;
	s22 =	simm.s32 $0xC400;
	s8 =	simm.s32 $0x5400;
	v4 =	vsel vm12, v5, v4  }
0x1f8: {  	s12 =	simm.s32 $0xD400;
	s4 =	simm.s32 $0x6400;
	s5 =	simm.s32 $0xE400;
	v4 =	vsel vm13, v6, v4;
	v5, _, _ =	vpop (xrf2)  }
0x1f9: {  	(v2sf) =	vpush v2, $0x7;
	_ =	sdelay $0x3  }
0x1fa: {  	(v2sf) =	vpush v3, $0x7;
	_ =	sdelay $0xa  }
0x1fb: {  	s0 =	spop (v2sf)  }
0x1fc: {  	s18 =	sadd.s32 $0x1, s18;
	s0 =	sand.u32 $0xFFFFF80, s0  }
0x1fd: {  	s24 =	rddreg [dreg:$0xc];
	p0 =	seq.s32 s18, $0x0;
	s0 =	sadd.s32 s9, s0  }
0x1fe: {  	[tilespmem:s6], [sflag:$0x8] =	stream.strided.gather [hbm4b:s0+s11], $0x1000, s10, s11, $0x38;
	[tilespmem:$0x10600] =	vst v63  }
.Ltmp3:
0x1ff: {  	s21 =	spop (v2sf);
	(pc) =	sbr.rel @!p0 .LBB2_2-.Ltmp3, $4  }
.Ltmp4:
0x200: {  	s3 =	rddreg [dreg:$0xd];
	s0 =	sand.u32 $0xFFFFF80, s21;
	(pc) =	sbr.rel @p0 .LBB2_5-.Ltmp4, $4  }
0x201: {  	s7 =	rddreg [dreg:$0xb];
	s0 =	sadd.s32 s2, s0  }
0x202: {  	v2 =	vsel vm14, v4, v5;
	[tilespmem:s1], [sflag:$0x10] =	stream.strided.gather [hbm4b:s0+s11], $0x1000, s10, s11, $0x38;
	[tilespmem:$0x10600] =	vst v63  }
0x203: {  	s3 =	sadd.s32 $0x10, s3;
	s7 =	sadd.s32 $0x10, s7;
	s0 =	sadd.s32 $0x10, s24;
	[tilespmem:s24+$0x0] =	vst v2  }
0x204: {  	_ = 	snop  }
.LBB2_6:
0x205: {  	_ =	sfence.sel $0x180000  }
0x206: {  	[bflag:$0x0] =	sbarrier.arrive $0xFFFF  }
0x207: {  	_ =	strace $0x90000047  }
0x208: {  	s0 =	stileid.u32;
	[bflag:$0x2] =	sbarrier.arrive $0xFFFF  }
0x209: {  	p0 =	sne.s32 s0, $0x0;
	s0 =	rddreg [dreg:$0x5]  }
0x20a: {  	s0 =	sadd.s32 @!p0 $0x100000, s0  }
0x20b: {  	[sflag:s0] =	ssyncadd.tile.s32 @!p0 $0x1;
	_ =	shalt  }
.Lfunc_end2:
_tile_overlayer_lowered:
.L_overlay_start_2:
0x20c: {  	(tag) =	ssettag $0x2  }
0x20d: {  	s0 =	rddreg [dreg:$0x0];
	s2 =	stileid.u32  }
0x20e: {  	s1 =	rddreg [dreg:$0x1];
	p0 =	sne.s32 s2, $0x0  }
0x20f: {  	s3 =	rddreg [dreg:$0x2];
	[bflag:$0x3] =	sbarrier.arrive $0xFFFF;
	s2 =	simm.s32 @!p0 $0x1C11  }
0x210: {  	[timem:s3], [sflag:s2] =	dma.local @!p0 [hbm:s0], s1  }
0x211: {  	s0 =	simm.s32 @!p0 $0x11  }
0x212: {  	_ =	swait.ge @!p0 [sflag:s0], s1  }
0x213: {  	s1 =	ssub.s32 @!p0 $0x0, s1;
	[sflag:s0] =	ssyncset.done @!p0 $0x0  }
0x214: {  	[sflag:s0] =	ssyncadd.s32 @!p0 s1  }
0x215: {  	[bflag:$0x3] =	sbarrier.arrive $0xFFFF  }
0x216: {  	_ =	shalt  }

</sc_bundles>
